<compile_context>
chip_gen: v7x
topology: tpu7x:2x2x1
jax: 0.10.2.dev20260603
libtpu: 0.0.44.dev20260713+nightly
codegen_flags: <defaults>
</compile_context>

<pallas_src>
import functools

import jax
import jax.numpy as jnp
import numpy as np
from jax import lax
from jax.experimental import pallas as pl
from jax.experimental.pallas import tpu as pltpu
from jax.experimental.pallas import tpu_sc as plsc

_N = 10000
_E = 160000
_NP = 10240
_L = 16
_CH = 125
_NW = 32
_PW = _E // _NW
_NCH = _PW // _CH
_ROWS_PER_SUB = _NP // 16


@functools.cache
def _get_sc_gather():
    mesh = plsc.VectorSubcoreMesh(core_axis_name="c", subcore_axis_name="s")

    @functools.partial(
        pl.kernel,
        out_type=jax.ShapeDtypeStruct((_E, _L), jnp.float32),
        mesh=mesh,
        scratch_types=[
            pltpu.VMEM((_NCH, _CH), jnp.int32),
            pltpu.VMEM((_PW, _L), jnp.float32),
            pltpu.SemaphoreType.DMA,
        ],
        compiler_params=pltpu.CompilerParams(use_tc_tiling_on_sc=False),
    )
    def _sc_gather(x_hbm, idx_hbm, out_hbm, idx_v, rows_v, sem):
        wid = lax.axis_index("s") * 2 + lax.axis_index("c")
        pltpu.sync_copy(idx_hbm.at[pl.ds(wid * _NCH, _NCH)], idx_v)

        @pl.loop(0, _NCH)
        def _fire(j):
            pltpu.async_copy(x_hbm.at[idx_v.at[j]], rows_v.at[pl.ds(j * _CH, _CH)], sem)

        @pl.loop(0, _NCH)
        def _drain(j):
            pltpu.make_async_copy(
                x_hbm.at[idx_v.at[j]], rows_v.at[pl.ds(j * _CH, _CH)], sem
            ).wait()

        pltpu.sync_copy(rows_v, out_hbm.at[pl.ds(wid * _PW, _PW)])

    return _sc_gather


@functools.cache
def _make_sc_scatter(with_deg):
    mesh = plsc.VectorSubcoreMesh(core_axis_name="c", subcore_axis_name="s")
    scratch = [
        pltpu.VMEM((_NCHH, _CH), jnp.int32),
        pltpu.VMEM((_PWH, _L), jnp.float32),
        pltpu.VMEM_SHARED((_NP, _L), jnp.float32),
    ]
    if with_deg:
        scratch.append(pltpu.VMEM_SHARED((_NP, _L), jnp.float32))
        scratch.append(pltpu.VMEM((_CH, _L), jnp.float32))
    scratch.append(pltpu.SemaphoreType.DMA)

    out_sds = jax.ShapeDtypeStruct((2, _NP, _L), jnp.float32)

    @functools.partial(
        pl.kernel,
        out_type=(out_sds, out_sds) if with_deg else out_sds,
        mesh=mesh,
        scratch_types=scratch,
        compiler_params=pltpu.CompilerParams(use_tc_tiling_on_sc=False),
    )
    def _sc_scatter(msg_hbm, idx_hbm, z_hbm, ones_hbm, *rest):
        if with_deg:
            agg_out, deg_out, idx_v, rows_v, agg_sh, deg_sh, ones_v, sem = rest
        else:
            agg_out, idx_v, rows_v, agg_sh, sem = rest
        c = lax.axis_index("c")
        s = lax.axis_index("s")
        wid = s * 2 + c
        zslc = pl.ds(s * _ROWS_PER_SUB, _ROWS_PER_SUB)
        pltpu.sync_copy(z_hbm.at[zslc], agg_sh.at[zslc])
        if with_deg:
            pltpu.sync_copy(z_hbm.at[zslc], deg_sh.at[zslc])
            pltpu.sync_copy(ones_hbm, ones_v)
        plsc.subcore_barrier()

        pltpu.sync_copy(idx_hbm.at[pl.ds(wid * _NCHH, _NCHH)], idx_v)
        pltpu.sync_copy(msg_hbm.at[pl.ds(wid * _PWH, _PWH)], rows_v)

        @pl.loop(0, _NCHH)
        def _fire(j):
            pltpu.async_copy(
                rows_v.at[pl.ds(j * _CH, _CH)], agg_sh.at[idx_v.at[j]], sem,
                add=True,
            )
            if with_deg:
                pltpu.async_copy(ones_v, deg_sh.at[idx_v.at[j]], sem, add=True)

        @pl.loop(0, _NCHH)
        def _drain(j):
            pltpu.make_async_copy(
                rows_v.at[pl.ds(j * _CH, _CH)], agg_sh.at[idx_v.at[j]], sem
            ).wait()
            if with_deg:
                pltpu.make_async_copy(ones_v, deg_sh.at[idx_v.at[j]], sem).wait()

        plsc.subcore_barrier()
        pltpu.sync_copy(agg_sh.at[zslc], agg_out.at[c, zslc])
        if with_deg:
            pltpu.sync_copy(deg_sh.at[zslc], deg_out.at[c, zslc])

    return _sc_scatter


_RB = 1000
_EB = _RB * 8
_GH = 10
_EH = _EB * _GH
_RH = (_EH * _L) // 128
_PWH = _EH // _NW
_NCHH = _PWH // _CH


def _unpack(v, g=16):
    return jnp.concatenate([v[:, g * j:g * (j + 1)] for j in range(8)], axis=0)


def _pack(v):
    return jnp.concatenate([v[_RB * j:_RB * (j + 1), :] for j in range(8)], axis=1)


def _bf(v):
    return v.astype(jnp.bfloat16)


def _matvec(xj128, w, r_ref, s_ref):
    xj = _bf(_unpack(xj128))
    xr = _bf(jnp.dot(xj, r_ref[...], preferred_element_type=jnp.float32))
    return jnp.dot(xr * w, s_ref[...], preferred_element_type=jnp.float32)


def _tc_edge0_body(ea_ref, xj_ref, w1, b1, w2, b2, w3, b3, r_ref, s_ref,
                   out_ref, h2_ref):
    f32 = jnp.float32
    ea = _bf(_unpack(ea_ref[...]))
    h = jax.nn.gelu(_bf(jnp.dot(ea, w1[...], preferred_element_type=f32)) + b1[...])
    h = jax.nn.gelu(_bf(jnp.dot(h, w2[...], preferred_element_type=f32)) + b2[...])
    w = _bf(jnp.dot(h, w3[...], preferred_element_type=f32)) + b3[...]
    out_ref[...] = _pack(_matvec(xj_ref[...], w, r_ref, s_ref))
    h2_ref[...] = _pack(h)


def _tc_edge1_body(h2_ref, xj_ref, w3, b3, r_ref, s_ref, out_ref):
    h = _unpack(h2_ref[...], g=64)
    w = _bf(jnp.dot(h, w3[...], preferred_element_type=jnp.float32)) + b3[...]
    out_ref[...] = _pack(_matvec(xj_ref[...], w, r_ref, s_ref))


@functools.cache
def _get_tc_edge0(off):
    c0 = lambda i: (0, 0)
    sh = lambda i: (i + off, 0)
    h0 = lambda i: (i, 0)
    return pl.pallas_call(
        _tc_edge0_body,
        grid=(_GH,),
        in_specs=[
            pl.BlockSpec((_RB, 128), sh),
            pl.BlockSpec((_RB, 128), sh),
            pl.BlockSpec((16, 64), c0),
            pl.BlockSpec((1, 64), c0),
            pl.BlockSpec((64, 64), c0),
            pl.BlockSpec((1, 64), c0),
            pl.BlockSpec((64, 256), c0),
            pl.BlockSpec((1, 256), c0),
            pl.BlockSpec((16, 256), c0),
            pl.BlockSpec((256, 16), c0),
        ],
        out_specs=[
            pl.BlockSpec((_RB, 128), h0),
            pl.BlockSpec((_RB, 512), h0),
        ],
        out_shape=[
            jax.ShapeDtypeStruct((_RH, 128), jnp.float32),
            jax.ShapeDtypeStruct((_RH, 512), jnp.bfloat16),
        ],
    )


@functools.cache
def _get_tc_edge1(off):
    c0 = lambda i: (0, 0)
    sh = lambda i: (i + off, 0)
    h0 = lambda i: (i, 0)
    return pl.pallas_call(
        _tc_edge1_body,
        grid=(_GH,),
        in_specs=[
            pl.BlockSpec((_RB, 512), h0),
            pl.BlockSpec((_RB, 128), sh),
            pl.BlockSpec((64, 256), c0),
            pl.BlockSpec((1, 256), c0),
            pl.BlockSpec((16, 256), c0),
            pl.BlockSpec((256, 16), c0),
        ],
        out_specs=pl.BlockSpec((_RB, 128), h0),
        out_shape=jax.ShapeDtypeStruct((_RH, 128), jnp.float32),
    )


_NR = (_N * _L) // 128


def _tc_root_body(x_ref, a1, a2, a3, a4, d1, d2, d3, d4, rk_ref, bias_ref,
                  out_ref):
    deg = jnp.maximum(d1[...] + d2[...] + d3[...] + d4[...], 1.0)
    agg = (a1[...] + a2[...] + a3[...] + a4[...]) / deg
    xw = jnp.dot(x_ref[...], rk_ref[...], preferred_element_type=jnp.float32)
    out_ref[...] = jax.nn.gelu(xw + agg + bias_ref[...])


def _tc_root(x, aggs, degs, rootk, bias128):
    full = lambda: (0, 0)
    nblk = pl.BlockSpec((_NR, 128), full)
    return pl.pallas_call(
        _tc_root_body,
        grid=(),
        in_specs=[nblk] * 9 + [pl.BlockSpec((128, 128), full),
                               pl.BlockSpec((1, 128), full)],
        out_specs=nblk,
        out_shape=jax.ShapeDtypeStruct((_NR, 128), jnp.float32),
    )(x, *aggs, *degs, rootk, bias128)


def kernel(nodes, edge_index, edge_attr, kW1, kb1, kW2, kb2, kW3, kb3,
           root0, bias0, root1, bias1):
    src2d = edge_index[0].astype(jnp.int32).reshape(_E // _CH, _CH)
    dst2d = edge_index[1].astype(jnp.int32).reshape(_E // _CH, _CH)
    ea128 = edge_attr.reshape((_E * _L) // 128, 128)

    bf = jnp.bfloat16
    Rm = jnp.asarray((np.arange(256)[None, :] // 16 == np.arange(16)[:, None])
                     .astype(np.float32), dtype=bf)
    Sm = jnp.asarray((np.arange(256)[:, None] % 16 == np.arange(16)[None, :])
                     .astype(np.float32), dtype=bf)
    z = jnp.zeros((_NP, _L), jnp.float32)
    ones = jnp.ones((_CH, _L), jnp.float32)
    b1 = kb1.astype(bf).reshape(1, 64)
    b2 = kb2.astype(bf).reshape(1, 64)
    b3 = kb3.astype(bf).reshape(1, 256)
    eye8 = jnp.eye(8, dtype=jnp.float32)

    x128 = jax.lax.optimization_barrier(nodes.reshape(_NR, 128))
    dstA, dstB = dst2d[:_EH // _CH], dst2d[_EH // _CH:]
    degs = None
    h2a = h2b = None
    kw1 = kW1.astype(bf)
    kw2 = kW2.astype(bf)
    kw3 = kW3.astype(bf)
    for root, bias, first in ((root0, bias0, True), (root1, bias1, False)):
        xj = _get_sc_gather()(x128.reshape(_N, _L), src2d)
        xj128 = xj.reshape((_E * _L) // 128, 128)
        if first:
            msgA, h2a = _get_tc_edge0(0)(ea128, xj128, kw1, b1, kw2, b2,
                                         kw3, b3, Rm, Sm)
            msgB, h2b = _get_tc_edge0(_GH)(ea128, xj128, kw1, b1, kw2, b2,
                                           kw3, b3, Rm, Sm)
        else:
            msgA = _get_tc_edge1(0)(h2a, xj128, kw3, b3, Rm, Sm)
            msgB = _get_tc_edge1(_GH)(h2b, xj128, kw3, b3, Rm, Sm)
        scat = _make_sc_scatter(first)
        resA = scat(msgA.reshape(_EH, _L), dstA, z, ones)
        resB = scat(msgB.reshape(_EH, _L), dstB, z, ones)
        if first:
            aggA, degA = resA
            aggB, degB = resB
            degs = [d.reshape(2, (_NP * _L) // 128, 128)[i, :_NR]
                    for d in (degA, degB) for i in (0, 1)]
        else:
            aggA, aggB = resA, resB
        aggs = [a.reshape(2, (_NP * _L) // 128, 128)[i, :_NR]
                for a in (aggA, aggB) for i in (0, 1)]
        rootk = jnp.kron(eye8, root)
        bias128 = jnp.tile(bias, 8).reshape(1, 128)
        x128 = _tc_root(x128, aggs, degs, rootk, bias128)
    return x128.reshape(_N, _L)

# --- scband reference (transcript-rebuilt; emitter-appended) ---
"""Pipeline reference for scband-gnoblock-30494267802197 (READ-ONLY COPY).

The authoritative reference and input builder live on the scoring server;
editing this copy changes nothing except your own understanding.
"""

import jax, jax.numpy as jnp
import numpy as np

N_NODES = 10000
N_EDGES = 160000
LATENT = 16
EDGE_DIMS = 16
KERNEL_DIMS = 64
DEPTH = 2


def setup_inputs(seed: int = 0) -> dict:
    key = jax.random.key(seed)
    ks = jax.random.split(key, 16)
    nodes = jax.random.normal(ks[0], (N_NODES, LATENT), dtype=jnp.float32)
    edge_index = jax.random.randint(ks[1], (2, N_EDGES), 0, N_NODES, dtype=jnp.int64)
    edge_attr = jax.random.uniform(ks[2], (N_EDGES, EDGE_DIMS), dtype=jnp.float32)
    # shared kernel DenseNet: edge_dims -> kernel_dims -> kernel_dims -> latent^2
    kW1 = jax.random.normal(ks[3], (EDGE_DIMS, KERNEL_DIMS), dtype=jnp.float32) * (1.0 / np.sqrt(EDGE_DIMS))
    kb1 = jnp.zeros((KERNEL_DIMS,), dtype=jnp.float32)
    kW2 = jax.random.normal(ks[4], (KERNEL_DIMS, KERNEL_DIMS), dtype=jnp.float32) * (1.0 / np.sqrt(KERNEL_DIMS))
    kb2 = jnp.zeros((KERNEL_DIMS,), dtype=jnp.float32)
    kW3 = jax.random.normal(ks[5], (KERNEL_DIMS, LATENT * LATENT), dtype=jnp.float32) * (1.0 / np.sqrt(KERNEL_DIMS))
    kb3 = jnp.zeros((LATENT * LATENT,), dtype=jnp.float32)
    # per-block root weight + bias (NNConv root transform), depth=2
    root0 = jax.random.normal(ks[6], (LATENT, LATENT), dtype=jnp.float32) * (1.0 / np.sqrt(LATENT))
    bias0 = jnp.zeros((LATENT,), dtype=jnp.float32)
    root1 = jax.random.normal(ks[7], (LATENT, LATENT), dtype=jnp.float32) * (1.0 / np.sqrt(LATENT))
    bias1 = jnp.zeros((LATENT,), dtype=jnp.float32)
    return {
        "nodes": nodes, "edge_index": edge_index, "edge_attr": edge_attr,
        "kW1": kW1, "kb1": kb1, "kW2": kW2, "kb2": kb2, "kW3": kW3, "kb3": kb3,
        "root0": root0, "bias0": bias0, "root1": root1, "bias1": bias1,
    }


def reference(nodes, edge_index, edge_attr, kW1, kb1, kW2, kb2, kW3, kb3,
              root0, bias0, root1, bias1):
    src = edge_index[0]
    dst = edge_index[1]
    # shared kernel DenseNet (same instance across all blocks, edge_attr fixed ->
    # per-edge weight matrices are identical for every block)
    h = jax.nn.gelu(edge_attr @ kW1 + kb1)
    h = jax.nn.gelu(h @ kW2 + kb2)
    Wedge = (h @ kW3 + kb3).reshape(N_EDGES, LATENT, LATENT)
    # degree counts for mean aggregation
    ones = jnp.ones((N_EDGES,), dtype=jnp.float32)
    deg = jax.ops.segment_sum(ones, dst, num_segments=N_NODES)
    deg = jnp.clip(deg, 1.0)[:, None]
    x = nodes
    for root, bias in ((root0, bias0), (root1, bias1)):
        xj = jnp.take(x, src, axis=0)                      # gather [E, latent]
        msg = jnp.einsum('ei,eio->eo', xj, Wedge)          # per-edge matmul
        agg = jax.ops.segment_sum(msg, dst, num_segments=N_NODES) / deg  # scatter-mean
        x = jax.nn.gelu(x @ root + agg + bias)             # NNConv root + activation
    return x

if __name__ == "__main__":
    import jax
    _d = setup_inputs()
    print(jax.jit(kernel)(*tuple(_d.values())))

</pallas_src>

<mosaic_0001>
#map = affine_map<(d0, d1) -> (0, 0)>
module attributes {stable_mosaic.version = 14 : i64} {
  func.func @_sc_gather(%arg0: i32, %arg1: i32, %arg2: memref<10000x16xf32, #tpu.memory_space<hbm>>, %arg3: memref<1280x125xi32, #tpu.memory_space<hbm>>, %arg4: memref<160000x16xf32, #tpu.memory_space<hbm>>, %arg5: memref<40x125xi32, #tpu.memory_space<vmem>>, %arg6: memref<5000x16xf32, #tpu.memory_space<vmem>>, %arg7: memref<!tpu.dma_semaphore, #tpu.memory_space<semaphore_mem>>) attributes {dimension_semantics = [#tpu.dimension_semantics<core_parallel>, #tpu.dimension_semantics<subcore_parallel>], iteration_bounds = array<i64: 2, 16>, scalar_prefetch = 0 : i64, scratch_operands = 3 : i64, tpu.core_type = #tpu.core_type<sc_vector_subcore>, window_params = [{transform_indices = #map}, {transform_indices = #map}, {transform_indices = #map}]} {
    %mul3A = arith.constant 2 : i32
    %mul3A_0 = arith.muli %arg1, %mul3A : i32
    %add3A = arith.addi %mul3A_0, %arg0 : i32
    %mul3A_1 = arith.constant 40 : i32
    %mul3A_2 = arith.muli %add3A, %mul3A_1 : i32
    "tpu.region"() ({
      %run_scoped3A = tpu.sem_alloc : memref<!tpu.dma_semaphore, #tpu.memory_space<semaphore_mem>>
      %dma_start3A = arith.constant 0 : i32
      %dma_start3A_14 = tpu.memref_slice %arg3[%mul3A_2, %dma_start3A] : memref<1280x125xi32, #tpu.memory_space<hbm>> -> memref<40x125xi32, #tpu.memory_space<hbm>>
      %dma_start3A_15 = arith.constant 0 : i32
      %dma_start3A_16 = tpu.memref_slice %arg3[%mul3A_2, %dma_start3A_15] : memref<1280x125xi32, #tpu.memory_space<hbm>> -> memref<40x125xi32, #tpu.memory_space<hbm>>
      tpu.enqueue_dma source(%dma_start3A_16 : memref<40x125xi32, #tpu.memory_space<hbm>>) target(%arg5 : memref<40x125xi32, #tpu.memory_space<vmem>>) target_semaphore(%run_scoped3A : memref<!tpu.dma_semaphore, #tpu.memory_space<semaphore_mem>>)
      %dma_wait3A = arith.constant 0 : i32
      %dma_wait3A_17 = tpu.memref_slice %arg3[%mul3A_2, %dma_wait3A] : memref<1280x125xi32, #tpu.memory_space<hbm>> -> memref<40x125xi32, #tpu.memory_space<hbm>>
      %dma_wait3A_18 = arith.constant 0 : i32
      %dma_wait3A_19 = tpu.memref_slice %arg3[%mul3A_2, %dma_wait3A_18] : memref<1280x125xi32, #tpu.memory_space<hbm>> -> memref<40x125xi32, #tpu.memory_space<hbm>>
      tpu.wait_dma2 semaphore(%run_scoped3A : memref<!tpu.dma_semaphore, #tpu.memory_space<semaphore_mem>>) src(%dma_wait3A_19 : memref<40x125xi32, #tpu.memory_space<hbm>>) dst(%arg5 : memref<40x125xi32, #tpu.memory_space<vmem>>)
      tpu.yield
    }) : () -> ()
    %scan3A = arith.constant 0 : i32
    %scan3A_3 = arith.constant 40 : i32
    %scan3A_4 = arith.addi %scan3A, %scan3A_3 : i32
    %scan3A_5 = arith.constant 1 : i32
    scf.for %scan3A_14 = %scan3A to %scan3A_4 step %scan3A_5  : i32 {
      %mul3A_15 = arith.constant 1 : i32
      %mul3A_16 = arith.muli %scan3A_14, %mul3A_15 : i32
      %add3A_17 = arith.constant 0 : i32
      %add3A_18 = arith.addi %add3A_17, %mul3A_16 : i32
      %mul3A_19 = arith.constant 125 : i32
      %mul3A_20 = arith.muli %add3A_18, %mul3A_19 : i32
      %dma_start3A = arith.constant 0 : i32
      %dma_start3A_21 = tpu.memref_slice %arg6[%mul3A_20, %dma_start3A] : memref<5000x16xf32, #tpu.memory_space<vmem>> -> memref<125x16xf32, #tpu.memory_space<vmem>>
      %dma_start3A_22 = arith.constant 0 : i32
      %dma_start3A_23 = tpu.memref_slice %arg5[%add3A_18, %dma_start3A_22] : memref<40x125xi32, #tpu.memory_space<vmem>> -> memref<1x125xi32, #tpu.memory_space<vmem>>
      %dma_start3A_24 = tpu.memref_squeeze %dma_start3A_23 : memref<1x125xi32, #tpu.memory_space<vmem>> -> memref<125xi32, #tpu.memory_space<vmem>>
      %dma_start3A_25 = arith.constant 0 : i32
      %dma_start3A_26 = arith.constant 0 : i32
      %dma_start3A_27 = tpu.memref_slice %arg2[%dma_start3A_25, %dma_start3A_26] : memref<10000x16xf32, #tpu.memory_space<hbm>> -> memref<10000x16xf32, #tpu.memory_space<hbm>>
      tpu.enqueue_indirect_dma source(%dma_start3A_27 : memref<10000x16xf32, #tpu.memory_space<hbm>>) target(%dma_start3A_21 : memref<125x16xf32, #tpu.memory_space<vmem>>) offsets(%dma_start3A_24 : memref<125xi32, #tpu.memory_space<vmem>>) semaphore(%arg7 : memref<!tpu.dma_semaphore, #tpu.memory_space<semaphore_mem>>)
    }
    %scan3A_6 = arith.constant 40 : i32
    %scan3A_7 = arith.constant 0 : i32
    %scan3A_8 = arith.constant 40 : i32
    %scan3A_9 = arith.addi %scan3A_7, %scan3A_8 : i32
    %scan3A_10 = arith.constant 1 : i32
    scf.for %scan3A_14 = %scan3A_7 to %scan3A_9 step %scan3A_10  : i32 {
      %mul3A_15 = arith.constant 1 : i32
      %mul3A_16 = arith.muli %scan3A_14, %mul3A_15 : i32
      %add3A_17 = arith.constant 0 : i32
      %add3A_18 = arith.addi %add3A_17, %mul3A_16 : i32
      %mul3A_19 = arith.constant 125 : i32
      %mul3A_20 = arith.muli %add3A_18, %mul3A_19 : i32
      %dma_wait3A = arith.constant 0 : i32
      %dma_wait3A_21 = tpu.memref_slice %arg6[%mul3A_20, %dma_wait3A] : memref<5000x16xf32, #tpu.memory_space<vmem>> -> memref<125x16xf32, #tpu.memory_space<vmem>>
      %dma_wait3A_22 = arith.constant 0 : i32
      %dma_wait3A_23 = tpu.memref_slice %arg5[%add3A_18, %dma_wait3A_22] : memref<40x125xi32, #tpu.memory_space<vmem>> -> memref<1x125xi32, #tpu.memory_space<vmem>>
      %dma_wait3A_24 = tpu.memref_squeeze %dma_wait3A_23 : memref<1x125xi32, #tpu.memory_space<vmem>> -> memref<125xi32, #tpu.memory_space<vmem>>
      %dma_wait3A_25 = arith.constant 0 : i32
      %dma_wait3A_26 = arith.constant 0 : i32
      %dma_wait3A_27 = tpu.memref_slice %arg2[%dma_wait3A_25, %dma_wait3A_26] : memref<10000x16xf32, #tpu.memory_space<hbm>> -> memref<10000x16xf32, #tpu.memory_space<hbm>>
      tpu.wait_indirect_dma semaphore(%arg7 : memref<!tpu.dma_semaphore, #tpu.memory_space<semaphore_mem>>) src(%dma_wait3A_27 : memref<10000x16xf32, #tpu.memory_space<hbm>>) dst(%dma_wait3A_21 : memref<125x16xf32, #tpu.memory_space<vmem>>)
    }
    %scan3A_11 = arith.constant 40 : i32
    %mul3A_12 = arith.constant 5000 : i32
    %mul3A_13 = arith.muli %add3A, %mul3A_12 : i32
    "tpu.region"() ({
      %run_scoped3A = tpu.sem_alloc : memref<!tpu.dma_semaphore, #tpu.memory_space<semaphore_mem>>
      %dma_start3A = arith.constant 0 : i32
      %dma_start3A_14 = tpu.memref_slice %arg4[%mul3A_13, %dma_start3A] : memref<160000x16xf32, #tpu.memory_space<hbm>> -> memref<5000x16xf32, #tpu.memory_space<hbm>>
      %dma_start3A_15 = arith.constant 0 : i32
      %dma_start3A_16 = tpu.memref_slice %arg4[%mul3A_13, %dma_start3A_15] : memref<160000x16xf32, #tpu.memory_space<hbm>> -> memref<5000x16xf32, #tpu.memory_space<hbm>>
      tpu.enqueue_dma source(%arg6 : memref<5000x16xf32, #tpu.memory_space<vmem>>) target(%dma_start3A_16 : memref<5000x16xf32, #tpu.memory_space<hbm>>) target_semaphore(%run_scoped3A : memref<!tpu.dma_semaphore, #tpu.memory_space<semaphore_mem>>)
      %dma_wait3A = arith.constant 0 : i32
      %dma_wait3A_17 = tpu.memref_slice %arg4[%mul3A_13, %dma_wait3A] : memref<160000x16xf32, #tpu.memory_space<hbm>> -> memref<5000x16xf32, #tpu.memory_space<hbm>>
      %dma_wait3A_18 = arith.constant 0 : i32
      %dma_wait3A_19 = tpu.memref_slice %arg4[%mul3A_13, %dma_wait3A_18] : memref<160000x16xf32, #tpu.memory_space<hbm>> -> memref<5000x16xf32, #tpu.memory_space<hbm>>
      tpu.wait_dma2 semaphore(%run_scoped3A : memref<!tpu.dma_semaphore, #tpu.memory_space<semaphore_mem>>) src(%arg6 : memref<5000x16xf32, #tpu.memory_space<vmem>>) dst(%dma_wait3A_19 : memref<5000x16xf32, #tpu.memory_space<hbm>>)
      tpu.yield
    }) : () -> ()
    return
  }
}

#map = affine_map<(d0, d1) -> (0, 0)>
#map1 = affine_map<(d0, d1) -> (0, 0, 0)>
module attributes {stable_mosaic.version = 14 : i64} {
  func.func @_sc_scatter(%arg0: i32, %arg1: i32, %arg2: memref<80000x16xf32, #tpu.memory_space<hbm>>, %arg3: memref<640x125xi32, #tpu.memory_space<hbm>>, %arg4: memref<10240x16xf32, #tpu.memory_space<hbm>>, %arg5: memref<125x16xf32, #tpu.memory_space<hbm>>, %arg6: memref<2x10240x16xf32, #tpu.memory_space<hbm>>, %arg7: memref<2x10240x16xf32, #tpu.memory_space<hbm>>, %arg8: memref<20x125xi32, #tpu.memory_space<vmem>>, %arg9: memref<2500x16xf32, #tpu.memory_space<vmem>>, %arg10: memref<10240x16xf32, #tpu.memory_space<vmem_shared>>, %arg11: memref<10240x16xf32, #tpu.memory_space<vmem_shared>>, %arg12: memref<125x16xf32, #tpu.memory_space<vmem>>, %arg13: memref<!tpu.dma_semaphore, #tpu.memory_space<semaphore_mem>>) attributes {dimension_semantics = [#tpu.dimension_semantics<core_parallel>, #tpu.dimension_semantics<subcore_parallel>], iteration_bounds = array<i64: 2, 16>, scalar_prefetch = 0 : i64, scratch_operands = 6 : i64, tpu.core_type = #tpu.core_type<sc_vector_subcore>, window_params = [{transform_indices = #map}, {transform_indices = #map}, {transform_indices = #map}, {transform_indices = #map}, {transform_indices = #map1}, {transform_indices = #map1}]} {
    %mul3A = arith.constant 2 : i32
    %mul3A_0 = arith.muli %arg1, %mul3A : i32
    %add3A = arith.addi %mul3A_0, %arg0 : i32
    %mul3A_1 = arith.constant 640 : i32
    %mul3A_2 = arith.muli %arg1, %mul3A_1 : i32
    "tpu.region"() ({
      %run_scoped3A = tpu.sem_alloc : memref<!tpu.dma_semaphore, #tpu.memory_space<semaphore_mem>>
      %dma_start3A = arith.constant 0 : i32
      %dma_start3A_17 = tpu.memref_slice %arg10[%mul3A_2, %dma_start3A] : memref<10240x16xf32, #tpu.memory_space<vmem_shared>> -> memref<640x16xf32, #tpu.memory_space<vmem_shared>>
      %dma_start3A_18 = arith.constant 0 : i32
      %dma_start3A_19 = tpu.memref_slice %arg4[%mul3A_2, %dma_start3A_18] : memref<10240x16xf32, #tpu.memory_space<hbm>> -> memref<640x16xf32, #tpu.memory_space<hbm>>
      tpu.enqueue_dma source(%dma_start3A_19 : memref<640x16xf32, #tpu.memory_space<hbm>>) target(%dma_start3A_17 : memref<640x16xf32, #tpu.memory_space<vmem_shared>>) target_semaphore(%run_scoped3A : memref<!tpu.dma_semaphore, #tpu.memory_space<semaphore_mem>>)
      %dma_wait3A = arith.constant 0 : i32
      %dma_wait3A_20 = tpu.memref_slice %arg10[%mul3A_2, %dma_wait3A] : memref<10240x16xf32, #tpu.memory_space<vmem_shared>> -> memref<640x16xf32, #tpu.memory_space<vmem_shared>>
      %dma_wait3A_21 = arith.constant 0 : i32
      %dma_wait3A_22 = tpu.memref_slice %arg4[%mul3A_2, %dma_wait3A_21] : memref<10240x16xf32, #tpu.memory_space<hbm>> -> memref<640x16xf32, #tpu.memory_space<hbm>>
      tpu.wait_dma2 semaphore(%run_scoped3A : memref<!tpu.dma_semaphore, #tpu.memory_space<semaphore_mem>>) src(%dma_wait3A_22 : memref<640x16xf32, #tpu.memory_space<hbm>>) dst(%dma_wait3A_20 : memref<640x16xf32, #tpu.memory_space<vmem_shared>>)
      tpu.yield
    }) : () -> ()
    "tpu.region"() ({
      %run_scoped3A = tpu.sem_alloc : memref<!tpu.dma_semaphore, #tpu.memory_space<semaphore_mem>>
      %dma_start3A = arith.constant 0 : i32
      %dma_start3A_17 = tpu.memref_slice %arg11[%mul3A_2, %dma_start3A] : memref<10240x16xf32, #tpu.memory_space<vmem_shared>> -> memref<640x16xf32, #tpu.memory_space<vmem_shared>>
      %dma_start3A_18 = arith.constant 0 : i32
      %dma_start3A_19 = tpu.memref_slice %arg4[%mul3A_2, %dma_start3A_18] : memref<10240x16xf32, #tpu.memory_space<hbm>> -> memref<640x16xf32, #tpu.memory_space<hbm>>
      tpu.enqueue_dma source(%dma_start3A_19 : memref<640x16xf32, #tpu.memory_space<hbm>>) target(%dma_start3A_17 : memref<640x16xf32, #tpu.memory_space<vmem_shared>>) target_semaphore(%run_scoped3A : memref<!tpu.dma_semaphore, #tpu.memory_space<semaphore_mem>>)
      %dma_wait3A = arith.constant 0 : i32
      %dma_wait3A_20 = tpu.memref_slice %arg11[%mul3A_2, %dma_wait3A] : memref<10240x16xf32, #tpu.memory_space<vmem_shared>> -> memref<640x16xf32, #tpu.memory_space<vmem_shared>>
      %dma_wait3A_21 = arith.constant 0 : i32
      %dma_wait3A_22 = tpu.memref_slice %arg4[%mul3A_2, %dma_wait3A_21] : memref<10240x16xf32, #tpu.memory_space<hbm>> -> memref<640x16xf32, #tpu.memory_space<hbm>>
      tpu.wait_dma2 semaphore(%run_scoped3A : memref<!tpu.dma_semaphore, #tpu.memory_space<semaphore_mem>>) src(%dma_wait3A_22 : memref<640x16xf32, #tpu.memory_space<hbm>>) dst(%dma_wait3A_20 : memref<640x16xf32, #tpu.memory_space<vmem_shared>>)
      tpu.yield
    }) : () -> ()
    "tpu.region"() ({
      %run_scoped3A = tpu.sem_alloc : memref<!tpu.dma_semaphore, #tpu.memory_space<semaphore_mem>>
      tpu.enqueue_dma source(%arg5 : memref<125x16xf32, #tpu.memory_space<hbm>>) target(%arg12 : memref<125x16xf32, #tpu.memory_space<vmem>>) target_semaphore(%run_scoped3A : memref<!tpu.dma_semaphore, #tpu.memory_space<semaphore_mem>>)
      tpu.wait_dma2 semaphore(%run_scoped3A : memref<!tpu.dma_semaphore, #tpu.memory_space<semaphore_mem>>) src(%arg5 : memref<125x16xf32, #tpu.memory_space<hbm>>) dst(%arg12 : memref<125x16xf32, #tpu.memory_space<vmem>>)
      tpu.yield
    }) : () -> ()
    %barrier3A = arith.constant 0 : index
    tpu.barrier barrier_id(%barrier3A)
    %mul3A_3 = arith.constant 20 : i32
    %mul3A_4 = arith.muli %add3A, %mul3A_3 : i32
    "tpu.region"() ({
      %run_scoped3A = tpu.sem_alloc : memref<!tpu.dma_semaphore, #tpu.memory_space<semaphore_mem>>
      %dma_start3A = arith.constant 0 : i32
      %dma_start3A_17 = tpu.memref_slice %arg3[%mul3A_4, %dma_start3A] : memref<640x125xi32, #tpu.memory_space<hbm>> -> memref<20x125xi32, #tpu.memory_space<hbm>>
      %dma_start3A_18 = arith.constant 0 : i32
      %dma_start3A_19 = tpu.memref_slice %arg3[%mul3A_4, %dma_start3A_18] : memref<640x125xi32, #tpu.memory_space<hbm>> -> memref<20x125xi32, #tpu.memory_space<hbm>>
      tpu.enqueue_dma source(%dma_start3A_19 : memref<20x125xi32, #tpu.memory_space<hbm>>) target(%arg8 : memref<20x125xi32, #tpu.memory_space<vmem>>) target_semaphore(%run_scoped3A : memref<!tpu.dma_semaphore, #tpu.memory_space<semaphore_mem>>)
      %dma_wait3A = arith.constant 0 : i32
      %dma_wait3A_20 = tpu.memref_slice %arg3[%mul3A_4, %dma_wait3A] : memref<640x125xi32, #tpu.memory_space<hbm>> -> memref<20x125xi32, #tpu.memory_space<hbm>>
      %dma_wait3A_21 = arith.constant 0 : i32
      %dma_wait3A_22 = tpu.memref_slice %arg3[%mul3A_4, %dma_wait3A_21] : memref<640x125xi32, #tpu.memory_space<hbm>> -> memref<20x125xi32, #tpu.memory_space<hbm>>
      tpu.wait_dma2 semaphore(%run_scoped3A : memref<!tpu.dma_semaphore, #tpu.memory_space<semaphore_mem>>) src(%dma_wait3A_22 : memref<20x125xi32, #tpu.memory_space<hbm>>) dst(%arg8 : memref<20x125xi32, #tpu.memory_space<vmem>>)
      tpu.yield
    }) : () -> ()
    %mul3A_5 = arith.constant 2500 : i32
    %mul3A_6 = arith.muli %add3A, %mul3A_5 : i32
    "tpu.region"() ({
      %run_scoped3A = tpu.sem_alloc : memref<!tpu.dma_semaphore, #tpu.memory_space<semaphore_mem>>
      %dma_start3A = arith.constant 0 : i32
      %dma_start3A_17 = tpu.memref_slice %arg2[%mul3A_6, %dma_start3A] : memref<80000x16xf32, #tpu.memory_space<hbm>> -> memref<2500x16xf32, #tpu.memory_space<hbm>>
      %dma_start3A_18 = arith.constant 0 : i32
      %dma_start3A_19 = tpu.memref_slice %arg2[%mul3A_6, %dma_start3A_18] : memref<80000x16xf32, #tpu.memory_space<hbm>> -> memref<2500x16xf32, #tpu.memory_space<hbm>>
      tpu.enqueue_dma source(%dma_start3A_19 : memref<2500x16xf32, #tpu.memory_space<hbm>>) target(%arg9 : memref<2500x16xf32, #tpu.memory_space<vmem>>) target_semaphore(%run_scoped3A : memref<!tpu.dma_semaphore, #tpu.memory_space<semaphore_mem>>)
      %dma_wait3A = arith.constant 0 : i32
      %dma_wait3A_20 = tpu.memref_slice %arg2[%mul3A_6, %dma_wait3A] : memref<80000x16xf32, #tpu.memory_space<hbm>> -> memref<2500x16xf32, #tpu.memory_space<hbm>>
      %dma_wait3A_21 = arith.constant 0 : i32
      %dma_wait3A_22 = tpu.memref_slice %arg2[%mul3A_6, %dma_wait3A_21] : memref<80000x16xf32, #tpu.memory_space<hbm>> -> memref<2500x16xf32, #tpu.memory_space<hbm>>
      tpu.wait_dma2 semaphore(%run_scoped3A : memref<!tpu.dma_semaphore, #tpu.memory_space<semaphore_mem>>) src(%dma_wait3A_22 : memref<2500x16xf32, #tpu.memory_space<hbm>>) dst(%arg9 : memref<2500x16xf32, #tpu.memory_space<vmem>>)
      tpu.yield
    }) : () -> ()
    %scan3A = arith.constant 0 : i32
    %scan3A_7 = arith.constant 20 : i32
    %scan3A_8 = arith.addi %scan3A, %scan3A_7 : i32
    %scan3A_9 = arith.constant 1 : i32
    scf.for %scan3A_17 = %scan3A to %scan3A_8 step %scan3A_9  : i32 {
      %mul3A_18 = arith.constant 1 : i32
      %mul3A_19 = arith.muli %scan3A_17, %mul3A_18 : i32
      %add3A_20 = arith.constant 0 : i32
      %add3A_21 = arith.addi %add3A_20, %mul3A_19 : i32
      %mul3A_22 = arith.constant 125 : i32
      %mul3A_23 = arith.muli %add3A_21, %mul3A_22 : i32
      %dma_start3A = arith.constant 0 : i32
      %dma_start3A_24 = tpu.memref_slice %arg9[%mul3A_23, %dma_start3A] : memref<2500x16xf32, #tpu.memory_space<vmem>> -> memref<125x16xf32, #tpu.memory_space<vmem>>
      %dma_start3A_25 = arith.constant 0 : i32
      %dma_start3A_26 = tpu.memref_slice %arg8[%add3A_21, %dma_start3A_25] : memref<20x125xi32, #tpu.memory_space<vmem>> -> memref<1x125xi32, #tpu.memory_space<vmem>>
      %dma_start3A_27 = tpu.memref_squeeze %dma_start3A_26 : memref<1x125xi32, #tpu.memory_space<vmem>> -> memref<125xi32, #tpu.memory_space<vmem>>
      %dma_start3A_28 = arith.constant 0 : i32
      %dma_start3A_29 = arith.constant 0 : i32
      %dma_start3A_30 = tpu.memref_slice %arg10[%dma_start3A_28, %dma_start3A_29] : memref<10240x16xf32, #tpu.memory_space<vmem_shared>> -> memref<10240x16xf32, #tpu.memory_space<vmem_shared>>
      tpu.enqueue_indirect_dma source(%dma_start3A_24 : memref<125x16xf32, #tpu.memory_space<vmem>>) target(%dma_start3A_30 : memref<10240x16xf32, #tpu.memory_space<vmem_shared>>) offsets(%dma_start3A_27 : memref<125xi32, #tpu.memory_space<vmem>>) semaphore(%arg13 : memref<!tpu.dma_semaphore, #tpu.memory_space<semaphore_mem>>) {add = true}
      %dma_start3A_31 = arith.constant 0 : i32
      %dma_start3A_32 = tpu.memref_slice %arg8[%add3A_21, %dma_start3A_31] : memref<20x125xi32, #tpu.memory_space<vmem>> -> memref<1x125xi32, #tpu.memory_space<vmem>>
      %dma_start3A_33 = tpu.memref_squeeze %dma_start3A_32 : memref<1x125xi32, #tpu.memory_space<vmem>> -> memref<125xi32, #tpu.memory_space<vmem>>
      %dma_start3A_34 = arith.constant 0 : i32
      %dma_start3A_35 = arith.constant 0 : i32
      %dma_start3A_36 = tpu.memref_slice %arg11[%dma_start3A_34, %dma_start3A_35] : memref<10240x16xf32, #tpu.memory_space<vmem_shared>> -> memref<10240x16xf32, #tpu.memory_space<vmem_shared>>
      tpu.enqueue_indirect_dma source(%arg12 : memref<125x16xf32, #tpu.memory_space<vmem>>) target(%dma_start3A_36 : memref<10240x16xf32, #tpu.memory_space<vmem_shared>>) offsets(%dma_start3A_33 : memref<125xi32, #tpu.memory_space<vmem>>) semaphore(%arg13 : memref<!tpu.dma_semaphore, #tpu.memory_space<semaphore_mem>>) {add = true}
    }
    %scan3A_10 = arith.constant 20 : i32
    %scan3A_11 = arith.constant 0 : i32
    %scan3A_12 = arith.constant 20 : i32
    %scan3A_13 = arith.addi %scan3A_11, %scan3A_12 : i32
    %scan3A_14 = arith.constant 1 : i32
    scf.for %scan3A_17 = %scan3A_11 to %scan3A_13 step %scan3A_14  : i32 {
      %mul3A_18 = arith.constant 1 : i32
      %mul3A_19 = arith.muli %scan3A_17, %mul3A_18 : i32
      %add3A_20 = arith.constant 0 : i32
      %add3A_21 = arith.addi %add3A_20, %mul3A_19 : i32
      %mul3A_22 = arith.constant 125 : i32
      %mul3A_23 = arith.muli %add3A_21, %mul3A_22 : i32
      %dma_wait3A = arith.constant 0 : i32
      %dma_wait3A_24 = tpu.memref_slice %arg9[%mul3A_23, %dma_wait3A] : memref<2500x16xf32, #tpu.memory_space<vmem>> -> memref<125x16xf32, #tpu.memory_space<vmem>>
      %dma_wait3A_25 = arith.constant 0 : i32
      %dma_wait3A_26 = tpu.memref_slice %arg8[%add3A_21, %dma_wait3A_25] : memref<20x125xi32, #tpu.memory_space<vmem>> -> memref<1x125xi32, #tpu.memory_space<vmem>>
      %dma_wait3A_27 = tpu.memref_squeeze %dma_wait3A_26 : memref<1x125xi32, #tpu.memory_space<vmem>> -> memref<125xi32, #tpu.memory_space<vmem>>
      %dma_wait3A_28 = arith.constant 0 : i32
      %dma_wait3A_29 = arith.constant 0 : i32
      %dma_wait3A_30 = tpu.memref_slice %arg10[%dma_wait3A_28, %dma_wait3A_29] : memref<10240x16xf32, #tpu.memory_space<vmem_shared>> -> memref<10240x16xf32, #tpu.memory_space<vmem_shared>>
      tpu.wait_indirect_dma semaphore(%arg13 : memref<!tpu.dma_semaphore, #tpu.memory_space<semaphore_mem>>) src(%dma_wait3A_24 : memref<125x16xf32, #tpu.memory_space<vmem>>) dst(%dma_wait3A_30 : memref<10240x16xf32, #tpu.memory_space<vmem_shared>>)
      %dma_wait3A_31 = arith.constant 0 : i32
      %dma_wait3A_32 = tpu.memref_slice %arg8[%add3A_21, %dma_wait3A_31] : memref<20x125xi32, #tpu.memory_space<vmem>> -> memref<1x125xi32, #tpu.memory_space<vmem>>
      %dma_wait3A_33 = tpu.memref_squeeze %dma_wait3A_32 : memref<1x125xi32, #tpu.memory_space<vmem>> -> memref<125xi32, #tpu.memory_space<vmem>>
      %dma_wait3A_34 = arith.constant 0 : i32
      %dma_wait3A_35 = arith.constant 0 : i32
      %dma_wait3A_36 = tpu.memref_slice %arg11[%dma_wait3A_34, %dma_wait3A_35] : memref<10240x16xf32, #tpu.memory_space<vmem_shared>> -> memref<10240x16xf32, #tpu.memory_space<vmem_shared>>
      tpu.wait_indirect_dma semaphore(%arg13 : memref<!tpu.dma_semaphore, #tpu.memory_space<semaphore_mem>>) src(%arg12 : memref<125x16xf32, #tpu.memory_space<vmem>>) dst(%dma_wait3A_36 : memref<10240x16xf32, #tpu.memory_space<vmem_shared>>)
    }
    %scan3A_15 = arith.constant 20 : i32
    %barrier3A_16 = arith.constant 0 : index
    tpu.barrier barrier_id(%barrier3A_16)
    "tpu.region"() ({
      %run_scoped3A = tpu.sem_alloc : memref<!tpu.dma_semaphore, #tpu.memory_space<semaphore_mem>>
      %dma_start3A = arith.constant 0 : i32
      %dma_start3A_17 = tpu.memref_slice %arg6[%arg0, %mul3A_2, %dma_start3A] : memref<2x10240x16xf32, #tpu.memory_space<hbm>> -> memref<1x640x16xf32, #tpu.memory_space<hbm>>
      %dma_start3A_18 = tpu.memref_squeeze %dma_start3A_17 : memref<1x640x16xf32, #tpu.memory_space<hbm>> -> memref<640x16xf32, #tpu.memory_space<hbm>>
      %dma_start3A_19 = arith.constant 0 : i32
      %dma_start3A_20 = tpu.memref_slice %arg10[%mul3A_2, %dma_start3A_19] : memref<10240x16xf32, #tpu.memory_space<vmem_shared>> -> memref<640x16xf32, #tpu.memory_space<vmem_shared>>
      tpu.enqueue_dma source(%dma_start3A_20 : memref<640x16xf32, #tpu.memory_space<vmem_shared>>) target(%dma_start3A_18 : memref<640x16xf32, #tpu.memory_space<hbm>>) target_semaphore(%run_scoped3A : memref<!tpu.dma_semaphore, #tpu.memory_space<semaphore_mem>>)
      %dma_wait3A = arith.constant 0 : i32
      %dma_wait3A_21 = tpu.memref_slice %arg6[%arg0, %mul3A_2, %dma_wait3A] : memref<2x10240x16xf32, #tpu.memory_space<hbm>> -> memref<1x640x16xf32, #tpu.memory_space<hbm>>
      %dma_wait3A_22 = tpu.memref_squeeze %dma_wait3A_21 : memref<1x640x16xf32, #tpu.memory_space<hbm>> -> memref<640x16xf32, #tpu.memory_space<hbm>>
      %dma_wait3A_23 = arith.constant 0 : i32
      %dma_wait3A_24 = tpu.memref_slice %arg10[%mul3A_2, %dma_wait3A_23] : memref<10240x16xf32, #tpu.memory_space<vmem_shared>> -> memref<640x16xf32, #tpu.memory_space<vmem_shared>>
      tpu.wait_dma2 semaphore(%run_scoped3A : memref<!tpu.dma_semaphore, #tpu.memory_space<semaphore_mem>>) src(%dma_wait3A_24 : memref<640x16xf32, #tpu.memory_space<vmem_shared>>) dst(%dma_wait3A_22 : memref<640x16xf32, #tpu.memory_space<hbm>>)
      tpu.yield
    }) : () -> ()
    "tpu.region"() ({
      %run_scoped3A = tpu.sem_alloc : memref<!tpu.dma_semaphore, #tpu.memory_space<semaphore_mem>>
      %dma_start3A = arith.constant 0 : i32
      %dma_start3A_17 = tpu.memref_slice %arg7[%arg0, %mul3A_2, %dma_start3A] : memref<2x10240x16xf32, #tpu.memory_space<hbm>> -> memref<1x640x16xf32, #tpu.memory_space<hbm>>
      %dma_start3A_18 = tpu.memref_squeeze %dma_start3A_17 : memref<1x640x16xf32, #tpu.memory_space<hbm>> -> memref<640x16xf32, #tpu.memory_space<hbm>>
      %dma_start3A_19 = arith.constant 0 : i32
      %dma_start3A_20 = tpu.memref_slice %arg11[%mul3A_2, %dma_start3A_19] : memref<10240x16xf32, #tpu.memory_space<vmem_shared>> -> memref<640x16xf32, #tpu.memory_space<vmem_shared>>
      tpu.enqueue_dma source(%dma_start3A_20 : memref<640x16xf32, #tpu.memory_space<vmem_shared>>) target(%dma_start3A_18 : memref<640x16xf32, #tpu.memory_space<hbm>>) target_semaphore(%run_scoped3A : memref<!tpu.dma_semaphore, #tpu.memory_space<semaphore_mem>>)
      %dma_wait3A = arith.constant 0 : i32
      %dma_wait3A_21 = tpu.memref_slice %arg7[%arg0, %mul3A_2, %dma_wait3A] : memref<2x10240x16xf32, #tpu.memory_space<hbm>> -> memref<1x640x16xf32, #tpu.memory_space<hbm>>
      %dma_wait3A_22 = tpu.memref_squeeze %dma_wait3A_21 : memref<1x640x16xf32, #tpu.memory_space<hbm>> -> memref<640x16xf32, #tpu.memory_space<hbm>>
      %dma_wait3A_23 = arith.constant 0 : i32
      %dma_wait3A_24 = tpu.memref_slice %arg11[%mul3A_2, %dma_wait3A_23] : memref<10240x16xf32, #tpu.memory_space<vmem_shared>> -> memref<640x16xf32, #tpu.memory_space<vmem_shared>>
      tpu.wait_dma2 semaphore(%run_scoped3A : memref<!tpu.dma_semaphore, #tpu.memory_space<semaphore_mem>>) src(%dma_wait3A_24 : memref<640x16xf32, #tpu.memory_space<vmem_shared>>) dst(%dma_wait3A_22 : memref<640x16xf32, #tpu.memory_space<hbm>>)
      tpu.yield
    }) : () -> ()
    return
  }
}

#map = affine_map<(d0, d1) -> (0, 0)>
#map1 = affine_map<(d0, d1) -> (0, 0, 0)>
module attributes {stable_mosaic.version = 14 : i64} {
  func.func @_sc_scatter(%arg0: i32, %arg1: i32, %arg2: memref<80000x16xf32, #tpu.memory_space<hbm>>, %arg3: memref<640x125xi32, #tpu.memory_space<hbm>>, %arg4: memref<10240x16xf32, #tpu.memory_space<hbm>>, %arg5: memref<125x16xf32, #tpu.memory_space<hbm>>, %arg6: memref<2x10240x16xf32, #tpu.memory_space<hbm>>, %arg7: memref<2x10240x16xf32, #tpu.memory_space<hbm>>, %arg8: memref<20x125xi32, #tpu.memory_space<vmem>>, %arg9: memref<2500x16xf32, #tpu.memory_space<vmem>>, %arg10: memref<10240x16xf32, #tpu.memory_space<vmem_shared>>, %arg11: memref<10240x16xf32, #tpu.memory_space<vmem_shared>>, %arg12: memref<125x16xf32, #tpu.memory_space<vmem>>, %arg13: memref<!tpu.dma_semaphore, #tpu.memory_space<semaphore_mem>>) attributes {dimension_semantics = [#tpu.dimension_semantics<core_parallel>, #tpu.dimension_semantics<subcore_parallel>], iteration_bounds = array<i64: 2, 16>, scalar_prefetch = 0 : i64, scratch_operands = 6 : i64, tpu.core_type = #tpu.core_type<sc_vector_subcore>, window_params = [{transform_indices = #map}, {transform_indices = #map}, {transform_indices = #map}, {transform_indices = #map}, {transform_indices = #map1}, {transform_indices = #map1}]} {
    %mul3A = arith.constant 2 : i32
    %mul3A_0 = arith.muli %arg1, %mul3A : i32
    %add3A = arith.addi %mul3A_0, %arg0 : i32
    %mul3A_1 = arith.constant 640 : i32
    %mul3A_2 = arith.muli %arg1, %mul3A_1 : i32
    "tpu.region"() ({
      %run_scoped3A = tpu.sem_alloc : memref<!tpu.dma_semaphore, #tpu.memory_space<semaphore_mem>>
      %dma_start3A = arith.constant 0 : i32
      %dma_start3A_17 = tpu.memref_slice %arg10[%mul3A_2, %dma_start3A] : memref<10240x16xf32, #tpu.memory_space<vmem_shared>> -> memref<640x16xf32, #tpu.memory_space<vmem_shared>>
      %dma_start3A_18 = arith.constant 0 : i32
      %dma_start3A_19 = tpu.memref_slice %arg4[%mul3A_2, %dma_start3A_18] : memref<10240x16xf32, #tpu.memory_space<hbm>> -> memref<640x16xf32, #tpu.memory_space<hbm>>
      tpu.enqueue_dma source(%dma_start3A_19 : memref<640x16xf32, #tpu.memory_space<hbm>>) target(%dma_start3A_17 : memref<640x16xf32, #tpu.memory_space<vmem_shared>>) target_semaphore(%run_scoped3A : memref<!tpu.dma_semaphore, #tpu.memory_space<semaphore_mem>>)
      %dma_wait3A = arith.constant 0 : i32
      %dma_wait3A_20 = tpu.memref_slice %arg10[%mul3A_2, %dma_wait3A] : memref<10240x16xf32, #tpu.memory_space<vmem_shared>> -> memref<640x16xf32, #tpu.memory_space<vmem_shared>>
      %dma_wait3A_21 = arith.constant 0 : i32
      %dma_wait3A_22 = tpu.memref_slice %arg4[%mul3A_2, %dma_wait3A_21] : memref<10240x16xf32, #tpu.memory_space<hbm>> -> memref<640x16xf32, #tpu.memory_space<hbm>>
      tpu.wait_dma2 semaphore(%run_scoped3A : memref<!tpu.dma_semaphore, #tpu.memory_space<semaphore_mem>>) src(%dma_wait3A_22 : memref<640x16xf32, #tpu.memory_space<hbm>>) dst(%dma_wait3A_20 : memref<640x16xf32, #tpu.memory_space<vmem_shared>>)
      tpu.yield
    }) : () -> ()
    "tpu.region"() ({
      %run_scoped3A = tpu.sem_alloc : memref<!tpu.dma_semaphore, #tpu.memory_space<semaphore_mem>>
      %dma_start3A = arith.constant 0 : i32
      %dma_start3A_17 = tpu.memref_slice %arg11[%mul3A_2, %dma_start3A] : memref<10240x16xf32, #tpu.memory_space<vmem_shared>> -> memref<640x16xf32, #tpu.memory_space<vmem_shared>>
      %dma_start3A_18 = arith.constant 0 : i32
      %dma_start3A_19 = tpu.memref_slice %arg4[%mul3A_2, %dma_start3A_18] : memref<10240x16xf32, #tpu.memory_space<hbm>> -> memref<640x16xf32, #tpu.memory_space<hbm>>
      tpu.enqueue_dma source(%dma_start3A_19 : memref<640x16xf32, #tpu.memory_space<hbm>>) target(%dma_start3A_17 : memref<640x16xf32, #tpu.memory_space<vmem_shared>>) target_semaphore(%run_scoped3A : memref<!tpu.dma_semaphore, #tpu.memory_space<semaphore_mem>>)
      %dma_wait3A = arith.constant 0 : i32
      %dma_wait3A_20 = tpu.memref_slice %arg11[%mul3A_2, %dma_wait3A] : memref<10240x16xf32, #tpu.memory_space<vmem_shared>> -> memref<640x16xf32, #tpu.memory_space<vmem_shared>>
      %dma_wait3A_21 = arith.constant 0 : i32
      %dma_wait3A_22 = tpu.memref_slice %arg4[%mul3A_2, %dma_wait3A_21] : memref<10240x16xf32, #tpu.memory_space<hbm>> -> memref<640x16xf32, #tpu.memory_space<hbm>>
      tpu.wait_dma2 semaphore(%run_scoped3A : memref<!tpu.dma_semaphore, #tpu.memory_space<semaphore_mem>>) src(%dma_wait3A_22 : memref<640x16xf32, #tpu.memory_space<hbm>>) dst(%dma_wait3A_20 : memref<640x16xf32, #tpu.memory_space<vmem_shared>>)
      tpu.yield
    }) : () -> ()
    "tpu.region"() ({
      %run_scoped3A = tpu.sem_alloc : memref<!tpu.dma_semaphore, #tpu.memory_space<semaphore_mem>>
      tpu.enqueue_dma source(%arg5 : memref<125x16xf32, #tpu.memory_space<hbm>>) target(%arg12 : memref<125x16xf32, #tpu.memory_space<vmem>>) target_semaphore(%run_scoped3A : memref<!tpu.dma_semaphore, #tpu.memory_space<semaphore_mem>>)
      tpu.wait_dma2 semaphore(%run_scoped3A : memref<!tpu.dma_semaphore, #tpu.memory_space<semaphore_mem>>) src(%arg5 : memref<125x16xf32, #tpu.memory_space<hbm>>) dst(%arg12 : memref<125x16xf32, #tpu.memory_space<vmem>>)
      tpu.yield
    }) : () -> ()
    %barrier3A = arith.constant 0 : index
    tpu.barrier barrier_id(%barrier3A)
    %mul3A_3 = arith.constant 20 : i32
    %mul3A_4 = arith.muli %add3A, %mul3A_3 : i32
    "tpu.region"() ({
      %run_scoped3A = tpu.sem_alloc : memref<!tpu.dma_semaphore, #tpu.memory_space<semaphore_mem>>
      %dma_start3A = arith.constant 0 : i32
      %dma_start3A_17 = tpu.memref_slice %arg3[%mul3A_4, %dma_start3A] : memref<640x125xi32, #tpu.memory_space<hbm>> -> memref<20x125xi32, #tpu.memory_space<hbm>>
      %dma_start3A_18 = arith.constant 0 : i32
      %dma_start3A_19 = tpu.memref_slice %arg3[%mul3A_4, %dma_start3A_18] : memref<640x125xi32, #tpu.memory_space<hbm>> -> memref<20x125xi32, #tpu.memory_space<hbm>>
      tpu.enqueue_dma source(%dma_start3A_19 : memref<20x125xi32, #tpu.memory_space<hbm>>) target(%arg8 : memref<20x125xi32, #tpu.memory_space<vmem>>) target_semaphore(%run_scoped3A : memref<!tpu.dma_semaphore, #tpu.memory_space<semaphore_mem>>)
      %dma_wait3A = arith.constant 0 : i32
      %dma_wait3A_20 = tpu.memref_slice %arg3[%mul3A_4, %dma_wait3A] : memref<640x125xi32, #tpu.memory_space<hbm>> -> memref<20x125xi32, #tpu.memory_space<hbm>>
      %dma_wait3A_21 = arith.constant 0 : i32
      %dma_wait3A_22 = tpu.memref_slice %arg3[%mul3A_4, %dma_wait3A_21] : memref<640x125xi32, #tpu.memory_space<hbm>> -> memref<20x125xi32, #tpu.memory_space<hbm>>
      tpu.wait_dma2 semaphore(%run_scoped3A : memref<!tpu.dma_semaphore, #tpu.memory_space<semaphore_mem>>) src(%dma_wait3A_22 : memref<20x125xi32, #tpu.memory_space<hbm>>) dst(%arg8 : memref<20x125xi32, #tpu.memory_space<vmem>>)
      tpu.yield
    }) : () -> ()
    %mul3A_5 = arith.constant 2500 : i32
    %mul3A_6 = arith.muli %add3A, %mul3A_5 : i32
    "tpu.region"() ({
      %run_scoped3A = tpu.sem_alloc : memref<!tpu.dma_semaphore, #tpu.memory_space<semaphore_mem>>
      %dma_start3A = arith.constant 0 : i32
      %dma_start3A_17 = tpu.memref_slice %arg2[%mul3A_6, %dma_start3A] : memref<80000x16xf32, #tpu.memory_space<hbm>> -> memref<2500x16xf32, #tpu.memory_space<hbm>>
      %dma_start3A_18 = arith.constant 0 : i32
      %dma_start3A_19 = tpu.memref_slice %arg2[%mul3A_6, %dma_start3A_18] : memref<80000x16xf32, #tpu.memory_space<hbm>> -> memref<2500x16xf32, #tpu.memory_space<hbm>>
      tpu.enqueue_dma source(%dma_start3A_19 : memref<2500x16xf32, #tpu.memory_space<hbm>>) target(%arg9 : memref<2500x16xf32, #tpu.memory_space<vmem>>) target_semaphore(%run_scoped3A : memref<!tpu.dma_semaphore, #tpu.memory_space<semaphore_mem>>)
      %dma_wait3A = arith.constant 0 : i32
      %dma_wait3A_20 = tpu.memref_slice %arg2[%mul3A_6, %dma_wait3A] : memref<80000x16xf32, #tpu.memory_space<hbm>> -> memref<2500x16xf32, #tpu.memory_space<hbm>>
      %dma_wait3A_21 = arith.constant 0 : i32
      %dma_wait3A_22 = tpu.memref_slice %arg2[%mul3A_6, %dma_wait3A_21] : memref<80000x16xf32, #tpu.memory_space<hbm>> -> memref<2500x16xf32, #tpu.memory_space<hbm>>
      tpu.wait_dma2 semaphore(%run_scoped3A : memref<!tpu.dma_semaphore, #tpu.memory_space<semaphore_mem>>) src(%dma_wait3A_22 : memref<2500x16xf32, #tpu.memory_space<hbm>>) dst(%arg9 : memref<2500x16xf32, #tpu.memory_space<vmem>>)
      tpu.yield
    }) : () -> ()
    %scan3A = arith.constant 0 : i32
    %scan3A_7 = arith.constant 20 : i32
    %scan3A_8 = arith.addi %scan3A, %scan3A_7 : i32
    %scan3A_9 = arith.constant 1 : i32
    scf.for %scan3A_17 = %scan3A to %scan3A_8 step %scan3A_9  : i32 {
      %mul3A_18 = arith.constant 1 : i32
      %mul3A_19 = arith.muli %scan3A_17, %mul3A_18 : i32
      %add3A_20 = arith.constant 0 : i32
      %add3A_21 = arith.addi %add3A_20, %mul3A_19 : i32
      %mul3A_22 = arith.constant 125 : i32
      %mul3A_23 = arith.muli %add3A_21, %mul3A_22 : i32
      %dma_start3A = arith.constant 0 : i32
      %dma_start3A_24 = tpu.memref_slice %arg9[%mul3A_23, %dma_start3A] : memref<2500x16xf32, #tpu.memory_space<vmem>> -> memref<125x16xf32, #tpu.memory_space<vmem>>
      %dma_start3A_25 = arith.constant 0 : i32
      %dma_start3A_26 = tpu.memref_slice %arg8[%add3A_21, %dma_start3A_25] : memref<20x125xi32, #tpu.memory_space<vmem>> -> memref<1x125xi32, #tpu.memory_space<vmem>>
      %dma_start3A_27 = tpu.memref_squeeze %dma_start3A_26 : memref<1x125xi32, #tpu.memory_space<vmem>> -> memref<125xi32, #tpu.memory_space<vmem>>
      %dma_start3A_28 = arith.constant 0 : i32
      %dma_start3A_29 = arith.constant 0 : i32
      %dma_start3A_30 = tpu.memref_slice %arg10[%dma_start3A_28, %dma_start3A_29] : memref<10240x16xf32, #tpu.memory_space<vmem_shared>> -> memref<10240x16xf32, #tpu.memory_space<vmem_shared>>
      tpu.enqueue_indirect_dma source(%dma_start3A_24 : memref<125x16xf32, #tpu.memory_space<vmem>>) target(%dma_start3A_30 : memref<10240x16xf32, #tpu.memory_space<vmem_shared>>) offsets(%dma_start3A_27 : memref<125xi32, #tpu.memory_space<vmem>>) semaphore(%arg13 : memref<!tpu.dma_semaphore, #tpu.memory_space<semaphore_mem>>) {add = true}
      %dma_start3A_31 = arith.constant 0 : i32
      %dma_start3A_32 = tpu.memref_slice %arg8[%add3A_21, %dma_start3A_31] : memref<20x125xi32, #tpu.memory_space<vmem>> -> memref<1x125xi32, #tpu.memory_space<vmem>>
      %dma_start3A_33 = tpu.memref_squeeze %dma_start3A_32 : memref<1x125xi32, #tpu.memory_space<vmem>> -> memref<125xi32, #tpu.memory_space<vmem>>
      %dma_start3A_34 = arith.constant 0 : i32
      %dma_start3A_35 = arith.constant 0 : i32
      %dma_start3A_36 = tpu.memref_slice %arg11[%dma_start3A_34, %dma_start3A_35] : memref<10240x16xf32, #tpu.memory_space<vmem_shared>> -> memref<10240x16xf32, #tpu.memory_space<vmem_shared>>
      tpu.enqueue_indirect_dma source(%arg12 : memref<125x16xf32, #tpu.memory_space<vmem>>) target(%dma_start3A_36 : memref<10240x16xf32, #tpu.memory_space<vmem_shared>>) offsets(%dma_start3A_33 : memref<125xi32, #tpu.memory_space<vmem>>) semaphore(%arg13 : memref<!tpu.dma_semaphore, #tpu.memory_space<semaphore_mem>>) {add = true}
    }
    %scan3A_10 = arith.constant 20 : i32
    %scan3A_11 = arith.constant 0 : i32
    %scan3A_12 = arith.constant 20 : i32
    %scan3A_13 = arith.addi %scan3A_11, %scan3A_12 : i32
    %scan3A_14 = arith.constant 1 : i32
    scf.for %scan3A_17 = %scan3A_11 to %scan3A_13 step %scan3A_14  : i32 {
      %mul3A_18 = arith.constant 1 : i32
      %mul3A_19 = arith.muli %scan3A_17, %mul3A_18 : i32
      %add3A_20 = arith.constant 0 : i32
      %add3A_21 = arith.addi %add3A_20, %mul3A_19 : i32
      %mul3A_22 = arith.constant 125 : i32
      %mul3A_23 = arith.muli %add3A_21, %mul3A_22 : i32
      %dma_wait3A = arith.constant 0 : i32
      %dma_wait3A_24 = tpu.memref_slice %arg9[%mul3A_23, %dma_wait3A] : memref<2500x16xf32, #tpu.memory_space<vmem>> -> memref<125x16xf32, #tpu.memory_space<vmem>>
      %dma_wait3A_25 = arith.constant 0 : i32
      %dma_wait3A_26 = tpu.memref_slice %arg8[%add3A_21, %dma_wait3A_25] : memref<20x125xi32, #tpu.memory_space<vmem>> -> memref<1x125xi32, #tpu.memory_space<vmem>>
      %dma_wait3A_27 = tpu.memref_squeeze %dma_wait3A_26 : memref<1x125xi32, #tpu.memory_space<vmem>> -> memref<125xi32, #tpu.memory_space<vmem>>
      %dma_wait3A_28 = arith.constant 0 : i32
      %dma_wait3A_29 = arith.constant 0 : i32
      %dma_wait3A_30 = tpu.memref_slice %arg10[%dma_wait3A_28, %dma_wait3A_29] : memref<10240x16xf32, #tpu.memory_space<vmem_shared>> -> memref<10240x16xf32, #tpu.memory_space<vmem_shared>>
      tpu.wait_indirect_dma semaphore(%arg13 : memref<!tpu.dma_semaphore, #tpu.memory_space<semaphore_mem>>) src(%dma_wait3A_24 : memref<125x16xf32, #tpu.memory_space<vmem>>) dst(%dma_wait3A_30 : memref<10240x16xf32, #tpu.memory_space<vmem_shared>>)
      %dma_wait3A_31 = arith.constant 0 : i32
      %dma_wait3A_32 = tpu.memref_slice %arg8[%add3A_21, %dma_wait3A_31] : memref<20x125xi32, #tpu.memory_space<vmem>> -> memref<1x125xi32, #tpu.memory_space<vmem>>
      %dma_wait3A_33 = tpu.memref_squeeze %dma_wait3A_32 : memref<1x125xi32, #tpu.memory_space<vmem>> -> memref<125xi32, #tpu.memory_space<vmem>>
      %dma_wait3A_34 = arith.constant 0 : i32
      %dma_wait3A_35 = arith.constant 0 : i32
      %dma_wait3A_36 = tpu.memref_slice %arg11[%dma_wait3A_34, %dma_wait3A_35] : memref<10240x16xf32, #tpu.memory_space<vmem_shared>> -> memref<10240x16xf32, #tpu.memory_space<vmem_shared>>
      tpu.wait_indirect_dma semaphore(%arg13 : memref<!tpu.dma_semaphore, #tpu.memory_space<semaphore_mem>>) src(%arg12 : memref<125x16xf32, #tpu.memory_space<vmem>>) dst(%dma_wait3A_36 : memref<10240x16xf32, #tpu.memory_space<vmem_shared>>)
    }
    %scan3A_15 = arith.constant 20 : i32
    %barrier3A_16 = arith.constant 0 : index
    tpu.barrier barrier_id(%barrier3A_16)
    "tpu.region"() ({
      %run_scoped3A = tpu.sem_alloc : memref<!tpu.dma_semaphore, #tpu.memory_space<semaphore_mem>>
      %dma_start3A = arith.constant 0 : i32
      %dma_start3A_17 = tpu.memref_slice %arg6[%arg0, %mul3A_2, %dma_start3A] : memref<2x10240x16xf32, #tpu.memory_space<hbm>> -> memref<1x640x16xf32, #tpu.memory_space<hbm>>
      %dma_start3A_18 = tpu.memref_squeeze %dma_start3A_17 : memref<1x640x16xf32, #tpu.memory_space<hbm>> -> memref<640x16xf32, #tpu.memory_space<hbm>>
      %dma_start3A_19 = arith.constant 0 : i32
      %dma_start3A_20 = tpu.memref_slice %arg10[%mul3A_2, %dma_start3A_19] : memref<10240x16xf32, #tpu.memory_space<vmem_shared>> -> memref<640x16xf32, #tpu.memory_space<vmem_shared>>
      tpu.enqueue_dma source(%dma_start3A_20 : memref<640x16xf32, #tpu.memory_space<vmem_shared>>) target(%dma_start3A_18 : memref<640x16xf32, #tpu.memory_space<hbm>>) target_semaphore(%run_scoped3A : memref<!tpu.dma_semaphore, #tpu.memory_space<semaphore_mem>>)
      %dma_wait3A = arith.constant 0 : i32
      %dma_wait3A_21 = tpu.memref_slice %arg6[%arg0, %mul3A_2, %dma_wait3A] : memref<2x10240x16xf32, #tpu.memory_space<hbm>> -> memref<1x640x16xf32, #tpu.memory_space<hbm>>
      %dma_wait3A_22 = tpu.memref_squeeze %dma_wait3A_21 : memref<1x640x16xf32, #tpu.memory_space<hbm>> -> memref<640x16xf32, #tpu.memory_space<hbm>>
      %dma_wait3A_23 = arith.constant 0 : i32
      %dma_wait3A_24 = tpu.memref_slice %arg10[%mul3A_2, %dma_wait3A_23] : memref<10240x16xf32, #tpu.memory_space<vmem_shared>> -> memref<640x16xf32, #tpu.memory_space<vmem_shared>>
      tpu.wait_dma2 semaphore(%run_scoped3A : memref<!tpu.dma_semaphore, #tpu.memory_space<semaphore_mem>>) src(%dma_wait3A_24 : memref<640x16xf32, #tpu.memory_space<vmem_shared>>) dst(%dma_wait3A_22 : memref<640x16xf32, #tpu.memory_space<hbm>>)
      tpu.yield
    }) : () -> ()
    "tpu.region"() ({
      %run_scoped3A = tpu.sem_alloc : memref<!tpu.dma_semaphore, #tpu.memory_space<semaphore_mem>>
      %dma_start3A = arith.constant 0 : i32
      %dma_start3A_17 = tpu.memref_slice %arg7[%arg0, %mul3A_2, %dma_start3A] : memref<2x10240x16xf32, #tpu.memory_space<hbm>> -> memref<1x640x16xf32, #tpu.memory_space<hbm>>
      %dma_start3A_18 = tpu.memref_squeeze %dma_start3A_17 : memref<1x640x16xf32, #tpu.memory_space<hbm>> -> memref<640x16xf32, #tpu.memory_space<hbm>>
      %dma_start3A_19 = arith.constant 0 : i32
      %dma_start3A_20 = tpu.memref_slice %arg11[%mul3A_2, %dma_start3A_19] : memref<10240x16xf32, #tpu.memory_space<vmem_shared>> -> memref<640x16xf32, #tpu.memory_space<vmem_shared>>
      tpu.enqueue_dma source(%dma_start3A_20 : memref<640x16xf32, #tpu.memory_space<vmem_shared>>) target(%dma_start3A_18 : memref<640x16xf32, #tpu.memory_space<hbm>>) target_semaphore(%run_scoped3A : memref<!tpu.dma_semaphore, #tpu.memory_space<semaphore_mem>>)
      %dma_wait3A = arith.constant 0 : i32
      %dma_wait3A_21 = tpu.memref_slice %arg7[%arg0, %mul3A_2, %dma_wait3A] : memref<2x10240x16xf32, #tpu.memory_space<hbm>> -> memref<1x640x16xf32, #tpu.memory_space<hbm>>
      %dma_wait3A_22 = tpu.memref_squeeze %dma_wait3A_21 : memref<1x640x16xf32, #tpu.memory_space<hbm>> -> memref<640x16xf32, #tpu.memory_space<hbm>>
      %dma_wait3A_23 = arith.constant 0 : i32
      %dma_wait3A_24 = tpu.memref_slice %arg11[%mul3A_2, %dma_wait3A_23] : memref<10240x16xf32, #tpu.memory_space<vmem_shared>> -> memref<640x16xf32, #tpu.memory_space<vmem_shared>>
      tpu.wait_dma2 semaphore(%run_scoped3A : memref<!tpu.dma_semaphore, #tpu.memory_space<semaphore_mem>>) src(%dma_wait3A_24 : memref<640x16xf32, #tpu.memory_space<vmem_shared>>) dst(%dma_wait3A_22 : memref<640x16xf32, #tpu.memory_space<hbm>>)
      tpu.yield
    }) : () -> ()
    return
  }
}

#map = affine_map<(d0, d1) -> (0, 0)>
module attributes {stable_mosaic.version = 14 : i64} {
  func.func @_sc_gather(%arg0: i32, %arg1: i32, %arg2: memref<10000x16xf32, #tpu.memory_space<hbm>>, %arg3: memref<1280x125xi32, #tpu.memory_space<hbm>>, %arg4: memref<160000x16xf32, #tpu.memory_space<hbm>>, %arg5: memref<40x125xi32, #tpu.memory_space<vmem>>, %arg6: memref<5000x16xf32, #tpu.memory_space<vmem>>, %arg7: memref<!tpu.dma_semaphore, #tpu.memory_space<semaphore_mem>>) attributes {dimension_semantics = [#tpu.dimension_semantics<core_parallel>, #tpu.dimension_semantics<subcore_parallel>], iteration_bounds = array<i64: 2, 16>, scalar_prefetch = 0 : i64, scratch_operands = 3 : i64, tpu.core_type = #tpu.core_type<sc_vector_subcore>, window_params = [{transform_indices = #map}, {transform_indices = #map}, {transform_indices = #map}]} {
    %mul3A = arith.constant 2 : i32
    %mul3A_0 = arith.muli %arg1, %mul3A : i32
    %add3A = arith.addi %mul3A_0, %arg0 : i32
    %mul3A_1 = arith.constant 40 : i32
    %mul3A_2 = arith.muli %add3A, %mul3A_1 : i32
    "tpu.region"() ({
      %run_scoped3A = tpu.sem_alloc : memref<!tpu.dma_semaphore, #tpu.memory_space<semaphore_mem>>
      %dma_start3A = arith.constant 0 : i32
      %dma_start3A_14 = tpu.memref_slice %arg3[%mul3A_2, %dma_start3A] : memref<1280x125xi32, #tpu.memory_space<hbm>> -> memref<40x125xi32, #tpu.memory_space<hbm>>
      %dma_start3A_15 = arith.constant 0 : i32
      %dma_start3A_16 = tpu.memref_slice %arg3[%mul3A_2, %dma_start3A_15] : memref<1280x125xi32, #tpu.memory_space<hbm>> -> memref<40x125xi32, #tpu.memory_space<hbm>>
      tpu.enqueue_dma source(%dma_start3A_16 : memref<40x125xi32, #tpu.memory_space<hbm>>) target(%arg5 : memref<40x125xi32, #tpu.memory_space<vmem>>) target_semaphore(%run_scoped3A : memref<!tpu.dma_semaphore, #tpu.memory_space<semaphore_mem>>)
      %dma_wait3A = arith.constant 0 : i32
      %dma_wait3A_17 = tpu.memref_slice %arg3[%mul3A_2, %dma_wait3A] : memref<1280x125xi32, #tpu.memory_space<hbm>> -> memref<40x125xi32, #tpu.memory_space<hbm>>
      %dma_wait3A_18 = arith.constant 0 : i32
      %dma_wait3A_19 = tpu.memref_slice %arg3[%mul3A_2, %dma_wait3A_18] : memref<1280x125xi32, #tpu.memory_space<hbm>> -> memref<40x125xi32, #tpu.memory_space<hbm>>
      tpu.wait_dma2 semaphore(%run_scoped3A : memref<!tpu.dma_semaphore, #tpu.memory_space<semaphore_mem>>) src(%dma_wait3A_19 : memref<40x125xi32, #tpu.memory_space<hbm>>) dst(%arg5 : memref<40x125xi32, #tpu.memory_space<vmem>>)
      tpu.yield
    }) : () -> ()
    %scan3A = arith.constant 0 : i32
    %scan3A_3 = arith.constant 40 : i32
    %scan3A_4 = arith.addi %scan3A, %scan3A_3 : i32
    %scan3A_5 = arith.constant 1 : i32
    scf.for %scan3A_14 = %scan3A to %scan3A_4 step %scan3A_5  : i32 {
      %mul3A_15 = arith.constant 1 : i32
      %mul3A_16 = arith.muli %scan3A_14, %mul3A_15 : i32
      %add3A_17 = arith.constant 0 : i32
      %add3A_18 = arith.addi %add3A_17, %mul3A_16 : i32
      %mul3A_19 = arith.constant 125 : i32
      %mul3A_20 = arith.muli %add3A_18, %mul3A_19 : i32
      %dma_start3A = arith.constant 0 : i32
      %dma_start3A_21 = tpu.memref_slice %arg6[%mul3A_20, %dma_start3A] : memref<5000x16xf32, #tpu.memory_space<vmem>> -> memref<125x16xf32, #tpu.memory_space<vmem>>
      %dma_start3A_22 = arith.constant 0 : i32
      %dma_start3A_23 = tpu.memref_slice %arg5[%add3A_18, %dma_start3A_22] : memref<40x125xi32, #tpu.memory_space<vmem>> -> memref<1x125xi32, #tpu.memory_space<vmem>>
      %dma_start3A_24 = tpu.memref_squeeze %dma_start3A_23 : memref<1x125xi32, #tpu.memory_space<vmem>> -> memref<125xi32, #tpu.memory_space<vmem>>
      %dma_start3A_25 = arith.constant 0 : i32
      %dma_start3A_26 = arith.constant 0 : i32
      %dma_start3A_27 = tpu.memref_slice %arg2[%dma_start3A_25, %dma_start3A_26] : memref<10000x16xf32, #tpu.memory_space<hbm>> -> memref<10000x16xf32, #tpu.memory_space<hbm>>
      tpu.enqueue_indirect_dma source(%dma_start3A_27 : memref<10000x16xf32, #tpu.memory_space<hbm>>) target(%dma_start3A_21 : memref<125x16xf32, #tpu.memory_space<vmem>>) offsets(%dma_start3A_24 : memref<125xi32, #tpu.memory_space<vmem>>) semaphore(%arg7 : memref<!tpu.dma_semaphore, #tpu.memory_space<semaphore_mem>>)
    }
    %scan3A_6 = arith.constant 40 : i32
    %scan3A_7 = arith.constant 0 : i32
    %scan3A_8 = arith.constant 40 : i32
    %scan3A_9 = arith.addi %scan3A_7, %scan3A_8 : i32
    %scan3A_10 = arith.constant 1 : i32
    scf.for %scan3A_14 = %scan3A_7 to %scan3A_9 step %scan3A_10  : i32 {
      %mul3A_15 = arith.constant 1 : i32
      %mul3A_16 = arith.muli %scan3A_14, %mul3A_15 : i32
      %add3A_17 = arith.constant 0 : i32
      %add3A_18 = arith.addi %add3A_17, %mul3A_16 : i32
      %mul3A_19 = arith.constant 125 : i32
      %mul3A_20 = arith.muli %add3A_18, %mul3A_19 : i32
      %dma_wait3A = arith.constant 0 : i32
      %dma_wait3A_21 = tpu.memref_slice %arg6[%mul3A_20, %dma_wait3A] : memref<5000x16xf32, #tpu.memory_space<vmem>> -> memref<125x16xf32, #tpu.memory_space<vmem>>
      %dma_wait3A_22 = arith.constant 0 : i32
      %dma_wait3A_23 = tpu.memref_slice %arg5[%add3A_18, %dma_wait3A_22] : memref<40x125xi32, #tpu.memory_space<vmem>> -> memref<1x125xi32, #tpu.memory_space<vmem>>
      %dma_wait3A_24 = tpu.memref_squeeze %dma_wait3A_23 : memref<1x125xi32, #tpu.memory_space<vmem>> -> memref<125xi32, #tpu.memory_space<vmem>>
      %dma_wait3A_25 = arith.constant 0 : i32
      %dma_wait3A_26 = arith.constant 0 : i32
      %dma_wait3A_27 = tpu.memref_slice %arg2[%dma_wait3A_25, %dma_wait3A_26] : memref<10000x16xf32, #tpu.memory_space<hbm>> -> memref<10000x16xf32, #tpu.memory_space<hbm>>
      tpu.wait_indirect_dma semaphore(%arg7 : memref<!tpu.dma_semaphore, #tpu.memory_space<semaphore_mem>>) src(%dma_wait3A_27 : memref<10000x16xf32, #tpu.memory_space<hbm>>) dst(%dma_wait3A_21 : memref<125x16xf32, #tpu.memory_space<vmem>>)
    }
    %scan3A_11 = arith.constant 40 : i32
    %mul3A_12 = arith.constant 5000 : i32
    %mul3A_13 = arith.muli %add3A, %mul3A_12 : i32
    "tpu.region"() ({
      %run_scoped3A = tpu.sem_alloc : memref<!tpu.dma_semaphore, #tpu.memory_space<semaphore_mem>>
      %dma_start3A = arith.constant 0 : i32
      %dma_start3A_14 = tpu.memref_slice %arg4[%mul3A_13, %dma_start3A] : memref<160000x16xf32, #tpu.memory_space<hbm>> -> memref<5000x16xf32, #tpu.memory_space<hbm>>
      %dma_start3A_15 = arith.constant 0 : i32
      %dma_start3A_16 = tpu.memref_slice %arg4[%mul3A_13, %dma_start3A_15] : memref<160000x16xf32, #tpu.memory_space<hbm>> -> memref<5000x16xf32, #tpu.memory_space<hbm>>
      tpu.enqueue_dma source(%arg6 : memref<5000x16xf32, #tpu.memory_space<vmem>>) target(%dma_start3A_16 : memref<5000x16xf32, #tpu.memory_space<hbm>>) target_semaphore(%run_scoped3A : memref<!tpu.dma_semaphore, #tpu.memory_space<semaphore_mem>>)
      %dma_wait3A = arith.constant 0 : i32
      %dma_wait3A_17 = tpu.memref_slice %arg4[%mul3A_13, %dma_wait3A] : memref<160000x16xf32, #tpu.memory_space<hbm>> -> memref<5000x16xf32, #tpu.memory_space<hbm>>
      %dma_wait3A_18 = arith.constant 0 : i32
      %dma_wait3A_19 = tpu.memref_slice %arg4[%mul3A_13, %dma_wait3A_18] : memref<160000x16xf32, #tpu.memory_space<hbm>> -> memref<5000x16xf32, #tpu.memory_space<hbm>>
      tpu.wait_dma2 semaphore(%run_scoped3A : memref<!tpu.dma_semaphore, #tpu.memory_space<semaphore_mem>>) src(%arg6 : memref<5000x16xf32, #tpu.memory_space<vmem>>) dst(%dma_wait3A_19 : memref<5000x16xf32, #tpu.memory_space<hbm>>)
      tpu.yield
    }) : () -> ()
    return
  }
}

#map = affine_map<(d0, d1) -> (0, 0)>
#map1 = affine_map<(d0, d1) -> (0, 0, 0)>
module attributes {stable_mosaic.version = 14 : i64} {
  func.func @_sc_scatter(%arg0: i32, %arg1: i32, %arg2: memref<80000x16xf32, #tpu.memory_space<hbm>>, %arg3: memref<640x125xi32, #tpu.memory_space<hbm>>, %arg4: memref<10240x16xf32, #tpu.memory_space<hbm>>, %arg5: memref<125x16xf32, #tpu.memory_space<hbm>>, %arg6: memref<2x10240x16xf32, #tpu.memory_space<hbm>>, %arg7: memref<20x125xi32, #tpu.memory_space<vmem>>, %arg8: memref<2500x16xf32, #tpu.memory_space<vmem>>, %arg9: memref<10240x16xf32, #tpu.memory_space<vmem_shared>>, %arg10: memref<!tpu.dma_semaphore, #tpu.memory_space<semaphore_mem>>) attributes {dimension_semantics = [#tpu.dimension_semantics<core_parallel>, #tpu.dimension_semantics<subcore_parallel>], iteration_bounds = array<i64: 2, 16>, scalar_prefetch = 0 : i64, scratch_operands = 4 : i64, tpu.core_type = #tpu.core_type<sc_vector_subcore>, window_params = [{transform_indices = #map}, {transform_indices = #map}, {transform_indices = #map}, {transform_indices = #map}, {transform_indices = #map1}]} {
    %mul3A = arith.constant 2 : i32
    %mul3A_0 = arith.muli %arg1, %mul3A : i32
    %add3A = arith.addi %mul3A_0, %arg0 : i32
    %mul3A_1 = arith.constant 640 : i32
    %mul3A_2 = arith.muli %arg1, %mul3A_1 : i32
    "tpu.region"() ({
      %run_scoped3A = tpu.sem_alloc : memref<!tpu.dma_semaphore, #tpu.memory_space<semaphore_mem>>
      %dma_start3A = arith.constant 0 : i32
      %dma_start3A_17 = tpu.memref_slice %arg9[%mul3A_2, %dma_start3A] : memref<10240x16xf32, #tpu.memory_space<vmem_shared>> -> memref<640x16xf32, #tpu.memory_space<vmem_shared>>
      %dma_start3A_18 = arith.constant 0 : i32
      %dma_start3A_19 = tpu.memref_slice %arg4[%mul3A_2, %dma_start3A_18] : memref<10240x16xf32, #tpu.memory_space<hbm>> -> memref<640x16xf32, #tpu.memory_space<hbm>>
      tpu.enqueue_dma source(%dma_start3A_19 : memref<640x16xf32, #tpu.memory_space<hbm>>) target(%dma_start3A_17 : memref<640x16xf32, #tpu.memory_space<vmem_shared>>) target_semaphore(%run_scoped3A : memref<!tpu.dma_semaphore, #tpu.memory_space<semaphore_mem>>)
      %dma_wait3A = arith.constant 0 : i32
      %dma_wait3A_20 = tpu.memref_slice %arg9[%mul3A_2, %dma_wait3A] : memref<10240x16xf32, #tpu.memory_space<vmem_shared>> -> memref<640x16xf32, #tpu.memory_space<vmem_shared>>
      %dma_wait3A_21 = arith.constant 0 : i32
      %dma_wait3A_22 = tpu.memref_slice %arg4[%mul3A_2, %dma_wait3A_21] : memref<10240x16xf32, #tpu.memory_space<hbm>> -> memref<640x16xf32, #tpu.memory_space<hbm>>
      tpu.wait_dma2 semaphore(%run_scoped3A : memref<!tpu.dma_semaphore, #tpu.memory_space<semaphore_mem>>) src(%dma_wait3A_22 : memref<640x16xf32, #tpu.memory_space<hbm>>) dst(%dma_wait3A_20 : memref<640x16xf32, #tpu.memory_space<vmem_shared>>)
      tpu.yield
    }) : () -> ()
    %barrier3A = arith.constant 0 : index
    tpu.barrier barrier_id(%barrier3A)
    %mul3A_3 = arith.constant 20 : i32
    %mul3A_4 = arith.muli %add3A, %mul3A_3 : i32
    "tpu.region"() ({
      %run_scoped3A = tpu.sem_alloc : memref<!tpu.dma_semaphore, #tpu.memory_space<semaphore_mem>>
      %dma_start3A = arith.constant 0 : i32
      %dma_start3A_17 = tpu.memref_slice %arg3[%mul3A_4, %dma_start3A] : memref<640x125xi32, #tpu.memory_space<hbm>> -> memref<20x125xi32, #tpu.memory_space<hbm>>
      %dma_start3A_18 = arith.constant 0 : i32
      %dma_start3A_19 = tpu.memref_slice %arg3[%mul3A_4, %dma_start3A_18] : memref<640x125xi32, #tpu.memory_space<hbm>> -> memref<20x125xi32, #tpu.memory_space<hbm>>
      tpu.enqueue_dma source(%dma_start3A_19 : memref<20x125xi32, #tpu.memory_space<hbm>>) target(%arg7 : memref<20x125xi32, #tpu.memory_space<vmem>>) target_semaphore(%run_scoped3A : memref<!tpu.dma_semaphore, #tpu.memory_space<semaphore_mem>>)
      %dma_wait3A = arith.constant 0 : i32
      %dma_wait3A_20 = tpu.memref_slice %arg3[%mul3A_4, %dma_wait3A] : memref<640x125xi32, #tpu.memory_space<hbm>> -> memref<20x125xi32, #tpu.memory_space<hbm>>
      %dma_wait3A_21 = arith.constant 0 : i32
      %dma_wait3A_22 = tpu.memref_slice %arg3[%mul3A_4, %dma_wait3A_21] : memref<640x125xi32, #tpu.memory_space<hbm>> -> memref<20x125xi32, #tpu.memory_space<hbm>>
      tpu.wait_dma2 semaphore(%run_scoped3A : memref<!tpu.dma_semaphore, #tpu.memory_space<semaphore_mem>>) src(%dma_wait3A_22 : memref<20x125xi32, #tpu.memory_space<hbm>>) dst(%arg7 : memref<20x125xi32, #tpu.memory_space<vmem>>)
      tpu.yield
    }) : () -> ()
    %mul3A_5 = arith.constant 2500 : i32
    %mul3A_6 = arith.muli %add3A, %mul3A_5 : i32
    "tpu.region"() ({
      %run_scoped3A = tpu.sem_alloc : memref<!tpu.dma_semaphore, #tpu.memory_space<semaphore_mem>>
      %dma_start3A = arith.constant 0 : i32
      %dma_start3A_17 = tpu.memref_slice %arg2[%mul3A_6, %dma_start3A] : memref<80000x16xf32, #tpu.memory_space<hbm>> -> memref<2500x16xf32, #tpu.memory_space<hbm>>
      %dma_start3A_18 = arith.constant 0 : i32
      %dma_start3A_19 = tpu.memref_slice %arg2[%mul3A_6, %dma_start3A_18] : memref<80000x16xf32, #tpu.memory_space<hbm>> -> memref<2500x16xf32, #tpu.memory_space<hbm>>
      tpu.enqueue_dma source(%dma_start3A_19 : memref<2500x16xf32, #tpu.memory_space<hbm>>) target(%arg8 : memref<2500x16xf32, #tpu.memory_space<vmem>>) target_semaphore(%run_scoped3A : memref<!tpu.dma_semaphore, #tpu.memory_space<semaphore_mem>>)
      %dma_wait3A = arith.constant 0 : i32
      %dma_wait3A_20 = tpu.memref_slice %arg2[%mul3A_6, %dma_wait3A] : memref<80000x16xf32, #tpu.memory_space<hbm>> -> memref<2500x16xf32, #tpu.memory_space<hbm>>
      %dma_wait3A_21 = arith.constant 0 : i32
      %dma_wait3A_22 = tpu.memref_slice %arg2[%mul3A_6, %dma_wait3A_21] : memref<80000x16xf32, #tpu.memory_space<hbm>> -> memref<2500x16xf32, #tpu.memory_space<hbm>>
      tpu.wait_dma2 semaphore(%run_scoped3A : memref<!tpu.dma_semaphore, #tpu.memory_space<semaphore_mem>>) src(%dma_wait3A_22 : memref<2500x16xf32, #tpu.memory_space<hbm>>) dst(%arg8 : memref<2500x16xf32, #tpu.memory_space<vmem>>)
      tpu.yield
    }) : () -> ()
    %scan3A = arith.constant 0 : i32
    %scan3A_7 = arith.constant 20 : i32
    %scan3A_8 = arith.addi %scan3A, %scan3A_7 : i32
    %scan3A_9 = arith.constant 1 : i32
    scf.for %scan3A_17 = %scan3A to %scan3A_8 step %scan3A_9  : i32 {
      %mul3A_18 = arith.constant 1 : i32
      %mul3A_19 = arith.muli %scan3A_17, %mul3A_18 : i32
      %add3A_20 = arith.constant 0 : i32
      %add3A_21 = arith.addi %add3A_20, %mul3A_19 : i32
      %mul3A_22 = arith.constant 125 : i32
      %mul3A_23 = arith.muli %add3A_21, %mul3A_22 : i32
      %dma_start3A = arith.constant 0 : i32
      %dma_start3A_24 = tpu.memref_slice %arg8[%mul3A_23, %dma_start3A] : memref<2500x16xf32, #tpu.memory_space<vmem>> -> memref<125x16xf32, #tpu.memory_space<vmem>>
      %dma_start3A_25 = arith.constant 0 : i32
      %dma_start3A_26 = tpu.memref_slice %arg7[%add3A_21, %dma_start3A_25] : memref<20x125xi32, #tpu.memory_space<vmem>> -> memref<1x125xi32, #tpu.memory_space<vmem>>
      %dma_start3A_27 = tpu.memref_squeeze %dma_start3A_26 : memref<1x125xi32, #tpu.memory_space<vmem>> -> memref<125xi32, #tpu.memory_space<vmem>>
      %dma_start3A_28 = arith.constant 0 : i32
      %dma_start3A_29 = arith.constant 0 : i32
      %dma_start3A_30 = tpu.memref_slice %arg9[%dma_start3A_28, %dma_start3A_29] : memref<10240x16xf32, #tpu.memory_space<vmem_shared>> -> memref<10240x16xf32, #tpu.memory_space<vmem_shared>>
      tpu.enqueue_indirect_dma source(%dma_start3A_24 : memref<125x16xf32, #tpu.memory_space<vmem>>) target(%dma_start3A_30 : memref<10240x16xf32, #tpu.memory_space<vmem_shared>>) offsets(%dma_start3A_27 : memref<125xi32, #tpu.memory_space<vmem>>) semaphore(%arg10 : memref<!tpu.dma_semaphore, #tpu.memory_space<semaphore_mem>>) {add = true}
    }
    %scan3A_10 = arith.constant 20 : i32
    %scan3A_11 = arith.constant 0 : i32
    %scan3A_12 = arith.constant 20 : i32
    %scan3A_13 = arith.addi %scan3A_11, %scan3A_12 : i32
    %scan3A_14 = arith.constant 1 : i32
    scf.for %scan3A_17 = %scan3A_11 to %scan3A_13 step %scan3A_14  : i32 {
      %mul3A_18 = arith.constant 1 : i32
      %mul3A_19 = arith.muli %scan3A_17, %mul3A_18 : i32
      %add3A_20 = arith.constant 0 : i32
      %add3A_21 = arith.addi %add3A_20, %mul3A_19 : i32
      %mul3A_22 = arith.constant 125 : i32
      %mul3A_23 = arith.muli %add3A_21, %mul3A_22 : i32
      %dma_wait3A = arith.constant 0 : i32
      %dma_wait3A_24 = tpu.memref_slice %arg8[%mul3A_23, %dma_wait3A] : memref<2500x16xf32, #tpu.memory_space<vmem>> -> memref<125x16xf32, #tpu.memory_space<vmem>>
      %dma_wait3A_25 = arith.constant 0 : i32
      %dma_wait3A_26 = tpu.memref_slice %arg7[%add3A_21, %dma_wait3A_25] : memref<20x125xi32, #tpu.memory_space<vmem>> -> memref<1x125xi32, #tpu.memory_space<vmem>>
      %dma_wait3A_27 = tpu.memref_squeeze %dma_wait3A_26 : memref<1x125xi32, #tpu.memory_space<vmem>> -> memref<125xi32, #tpu.memory_space<vmem>>
      %dma_wait3A_28 = arith.constant 0 : i32
      %dma_wait3A_29 = arith.constant 0 : i32
      %dma_wait3A_30 = tpu.memref_slice %arg9[%dma_wait3A_28, %dma_wait3A_29] : memref<10240x16xf32, #tpu.memory_space<vmem_shared>> -> memref<10240x16xf32, #tpu.memory_space<vmem_shared>>
      tpu.wait_indirect_dma semaphore(%arg10 : memref<!tpu.dma_semaphore, #tpu.memory_space<semaphore_mem>>) src(%dma_wait3A_24 : memref<125x16xf32, #tpu.memory_space<vmem>>) dst(%dma_wait3A_30 : memref<10240x16xf32, #tpu.memory_space<vmem_shared>>)
    }
    %scan3A_15 = arith.constant 20 : i32
    %barrier3A_16 = arith.constant 0 : index
    tpu.barrier barrier_id(%barrier3A_16)
    "tpu.region"() ({
      %run_scoped3A = tpu.sem_alloc : memref<!tpu.dma_semaphore, #tpu.memory_space<semaphore_mem>>
      %dma_start3A = arith.constant 0 : i32
      %dma_start3A_17 = tpu.memref_slice %arg6[%arg0, %mul3A_2, %dma_start3A] : memref<2x10240x16xf32, #tpu.memory_space<hbm>> -> memref<1x640x16xf32, #tpu.memory_space<hbm>>
      %dma_start3A_18 = tpu.memref_squeeze %dma_start3A_17 : memref<1x640x16xf32, #tpu.memory_space<hbm>> -> memref<640x16xf32, #tpu.memory_space<hbm>>
      %dma_start3A_19 = arith.constant 0 : i32
      %dma_start3A_20 = tpu.memref_slice %arg9[%mul3A_2, %dma_start3A_19] : memref<10240x16xf32, #tpu.memory_space<vmem_shared>> -> memref<640x16xf32, #tpu.memory_space<vmem_shared>>
      tpu.enqueue_dma source(%dma_start3A_20 : memref<640x16xf32, #tpu.memory_space<vmem_shared>>) target(%dma_start3A_18 : memref<640x16xf32, #tpu.memory_space<hbm>>) target_semaphore(%run_scoped3A : memref<!tpu.dma_semaphore, #tpu.memory_space<semaphore_mem>>)
      %dma_wait3A = arith.constant 0 : i32
      %dma_wait3A_21 = tpu.memref_slice %arg6[%arg0, %mul3A_2, %dma_wait3A] : memref<2x10240x16xf32, #tpu.memory_space<hbm>> -> memref<1x640x16xf32, #tpu.memory_space<hbm>>
      %dma_wait3A_22 = tpu.memref_squeeze %dma_wait3A_21 : memref<1x640x16xf32, #tpu.memory_space<hbm>> -> memref<640x16xf32, #tpu.memory_space<hbm>>
      %dma_wait3A_23 = arith.constant 0 : i32
      %dma_wait3A_24 = tpu.memref_slice %arg9[%mul3A_2, %dma_wait3A_23] : memref<10240x16xf32, #tpu.memory_space<vmem_shared>> -> memref<640x16xf32, #tpu.memory_space<vmem_shared>>
      tpu.wait_dma2 semaphore(%run_scoped3A : memref<!tpu.dma_semaphore, #tpu.memory_space<semaphore_mem>>) src(%dma_wait3A_24 : memref<640x16xf32, #tpu.memory_space<vmem_shared>>) dst(%dma_wait3A_22 : memref<640x16xf32, #tpu.memory_space<hbm>>)
      tpu.yield
    }) : () -> ()
    return
  }
}

#map = affine_map<(d0, d1) -> (0, 0)>
#map1 = affine_map<(d0, d1) -> (0, 0, 0)>
module attributes {stable_mosaic.version = 14 : i64} {
  func.func @_sc_scatter(%arg0: i32, %arg1: i32, %arg2: memref<80000x16xf32, #tpu.memory_space<hbm>>, %arg3: memref<640x125xi32, #tpu.memory_space<hbm>>, %arg4: memref<10240x16xf32, #tpu.memory_space<hbm>>, %arg5: memref<125x16xf32, #tpu.memory_space<hbm>>, %arg6: memref<2x10240x16xf32, #tpu.memory_space<hbm>>, %arg7: memref<20x125xi32, #tpu.memory_space<vmem>>, %arg8: memref<2500x16xf32, #tpu.memory_space<vmem>>, %arg9: memref<10240x16xf32, #tpu.memory_space<vmem_shared>>, %arg10: memref<!tpu.dma_semaphore, #tpu.memory_space<semaphore_mem>>) attributes {dimension_semantics = [#tpu.dimension_semantics<core_parallel>, #tpu.dimension_semantics<subcore_parallel>], iteration_bounds = array<i64: 2, 16>, scalar_prefetch = 0 : i64, scratch_operands = 4 : i64, tpu.core_type = #tpu.core_type<sc_vector_subcore>, window_params = [{transform_indices = #map}, {transform_indices = #map}, {transform_indices = #map}, {transform_indices = #map}, {transform_indices = #map1}]} {
    %mul3A = arith.constant 2 : i32
    %mul3A_0 = arith.muli %arg1, %mul3A : i32
    %add3A = arith.addi %mul3A_0, %arg0 : i32
    %mul3A_1 = arith.constant 640 : i32
    %mul3A_2 = arith.muli %arg1, %mul3A_1 : i32
    "tpu.region"() ({
      %run_scoped3A = tpu.sem_alloc : memref<!tpu.dma_semaphore, #tpu.memory_space<semaphore_mem>>
      %dma_start3A = arith.constant 0 : i32
      %dma_start3A_17 = tpu.memref_slice %arg9[%mul3A_2, %dma_start3A] : memref<10240x16xf32, #tpu.memory_space<vmem_shared>> -> memref<640x16xf32, #tpu.memory_space<vmem_shared>>
      %dma_start3A_18 = arith.constant 0 : i32
      %dma_start3A_19 = tpu.memref_slice %arg4[%mul3A_2, %dma_start3A_18] : memref<10240x16xf32, #tpu.memory_space<hbm>> -> memref<640x16xf32, #tpu.memory_space<hbm>>
      tpu.enqueue_dma source(%dma_start3A_19 : memref<640x16xf32, #tpu.memory_space<hbm>>) target(%dma_start3A_17 : memref<640x16xf32, #tpu.memory_space<vmem_shared>>) target_semaphore(%run_scoped3A : memref<!tpu.dma_semaphore, #tpu.memory_space<semaphore_mem>>)
      %dma_wait3A = arith.constant 0 : i32
      %dma_wait3A_20 = tpu.memref_slice %arg9[%mul3A_2, %dma_wait3A] : memref<10240x16xf32, #tpu.memory_space<vmem_shared>> -> memref<640x16xf32, #tpu.memory_space<vmem_shared>>
      %dma_wait3A_21 = arith.constant 0 : i32
      %dma_wait3A_22 = tpu.memref_slice %arg4[%mul3A_2, %dma_wait3A_21] : memref<10240x16xf32, #tpu.memory_space<hbm>> -> memref<640x16xf32, #tpu.memory_space<hbm>>
      tpu.wait_dma2 semaphore(%run_scoped3A : memref<!tpu.dma_semaphore, #tpu.memory_space<semaphore_mem>>) src(%dma_wait3A_22 : memref<640x16xf32, #tpu.memory_space<hbm>>) dst(%dma_wait3A_20 : memref<640x16xf32, #tpu.memory_space<vmem_shared>>)
      tpu.yield
    }) : () -> ()
    %barrier3A = arith.constant 0 : index
    tpu.barrier barrier_id(%barrier3A)
    %mul3A_3 = arith.constant 20 : i32
    %mul3A_4 = arith.muli %add3A, %mul3A_3 : i32
    "tpu.region"() ({
      %run_scoped3A = tpu.sem_alloc : memref<!tpu.dma_semaphore, #tpu.memory_space<semaphore_mem>>
      %dma_start3A = arith.constant 0 : i32
      %dma_start3A_17 = tpu.memref_slice %arg3[%mul3A_4, %dma_start3A] : memref<640x125xi32, #tpu.memory_space<hbm>> -> memref<20x125xi32, #tpu.memory_space<hbm>>
      %dma_start3A_18 = arith.constant 0 : i32
      %dma_start3A_19 = tpu.memref_slice %arg3[%mul3A_4, %dma_start3A_18] : memref<640x125xi32, #tpu.memory_space<hbm>> -> memref<20x125xi32, #tpu.memory_space<hbm>>
      tpu.enqueue_dma source(%dma_start3A_19 : memref<20x125xi32, #tpu.memory_space<hbm>>) target(%arg7 : memref<20x125xi32, #tpu.memory_space<vmem>>) target_semaphore(%run_scoped3A : memref<!tpu.dma_semaphore, #tpu.memory_space<semaphore_mem>>)
      %dma_wait3A = arith.constant 0 : i32
      %dma_wait3A_20 = tpu.memref_slice %arg3[%mul3A_4, %dma_wait3A] : memref<640x125xi32, #tpu.memory_space<hbm>> -> memref<20x125xi32, #tpu.memory_space<hbm>>
      %dma_wait3A_21 = arith.constant 0 : i32
      %dma_wait3A_22 = tpu.memref_slice %arg3[%mul3A_4, %dma_wait3A_21] : memref<640x125xi32, #tpu.memory_space<hbm>> -> memref<20x125xi32, #tpu.memory_space<hbm>>
      tpu.wait_dma2 semaphore(%run_scoped3A : memref<!tpu.dma_semaphore, #tpu.memory_space<semaphore_mem>>) src(%dma_wait3A_22 : memref<20x125xi32, #tpu.memory_space<hbm>>) dst(%arg7 : memref<20x125xi32, #tpu.memory_space<vmem>>)
      tpu.yield
    }) : () -> ()
    %mul3A_5 = arith.constant 2500 : i32
    %mul3A_6 = arith.muli %add3A, %mul3A_5 : i32
    "tpu.region"() ({
      %run_scoped3A = tpu.sem_alloc : memref<!tpu.dma_semaphore, #tpu.memory_space<semaphore_mem>>
      %dma_start3A = arith.constant 0 : i32
      %dma_start3A_17 = tpu.memref_slice %arg2[%mul3A_6, %dma_start3A] : memref<80000x16xf32, #tpu.memory_space<hbm>> -> memref<2500x16xf32, #tpu.memory_space<hbm>>
      %dma_start3A_18 = arith.constant 0 : i32
      %dma_start3A_19 = tpu.memref_slice %arg2[%mul3A_6, %dma_start3A_18] : memref<80000x16xf32, #tpu.memory_space<hbm>> -> memref<2500x16xf32, #tpu.memory_space<hbm>>
      tpu.enqueue_dma source(%dma_start3A_19 : memref<2500x16xf32, #tpu.memory_space<hbm>>) target(%arg8 : memref<2500x16xf32, #tpu.memory_space<vmem>>) target_semaphore(%run_scoped3A : memref<!tpu.dma_semaphore, #tpu.memory_space<semaphore_mem>>)
      %dma_wait3A = arith.constant 0 : i32
      %dma_wait3A_20 = tpu.memref_slice %arg2[%mul3A_6, %dma_wait3A] : memref<80000x16xf32, #tpu.memory_space<hbm>> -> memref<2500x16xf32, #tpu.memory_space<hbm>>
      %dma_wait3A_21 = arith.constant 0 : i32
      %dma_wait3A_22 = tpu.memref_slice %arg2[%mul3A_6, %dma_wait3A_21] : memref<80000x16xf32, #tpu.memory_space<hbm>> -> memref<2500x16xf32, #tpu.memory_space<hbm>>
      tpu.wait_dma2 semaphore(%run_scoped3A : memref<!tpu.dma_semaphore, #tpu.memory_space<semaphore_mem>>) src(%dma_wait3A_22 : memref<2500x16xf32, #tpu.memory_space<hbm>>) dst(%arg8 : memref<2500x16xf32, #tpu.memory_space<vmem>>)
      tpu.yield
    }) : () -> ()
    %scan3A = arith.constant 0 : i32
    %scan3A_7 = arith.constant 20 : i32
    %scan3A_8 = arith.addi %scan3A, %scan3A_7 : i32
    %scan3A_9 = arith.constant 1 : i32
    scf.for %scan3A_17 = %scan3A to %scan3A_8 step %scan3A_9  : i32 {
      %mul3A_18 = arith.constant 1 : i32
      %mul3A_19 = arith.muli %scan3A_17, %mul3A_18 : i32
      %add3A_20 = arith.constant 0 : i32
      %add3A_21 = arith.addi %add3A_20, %mul3A_19 : i32
      %mul3A_22 = arith.constant 125 : i32
      %mul3A_23 = arith.muli %add3A_21, %mul3A_22 : i32
      %dma_start3A = arith.constant 0 : i32
      %dma_start3A_24 = tpu.memref_slice %arg8[%mul3A_23, %dma_start3A] : memref<2500x16xf32, #tpu.memory_space<vmem>> -> memref<125x16xf32, #tpu.memory_space<vmem>>
      %dma_start3A_25 = arith.constant 0 : i32
      %dma_start3A_26 = tpu.memref_slice %arg7[%add3A_21, %dma_start3A_25] : memref<20x125xi32, #tpu.memory_space<vmem>> -> memref<1x125xi32, #tpu.memory_space<vmem>>
      %dma_start3A_27 = tpu.memref_squeeze %dma_start3A_26 : memref<1x125xi32, #tpu.memory_space<vmem>> -> memref<125xi32, #tpu.memory_space<vmem>>
      %dma_start3A_28 = arith.constant 0 : i32
      %dma_start3A_29 = arith.constant 0 : i32
      %dma_start3A_30 = tpu.memref_slice %arg9[%dma_start3A_28, %dma_start3A_29] : memref<10240x16xf32, #tpu.memory_space<vmem_shared>> -> memref<10240x16xf32, #tpu.memory_space<vmem_shared>>
      tpu.enqueue_indirect_dma source(%dma_start3A_24 : memref<125x16xf32, #tpu.memory_space<vmem>>) target(%dma_start3A_30 : memref<10240x16xf32, #tpu.memory_space<vmem_shared>>) offsets(%dma_start3A_27 : memref<125xi32, #tpu.memory_space<vmem>>) semaphore(%arg10 : memref<!tpu.dma_semaphore, #tpu.memory_space<semaphore_mem>>) {add = true}
    }
    %scan3A_10 = arith.constant 20 : i32
    %scan3A_11 = arith.constant 0 : i32
    %scan3A_12 = arith.constant 20 : i32
    %scan3A_13 = arith.addi %scan3A_11, %scan3A_12 : i32
    %scan3A_14 = arith.constant 1 : i32
    scf.for %scan3A_17 = %scan3A_11 to %scan3A_13 step %scan3A_14  : i32 {
      %mul3A_18 = arith.constant 1 : i32
      %mul3A_19 = arith.muli %scan3A_17, %mul3A_18 : i32
      %add3A_20 = arith.constant 0 : i32
      %add3A_21 = arith.addi %add3A_20, %mul3A_19 : i32
      %mul3A_22 = arith.constant 125 : i32
      %mul3A_23 = arith.muli %add3A_21, %mul3A_22 : i32
      %dma_wait3A = arith.constant 0 : i32
      %dma_wait3A_24 = tpu.memref_slice %arg8[%mul3A_23, %dma_wait3A] : memref<2500x16xf32, #tpu.memory_space<vmem>> -> memref<125x16xf32, #tpu.memory_space<vmem>>
      %dma_wait3A_25 = arith.constant 0 : i32
      %dma_wait3A_26 = tpu.memref_slice %arg7[%add3A_21, %dma_wait3A_25] : memref<20x125xi32, #tpu.memory_space<vmem>> -> memref<1x125xi32, #tpu.memory_space<vmem>>
      %dma_wait3A_27 = tpu.memref_squeeze %dma_wait3A_26 : memref<1x125xi32, #tpu.memory_space<vmem>> -> memref<125xi32, #tpu.memory_space<vmem>>
      %dma_wait3A_28 = arith.constant 0 : i32
      %dma_wait3A_29 = arith.constant 0 : i32
      %dma_wait3A_30 = tpu.memref_slice %arg9[%dma_wait3A_28, %dma_wait3A_29] : memref<10240x16xf32, #tpu.memory_space<vmem_shared>> -> memref<10240x16xf32, #tpu.memory_space<vmem_shared>>
      tpu.wait_indirect_dma semaphore(%arg10 : memref<!tpu.dma_semaphore, #tpu.memory_space<semaphore_mem>>) src(%dma_wait3A_24 : memref<125x16xf32, #tpu.memory_space<vmem>>) dst(%dma_wait3A_30 : memref<10240x16xf32, #tpu.memory_space<vmem_shared>>)
    }
    %scan3A_15 = arith.constant 20 : i32
    %barrier3A_16 = arith.constant 0 : index
    tpu.barrier barrier_id(%barrier3A_16)
    "tpu.region"() ({
      %run_scoped3A = tpu.sem_alloc : memref<!tpu.dma_semaphore, #tpu.memory_space<semaphore_mem>>
      %dma_start3A = arith.constant 0 : i32
      %dma_start3A_17 = tpu.memref_slice %arg6[%arg0, %mul3A_2, %dma_start3A] : memref<2x10240x16xf32, #tpu.memory_space<hbm>> -> memref<1x640x16xf32, #tpu.memory_space<hbm>>
      %dma_start3A_18 = tpu.memref_squeeze %dma_start3A_17 : memref<1x640x16xf32, #tpu.memory_space<hbm>> -> memref<640x16xf32, #tpu.memory_space<hbm>>
      %dma_start3A_19 = arith.constant 0 : i32
      %dma_start3A_20 = tpu.memref_slice %arg9[%mul3A_2, %dma_start3A_19] : memref<10240x16xf32, #tpu.memory_space<vmem_shared>> -> memref<640x16xf32, #tpu.memory_space<vmem_shared>>
      tpu.enqueue_dma source(%dma_start3A_20 : memref<640x16xf32, #tpu.memory_space<vmem_shared>>) target(%dma_start3A_18 : memref<640x16xf32, #tpu.memory_space<hbm>>) target_semaphore(%run_scoped3A : memref<!tpu.dma_semaphore, #tpu.memory_space<semaphore_mem>>)
      %dma_wait3A = arith.constant 0 : i32
      %dma_wait3A_21 = tpu.memref_slice %arg6[%arg0, %mul3A_2, %dma_wait3A] : memref<2x10240x16xf32, #tpu.memory_space<hbm>> -> memref<1x640x16xf32, #tpu.memory_space<hbm>>
      %dma_wait3A_22 = tpu.memref_squeeze %dma_wait3A_21 : memref<1x640x16xf32, #tpu.memory_space<hbm>> -> memref<640x16xf32, #tpu.memory_space<hbm>>
      %dma_wait3A_23 = arith.constant 0 : i32
      %dma_wait3A_24 = tpu.memref_slice %arg9[%mul3A_2, %dma_wait3A_23] : memref<10240x16xf32, #tpu.memory_space<vmem_shared>> -> memref<640x16xf32, #tpu.memory_space<vmem_shared>>
      tpu.wait_dma2 semaphore(%run_scoped3A : memref<!tpu.dma_semaphore, #tpu.memory_space<semaphore_mem>>) src(%dma_wait3A_24 : memref<640x16xf32, #tpu.memory_space<vmem_shared>>) dst(%dma_wait3A_22 : memref<640x16xf32, #tpu.memory_space<hbm>>)
      tpu.yield
    }) : () -> ()
    return
  }
}

module attributes {stable_mosaic.version = 14 : i64} {
  func.func @_tc_edge0_body(%arg0: i32, %arg1: memref<1000x128xf32, #tpu.memory_space<vmem>>, %arg2: memref<1000x128xf32, #tpu.memory_space<vmem>>, %arg3: memref<16x64xbf16, #tpu.memory_space<vmem>>, %arg4: memref<1x64xbf16, #tpu.memory_space<vmem>>, %arg5: memref<64x64xbf16, #tpu.memory_space<vmem>>, %arg6: memref<1x64xbf16, #tpu.memory_space<vmem>>, %arg7: memref<64x256xbf16, #tpu.memory_space<vmem>>, %arg8: memref<1x256xbf16, #tpu.memory_space<vmem>>, %arg9: memref<16x256xbf16, #tpu.memory_space<vmem>>, %arg10: memref<256x16xbf16, #tpu.memory_space<vmem>>, %arg11: memref<1000x128xf32, #tpu.memory_space<vmem>>, %arg12: memref<1000x512xbf16, #tpu.memory_space<vmem>>) attributes {dimension_semantics = [#tpu.dimension_semantics<arbitrary>], iteration_bounds = array<i64: 10>, scalar_prefetch = 0 : i64, scratch_operands = 0 : i64, tpu.core_type = #tpu.core_type<tc>, window_params = [{transform_indices = @transform_0, window_bounds = array<i64: 1000, 128>}, {transform_indices = @transform_1, window_bounds = array<i64: 1000, 128>}, {pipeline_mode = #tpu.pipeline_mode<synchronous>, transform_indices = @transform_2, window_bounds = array<i64: 16, 64>}, {pipeline_mode = #tpu.pipeline_mode<synchronous>, transform_indices = @transform_3, window_bounds = array<i64: 1, 64>}, {pipeline_mode = #tpu.pipeline_mode<synchronous>, transform_indices = @transform_4, window_bounds = array<i64: 64, 64>}, {pipeline_mode = #tpu.pipeline_mode<synchronous>, transform_indices = @transform_5, window_bounds = array<i64: 1, 64>}, {pipeline_mode = #tpu.pipeline_mode<synchronous>, transform_indices = @transform_6, window_bounds = array<i64: 64, 256>}, {pipeline_mode = #tpu.pipeline_mode<synchronous>, transform_indices = @transform_7, window_bounds = array<i64: 1, 256>}, {pipeline_mode = #tpu.pipeline_mode<synchronous>, transform_indices = @transform_8, window_bounds = array<i64: 16, 256>}, {pipeline_mode = #tpu.pipeline_mode<synchronous>, transform_indices = @transform_9, window_bounds = array<i64: 256, 16>}, {transform_indices = @transform_10, window_bounds = array<i64: 1000, 128>}, {transform_indices = @transform_11, window_bounds = array<i64: 1000, 512>}]} {
    %get3A = arith.constant 0 : index
    %get3A_0 = arith.constant 0 : index
    %get3A_1 = vector.load %arg1[%get3A, %get3A_0] : memref<1000x128xf32, #tpu.memory_space<vmem>>, vector<1000x128xf32>
    %slice3A = vector.extract_strided_slice %get3A_1 {offsets = [0, 0], sizes = [1000, 16], strides = [1, 1]} : vector<1000x128xf32> to vector<1000x16xf32>
    %slice3A_2 = vector.extract_strided_slice %get3A_1 {offsets = [0, 16], sizes = [1000, 16], strides = [1, 1]} : vector<1000x128xf32> to vector<1000x16xf32>
    %slice3A_3 = vector.extract_strided_slice %get3A_1 {offsets = [0, 32], sizes = [1000, 16], strides = [1, 1]} : vector<1000x128xf32> to vector<1000x16xf32>
    %slice3A_4 = vector.extract_strided_slice %get3A_1 {offsets = [0, 48], sizes = [1000, 16], strides = [1, 1]} : vector<1000x128xf32> to vector<1000x16xf32>
    %slice3A_5 = vector.extract_strided_slice %get3A_1 {offsets = [0, 64], sizes = [1000, 16], strides = [1, 1]} : vector<1000x128xf32> to vector<1000x16xf32>
    %slice3A_6 = vector.extract_strided_slice %get3A_1 {offsets = [0, 80], sizes = [1000, 16], strides = [1, 1]} : vector<1000x128xf32> to vector<1000x16xf32>
    %slice3A_7 = vector.extract_strided_slice %get3A_1 {offsets = [0, 96], sizes = [1000, 16], strides = [1, 1]} : vector<1000x128xf32> to vector<1000x16xf32>
    %slice3A_8 = vector.extract_strided_slice %get3A_1 {offsets = [0, 112], sizes = [1000, 16], strides = [1, 1]} : vector<1000x128xf32> to vector<1000x16xf32>
    %concatenate3A = tpu.concatenate %slice3A, %slice3A_2, %slice3A_3, %slice3A_4, %slice3A_5, %slice3A_6, %slice3A_7, %slice3A_8 in 0 : vector<1000x16xf32>, vector<1000x16xf32>, vector<1000x16xf32>, vector<1000x16xf32>, vector<1000x16xf32>, vector<1000x16xf32>, vector<1000x16xf32>, vector<1000x16xf32> -> vector<8000x16xf32>
    %convert_element_type3A = arith.truncf %concatenate3A : vector<8000x16xf32> to vector<8000x16xbf16>
    %get3A_9 = arith.constant 0 : index
    %get3A_10 = arith.constant 0 : index
    %get3A_11 = vector.load %arg3[%get3A_9, %get3A_10] : memref<16x64xbf16, #tpu.memory_space<vmem>>, vector<16x64xbf16>
    %dot_general3A = arith.constant dense<0.000000e+00> : vector<8000x64xf32>
    %dot_general3A_12 = tpu.matmul %convert_element_type3A, %get3A_11, %dot_general3A {dimension_numbers = #tpu.dot_dimension_numbers<[1], [0], [0], [1], [0, 0, 1, 1], [], []>, transpose_lhs_hint = false} : vector<8000x16xbf16>, vector<16x64xbf16>, vector<8000x64xf32> -> vector<8000x64xf32>
    %convert_element_type3A_13 = arith.truncf %dot_general3A_12 : vector<8000x64xf32> to vector<8000x64xbf16>
    %get3A_14 = arith.constant 0 : index
    %get3A_15 = arith.constant 0 : index
    %get3A_16 = vector.load %arg4[%get3A_14, %get3A_15] : memref<1x64xbf16, #tpu.memory_space<vmem>>, vector<1x64xbf16>
    %add3A = vector.broadcast %get3A_16 : vector<1x64xbf16> to vector<8000x64xbf16>
    %add3A_17 = arith.addf %convert_element_type3A_13, %add3A : vector<8000x64xbf16>
    %integer_pow3A = arith.mulf %add3A_17, %add3A_17 : vector<8000x64xbf16>
    %integer_pow3A_18 = arith.mulf %add3A_17, %integer_pow3A : vector<8000x64xbf16>
    %mul3A = arith.constant 4.467770e-02 : bf16
    %mul3A_19 = vector.broadcast %mul3A : bf16 to vector<8000x64xbf16>
    %mul3A_20 = arith.mulf %mul3A_19, %integer_pow3A_18 : vector<8000x64xbf16>
    %add3A_21 = arith.addf %add3A_17, %mul3A_20 : vector<8000x64xbf16>
    %mul3A_22 = arith.constant 7.968750e-01 : bf16
    %mul3A_23 = vector.broadcast %mul3A_22 : bf16 to vector<8000x64xbf16>
    %mul3A_24 = arith.mulf %mul3A_23, %add3A_21 : vector<8000x64xbf16>
    %tanh3A = math.tanh %mul3A_24 : vector<8000x64xbf16>
    %add3A_25 = arith.constant 1.000000e+00 : bf16
    %add3A_26 = vector.broadcast %add3A_25 : bf16 to vector<8000x64xbf16>
    %add3A_27 = arith.addf %add3A_26, %tanh3A : vector<8000x64xbf16>
    %mul3A_28 = arith.constant 5.000000e-01 : bf16
    %mul3A_29 = vector.broadcast %mul3A_28 : bf16 to vector<8000x64xbf16>
    %mul3A_30 = arith.mulf %mul3A_29, %add3A_27 : vector<8000x64xbf16>
    %mul3A_31 = arith.mulf %add3A_17, %mul3A_30 : vector<8000x64xbf16>
    %get3A_32 = arith.constant 0 : index
    %get3A_33 = arith.constant 0 : index
    %get3A_34 = vector.load %arg5[%get3A_32, %get3A_33] : memref<64x64xbf16, #tpu.memory_space<vmem>>, vector<64x64xbf16>
    %dot_general3A_35 = arith.constant dense<0.000000e+00> : vector<8000x64xf32>
    %dot_general3A_36 = tpu.matmul %mul3A_31, %get3A_34, %dot_general3A_35 {dimension_numbers = #tpu.dot_dimension_numbers<[1], [0], [0], [1], [0, 0, 1, 1], [], []>, transpose_lhs_hint = false} : vector<8000x64xbf16>, vector<64x64xbf16>, vector<8000x64xf32> -> vector<8000x64xf32>
    %convert_element_type3A_37 = arith.truncf %dot_general3A_36 : vector<8000x64xf32> to vector<8000x64xbf16>
    %get3A_38 = arith.constant 0 : index
    %get3A_39 = arith.constant 0 : index
    %get3A_40 = vector.load %arg6[%get3A_38, %get3A_39] : memref<1x64xbf16, #tpu.memory_space<vmem>>, vector<1x64xbf16>
    %add3A_41 = vector.broadcast %get3A_40 : vector<1x64xbf16> to vector<8000x64xbf16>
    %add3A_42 = arith.addf %convert_element_type3A_37, %add3A_41 : vector<8000x64xbf16>
    %integer_pow3A_43 = arith.mulf %add3A_42, %add3A_42 : vector<8000x64xbf16>
    %integer_pow3A_44 = arith.mulf %add3A_42, %integer_pow3A_43 : vector<8000x64xbf16>
    %mul3A_45 = arith.constant 4.467770e-02 : bf16
    %mul3A_46 = vector.broadcast %mul3A_45 : bf16 to vector<8000x64xbf16>
    %mul3A_47 = arith.mulf %mul3A_46, %integer_pow3A_44 : vector<8000x64xbf16>
    %add3A_48 = arith.addf %add3A_42, %mul3A_47 : vector<8000x64xbf16>
    %mul3A_49 = arith.constant 7.968750e-01 : bf16
    %mul3A_50 = vector.broadcast %mul3A_49 : bf16 to vector<8000x64xbf16>
    %mul3A_51 = arith.mulf %mul3A_50, %add3A_48 : vector<8000x64xbf16>
    %tanh3A_52 = math.tanh %mul3A_51 : vector<8000x64xbf16>
    %add3A_53 = arith.constant 1.000000e+00 : bf16
    %add3A_54 = vector.broadcast %add3A_53 : bf16 to vector<8000x64xbf16>
    %add3A_55 = arith.addf %add3A_54, %tanh3A_52 : vector<8000x64xbf16>
    %mul3A_56 = arith.constant 5.000000e-01 : bf16
    %mul3A_57 = vector.broadcast %mul3A_56 : bf16 to vector<8000x64xbf16>
    %mul3A_58 = arith.mulf %mul3A_57, %add3A_55 : vector<8000x64xbf16>
    %mul3A_59 = arith.mulf %add3A_42, %mul3A_58 : vector<8000x64xbf16>
    %get3A_60 = arith.constant 0 : index
    %get3A_61 = arith.constant 0 : index
    %get3A_62 = vector.load %arg7[%get3A_60, %get3A_61] : memref<64x256xbf16, #tpu.memory_space<vmem>>, vector<64x256xbf16>
    %dot_general3A_63 = arith.constant dense<0.000000e+00> : vector<8000x256xf32>
    %dot_general3A_64 = tpu.matmul %mul3A_59, %get3A_62, %dot_general3A_63 {dimension_numbers = #tpu.dot_dimension_numbers<[1], [0], [0], [1], [0, 0, 1, 1], [], []>, transpose_lhs_hint = false} : vector<8000x64xbf16>, vector<64x256xbf16>, vector<8000x256xf32> -> vector<8000x256xf32>
    %convert_element_type3A_65 = arith.truncf %dot_general3A_64 : vector<8000x256xf32> to vector<8000x256xbf16>
    %get3A_66 = arith.constant 0 : index
    %get3A_67 = arith.constant 0 : index
    %get3A_68 = vector.load %arg8[%get3A_66, %get3A_67] : memref<1x256xbf16, #tpu.memory_space<vmem>>, vector<1x256xbf16>
    %add3A_69 = vector.broadcast %get3A_68 : vector<1x256xbf16> to vector<8000x256xbf16>
    %add3A_70 = arith.addf %convert_element_type3A_65, %add3A_69 : vector<8000x256xbf16>
    %get3A_71 = arith.constant 0 : index
    %get3A_72 = arith.constant 0 : index
    %get3A_73 = vector.load %arg2[%get3A_71, %get3A_72] : memref<1000x128xf32, #tpu.memory_space<vmem>>, vector<1000x128xf32>
    %slice3A_74 = vector.extract_strided_slice %get3A_73 {offsets = [0, 0], sizes = [1000, 16], strides = [1, 1]} : vector<1000x128xf32> to vector<1000x16xf32>
    %slice3A_75 = vector.extract_strided_slice %get3A_73 {offsets = [0, 16], sizes = [1000, 16], strides = [1, 1]} : vector<1000x128xf32> to vector<1000x16xf32>
    %slice3A_76 = vector.extract_strided_slice %get3A_73 {offsets = [0, 32], sizes = [1000, 16], strides = [1, 1]} : vector<1000x128xf32> to vector<1000x16xf32>
    %slice3A_77 = vector.extract_strided_slice %get3A_73 {offsets = [0, 48], sizes = [1000, 16], strides = [1, 1]} : vector<1000x128xf32> to vector<1000x16xf32>
    %slice3A_78 = vector.extract_strided_slice %get3A_73 {offsets = [0, 64], sizes = [1000, 16], strides = [1, 1]} : vector<1000x128xf32> to vector<1000x16xf32>
    %slice3A_79 = vector.extract_strided_slice %get3A_73 {offsets = [0, 80], sizes = [1000, 16], strides = [1, 1]} : vector<1000x128xf32> to vector<1000x16xf32>
    %slice3A_80 = vector.extract_strided_slice %get3A_73 {offsets = [0, 96], sizes = [1000, 16], strides = [1, 1]} : vector<1000x128xf32> to vector<1000x16xf32>
    %slice3A_81 = vector.extract_strided_slice %get3A_73 {offsets = [0, 112], sizes = [1000, 16], strides = [1, 1]} : vector<1000x128xf32> to vector<1000x16xf32>
    %concatenate3A_82 = tpu.concatenate %slice3A_74, %slice3A_75, %slice3A_76, %slice3A_77, %slice3A_78, %slice3A_79, %slice3A_80, %slice3A_81 in 0 : vector<1000x16xf32>, vector<1000x16xf32>, vector<1000x16xf32>, vector<1000x16xf32>, vector<1000x16xf32>, vector<1000x16xf32>, vector<1000x16xf32>, vector<1000x16xf32> -> vector<8000x16xf32>
    %convert_element_type3A_83 = arith.truncf %concatenate3A_82 : vector<8000x16xf32> to vector<8000x16xbf16>
    %get3A_84 = arith.constant 0 : index
    %get3A_85 = arith.constant 0 : index
    %get3A_86 = vector.load %arg9[%get3A_84, %get3A_85] : memref<16x256xbf16, #tpu.memory_space<vmem>>, vector<16x256xbf16>
    %dot_general3A_87 = arith.constant dense<0.000000e+00> : vector<8000x256xf32>
    %dot_general3A_88 = tpu.matmul %convert_element_type3A_83, %get3A_86, %dot_general3A_87 {dimension_numbers = #tpu.dot_dimension_numbers<[1], [0], [0], [1], [0, 0, 1, 1], [], []>, transpose_lhs_hint = false} : vector<8000x16xbf16>, vector<16x256xbf16>, vector<8000x256xf32> -> vector<8000x256xf32>
    %convert_element_type3A_89 = arith.truncf %dot_general3A_88 : vector<8000x256xf32> to vector<8000x256xbf16>
    %mul3A_90 = arith.mulf %convert_element_type3A_89, %add3A_70 : vector<8000x256xbf16>
    %get3A_91 = arith.constant 0 : index
    %get3A_92 = arith.constant 0 : index
    %get3A_93 = vector.load %arg10[%get3A_91, %get3A_92] : memref<256x16xbf16, #tpu.memory_space<vmem>>, vector<256x16xbf16>
    %dot_general3A_94 = arith.constant dense<0.000000e+00> : vector<8000x16xf32>
    %dot_general3A_95 = tpu.matmul %mul3A_90, %get3A_93, %dot_general3A_94 {dimension_numbers = #tpu.dot_dimension_numbers<[1], [0], [0], [1], [0, 0, 1, 1], [], []>, transpose_lhs_hint = false} : vector<8000x256xbf16>, vector<256x16xbf16>, vector<8000x16xf32> -> vector<8000x16xf32>
    %slice3A_96 = vector.extract_strided_slice %dot_general3A_95 {offsets = [0, 0], sizes = [1000, 16], strides = [1, 1]} : vector<8000x16xf32> to vector<1000x16xf32>
    %slice3A_97 = vector.extract_strided_slice %dot_general3A_95 {offsets = [1000, 0], sizes = [1000, 16], strides = [1, 1]} : vector<8000x16xf32> to vector<1000x16xf32>
    %slice3A_98 = vector.extract_strided_slice %dot_general3A_95 {offsets = [2000, 0], sizes = [1000, 16], strides = [1, 1]} : vector<8000x16xf32> to vector<1000x16xf32>
    %slice3A_99 = vector.extract_strided_slice %dot_general3A_95 {offsets = [3000, 0], sizes = [1000, 16], strides = [1, 1]} : vector<8000x16xf32> to vector<1000x16xf32>
    %slice3A_100 = vector.extract_strided_slice %dot_general3A_95 {offsets = [4000, 0], sizes = [1000, 16], strides = [1, 1]} : vector<8000x16xf32> to vector<1000x16xf32>
    %slice3A_101 = vector.extract_strided_slice %dot_general3A_95 {offsets = [5000, 0], sizes = [1000, 16], strides = [1, 1]} : vector<8000x16xf32> to vector<1000x16xf32>
    %slice3A_102 = vector.extract_strided_slice %dot_general3A_95 {offsets = [6000, 0], sizes = [1000, 16], strides = [1, 1]} : vector<8000x16xf32> to vector<1000x16xf32>
    %slice3A_103 = vector.extract_strided_slice %dot_general3A_95 {offsets = [7000, 0], sizes = [1000, 16], strides = [1, 1]} : vector<8000x16xf32> to vector<1000x16xf32>
    %concatenate3A_104 = tpu.concatenate %slice3A_96, %slice3A_97, %slice3A_98, %slice3A_99, %slice3A_100, %slice3A_101, %slice3A_102, %slice3A_103 in 1 : vector<1000x16xf32>, vector<1000x16xf32>, vector<1000x16xf32>, vector<1000x16xf32>, vector<1000x16xf32>, vector<1000x16xf32>, vector<1000x16xf32>, vector<1000x16xf32> -> vector<1000x128xf32>
    %swap3A = arith.constant 0 : index
    %swap3A_105 = arith.constant 0 : index
    %swap3A_106 = vector.load %arg11[%swap3A, %swap3A_105] : memref<1000x128xf32, #tpu.memory_space<vmem>>, vector<1000x128xf32>
    tpu.vector_store %arg11[%swap3A, %swap3A_105], %concatenate3A_104 {strides = array<i32>} : memref<1000x128xf32, #tpu.memory_space<vmem>>, vector<1000x128xf32>,
    %slice3A_107 = vector.extract_strided_slice %mul3A_59 {offsets = [0, 0], sizes = [1000, 64], strides = [1, 1]} : vector<8000x64xbf16> to vector<1000x64xbf16>
    %slice3A_108 = vector.extract_strided_slice %mul3A_59 {offsets = [1000, 0], sizes = [1000, 64], strides = [1, 1]} : vector<8000x64xbf16> to vector<1000x64xbf16>
    %slice3A_109 = vector.extract_strided_slice %mul3A_59 {offsets = [2000, 0], sizes = [1000, 64], strides = [1, 1]} : vector<8000x64xbf16> to vector<1000x64xbf16>
    %slice3A_110 = vector.extract_strided_slice %mul3A_59 {offsets = [3000, 0], sizes = [1000, 64], strides = [1, 1]} : vector<8000x64xbf16> to vector<1000x64xbf16>
    %slice3A_111 = vector.extract_strided_slice %mul3A_59 {offsets = [4000, 0], sizes = [1000, 64], strides = [1, 1]} : vector<8000x64xbf16> to vector<1000x64xbf16>
    %slice3A_112 = vector.extract_strided_slice %mul3A_59 {offsets = [5000, 0], sizes = [1000, 64], strides = [1, 1]} : vector<8000x64xbf16> to vector<1000x64xbf16>
    %slice3A_113 = vector.extract_strided_slice %mul3A_59 {offsets = [6000, 0], sizes = [1000, 64], strides = [1, 1]} : vector<8000x64xbf16> to vector<1000x64xbf16>
    %slice3A_114 = vector.extract_strided_slice %mul3A_59 {offsets = [7000, 0], sizes = [1000, 64], strides = [1, 1]} : vector<8000x64xbf16> to vector<1000x64xbf16>
    %concatenate3A_115 = tpu.concatenate %slice3A_107, %slice3A_108, %slice3A_109, %slice3A_110, %slice3A_111, %slice3A_112, %slice3A_113, %slice3A_114 in 1 : vector<1000x64xbf16>, vector<1000x64xbf16>, vector<1000x64xbf16>, vector<1000x64xbf16>, vector<1000x64xbf16>, vector<1000x64xbf16>, vector<1000x64xbf16>, vector<1000x64xbf16> -> vector<1000x512xbf16>
    %swap3A_116 = arith.constant 0 : index
    %swap3A_117 = arith.constant 0 : index
    %swap3A_118 = vector.load %arg12[%swap3A_116, %swap3A_117] : memref<1000x512xbf16, #tpu.memory_space<vmem>>, vector<1000x512xbf16>
    tpu.vector_store %arg12[%swap3A_116, %swap3A_117], %concatenate3A_115 {strides = array<i32>} : memref<1000x512xbf16, #tpu.memory_space<vmem>>, vector<1000x512xbf16>,
    return
  }
  func.func @transform_0(%arg0: i32) -> (i32, i32) {
    %add3A = arith.constant 10 : i32
    %add3A_0 = arith.addi %arg0, %add3A : i32
    %c0_i32 = arith.constant 0 : i32
    %c0_i32_1 = arith.constant 0 : i32
    return %add3A_0, %c0_i32 : i32, i32
  }
  func.func @transform_1(%arg0: i32) -> (i32, i32) {
    %add3A = arith.constant 10 : i32
    %add3A_0 = arith.addi %arg0, %add3A : i32
    %c0_i32 = arith.constant 0 : i32
    %c0_i32_1 = arith.constant 0 : i32
    return %add3A_0, %c0_i32 : i32, i32
  }
  func.func @transform_2(%arg0: i32) -> (i32, i32) {
    %c0_i32 = arith.constant 0 : i32
    %c0_i32_0 = arith.constant 0 : i32
    %c0_i32_1 = arith.constant 0 : i32
    return %c0_i32, %c0_i32_0 : i32, i32
  }
  func.func @transform_3(%arg0: i32) -> (i32, i32) {
    %c0_i32 = arith.constant 0 : i32
    %c0_i32_0 = arith.constant 0 : i32
    %c0_i32_1 = arith.constant 0 : i32
    return %c0_i32, %c0_i32_0 : i32, i32
  }
  func.func @transform_4(%arg0: i32) -> (i32, i32) {
    %c0_i32 = arith.constant 0 : i32
    %c0_i32_0 = arith.constant 0 : i32
    %c0_i32_1 = arith.constant 0 : i32
    return %c0_i32, %c0_i32_0 : i32, i32
  }
  func.func @transform_5(%arg0: i32) -> (i32, i32) {
    %c0_i32 = arith.constant 0 : i32
    %c0_i32_0 = arith.constant 0 : i32
    %c0_i32_1 = arith.constant 0 : i32
    return %c0_i32, %c0_i32_0 : i32, i32
  }
  func.func @transform_6(%arg0: i32) -> (i32, i32) {
    %c0_i32 = arith.constant 0 : i32
    %c0_i32_0 = arith.constant 0 : i32
    %c0_i32_1 = arith.constant 0 : i32
    return %c0_i32, %c0_i32_0 : i32, i32
  }
  func.func @transform_7(%arg0: i32) -> (i32, i32) {
    %c0_i32 = arith.constant 0 : i32
    %c0_i32_0 = arith.constant 0 : i32
    %c0_i32_1 = arith.constant 0 : i32
    return %c0_i32, %c0_i32_0 : i32, i32
  }
  func.func @transform_8(%arg0: i32) -> (i32, i32) {
    %c0_i32 = arith.constant 0 : i32
    %c0_i32_0 = arith.constant 0 : i32
    %c0_i32_1 = arith.constant 0 : i32
    return %c0_i32, %c0_i32_0 : i32, i32
  }
  func.func @transform_9(%arg0: i32) -> (i32, i32) {
    %c0_i32 = arith.constant 0 : i32
    %c0_i32_0 = arith.constant 0 : i32
    %c0_i32_1 = arith.constant 0 : i32
    return %c0_i32, %c0_i32_0 : i32, i32
  }
  func.func @transform_10(%arg0: i32) -> (i32, i32) {
    %c0_i32 = arith.constant 0 : i32
    %c0_i32_0 = arith.constant 0 : i32
    return %arg0, %c0_i32 : i32, i32
  }
  func.func @transform_11(%arg0: i32) -> (i32, i32) {
    %c0_i32 = arith.constant 0 : i32
    %c0_i32_0 = arith.constant 0 : i32
    return %arg0, %c0_i32 : i32, i32
  }
}

module attributes {stable_mosaic.version = 14 : i64} {
  func.func @_tc_edge0_body(%arg0: i32, %arg1: memref<1000x128xf32, #tpu.memory_space<vmem>>, %arg2: memref<1000x128xf32, #tpu.memory_space<vmem>>, %arg3: memref<16x64xbf16, #tpu.memory_space<vmem>>, %arg4: memref<1x64xbf16, #tpu.memory_space<vmem>>, %arg5: memref<64x64xbf16, #tpu.memory_space<vmem>>, %arg6: memref<1x64xbf16, #tpu.memory_space<vmem>>, %arg7: memref<64x256xbf16, #tpu.memory_space<vmem>>, %arg8: memref<1x256xbf16, #tpu.memory_space<vmem>>, %arg9: memref<16x256xbf16, #tpu.memory_space<vmem>>, %arg10: memref<256x16xbf16, #tpu.memory_space<vmem>>, %arg11: memref<1000x128xf32, #tpu.memory_space<vmem>>, %arg12: memref<1000x512xbf16, #tpu.memory_space<vmem>>) attributes {dimension_semantics = [#tpu.dimension_semantics<arbitrary>], iteration_bounds = array<i64: 10>, scalar_prefetch = 0 : i64, scratch_operands = 0 : i64, tpu.core_type = #tpu.core_type<tc>, window_params = [{transform_indices = @transform_0, window_bounds = array<i64: 1000, 128>}, {transform_indices = @transform_1, window_bounds = array<i64: 1000, 128>}, {pipeline_mode = #tpu.pipeline_mode<synchronous>, transform_indices = @transform_2, window_bounds = array<i64: 16, 64>}, {pipeline_mode = #tpu.pipeline_mode<synchronous>, transform_indices = @transform_3, window_bounds = array<i64: 1, 64>}, {pipeline_mode = #tpu.pipeline_mode<synchronous>, transform_indices = @transform_4, window_bounds = array<i64: 64, 64>}, {pipeline_mode = #tpu.pipeline_mode<synchronous>, transform_indices = @transform_5, window_bounds = array<i64: 1, 64>}, {pipeline_mode = #tpu.pipeline_mode<synchronous>, transform_indices = @transform_6, window_bounds = array<i64: 64, 256>}, {pipeline_mode = #tpu.pipeline_mode<synchronous>, transform_indices = @transform_7, window_bounds = array<i64: 1, 256>}, {pipeline_mode = #tpu.pipeline_mode<synchronous>, transform_indices = @transform_8, window_bounds = array<i64: 16, 256>}, {pipeline_mode = #tpu.pipeline_mode<synchronous>, transform_indices = @transform_9, window_bounds = array<i64: 256, 16>}, {transform_indices = @transform_10, window_bounds = array<i64: 1000, 128>}, {transform_indices = @transform_11, window_bounds = array<i64: 1000, 512>}]} {
    %get3A = arith.constant 0 : index
    %get3A_0 = arith.constant 0 : index
    %get3A_1 = vector.load %arg1[%get3A, %get3A_0] : memref<1000x128xf32, #tpu.memory_space<vmem>>, vector<1000x128xf32>
    %slice3A = vector.extract_strided_slice %get3A_1 {offsets = [0, 0], sizes = [1000, 16], strides = [1, 1]} : vector<1000x128xf32> to vector<1000x16xf32>
    %slice3A_2 = vector.extract_strided_slice %get3A_1 {offsets = [0, 16], sizes = [1000, 16], strides = [1, 1]} : vector<1000x128xf32> to vector<1000x16xf32>
    %slice3A_3 = vector.extract_strided_slice %get3A_1 {offsets = [0, 32], sizes = [1000, 16], strides = [1, 1]} : vector<1000x128xf32> to vector<1000x16xf32>
    %slice3A_4 = vector.extract_strided_slice %get3A_1 {offsets = [0, 48], sizes = [1000, 16], strides = [1, 1]} : vector<1000x128xf32> to vector<1000x16xf32>
    %slice3A_5 = vector.extract_strided_slice %get3A_1 {offsets = [0, 64], sizes = [1000, 16], strides = [1, 1]} : vector<1000x128xf32> to vector<1000x16xf32>
    %slice3A_6 = vector.extract_strided_slice %get3A_1 {offsets = [0, 80], sizes = [1000, 16], strides = [1, 1]} : vector<1000x128xf32> to vector<1000x16xf32>
    %slice3A_7 = vector.extract_strided_slice %get3A_1 {offsets = [0, 96], sizes = [1000, 16], strides = [1, 1]} : vector<1000x128xf32> to vector<1000x16xf32>
    %slice3A_8 = vector.extract_strided_slice %get3A_1 {offsets = [0, 112], sizes = [1000, 16], strides = [1, 1]} : vector<1000x128xf32> to vector<1000x16xf32>
    %concatenate3A = tpu.concatenate %slice3A, %slice3A_2, %slice3A_3, %slice3A_4, %slice3A_5, %slice3A_6, %slice3A_7, %slice3A_8 in 0 : vector<1000x16xf32>, vector<1000x16xf32>, vector<1000x16xf32>, vector<1000x16xf32>, vector<1000x16xf32>, vector<1000x16xf32>, vector<1000x16xf32>, vector<1000x16xf32> -> vector<8000x16xf32>
    %convert_element_type3A = arith.truncf %concatenate3A : vector<8000x16xf32> to vector<8000x16xbf16>
    %get3A_9 = arith.constant 0 : index
    %get3A_10 = arith.constant 0 : index
    %get3A_11 = vector.load %arg3[%get3A_9, %get3A_10] : memref<16x64xbf16, #tpu.memory_space<vmem>>, vector<16x64xbf16>
    %dot_general3A = arith.constant dense<0.000000e+00> : vector<8000x64xf32>
    %dot_general3A_12 = tpu.matmul %convert_element_type3A, %get3A_11, %dot_general3A {dimension_numbers = #tpu.dot_dimension_numbers<[1], [0], [0], [1], [0, 0, 1, 1], [], []>, transpose_lhs_hint = false} : vector<8000x16xbf16>, vector<16x64xbf16>, vector<8000x64xf32> -> vector<8000x64xf32>
    %convert_element_type3A_13 = arith.truncf %dot_general3A_12 : vector<8000x64xf32> to vector<8000x64xbf16>
    %get3A_14 = arith.constant 0 : index
    %get3A_15 = arith.constant 0 : index
    %get3A_16 = vector.load %arg4[%get3A_14, %get3A_15] : memref<1x64xbf16, #tpu.memory_space<vmem>>, vector<1x64xbf16>
    %add3A = vector.broadcast %get3A_16 : vector<1x64xbf16> to vector<8000x64xbf16>
    %add3A_17 = arith.addf %convert_element_type3A_13, %add3A : vector<8000x64xbf16>
    %integer_pow3A = arith.mulf %add3A_17, %add3A_17 : vector<8000x64xbf16>
    %integer_pow3A_18 = arith.mulf %add3A_17, %integer_pow3A : vector<8000x64xbf16>
    %mul3A = arith.constant 4.467770e-02 : bf16
    %mul3A_19 = vector.broadcast %mul3A : bf16 to vector<8000x64xbf16>
    %mul3A_20 = arith.mulf %mul3A_19, %integer_pow3A_18 : vector<8000x64xbf16>
    %add3A_21 = arith.addf %add3A_17, %mul3A_20 : vector<8000x64xbf16>
    %mul3A_22 = arith.constant 7.968750e-01 : bf16
    %mul3A_23 = vector.broadcast %mul3A_22 : bf16 to vector<8000x64xbf16>
    %mul3A_24 = arith.mulf %mul3A_23, %add3A_21 : vector<8000x64xbf16>
    %tanh3A = math.tanh %mul3A_24 : vector<8000x64xbf16>
    %add3A_25 = arith.constant 1.000000e+00 : bf16
    %add3A_26 = vector.broadcast %add3A_25 : bf16 to vector<8000x64xbf16>
    %add3A_27 = arith.addf %add3A_26, %tanh3A : vector<8000x64xbf16>
    %mul3A_28 = arith.constant 5.000000e-01 : bf16
    %mul3A_29 = vector.broadcast %mul3A_28 : bf16 to vector<8000x64xbf16>
    %mul3A_30 = arith.mulf %mul3A_29, %add3A_27 : vector<8000x64xbf16>
    %mul3A_31 = arith.mulf %add3A_17, %mul3A_30 : vector<8000x64xbf16>
    %get3A_32 = arith.constant 0 : index
    %get3A_33 = arith.constant 0 : index
    %get3A_34 = vector.load %arg5[%get3A_32, %get3A_33] : memref<64x64xbf16, #tpu.memory_space<vmem>>, vector<64x64xbf16>
    %dot_general3A_35 = arith.constant dense<0.000000e+00> : vector<8000x64xf32>
    %dot_general3A_36 = tpu.matmul %mul3A_31, %get3A_34, %dot_general3A_35 {dimension_numbers = #tpu.dot_dimension_numbers<[1], [0], [0], [1], [0, 0, 1, 1], [], []>, transpose_lhs_hint = false} : vector<8000x64xbf16>, vector<64x64xbf16>, vector<8000x64xf32> -> vector<8000x64xf32>
    %convert_element_type3A_37 = arith.truncf %dot_general3A_36 : vector<8000x64xf32> to vector<8000x64xbf16>
    %get3A_38 = arith.constant 0 : index
    %get3A_39 = arith.constant 0 : index
    %get3A_40 = vector.load %arg6[%get3A_38, %get3A_39] : memref<1x64xbf16, #tpu.memory_space<vmem>>, vector<1x64xbf16>
    %add3A_41 = vector.broadcast %get3A_40 : vector<1x64xbf16> to vector<8000x64xbf16>
    %add3A_42 = arith.addf %convert_element_type3A_37, %add3A_41 : vector<8000x64xbf16>
    %integer_pow3A_43 = arith.mulf %add3A_42, %add3A_42 : vector<8000x64xbf16>
    %integer_pow3A_44 = arith.mulf %add3A_42, %integer_pow3A_43 : vector<8000x64xbf16>
    %mul3A_45 = arith.constant 4.467770e-02 : bf16
    %mul3A_46 = vector.broadcast %mul3A_45 : bf16 to vector<8000x64xbf16>
    %mul3A_47 = arith.mulf %mul3A_46, %integer_pow3A_44 : vector<8000x64xbf16>
    %add3A_48 = arith.addf %add3A_42, %mul3A_47 : vector<8000x64xbf16>
    %mul3A_49 = arith.constant 7.968750e-01 : bf16
    %mul3A_50 = vector.broadcast %mul3A_49 : bf16 to vector<8000x64xbf16>
    %mul3A_51 = arith.mulf %mul3A_50, %add3A_48 : vector<8000x64xbf16>
    %tanh3A_52 = math.tanh %mul3A_51 : vector<8000x64xbf16>
    %add3A_53 = arith.constant 1.000000e+00 : bf16
    %add3A_54 = vector.broadcast %add3A_53 : bf16 to vector<8000x64xbf16>
    %add3A_55 = arith.addf %add3A_54, %tanh3A_52 : vector<8000x64xbf16>
    %mul3A_56 = arith.constant 5.000000e-01 : bf16
    %mul3A_57 = vector.broadcast %mul3A_56 : bf16 to vector<8000x64xbf16>
    %mul3A_58 = arith.mulf %mul3A_57, %add3A_55 : vector<8000x64xbf16>
    %mul3A_59 = arith.mulf %add3A_42, %mul3A_58 : vector<8000x64xbf16>
    %get3A_60 = arith.constant 0 : index
    %get3A_61 = arith.constant 0 : index
    %get3A_62 = vector.load %arg7[%get3A_60, %get3A_61] : memref<64x256xbf16, #tpu.memory_space<vmem>>, vector<64x256xbf16>
    %dot_general3A_63 = arith.constant dense<0.000000e+00> : vector<8000x256xf32>
    %dot_general3A_64 = tpu.matmul %mul3A_59, %get3A_62, %dot_general3A_63 {dimension_numbers = #tpu.dot_dimension_numbers<[1], [0], [0], [1], [0, 0, 1, 1], [], []>, transpose_lhs_hint = false} : vector<8000x64xbf16>, vector<64x256xbf16>, vector<8000x256xf32> -> vector<8000x256xf32>
    %convert_element_type3A_65 = arith.truncf %dot_general3A_64 : vector<8000x256xf32> to vector<8000x256xbf16>
    %get3A_66 = arith.constant 0 : index
    %get3A_67 = arith.constant 0 : index
    %get3A_68 = vector.load %arg8[%get3A_66, %get3A_67] : memref<1x256xbf16, #tpu.memory_space<vmem>>, vector<1x256xbf16>
    %add3A_69 = vector.broadcast %get3A_68 : vector<1x256xbf16> to vector<8000x256xbf16>
    %add3A_70 = arith.addf %convert_element_type3A_65, %add3A_69 : vector<8000x256xbf16>
    %get3A_71 = arith.constant 0 : index
    %get3A_72 = arith.constant 0 : index
    %get3A_73 = vector.load %arg2[%get3A_71, %get3A_72] : memref<1000x128xf32, #tpu.memory_space<vmem>>, vector<1000x128xf32>
    %slice3A_74 = vector.extract_strided_slice %get3A_73 {offsets = [0, 0], sizes = [1000, 16], strides = [1, 1]} : vector<1000x128xf32> to vector<1000x16xf32>
    %slice3A_75 = vector.extract_strided_slice %get3A_73 {offsets = [0, 16], sizes = [1000, 16], strides = [1, 1]} : vector<1000x128xf32> to vector<1000x16xf32>
    %slice3A_76 = vector.extract_strided_slice %get3A_73 {offsets = [0, 32], sizes = [1000, 16], strides = [1, 1]} : vector<1000x128xf32> to vector<1000x16xf32>
    %slice3A_77 = vector.extract_strided_slice %get3A_73 {offsets = [0, 48], sizes = [1000, 16], strides = [1, 1]} : vector<1000x128xf32> to vector<1000x16xf32>
    %slice3A_78 = vector.extract_strided_slice %get3A_73 {offsets = [0, 64], sizes = [1000, 16], strides = [1, 1]} : vector<1000x128xf32> to vector<1000x16xf32>
    %slice3A_79 = vector.extract_strided_slice %get3A_73 {offsets = [0, 80], sizes = [1000, 16], strides = [1, 1]} : vector<1000x128xf32> to vector<1000x16xf32>
    %slice3A_80 = vector.extract_strided_slice %get3A_73 {offsets = [0, 96], sizes = [1000, 16], strides = [1, 1]} : vector<1000x128xf32> to vector<1000x16xf32>
    %slice3A_81 = vector.extract_strided_slice %get3A_73 {offsets = [0, 112], sizes = [1000, 16], strides = [1, 1]} : vector<1000x128xf32> to vector<1000x16xf32>
    %concatenate3A_82 = tpu.concatenate %slice3A_74, %slice3A_75, %slice3A_76, %slice3A_77, %slice3A_78, %slice3A_79, %slice3A_80, %slice3A_81 in 0 : vector<1000x16xf32>, vector<1000x16xf32>, vector<1000x16xf32>, vector<1000x16xf32>, vector<1000x16xf32>, vector<1000x16xf32>, vector<1000x16xf32>, vector<1000x16xf32> -> vector<8000x16xf32>
    %convert_element_type3A_83 = arith.truncf %concatenate3A_82 : vector<8000x16xf32> to vector<8000x16xbf16>
    %get3A_84 = arith.constant 0 : index
    %get3A_85 = arith.constant 0 : index
    %get3A_86 = vector.load %arg9[%get3A_84, %get3A_85] : memref<16x256xbf16, #tpu.memory_space<vmem>>, vector<16x256xbf16>
    %dot_general3A_87 = arith.constant dense<0.000000e+00> : vector<8000x256xf32>
    %dot_general3A_88 = tpu.matmul %convert_element_type3A_83, %get3A_86, %dot_general3A_87 {dimension_numbers = #tpu.dot_dimension_numbers<[1], [0], [0], [1], [0, 0, 1, 1], [], []>, transpose_lhs_hint = false} : vector<8000x16xbf16>, vector<16x256xbf16>, vector<8000x256xf32> -> vector<8000x256xf32>
    %convert_element_type3A_89 = arith.truncf %dot_general3A_88 : vector<8000x256xf32> to vector<8000x256xbf16>
    %mul3A_90 = arith.mulf %convert_element_type3A_89, %add3A_70 : vector<8000x256xbf16>
    %get3A_91 = arith.constant 0 : index
    %get3A_92 = arith.constant 0 : index
    %get3A_93 = vector.load %arg10[%get3A_91, %get3A_92] : memref<256x16xbf16, #tpu.memory_space<vmem>>, vector<256x16xbf16>
    %dot_general3A_94 = arith.constant dense<0.000000e+00> : vector<8000x16xf32>
    %dot_general3A_95 = tpu.matmul %mul3A_90, %get3A_93, %dot_general3A_94 {dimension_numbers = #tpu.dot_dimension_numbers<[1], [0], [0], [1], [0, 0, 1, 1], [], []>, transpose_lhs_hint = false} : vector<8000x256xbf16>, vector<256x16xbf16>, vector<8000x16xf32> -> vector<8000x16xf32>
    %slice3A_96 = vector.extract_strided_slice %dot_general3A_95 {offsets = [0, 0], sizes = [1000, 16], strides = [1, 1]} : vector<8000x16xf32> to vector<1000x16xf32>
    %slice3A_97 = vector.extract_strided_slice %dot_general3A_95 {offsets = [1000, 0], sizes = [1000, 16], strides = [1, 1]} : vector<8000x16xf32> to vector<1000x16xf32>
    %slice3A_98 = vector.extract_strided_slice %dot_general3A_95 {offsets = [2000, 0], sizes = [1000, 16], strides = [1, 1]} : vector<8000x16xf32> to vector<1000x16xf32>
    %slice3A_99 = vector.extract_strided_slice %dot_general3A_95 {offsets = [3000, 0], sizes = [1000, 16], strides = [1, 1]} : vector<8000x16xf32> to vector<1000x16xf32>
    %slice3A_100 = vector.extract_strided_slice %dot_general3A_95 {offsets = [4000, 0], sizes = [1000, 16], strides = [1, 1]} : vector<8000x16xf32> to vector<1000x16xf32>
    %slice3A_101 = vector.extract_strided_slice %dot_general3A_95 {offsets = [5000, 0], sizes = [1000, 16], strides = [1, 1]} : vector<8000x16xf32> to vector<1000x16xf32>
    %slice3A_102 = vector.extract_strided_slice %dot_general3A_95 {offsets = [6000, 0], sizes = [1000, 16], strides = [1, 1]} : vector<8000x16xf32> to vector<1000x16xf32>
    %slice3A_103 = vector.extract_strided_slice %dot_general3A_95 {offsets = [7000, 0], sizes = [1000, 16], strides = [1, 1]} : vector<8000x16xf32> to vector<1000x16xf32>
    %concatenate3A_104 = tpu.concatenate %slice3A_96, %slice3A_97, %slice3A_98, %slice3A_99, %slice3A_100, %slice3A_101, %slice3A_102, %slice3A_103 in 1 : vector<1000x16xf32>, vector<1000x16xf32>, vector<1000x16xf32>, vector<1000x16xf32>, vector<1000x16xf32>, vector<1000x16xf32>, vector<1000x16xf32>, vector<1000x16xf32> -> vector<1000x128xf32>
    %swap3A = arith.constant 0 : index
    %swap3A_105 = arith.constant 0 : index
    %swap3A_106 = vector.load %arg11[%swap3A, %swap3A_105] : memref<1000x128xf32, #tpu.memory_space<vmem>>, vector<1000x128xf32>
    tpu.vector_store %arg11[%swap3A, %swap3A_105], %concatenate3A_104 {strides = array<i32>} : memref<1000x128xf32, #tpu.memory_space<vmem>>, vector<1000x128xf32>,
    %slice3A_107 = vector.extract_strided_slice %mul3A_59 {offsets = [0, 0], sizes = [1000, 64], strides = [1, 1]} : vector<8000x64xbf16> to vector<1000x64xbf16>
    %slice3A_108 = vector.extract_strided_slice %mul3A_59 {offsets = [1000, 0], sizes = [1000, 64], strides = [1, 1]} : vector<8000x64xbf16> to vector<1000x64xbf16>
    %slice3A_109 = vector.extract_strided_slice %mul3A_59 {offsets = [2000, 0], sizes = [1000, 64], strides = [1, 1]} : vector<8000x64xbf16> to vector<1000x64xbf16>
    %slice3A_110 = vector.extract_strided_slice %mul3A_59 {offsets = [3000, 0], sizes = [1000, 64], strides = [1, 1]} : vector<8000x64xbf16> to vector<1000x64xbf16>
    %slice3A_111 = vector.extract_strided_slice %mul3A_59 {offsets = [4000, 0], sizes = [1000, 64], strides = [1, 1]} : vector<8000x64xbf16> to vector<1000x64xbf16>
    %slice3A_112 = vector.extract_strided_slice %mul3A_59 {offsets = [5000, 0], sizes = [1000, 64], strides = [1, 1]} : vector<8000x64xbf16> to vector<1000x64xbf16>
    %slice3A_113 = vector.extract_strided_slice %mul3A_59 {offsets = [6000, 0], sizes = [1000, 64], strides = [1, 1]} : vector<8000x64xbf16> to vector<1000x64xbf16>
    %slice3A_114 = vector.extract_strided_slice %mul3A_59 {offsets = [7000, 0], sizes = [1000, 64], strides = [1, 1]} : vector<8000x64xbf16> to vector<1000x64xbf16>
    %concatenate3A_115 = tpu.concatenate %slice3A_107, %slice3A_108, %slice3A_109, %slice3A_110, %slice3A_111, %slice3A_112, %slice3A_113, %slice3A_114 in 1 : vector<1000x64xbf16>, vector<1000x64xbf16>, vector<1000x64xbf16>, vector<1000x64xbf16>, vector<1000x64xbf16>, vector<1000x64xbf16>, vector<1000x64xbf16>, vector<1000x64xbf16> -> vector<1000x512xbf16>
    %swap3A_116 = arith.constant 0 : index
    %swap3A_117 = arith.constant 0 : index
    %swap3A_118 = vector.load %arg12[%swap3A_116, %swap3A_117] : memref<1000x512xbf16, #tpu.memory_space<vmem>>, vector<1000x512xbf16>
    tpu.vector_store %arg12[%swap3A_116, %swap3A_117], %concatenate3A_115 {strides = array<i32>} : memref<1000x512xbf16, #tpu.memory_space<vmem>>, vector<1000x512xbf16>,
    return
  }
  func.func @transform_0(%arg0: i32) -> (i32, i32) {
    %add3A = arith.constant 0 : i32
    %add3A_0 = arith.addi %arg0, %add3A : i32
    %c0_i32 = arith.constant 0 : i32
    %c0_i32_1 = arith.constant 0 : i32
    return %add3A_0, %c0_i32 : i32, i32
  }
  func.func @transform_1(%arg0: i32) -> (i32, i32) {
    %add3A = arith.constant 0 : i32
    %add3A_0 = arith.addi %arg0, %add3A : i32
    %c0_i32 = arith.constant 0 : i32
    %c0_i32_1 = arith.constant 0 : i32
    return %add3A_0, %c0_i32 : i32, i32
  }
  func.func @transform_2(%arg0: i32) -> (i32, i32) {
    %c0_i32 = arith.constant 0 : i32
    %c0_i32_0 = arith.constant 0 : i32
    %c0_i32_1 = arith.constant 0 : i32
    return %c0_i32, %c0_i32_0 : i32, i32
  }
  func.func @transform_3(%arg0: i32) -> (i32, i32) {
    %c0_i32 = arith.constant 0 : i32
    %c0_i32_0 = arith.constant 0 : i32
    %c0_i32_1 = arith.constant 0 : i32
    return %c0_i32, %c0_i32_0 : i32, i32
  }
  func.func @transform_4(%arg0: i32) -> (i32, i32) {
    %c0_i32 = arith.constant 0 : i32
    %c0_i32_0 = arith.constant 0 : i32
    %c0_i32_1 = arith.constant 0 : i32
    return %c0_i32, %c0_i32_0 : i32, i32
  }
  func.func @transform_5(%arg0: i32) -> (i32, i32) {
    %c0_i32 = arith.constant 0 : i32
    %c0_i32_0 = arith.constant 0 : i32
    %c0_i32_1 = arith.constant 0 : i32
    return %c0_i32, %c0_i32_0 : i32, i32
  }
  func.func @transform_6(%arg0: i32) -> (i32, i32) {
    %c0_i32 = arith.constant 0 : i32
    %c0_i32_0 = arith.constant 0 : i32
    %c0_i32_1 = arith.constant 0 : i32
    return %c0_i32, %c0_i32_0 : i32, i32
  }
  func.func @transform_7(%arg0: i32) -> (i32, i32) {
    %c0_i32 = arith.constant 0 : i32
    %c0_i32_0 = arith.constant 0 : i32
    %c0_i32_1 = arith.constant 0 : i32
    return %c0_i32, %c0_i32_0 : i32, i32
  }
  func.func @transform_8(%arg0: i32) -> (i32, i32) {
    %c0_i32 = arith.constant 0 : i32
    %c0_i32_0 = arith.constant 0 : i32
    %c0_i32_1 = arith.constant 0 : i32
    return %c0_i32, %c0_i32_0 : i32, i32
  }
  func.func @transform_9(%arg0: i32) -> (i32, i32) {
    %c0_i32 = arith.constant 0 : i32
    %c0_i32_0 = arith.constant 0 : i32
    %c0_i32_1 = arith.constant 0 : i32
    return %c0_i32, %c0_i32_0 : i32, i32
  }
  func.func @transform_10(%arg0: i32) -> (i32, i32) {
    %c0_i32 = arith.constant 0 : i32
    %c0_i32_0 = arith.constant 0 : i32
    return %arg0, %c0_i32 : i32, i32
  }
  func.func @transform_11(%arg0: i32) -> (i32, i32) {
    %c0_i32 = arith.constant 0 : i32
    %c0_i32_0 = arith.constant 0 : i32
    return %arg0, %c0_i32 : i32, i32
  }
}

module attributes {stable_mosaic.version = 14 : i64} {
  func.func @_tc_root_body(%arg0: memref<1250x128xf32, #tpu.memory_space<vmem>>, %arg1: memref<1250x128xf32, #tpu.memory_space<vmem>>, %arg2: memref<1250x128xf32, #tpu.memory_space<vmem>>, %arg3: memref<1250x128xf32, #tpu.memory_space<vmem>>, %arg4: memref<1250x128xf32, #tpu.memory_space<vmem>>, %arg5: memref<1250x128xf32, #tpu.memory_space<vmem>>, %arg6: memref<1250x128xf32, #tpu.memory_space<vmem>>, %arg7: memref<1250x128xf32, #tpu.memory_space<vmem>>, %arg8: memref<1250x128xf32, #tpu.memory_space<vmem>>, %arg9: memref<128x128xf32, #tpu.memory_space<vmem>>, %arg10: memref<1x128xf32, #tpu.memory_space<vmem>>, %arg11: memref<1250x128xf32, #tpu.memory_space<vmem>>) attributes {dimension_semantics = [], scalar_prefetch = 0 : i64, scratch_operands = 0 : i64, tpu.core_type = #tpu.core_type<tc>} {
    %get3A = arith.constant 0 : index
    %get3A_0 = arith.constant 0 : index
    %get3A_1 = vector.load %arg5[%get3A, %get3A_0] : memref<1250x128xf32, #tpu.memory_space<vmem>>, vector<1250x128xf32>
    %get3A_2 = arith.constant 0 : index
    %get3A_3 = arith.constant 0 : index
    %get3A_4 = vector.load %arg6[%get3A_2, %get3A_3] : memref<1250x128xf32, #tpu.memory_space<vmem>>, vector<1250x128xf32>
    %add3A = arith.addf %get3A_1, %get3A_4 : vector<1250x128xf32>
    %get3A_5 = arith.constant 0 : index
    %get3A_6 = arith.constant 0 : index
    %get3A_7 = vector.load %arg7[%get3A_5, %get3A_6] : memref<1250x128xf32, #tpu.memory_space<vmem>>, vector<1250x128xf32>
    %add3A_8 = arith.addf %add3A, %get3A_7 : vector<1250x128xf32>
    %get3A_9 = arith.constant 0 : index
    %get3A_10 = arith.constant 0 : index
    %get3A_11 = vector.load %arg8[%get3A_9, %get3A_10] : memref<1250x128xf32, #tpu.memory_space<vmem>>, vector<1250x128xf32>
    %add3A_12 = arith.addf %add3A_8, %get3A_11 : vector<1250x128xf32>
    %max3A = arith.constant 1.000000e+00 : f32
    %max3A_13 = vector.broadcast %max3A : f32 to vector<1250x128xf32>
    %max3A_14 = arith.maximumf %add3A_12, %max3A_13 : vector<1250x128xf32>
    %get3A_15 = arith.constant 0 : index
    %get3A_16 = arith.constant 0 : index
    %get3A_17 = vector.load %arg1[%get3A_15, %get3A_16] : memref<1250x128xf32, #tpu.memory_space<vmem>>, vector<1250x128xf32>
    %get3A_18 = arith.constant 0 : index
    %get3A_19 = arith.constant 0 : index
    %get3A_20 = vector.load %arg2[%get3A_18, %get3A_19] : memref<1250x128xf32, #tpu.memory_space<vmem>>, vector<1250x128xf32>
    %add3A_21 = arith.addf %get3A_17, %get3A_20 : vector<1250x128xf32>
    %get3A_22 = arith.constant 0 : index
    %get3A_23 = arith.constant 0 : index
    %get3A_24 = vector.load %arg3[%get3A_22, %get3A_23] : memref<1250x128xf32, #tpu.memory_space<vmem>>, vector<1250x128xf32>
    %add3A_25 = arith.addf %add3A_21, %get3A_24 : vector<1250x128xf32>
    %get3A_26 = arith.constant 0 : index
    %get3A_27 = arith.constant 0 : index
    %get3A_28 = vector.load %arg4[%get3A_26, %get3A_27] : memref<1250x128xf32, #tpu.memory_space<vmem>>, vector<1250x128xf32>
    %add3A_29 = arith.addf %add3A_25, %get3A_28 : vector<1250x128xf32>
    %div3A = arith.divf %add3A_29, %max3A_14 : vector<1250x128xf32>
    %get3A_30 = arith.constant 0 : index
    %get3A_31 = arith.constant 0 : index
    %get3A_32 = vector.load %arg0[%get3A_30, %get3A_31] : memref<1250x128xf32, #tpu.memory_space<vmem>>, vector<1250x128xf32>
    %get3A_33 = arith.constant 0 : index
    %get3A_34 = arith.constant 0 : index
    %get3A_35 = vector.load %arg9[%get3A_33, %get3A_34] : memref<128x128xf32, #tpu.memory_space<vmem>>, vector<128x128xf32>
    %dot_general3A = arith.constant dense<0.000000e+00> : vector<1250x128xf32>
    %dot_general3A_36 = tpu.matmul %get3A_32, %get3A_35, %dot_general3A {dimension_numbers = #tpu.dot_dimension_numbers<[1], [0], [0], [1], [0, 0, 1, 1], [], []>, transpose_lhs_hint = false} : vector<1250x128xf32>, vector<128x128xf32>, vector<1250x128xf32> -> vector<1250x128xf32>
    %add3A_37 = arith.addf %dot_general3A_36, %div3A : vector<1250x128xf32>
    %get3A_38 = arith.constant 0 : index
    %get3A_39 = arith.constant 0 : index
    %get3A_40 = vector.load %arg10[%get3A_38, %get3A_39] : memref<1x128xf32, #tpu.memory_space<vmem>>, vector<1x128xf32>
    %add3A_41 = vector.broadcast %get3A_40 : vector<1x128xf32> to vector<1250x128xf32>
    %add3A_42 = arith.addf %add3A_37, %add3A_41 : vector<1250x128xf32>
    %integer_pow3A = arith.mulf %add3A_42, %add3A_42 : vector<1250x128xf32>
    %integer_pow3A_43 = arith.mulf %add3A_42, %integer_pow3A : vector<1250x128xf32>
    %mul3A = arith.constant 4.471500e-02 : f32
    %mul3A_44 = vector.broadcast %mul3A : f32 to vector<1250x128xf32>
    %mul3A_45 = arith.mulf %mul3A_44, %integer_pow3A_43 : vector<1250x128xf32>
    %add3A_46 = arith.addf %add3A_42, %mul3A_45 : vector<1250x128xf32>
    %mul3A_47 = arith.constant 0.797884583 : f32
    %mul3A_48 = vector.broadcast %mul3A_47 : f32 to vector<1250x128xf32>
    %mul3A_49 = arith.mulf %mul3A_48, %add3A_46 : vector<1250x128xf32>
    %tanh3A = math.tanh %mul3A_49 : vector<1250x128xf32>
    %add3A_50 = arith.constant 1.000000e+00 : f32
    %add3A_51 = vector.broadcast %add3A_50 : f32 to vector<1250x128xf32>
    %add3A_52 = arith.addf %add3A_51, %tanh3A : vector<1250x128xf32>
    %mul3A_53 = arith.constant 5.000000e-01 : f32
    %mul3A_54 = vector.broadcast %mul3A_53 : f32 to vector<1250x128xf32>
    %mul3A_55 = arith.mulf %mul3A_54, %add3A_52 : vector<1250x128xf32>
    %mul3A_56 = arith.mulf %add3A_42, %mul3A_55 : vector<1250x128xf32>
    %swap3A = arith.constant 0 : index
    %swap3A_57 = arith.constant 0 : index
    %swap3A_58 = vector.load %arg11[%swap3A, %swap3A_57] : memref<1250x128xf32, #tpu.memory_space<vmem>>, vector<1250x128xf32>
    tpu.vector_store %arg11[%swap3A, %swap3A_57], %mul3A_56 {strides = array<i32>} : memref<1250x128xf32, #tpu.memory_space<vmem>>, vector<1250x128xf32>,
    return
  }
}

module attributes {stable_mosaic.version = 14 : i64} {
  func.func @_tc_edge1_body(%arg0: i32, %arg1: memref<1000x512xbf16, #tpu.memory_space<vmem>>, %arg2: memref<1000x128xf32, #tpu.memory_space<vmem>>, %arg3: memref<64x256xbf16, #tpu.memory_space<vmem>>, %arg4: memref<1x256xbf16, #tpu.memory_space<vmem>>, %arg5: memref<16x256xbf16, #tpu.memory_space<vmem>>, %arg6: memref<256x16xbf16, #tpu.memory_space<vmem>>, %arg7: memref<1000x128xf32, #tpu.memory_space<vmem>>) attributes {dimension_semantics = [#tpu.dimension_semantics<arbitrary>], iteration_bounds = array<i64: 10>, scalar_prefetch = 0 : i64, scratch_operands = 0 : i64, tpu.core_type = #tpu.core_type<tc>, window_params = [{transform_indices = @transform_0, window_bounds = array<i64: 1000, 512>}, {transform_indices = @transform_1, window_bounds = array<i64: 1000, 128>}, {pipeline_mode = #tpu.pipeline_mode<synchronous>, transform_indices = @transform_2, window_bounds = array<i64: 64, 256>}, {pipeline_mode = #tpu.pipeline_mode<synchronous>, transform_indices = @transform_3, window_bounds = array<i64: 1, 256>}, {pipeline_mode = #tpu.pipeline_mode<synchronous>, transform_indices = @transform_4, window_bounds = array<i64: 16, 256>}, {pipeline_mode = #tpu.pipeline_mode<synchronous>, transform_indices = @transform_5, window_bounds = array<i64: 256, 16>}, {transform_indices = @transform_6, window_bounds = array<i64: 1000, 128>}]} {
    %get3A = arith.constant 0 : index
    %get3A_0 = arith.constant 0 : index
    %get3A_1 = vector.load %arg1[%get3A, %get3A_0] : memref<1000x512xbf16, #tpu.memory_space<vmem>>, vector<1000x512xbf16>
    %slice3A = vector.extract_strided_slice %get3A_1 {offsets = [0, 0], sizes = [1000, 64], strides = [1, 1]} : vector<1000x512xbf16> to vector<1000x64xbf16>
    %slice3A_2 = vector.extract_strided_slice %get3A_1 {offsets = [0, 64], sizes = [1000, 64], strides = [1, 1]} : vector<1000x512xbf16> to vector<1000x64xbf16>
    %slice3A_3 = vector.extract_strided_slice %get3A_1 {offsets = [0, 128], sizes = [1000, 64], strides = [1, 1]} : vector<1000x512xbf16> to vector<1000x64xbf16>
    %slice3A_4 = vector.extract_strided_slice %get3A_1 {offsets = [0, 192], sizes = [1000, 64], strides = [1, 1]} : vector<1000x512xbf16> to vector<1000x64xbf16>
    %slice3A_5 = vector.extract_strided_slice %get3A_1 {offsets = [0, 256], sizes = [1000, 64], strides = [1, 1]} : vector<1000x512xbf16> to vector<1000x64xbf16>
    %slice3A_6 = vector.extract_strided_slice %get3A_1 {offsets = [0, 320], sizes = [1000, 64], strides = [1, 1]} : vector<1000x512xbf16> to vector<1000x64xbf16>
    %slice3A_7 = vector.extract_strided_slice %get3A_1 {offsets = [0, 384], sizes = [1000, 64], strides = [1, 1]} : vector<1000x512xbf16> to vector<1000x64xbf16>
    %slice3A_8 = vector.extract_strided_slice %get3A_1 {offsets = [0, 448], sizes = [1000, 64], strides = [1, 1]} : vector<1000x512xbf16> to vector<1000x64xbf16>
    %concatenate3A = tpu.concatenate %slice3A, %slice3A_2, %slice3A_3, %slice3A_4, %slice3A_5, %slice3A_6, %slice3A_7, %slice3A_8 in 0 : vector<1000x64xbf16>, vector<1000x64xbf16>, vector<1000x64xbf16>, vector<1000x64xbf16>, vector<1000x64xbf16>, vector<1000x64xbf16>, vector<1000x64xbf16>, vector<1000x64xbf16> -> vector<8000x64xbf16>
    %get3A_9 = arith.constant 0 : index
    %get3A_10 = arith.constant 0 : index
    %get3A_11 = vector.load %arg3[%get3A_9, %get3A_10] : memref<64x256xbf16, #tpu.memory_space<vmem>>, vector<64x256xbf16>
    %dot_general3A = arith.constant dense<0.000000e+00> : vector<8000x256xf32>
    %dot_general3A_12 = tpu.matmul %concatenate3A, %get3A_11, %dot_general3A {dimension_numbers = #tpu.dot_dimension_numbers<[1], [0], [0], [1], [0, 0, 1, 1], [], []>, transpose_lhs_hint = false} : vector<8000x64xbf16>, vector<64x256xbf16>, vector<8000x256xf32> -> vector<8000x256xf32>
    %convert_element_type3A = arith.truncf %dot_general3A_12 : vector<8000x256xf32> to vector<8000x256xbf16>
    %get3A_13 = arith.constant 0 : index
    %get3A_14 = arith.constant 0 : index
    %get3A_15 = vector.load %arg4[%get3A_13, %get3A_14] : memref<1x256xbf16, #tpu.memory_space<vmem>>, vector<1x256xbf16>
    %add3A = vector.broadcast %get3A_15 : vector<1x256xbf16> to vector<8000x256xbf16>
    %add3A_16 = arith.addf %convert_element_type3A, %add3A : vector<8000x256xbf16>
    %get3A_17 = arith.constant 0 : index
    %get3A_18 = arith.constant 0 : index
    %get3A_19 = vector.load %arg2[%get3A_17, %get3A_18] : memref<1000x128xf32, #tpu.memory_space<vmem>>, vector<1000x128xf32>
    %slice3A_20 = vector.extract_strided_slice %get3A_19 {offsets = [0, 0], sizes = [1000, 16], strides = [1, 1]} : vector<1000x128xf32> to vector<1000x16xf32>
    %slice3A_21 = vector.extract_strided_slice %get3A_19 {offsets = [0, 16], sizes = [1000, 16], strides = [1, 1]} : vector<1000x128xf32> to vector<1000x16xf32>
    %slice3A_22 = vector.extract_strided_slice %get3A_19 {offsets = [0, 32], sizes = [1000, 16], strides = [1, 1]} : vector<1000x128xf32> to vector<1000x16xf32>
    %slice3A_23 = vector.extract_strided_slice %get3A_19 {offsets = [0, 48], sizes = [1000, 16], strides = [1, 1]} : vector<1000x128xf32> to vector<1000x16xf32>
    %slice3A_24 = vector.extract_strided_slice %get3A_19 {offsets = [0, 64], sizes = [1000, 16], strides = [1, 1]} : vector<1000x128xf32> to vector<1000x16xf32>
    %slice3A_25 = vector.extract_strided_slice %get3A_19 {offsets = [0, 80], sizes = [1000, 16], strides = [1, 1]} : vector<1000x128xf32> to vector<1000x16xf32>
    %slice3A_26 = vector.extract_strided_slice %get3A_19 {offsets = [0, 96], sizes = [1000, 16], strides = [1, 1]} : vector<1000x128xf32> to vector<1000x16xf32>
    %slice3A_27 = vector.extract_strided_slice %get3A_19 {offsets = [0, 112], sizes = [1000, 16], strides = [1, 1]} : vector<1000x128xf32> to vector<1000x16xf32>
    %concatenate3A_28 = tpu.concatenate %slice3A_20, %slice3A_21, %slice3A_22, %slice3A_23, %slice3A_24, %slice3A_25, %slice3A_26, %slice3A_27 in 0 : vector<1000x16xf32>, vector<1000x16xf32>, vector<1000x16xf32>, vector<1000x16xf32>, vector<1000x16xf32>, vector<1000x16xf32>, vector<1000x16xf32>, vector<1000x16xf32> -> vector<8000x16xf32>
    %convert_element_type3A_29 = arith.truncf %concatenate3A_28 : vector<8000x16xf32> to vector<8000x16xbf16>
    %get3A_30 = arith.constant 0 : index
    %get3A_31 = arith.constant 0 : index
    %get3A_32 = vector.load %arg5[%get3A_30, %get3A_31] : memref<16x256xbf16, #tpu.memory_space<vmem>>, vector<16x256xbf16>
    %dot_general3A_33 = arith.constant dense<0.000000e+00> : vector<8000x256xf32>
    %dot_general3A_34 = tpu.matmul %convert_element_type3A_29, %get3A_32, %dot_general3A_33 {dimension_numbers = #tpu.dot_dimension_numbers<[1], [0], [0], [1], [0, 0, 1, 1], [], []>, transpose_lhs_hint = false} : vector<8000x16xbf16>, vector<16x256xbf16>, vector<8000x256xf32> -> vector<8000x256xf32>
    %convert_element_type3A_35 = arith.truncf %dot_general3A_34 : vector<8000x256xf32> to vector<8000x256xbf16>
    %mul3A = arith.mulf %convert_element_type3A_35, %add3A_16 : vector<8000x256xbf16>
    %get3A_36 = arith.constant 0 : index
    %get3A_37 = arith.constant 0 : index
    %get3A_38 = vector.load %arg6[%get3A_36, %get3A_37] : memref<256x16xbf16, #tpu.memory_space<vmem>>, vector<256x16xbf16>
    %dot_general3A_39 = arith.constant dense<0.000000e+00> : vector<8000x16xf32>
    %dot_general3A_40 = tpu.matmul %mul3A, %get3A_38, %dot_general3A_39 {dimension_numbers = #tpu.dot_dimension_numbers<[1], [0], [0], [1], [0, 0, 1, 1], [], []>, transpose_lhs_hint = false} : vector<8000x256xbf16>, vector<256x16xbf16>, vector<8000x16xf32> -> vector<8000x16xf32>
    %slice3A_41 = vector.extract_strided_slice %dot_general3A_40 {offsets = [0, 0], sizes = [1000, 16], strides = [1, 1]} : vector<8000x16xf32> to vector<1000x16xf32>
    %slice3A_42 = vector.extract_strided_slice %dot_general3A_40 {offsets = [1000, 0], sizes = [1000, 16], strides = [1, 1]} : vector<8000x16xf32> to vector<1000x16xf32>
    %slice3A_43 = vector.extract_strided_slice %dot_general3A_40 {offsets = [2000, 0], sizes = [1000, 16], strides = [1, 1]} : vector<8000x16xf32> to vector<1000x16xf32>
    %slice3A_44 = vector.extract_strided_slice %dot_general3A_40 {offsets = [3000, 0], sizes = [1000, 16], strides = [1, 1]} : vector<8000x16xf32> to vector<1000x16xf32>
    %slice3A_45 = vector.extract_strided_slice %dot_general3A_40 {offsets = [4000, 0], sizes = [1000, 16], strides = [1, 1]} : vector<8000x16xf32> to vector<1000x16xf32>
    %slice3A_46 = vector.extract_strided_slice %dot_general3A_40 {offsets = [5000, 0], sizes = [1000, 16], strides = [1, 1]} : vector<8000x16xf32> to vector<1000x16xf32>
    %slice3A_47 = vector.extract_strided_slice %dot_general3A_40 {offsets = [6000, 0], sizes = [1000, 16], strides = [1, 1]} : vector<8000x16xf32> to vector<1000x16xf32>
    %slice3A_48 = vector.extract_strided_slice %dot_general3A_40 {offsets = [7000, 0], sizes = [1000, 16], strides = [1, 1]} : vector<8000x16xf32> to vector<1000x16xf32>
    %concatenate3A_49 = tpu.concatenate %slice3A_41, %slice3A_42, %slice3A_43, %slice3A_44, %slice3A_45, %slice3A_46, %slice3A_47, %slice3A_48 in 1 : vector<1000x16xf32>, vector<1000x16xf32>, vector<1000x16xf32>, vector<1000x16xf32>, vector<1000x16xf32>, vector<1000x16xf32>, vector<1000x16xf32>, vector<1000x16xf32> -> vector<1000x128xf32>
    %swap3A = arith.constant 0 : index
    %swap3A_50 = arith.constant 0 : index
    %swap3A_51 = vector.load %arg7[%swap3A, %swap3A_50] : memref<1000x128xf32, #tpu.memory_space<vmem>>, vector<1000x128xf32>
    tpu.vector_store %arg7[%swap3A, %swap3A_50], %concatenate3A_49 {strides = array<i32>} : memref<1000x128xf32, #tpu.memory_space<vmem>>, vector<1000x128xf32>,
    return
  }
  func.func @transform_0(%arg0: i32) -> (i32, i32) {
    %c0_i32 = arith.constant 0 : i32
    %c0_i32_0 = arith.constant 0 : i32
    return %arg0, %c0_i32 : i32, i32
  }
  func.func @transform_1(%arg0: i32) -> (i32, i32) {
    %add3A = arith.constant 0 : i32
    %add3A_0 = arith.addi %arg0, %add3A : i32
    %c0_i32 = arith.constant 0 : i32
    %c0_i32_1 = arith.constant 0 : i32
    return %add3A_0, %c0_i32 : i32, i32
  }
  func.func @transform_2(%arg0: i32) -> (i32, i32) {
    %c0_i32 = arith.constant 0 : i32
    %c0_i32_0 = arith.constant 0 : i32
    %c0_i32_1 = arith.constant 0 : i32
    return %c0_i32, %c0_i32_0 : i32, i32
  }
  func.func @transform_3(%arg0: i32) -> (i32, i32) {
    %c0_i32 = arith.constant 0 : i32
    %c0_i32_0 = arith.constant 0 : i32
    %c0_i32_1 = arith.constant 0 : i32
    return %c0_i32, %c0_i32_0 : i32, i32
  }
  func.func @transform_4(%arg0: i32) -> (i32, i32) {
    %c0_i32 = arith.constant 0 : i32
    %c0_i32_0 = arith.constant 0 : i32
    %c0_i32_1 = arith.constant 0 : i32
    return %c0_i32, %c0_i32_0 : i32, i32
  }
  func.func @transform_5(%arg0: i32) -> (i32, i32) {
    %c0_i32 = arith.constant 0 : i32
    %c0_i32_0 = arith.constant 0 : i32
    %c0_i32_1 = arith.constant 0 : i32
    return %c0_i32, %c0_i32_0 : i32, i32
  }
  func.func @transform_6(%arg0: i32) -> (i32, i32) {
    %c0_i32 = arith.constant 0 : i32
    %c0_i32_0 = arith.constant 0 : i32
    return %arg0, %c0_i32 : i32, i32
  }
}

module attributes {stable_mosaic.version = 14 : i64} {
  func.func @_tc_edge1_body(%arg0: i32, %arg1: memref<1000x512xbf16, #tpu.memory_space<vmem>>, %arg2: memref<1000x128xf32, #tpu.memory_space<vmem>>, %arg3: memref<64x256xbf16, #tpu.memory_space<vmem>>, %arg4: memref<1x256xbf16, #tpu.memory_space<vmem>>, %arg5: memref<16x256xbf16, #tpu.memory_space<vmem>>, %arg6: memref<256x16xbf16, #tpu.memory_space<vmem>>, %arg7: memref<1000x128xf32, #tpu.memory_space<vmem>>) attributes {dimension_semantics = [#tpu.dimension_semantics<arbitrary>], iteration_bounds = array<i64: 10>, scalar_prefetch = 0 : i64, scratch_operands = 0 : i64, tpu.core_type = #tpu.core_type<tc>, window_params = [{transform_indices = @transform_0, window_bounds = array<i64: 1000, 512>}, {transform_indices = @transform_1, window_bounds = array<i64: 1000, 128>}, {pipeline_mode = #tpu.pipeline_mode<synchronous>, transform_indices = @transform_2, window_bounds = array<i64: 64, 256>}, {pipeline_mode = #tpu.pipeline_mode<synchronous>, transform_indices = @transform_3, window_bounds = array<i64: 1, 256>}, {pipeline_mode = #tpu.pipeline_mode<synchronous>, transform_indices = @transform_4, window_bounds = array<i64: 16, 256>}, {pipeline_mode = #tpu.pipeline_mode<synchronous>, transform_indices = @transform_5, window_bounds = array<i64: 256, 16>}, {transform_indices = @transform_6, window_bounds = array<i64: 1000, 128>}]} {
    %get3A = arith.constant 0 : index
    %get3A_0 = arith.constant 0 : index
    %get3A_1 = vector.load %arg1[%get3A, %get3A_0] : memref<1000x512xbf16, #tpu.memory_space<vmem>>, vector<1000x512xbf16>
    %slice3A = vector.extract_strided_slice %get3A_1 {offsets = [0, 0], sizes = [1000, 64], strides = [1, 1]} : vector<1000x512xbf16> to vector<1000x64xbf16>
    %slice3A_2 = vector.extract_strided_slice %get3A_1 {offsets = [0, 64], sizes = [1000, 64], strides = [1, 1]} : vector<1000x512xbf16> to vector<1000x64xbf16>
    %slice3A_3 = vector.extract_strided_slice %get3A_1 {offsets = [0, 128], sizes = [1000, 64], strides = [1, 1]} : vector<1000x512xbf16> to vector<1000x64xbf16>
    %slice3A_4 = vector.extract_strided_slice %get3A_1 {offsets = [0, 192], sizes = [1000, 64], strides = [1, 1]} : vector<1000x512xbf16> to vector<1000x64xbf16>
    %slice3A_5 = vector.extract_strided_slice %get3A_1 {offsets = [0, 256], sizes = [1000, 64], strides = [1, 1]} : vector<1000x512xbf16> to vector<1000x64xbf16>
    %slice3A_6 = vector.extract_strided_slice %get3A_1 {offsets = [0, 320], sizes = [1000, 64], strides = [1, 1]} : vector<1000x512xbf16> to vector<1000x64xbf16>
    %slice3A_7 = vector.extract_strided_slice %get3A_1 {offsets = [0, 384], sizes = [1000, 64], strides = [1, 1]} : vector<1000x512xbf16> to vector<1000x64xbf16>
    %slice3A_8 = vector.extract_strided_slice %get3A_1 {offsets = [0, 448], sizes = [1000, 64], strides = [1, 1]} : vector<1000x512xbf16> to vector<1000x64xbf16>
    %concatenate3A = tpu.concatenate %slice3A, %slice3A_2, %slice3A_3, %slice3A_4, %slice3A_5, %slice3A_6, %slice3A_7, %slice3A_8 in 0 : vector<1000x64xbf16>, vector<1000x64xbf16>, vector<1000x64xbf16>, vector<1000x64xbf16>, vector<1000x64xbf16>, vector<1000x64xbf16>, vector<1000x64xbf16>, vector<1000x64xbf16> -> vector<8000x64xbf16>
    %get3A_9 = arith.constant 0 : index
    %get3A_10 = arith.constant 0 : index
    %get3A_11 = vector.load %arg3[%get3A_9, %get3A_10] : memref<64x256xbf16, #tpu.memory_space<vmem>>, vector<64x256xbf16>
    %dot_general3A = arith.constant dense<0.000000e+00> : vector<8000x256xf32>
    %dot_general3A_12 = tpu.matmul %concatenate3A, %get3A_11, %dot_general3A {dimension_numbers = #tpu.dot_dimension_numbers<[1], [0], [0], [1], [0, 0, 1, 1], [], []>, transpose_lhs_hint = false} : vector<8000x64xbf16>, vector<64x256xbf16>, vector<8000x256xf32> -> vector<8000x256xf32>
    %convert_element_type3A = arith.truncf %dot_general3A_12 : vector<8000x256xf32> to vector<8000x256xbf16>
    %get3A_13 = arith.constant 0 : index
    %get3A_14 = arith.constant 0 : index
    %get3A_15 = vector.load %arg4[%get3A_13, %get3A_14] : memref<1x256xbf16, #tpu.memory_space<vmem>>, vector<1x256xbf16>
    %add3A = vector.broadcast %get3A_15 : vector<1x256xbf16> to vector<8000x256xbf16>
    %add3A_16 = arith.addf %convert_element_type3A, %add3A : vector<8000x256xbf16>
    %get3A_17 = arith.constant 0 : index
    %get3A_18 = arith.constant 0 : index
    %get3A_19 = vector.load %arg2[%get3A_17, %get3A_18] : memref<1000x128xf32, #tpu.memory_space<vmem>>, vector<1000x128xf32>
    %slice3A_20 = vector.extract_strided_slice %get3A_19 {offsets = [0, 0], sizes = [1000, 16], strides = [1, 1]} : vector<1000x128xf32> to vector<1000x16xf32>
    %slice3A_21 = vector.extract_strided_slice %get3A_19 {offsets = [0, 16], sizes = [1000, 16], strides = [1, 1]} : vector<1000x128xf32> to vector<1000x16xf32>
    %slice3A_22 = vector.extract_strided_slice %get3A_19 {offsets = [0, 32], sizes = [1000, 16], strides = [1, 1]} : vector<1000x128xf32> to vector<1000x16xf32>
    %slice3A_23 = vector.extract_strided_slice %get3A_19 {offsets = [0, 48], sizes = [1000, 16], strides = [1, 1]} : vector<1000x128xf32> to vector<1000x16xf32>
    %slice3A_24 = vector.extract_strided_slice %get3A_19 {offsets = [0, 64], sizes = [1000, 16], strides = [1, 1]} : vector<1000x128xf32> to vector<1000x16xf32>
    %slice3A_25 = vector.extract_strided_slice %get3A_19 {offsets = [0, 80], sizes = [1000, 16], strides = [1, 1]} : vector<1000x128xf32> to vector<1000x16xf32>
    %slice3A_26 = vector.extract_strided_slice %get3A_19 {offsets = [0, 96], sizes = [1000, 16], strides = [1, 1]} : vector<1000x128xf32> to vector<1000x16xf32>
    %slice3A_27 = vector.extract_strided_slice %get3A_19 {offsets = [0, 112], sizes = [1000, 16], strides = [1, 1]} : vector<1000x128xf32> to vector<1000x16xf32>
    %concatenate3A_28 = tpu.concatenate %slice3A_20, %slice3A_21, %slice3A_22, %slice3A_23, %slice3A_24, %slice3A_25, %slice3A_26, %slice3A_27 in 0 : vector<1000x16xf32>, vector<1000x16xf32>, vector<1000x16xf32>, vector<1000x16xf32>, vector<1000x16xf32>, vector<1000x16xf32>, vector<1000x16xf32>, vector<1000x16xf32> -> vector<8000x16xf32>
    %convert_element_type3A_29 = arith.truncf %concatenate3A_28 : vector<8000x16xf32> to vector<8000x16xbf16>
    %get3A_30 = arith.constant 0 : index
    %get3A_31 = arith.constant 0 : index
    %get3A_32 = vector.load %arg5[%get3A_30, %get3A_31] : memref<16x256xbf16, #tpu.memory_space<vmem>>, vector<16x256xbf16>
    %dot_general3A_33 = arith.constant dense<0.000000e+00> : vector<8000x256xf32>
    %dot_general3A_34 = tpu.matmul %convert_element_type3A_29, %get3A_32, %dot_general3A_33 {dimension_numbers = #tpu.dot_dimension_numbers<[1], [0], [0], [1], [0, 0, 1, 1], [], []>, transpose_lhs_hint = false} : vector<8000x16xbf16>, vector<16x256xbf16>, vector<8000x256xf32> -> vector<8000x256xf32>
    %convert_element_type3A_35 = arith.truncf %dot_general3A_34 : vector<8000x256xf32> to vector<8000x256xbf16>
    %mul3A = arith.mulf %convert_element_type3A_35, %add3A_16 : vector<8000x256xbf16>
    %get3A_36 = arith.constant 0 : index
    %get3A_37 = arith.constant 0 : index
    %get3A_38 = vector.load %arg6[%get3A_36, %get3A_37] : memref<256x16xbf16, #tpu.memory_space<vmem>>, vector<256x16xbf16>
    %dot_general3A_39 = arith.constant dense<0.000000e+00> : vector<8000x16xf32>
    %dot_general3A_40 = tpu.matmul %mul3A, %get3A_38, %dot_general3A_39 {dimension_numbers = #tpu.dot_dimension_numbers<[1], [0], [0], [1], [0, 0, 1, 1], [], []>, transpose_lhs_hint = false} : vector<8000x256xbf16>, vector<256x16xbf16>, vector<8000x16xf32> -> vector<8000x16xf32>
    %slice3A_41 = vector.extract_strided_slice %dot_general3A_40 {offsets = [0, 0], sizes = [1000, 16], strides = [1, 1]} : vector<8000x16xf32> to vector<1000x16xf32>
    %slice3A_42 = vector.extract_strided_slice %dot_general3A_40 {offsets = [1000, 0], sizes = [1000, 16], strides = [1, 1]} : vector<8000x16xf32> to vector<1000x16xf32>
    %slice3A_43 = vector.extract_strided_slice %dot_general3A_40 {offsets = [2000, 0], sizes = [1000, 16], strides = [1, 1]} : vector<8000x16xf32> to vector<1000x16xf32>
    %slice3A_44 = vector.extract_strided_slice %dot_general3A_40 {offsets = [3000, 0], sizes = [1000, 16], strides = [1, 1]} : vector<8000x16xf32> to vector<1000x16xf32>
    %slice3A_45 = vector.extract_strided_slice %dot_general3A_40 {offsets = [4000, 0], sizes = [1000, 16], strides = [1, 1]} : vector<8000x16xf32> to vector<1000x16xf32>
    %slice3A_46 = vector.extract_strided_slice %dot_general3A_40 {offsets = [5000, 0], sizes = [1000, 16], strides = [1, 1]} : vector<8000x16xf32> to vector<1000x16xf32>
    %slice3A_47 = vector.extract_strided_slice %dot_general3A_40 {offsets = [6000, 0], sizes = [1000, 16], strides = [1, 1]} : vector<8000x16xf32> to vector<1000x16xf32>
    %slice3A_48 = vector.extract_strided_slice %dot_general3A_40 {offsets = [7000, 0], sizes = [1000, 16], strides = [1, 1]} : vector<8000x16xf32> to vector<1000x16xf32>
    %concatenate3A_49 = tpu.concatenate %slice3A_41, %slice3A_42, %slice3A_43, %slice3A_44, %slice3A_45, %slice3A_46, %slice3A_47, %slice3A_48 in 1 : vector<1000x16xf32>, vector<1000x16xf32>, vector<1000x16xf32>, vector<1000x16xf32>, vector<1000x16xf32>, vector<1000x16xf32>, vector<1000x16xf32>, vector<1000x16xf32> -> vector<1000x128xf32>
    %swap3A = arith.constant 0 : index
    %swap3A_50 = arith.constant 0 : index
    %swap3A_51 = vector.load %arg7[%swap3A, %swap3A_50] : memref<1000x128xf32, #tpu.memory_space<vmem>>, vector<1000x128xf32>
    tpu.vector_store %arg7[%swap3A, %swap3A_50], %concatenate3A_49 {strides = array<i32>} : memref<1000x128xf32, #tpu.memory_space<vmem>>, vector<1000x128xf32>,
    return
  }
  func.func @transform_0(%arg0: i32) -> (i32, i32) {
    %c0_i32 = arith.constant 0 : i32
    %c0_i32_0 = arith.constant 0 : i32
    return %arg0, %c0_i32 : i32, i32
  }
  func.func @transform_1(%arg0: i32) -> (i32, i32) {
    %add3A = arith.constant 10 : i32
    %add3A_0 = arith.addi %arg0, %add3A : i32
    %c0_i32 = arith.constant 0 : i32
    %c0_i32_1 = arith.constant 0 : i32
    return %add3A_0, %c0_i32 : i32, i32
  }
  func.func @transform_2(%arg0: i32) -> (i32, i32) {
    %c0_i32 = arith.constant 0 : i32
    %c0_i32_0 = arith.constant 0 : i32
    %c0_i32_1 = arith.constant 0 : i32
    return %c0_i32, %c0_i32_0 : i32, i32
  }
  func.func @transform_3(%arg0: i32) -> (i32, i32) {
    %c0_i32 = arith.constant 0 : i32
    %c0_i32_0 = arith.constant 0 : i32
    %c0_i32_1 = arith.constant 0 : i32
    return %c0_i32, %c0_i32_0 : i32, i32
  }
  func.func @transform_4(%arg0: i32) -> (i32, i32) {
    %c0_i32 = arith.constant 0 : i32
    %c0_i32_0 = arith.constant 0 : i32
    %c0_i32_1 = arith.constant 0 : i32
    return %c0_i32, %c0_i32_0 : i32, i32
  }
  func.func @transform_5(%arg0: i32) -> (i32, i32) {
    %c0_i32 = arith.constant 0 : i32
    %c0_i32_0 = arith.constant 0 : i32
    %c0_i32_1 = arith.constant 0 : i32
    return %c0_i32, %c0_i32_0 : i32, i32
  }
  func.func @transform_6(%arg0: i32) -> (i32, i32) {
    %c0_i32 = arith.constant 0 : i32
    %c0_i32_0 = arith.constant 0 : i32
    return %arg0, %c0_i32 : i32, i32
  }
}

</mosaic_0001>

<sc_bundles>
// kernel: kernel.14.cloned.1.call-start
scs
__scs_entry_jumppad:
0x0: {  	(pc) =	sbr.rel $0x88, $3  }
0x1: {  	(tag) =	ssettag $0x0;
	lr =	simm.s32 $0x1  }
0x2: {  	[smem:$0x3F94] =	sst lr;
	_ =	strace $0xD0000000  }
0x3: {  	_ = 	snop  }
0x4: {  	_ = 	snop  }
0x5: {  	_ = 	snop  }
0x6: {  	_ = 	snop  }
0x7: {  	_ = 	snop  }
__scs_overlays_trampoline_lowered:
0x8: {  	[smem:$0x3FA3] =	sst s0  }
0x9: {  	[smem:$0x3FA4] =	sst s1  }
0xa: {  	[smem:$0x3FA5] =	sst s2  }
0xb: {  	[smem:$0x3FA6] =	sst s3  }
0xc: {  	[smem:$0x3FA7] =	sst s4  }
0xd: {  	[smem:$0x3FA8] =	sst s5  }
0xe: {  	[smem:$0x3FA9] =	sst s6  }
0xf: {  	[smem:$0x3FAA] =	sst s7  }
0x10: {  	[smem:$0x3FAB] =	sst s8  }
0x11: {  	[smem:$0x3FAC] =	sst s9;
	s0 =	simm.s32 @!p0 $0x0  }
0x12: {  	s1 =	sld [smem:$0x3F92];
	s0 =	simm.s32 @p0 $0x1  }
0x13: {  	[smem:$0x3FAD] =	sst s0;
	s0 =	simm.s32 @!p1 $0x0  }
0x14: {  	s2 =	sld [smem:$0x3F91];
	s0 =	simm.s32 @p1 $0x1  }
0x15: {  	[smem:$0x3FAE] =	sst s0;
	s0 =	simm.s32 @!p2 $0x0  }
0x16: {  	s3 =	sld [smem:$0x3FDB];
	s0 =	simm.s32 @p2 $0x1  }
0x17: {  	s4 =	simm.s32 $0x1BF5;
	[smem:$0x3FB0] =	sst s0  }
0x18: {  	s0 =	sld [smem:$0x3F93];
	_ =	swait.ge [sflag:s4], $0x0  }
0x19: {  	s7 =	sld [smem:$0x3F94]  }
0x1a: {  	s8 =	sadd.s32 $0xFFFFE003, lr  }
0x1b: {  	s9 =	sadd.s32 $0xFFFFFEF7, lr;
	s5 =	simm.s32 $0xFFFFFFFF;
	p2 =	slt.u32 s8, $0xFFFFF086  }
0x1c: {  	p1 =	slt.u32 s9, $0xF7A;
	s5 =	simm.s32 @!p2 $0x0  }
0x1d: {  	s5 =	simm.s32 @p1 $0x1;
	p0 =	seq.s32 s7, s2  }
0x1e: {  	s7 =	smul.u32 @!p0 $0xF7A, s2;
	p2 =	seq.s32 @!p0 s5, $0x0  }
0x1f: {  	s9 =	smul.u32 $0xF7A, s1;
	s8 =	simm.s32 @!p0 $0x1BF5;
	p2 =	por !p2, p0  }
0x20: {  	[sflag:s8] =	ssyncset.s32 @!p0 $0xFFFFF086;
	s6 =	sadd.s32 @!p0 s3, s7;
	s7 =	simm.s32 @!p0 $0x108  }
0x21: {  	s3 =	sadd.s32 s3, s9;
	s6 =	sadd.s32 @!p0 $0x88, s6;
	s7 =	simm.s32 @p2 $0x1082  }
0x22: {  	[simem:s7], [sflag:s8] =	dma.local @!p0 [hbm:s6], $0xF7A  }
0x23: {  	s9 =	sor.u32 $0xD0000000, s2;
	s6 =	simm.s32 $0x108;
	_ =	swait.ge @!p0 [sflag:s8], $0x0  }
0x24: {  	s3 =	sadd.s32 $0x88, s3;
	s6 =	simm.s32 @!p1 $0x1082;
	[sflag:s4] =	ssyncset.s32 $0xFFFFF086  }
0x25: {  	[simem:s6], [sflag:s4] =	dma.local [hbm:s3], $0xF7A  }
0x26: {  	[smem:$0x3F94] =	sst s1;
	(tag) =	ssettag s2;
	_ =	strace s9  }
0x27: {  	s1 =	sld [smem:$0x3FA4]  }
0x28: {  	s2 =	sld [smem:$0x3FA5]  }
0x29: {  	s4 =	sld [smem:$0x3FA7]  }
0x2a: {  	p0 =	seq.s32 s5, $0x0;
	s5 =	sld [smem:$0x3FA8]  }
0x2b: {  	s6 =	sld [smem:$0x3FA9]  }
0x2c: {  	s7 =	sld [smem:$0x3FAA]  }
0x2d: {  	s3 =	simm.s32 $0x108;
	s8 =	sld [smem:$0x3FAB]  }
0x2e: {  	s3 =	simm.s32 @!p0 $0x1082;
	s9 =	sld [smem:$0x3FAC]  }
0x2f: {  	lr =	sadd.s32 s0, s3;
	s0 =	sld [smem:$0x3FA3]  }
0x30: {  	s3 =	sld [smem:$0x3FA6]  }
0x31: {  	[smem:$0x3FAF] =	sst s10  }
0x32: {  	s10 =	sld [smem:$0x3FAD];
	_ =	sdelay $0x3  }
0x33: {  	p0 =	seq.s32 s10, $0x1;
	s10 =	sld [smem:$0x3FAF];
	_ =	sdelay $0x3  }
0x34: {  	[smem:$0x3FAF] =	sst s10  }
0x35: {  	s10 =	sld [smem:$0x3FAE];
	_ =	sdelay $0x3  }
0x36: {  	p1 =	seq.s32 s10, $0x1;
	s10 =	sld [smem:$0x3FAF];
	_ =	sdelay $0x3  }
0x37: {  	[smem:$0x3FAF] =	sst s10  }
0x38: {  	s10 =	sld [smem:$0x3FB0]  }
0x39: {  	_ = 	snop;
	(pc) =	sbr.ind lr, $3  }
0x3a: {  	_ = 	snop  }
0x3b: {  	_ = 	snop  }
0x3c: {  	p2 =	seq.s32 s10, $0x1;
	s10 =	sld [smem:$0x3FAF]  }
0x3d: {  	_ =	shalt  }
0x3e: {  	_ =	shalt  }
0x3f: {  	_ =	shalt  }
0x40: {  	_ =	shalt  }
0x41: {  	_ =	shalt  }
0x42: {  	_ =	shalt  }
0x43: {  	_ =	shalt  }
0x44: {  	_ =	shalt  }
0x45: {  	_ =	shalt  }
0x46: {  	_ =	shalt  }
0x47: {  	_ =	shalt  }
0x48: {  	_ =	shalt  }
0x49: {  	_ =	shalt  }
0x4a: {  	_ =	shalt  }
0x4b: {  	_ =	shalt  }
0x4c: {  	_ =	shalt  }
0x4d: {  	_ =	shalt  }
0x4e: {  	_ =	shalt  }
0x4f: {  	_ =	shalt  }
0x50: {  	_ =	shalt  }
0x51: {  	_ =	shalt  }
0x52: {  	_ =	shalt  }
0x53: {  	_ =	shalt  }
0x54: {  	_ =	shalt  }
0x55: {  	_ =	shalt  }
0x56: {  	_ =	shalt  }
0x57: {  	_ =	shalt  }
0x58: {  	_ =	shalt  }
0x59: {  	_ =	shalt  }
0x5a: {  	_ =	shalt  }
0x5b: {  	_ =	shalt  }
0x5c: {  	_ =	shalt  }
0x5d: {  	_ =	shalt  }
0x5e: {  	_ =	shalt  }
0x5f: {  	_ =	shalt  }
0x60: {  	_ =	shalt  }
0x61: {  	_ =	shalt  }
0x62: {  	_ =	shalt  }
0x63: {  	_ =	shalt  }
0x64: {  	_ =	shalt  }
0x65: {  	_ =	shalt  }
0x66: {  	_ =	shalt  }
0x67: {  	_ =	shalt  }
0x68: {  	_ =	shalt  }
0x69: {  	_ =	shalt  }
0x6a: {  	_ =	shalt  }
0x6b: {  	_ =	shalt  }
0x6c: {  	_ =	shalt  }
0x6d: {  	_ =	shalt  }
0x6e: {  	_ =	shalt  }
0x6f: {  	_ =	shalt  }
0x70: {  	_ =	shalt  }
0x71: {  	_ =	shalt  }
0x72: {  	_ =	shalt  }
0x73: {  	_ =	shalt  }
0x74: {  	_ =	shalt  }
0x75: {  	_ =	shalt  }
0x76: {  	_ =	shalt  }
0x77: {  	_ =	shalt  }
0x78: {  	_ =	shalt  }
0x79: {  	_ =	shalt  }
0x7a: {  	_ =	shalt  }
0x7b: {  	_ =	shalt  }
0x7c: {  	_ =	shalt  }
0x7d: {  	_ =	shalt  }
0x7e: {  	_ =	shalt  }
0x7f: {  	_ =	shalt  }
0x80: {  	_ =	shalt  }
0x81: {  	_ =	shalt  }
0x82: {  	_ =	shalt  }
0x83: {  	_ =	shalt  }
0x84: {  	_ =	shalt  }
0x85: {  	_ =	shalt  }
0x86: {  	_ =	shalt  }
0x87: {  	_ =	shalt  }
.Lfunc_end0:
.L_simem_size_0:
called_computation_lowered:
.L_overlay_start_0:
0x88: {  	s2 =	sld [smem:$0x3FD9]  }
0x89: {  	s3 =	sld [smem:$0x3FFE];
	_ =	sdelay $0x1  }
0x8a: {  	s1 =	srdreg.scid  }
0x8b: {  	s0 =	sand.u32 $0x1, s1  }
0x8c: {  	s17 =	sshll.u32 s0, $0xA;
	s2 =	sadd.s32 s3, s2  }
0x8d: {  	s2 =	sadd.s32 s2, s17  }
0x8e: {  	[smem:$0x3FBB] =	sst s2  }
0x8f: {  	_ = 	snop  }
0x90: {  	s2 =	sld [smem:$0x3FD0];
	(tm) =	ssettm $0x1  }
0x91: {  	s18 =	sld [smem:$0x3FFB];
	_ =	sdelay $0x3  }
0x92: {  	_ =	strace s18  }
0x93: {  	s3 =	sld [smem:$0x3FFC];
	_ =	sdelay $0x3  }
0x94: {  	_ =	strace s3  }
0x95: {  	s3 =	sld [smem:$0x3FFD];
	_ =	sdelay $0x3  }
0x96: {  	_ =	strace s3  }
0x97: {  	_ =	strace $0x8FFFFFFF  }
0x98: {  	s19 =	sld [smem:$0x3FDB];
	_ =	sdelay $0x1  }
0x99: {  	s4 =	simm.s32 $_scs_section_size  }
0x9a: {  	s5 =	simm.s32 $_size__tile_overlayer_lowered;
	s6 =	simm.s32 $_tile_overlayer_lowered  }
0x9b: {  	s22 =	simm.s32 $0x1BFF;
	s21 =	sshll.u32 s6, $0x1;
	s3 =	sadd.s32 s4, s19  }
0x9c: {  	s7 =	simm.s32 $0x0;
	s20 =	sshll.u32 s5, $0x1;
	s5 =	sadd.s32 s21, s3  }
0x9d: {  	[timem:s7], [sflag:s22] =	dma.local [hbm:s5], s20  }
0x9e: {  	_ =	swait.ge [sflag:s22], s20  }
0x9f: {  	s4 =	ssub.s32 $0x0, s20;
	[sflag:s22] =	ssyncset.done $0x0  }
0xa0: {  	[sflag:s22] =	ssyncadd.s32 s4;
	_ =	sdelay $0x1  }
0xa1: {  	s23 =	simm.s32 $0x1B8B  }
0xa2: {  	_ =	swait.ge [sflag:s23], $0x1  }
0xa3: {  	[sflag:s23] =	ssyncset.done $0x0  }
0xa4: {  	s25 =	simm.s32 $0x1B8E;
	s24 =	sld [smem:$0x3FFE];
	[sflag:s23] =	ssyncadd.s32 $0xFFFFFFFF  }
0xa5: {  	s26 =	simm.s32 $execute0_lowered;
	[smem:$0x3FD2] =	sst s25  }
0xa6: {  	s5 =	sshll.u32 s26, $0x1;
	_ =	strace $0x80000046;
	[dreg:$0x1] =	wrdreg $0xFFFFFFFF  }
0xa7: {  	s28 =	simm.s32 $_size_execute0_lowered;
	s3 =	sadd.s32 s3, s5;
	[dreg:$0x0] =	wrdreg $0x0  }
0xa8: {  	s5 =	sshll.u32 s28, $0x1;
	[dreg:$0x2] =	wrdreg s3  }
0xa9: {  	[dreg:$0x3] =	wrdreg s5  }
0xaa: {  	[dreg:$0x4] =	wrdreg $0xC0  }
0xab: {  	_ =	task [dreg:s7], $0x5FFFF  }
0xac: {  	[dreg:$0x1] =	wrdreg $0xFFFFFFFF  }
0xad: {  	[dreg:$0x0] =	wrdreg $0x60  }
0xae: {  	[dreg:$0x2] =	wrdreg s2  }
0xaf: {  	[dreg:$0x3] =	wrdreg s24  }
0xb0: {  	[dreg:$0x4] =	wrdreg $0x9  }
0xb1: {  	_ =	task.clear_ibuf [dreg:s7], $0x5FFFF;
	_ =	strace $0x90000046  }
0xb2: {  	s29 =	simm.s32 $0x9;
	_ =	strace $0x80000048  }
0xb3: {  	_ =	swait.ge [sflag:s29], $0x1  }
0xb4: {  	[sflag:s29] =	ssyncadd.s32 $0xFFFFFFFF  }
0xb5: {  	_ =	strace $0x90000048  }
0xb6: {  	_ =	sfence  }
0xb7: {  	s30 =	sld [smem:$0x0];
	_ =	sdelay $0x2  }
0xb8: {  	s31 =	sshll.u32 s1, $0xD;
	s1 =	sshrl.u32 s1, $0x2  }
0xb9: {  	s3 =	sand.u32 $0x4000, s31;
	s1 =	sadd.s32 s1, s30  }
0xba: {  	s0 =	sor.u32 s3, s0;
	s1 =	sshll.u32 s1, $0x11  }
0xbb: {  	s0 =	sor.u32 s1, s0  }
0xbc: {  	s0 =	sadd.s32 $0x8F2B, s0  }
0xbd: {  	[sflag:s0] =	ssyncadd.remote.s32 $0x1  }
0xbe: {  	_ =	sfence.sel $0xFFFF  }
0xbf: {  	[dreg:$0x0] =	wrdreg $0xFFFFFFFF;
	(pc) =	sbr.abs _section_cstart, $3  }
0xc0: {  	[dreg:$0x1] =	wrdreg $0xFFFFFFFF  }
0xc1: {  	_ =	task.clear_ibuf [dreg:s7], $0x2FFFF;
	_ =	strace $0x9FFFFFFF  }
0xc2: {  	(tm) =	ssettm $0x7FFFFFFF  }
0xc3: {  	_ =	shalt  }
tec
execute0_lowered:
.L_overlay_start_1:
0x0: {  	(tag) =	ssettag $0x1  }
0x1: {  	s1 =	srdreg.scid;
	s2 =	rddreg [dreg:$0x0]  }
0x2: {  	s0 =	stileid.u32;
	s5 =	rddreg [dreg:$0x1];
	s3 =	simm.s32 $0x0  }
0x3: {  	s8 =	simm.s32 $0x7D;
	s4 =	sand.u32 $0x1, s1;
	s30 =	sshll.u32 s0, $0x1  }
0x4: {  	s9 =	simm.s32 $0x1;
	s10 =	simm.s32 $0x1400;
	s6 =	sor.u32 s4, s30  }
0x5: {  	s11 =	simm.s32 $0x0;
	s1 =	rddreg [dreg:$0x2];
	s7 =	smul.u32 $0x280, s6  }
0x6: {  	[smem:$0x7FF] =	sst s3;
	s4 =	ssub.s32 $0x2, s4;
	s6 =	smul.u32 $0x2710, s6  }
0x7: {  	_ =	strace $0x80000047;
	s31 =	sshrl.u32 s4, $0x1;
	s7 =	sadd.s32 s7, s5  }
0x8: {  	s5 =	sadd.s32 s6, s5;
	s6 =	ssub.s32 s4, s31;
	s4 =	sadd.s32 $0x6C00, s7  }
0x9: {  	s5 =	sadd.s32 $0xBC00, s5;
	s6 =	smax.u32 s6, $0x1;
	s7 =	simm.s32 $0x2  }
.LBB2_1:
0xa: {  	[tilespmem:s3], [sflag:$0x2] =	stream.linear.gather [hbm4b:s4+s3], $0x1400, $0x38;
	[tilespmem:$0x14C80] =	vst v63  }
0xb: {  	_ =	swait.ge [sflag:s7], $0x1400  }
0xc: {  	[sflag:s7] =	ssyncset.done $0x0  }
0xd: {  	s12 =	simm.s32 $0x1400;
	s13 =	simm.s32 $0x0;
	[sflag:s7] =	ssyncadd.s32 $0xFFFFEC00  }
.LBB2_2:
0xe: {  	p0 =	sne.s32 s13, $0x4E00  }
.Ltmp0:
0xf: {  	_ = 	snop;
	(pc) =	sbr.rel @p0 .LBB2_2-.Ltmp0, $4  }
0x10: {  	_ = 	snop  }
0x11: {  	s14 =	sshra.s32 s13, $0x2  }
0x12: {  	[tilespmem:s12], [sflag:$0x1] =	stream.indirect.gather [hbm4b:s2+s8], $0x10, s14, s8, $0xb8;
	[tilespmem:$0x14C80] =	vst v63  }
0x13: {  	s13 =	sadd.s32 $0x200, s13;
	s12 =	sadd.s32 $0x7D0, s12  }
0x14: {  	_ =	swait.ge [sflag:s9], $0x7D0  }
0x15: {  	s12 =	simm.s32 $0x27;
	[sflag:s9] =	ssyncset.done $0x0  }
.LBB2_4:
0x16: {  	p0 =	sne.s32 s12, $0x1;
	s12 =	sadd.s32 $0xFFFFFFFF, s12;
	[sflag:s9] =	ssyncadd.s32 $0xFFFFF830  }
.Ltmp1:
0x17: {  	(pc) =	sbr.rel @p0 .LBB2_4-.Ltmp1, $3  }
0x18: {  	_ =	sdelay $0x1  }
0x19: {  	_ =	swait.ge [sflag:s9], $0x7D0  }
0x1a: {  	[sflag:s9] =	ssyncset.done $0x0  }
0x1b: {  	s11 =	sadd.s32 $0x1, s11  }
0x1c: {  	p0 =	sne.s32 s11, s6  }
.Ltmp2:
0x1d: {  	[sflag:s9] =	ssyncadd.s32 $0xFFFFF830;
	(pc) =	sbr.rel @p0 .LBB2_1-.Ltmp2, $4  }
0x1e: {  	[hbm4b:s5+s3] =	stream.linear.scatter [tilespmem:s10], [sflag:$0x2], $0x13880, $0x38;
	[tilespmem:$0x14C80] =	vst v63  }
0x1f: {  	_ =	swait.ge [sflag:s7], $0x13880  }
0x20: {  	[sflag:s7] =	ssyncset.done $0x0  }
0x21: {  	[sflag:s7] =	ssyncadd.s32 $0xFFFEC780  }
0x22: {  	_ =	sfence.sel $0x180000  }
0x23: {  	[bflag:$0x0] =	sbarrier.arrive $0xFFFF  }
0x24: {  	p0 =	sne.s32 s0, $0x0;
	_ =	strace $0x90000047  }
0x25: {  	s0 =	sadd.s32 @!p0 $0x100000, s1;
	[bflag:$0x2] =	sbarrier.arrive $0xFFFF  }
0x26: {  	[sflag:s0] =	ssyncadd.tile.s32 @!p0 $0x1;
	_ =	shalt  }
.Lfunc_end2:
_tile_overlayer_lowered:
.L_overlay_start_2:
0x27: {  	(tag) =	ssettag $0x2  }
0x28: {  	s0 =	rddreg [dreg:$0x0];
	s2 =	stileid.u32  }
0x29: {  	s1 =	rddreg [dreg:$0x1];
	p0 =	sne.s32 s2, $0x0  }
0x2a: {  	s3 =	rddreg [dreg:$0x2];
	[bflag:$0x3] =	sbarrier.arrive $0xFFFF;
	s2 =	simm.s32 @!p0 $0x1C02  }
0x2b: {  	[timem:s3], [sflag:s2] =	dma.local @!p0 [hbm:s0], s1  }
0x2c: {  	s0 =	simm.s32 @!p0 $0x2  }
0x2d: {  	_ =	swait.ge @!p0 [sflag:s0], s1  }
0x2e: {  	s1 =	ssub.s32 @!p0 $0x0, s1;
	[sflag:s0] =	ssyncset.done @!p0 $0x0  }
0x2f: {  	[sflag:s0] =	ssyncadd.s32 @!p0 s1  }
0x30: {  	[bflag:$0x3] =	sbarrier.arrive $0xFFFF  }
0x31: {  	_ =	shalt  }

// kernel: kernel.17.cloned.1.call-start
scs
__scs_entry_jumppad:
0x0: {  	(pc) =	sbr.rel $0x88, $3  }
0x1: {  	(tag) =	ssettag $0x0;
	lr =	simm.s32 $0x1  }
0x2: {  	[smem:$0x3F94] =	sst lr;
	_ =	strace $0xD0000000  }
0x3: {  	_ = 	snop  }
0x4: {  	_ = 	snop  }
0x5: {  	_ = 	snop  }
0x6: {  	_ = 	snop  }
0x7: {  	_ = 	snop  }
__scs_overlays_trampoline_lowered:
0x8: {  	[smem:$0x3FA3] =	sst s0  }
0x9: {  	[smem:$0x3FA4] =	sst s1  }
0xa: {  	[smem:$0x3FA5] =	sst s2  }
0xb: {  	[smem:$0x3FA6] =	sst s3  }
0xc: {  	[smem:$0x3FA7] =	sst s4  }
0xd: {  	[smem:$0x3FA8] =	sst s5  }
0xe: {  	[smem:$0x3FA9] =	sst s6  }
0xf: {  	[smem:$0x3FAA] =	sst s7  }
0x10: {  	[smem:$0x3FAB] =	sst s8  }
0x11: {  	[smem:$0x3FAC] =	sst s9;
	s0 =	simm.s32 @!p0 $0x0  }
0x12: {  	s1 =	sld [smem:$0x3F92];
	s0 =	simm.s32 @p0 $0x1  }
0x13: {  	[smem:$0x3FAD] =	sst s0;
	s0 =	simm.s32 @!p1 $0x0  }
0x14: {  	s2 =	sld [smem:$0x3F91];
	s0 =	simm.s32 @p1 $0x1  }
0x15: {  	[smem:$0x3FAE] =	sst s0;
	s0 =	simm.s32 @!p2 $0x0  }
0x16: {  	s3 =	sld [smem:$0x3FDB];
	s0 =	simm.s32 @p2 $0x1  }
0x17: {  	s4 =	simm.s32 $0x1BF5;
	[smem:$0x3FB0] =	sst s0  }
0x18: {  	s0 =	sld [smem:$0x3F93];
	_ =	swait.ge [sflag:s4], $0x0  }
0x19: {  	s7 =	sld [smem:$0x3F94]  }
0x1a: {  	s8 =	sadd.s32 $0xFFFFE003, lr  }
0x1b: {  	s9 =	sadd.s32 $0xFFFFFEF7, lr;
	s5 =	simm.s32 $0xFFFFFFFF;
	p2 =	slt.u32 s8, $0xFFFFF086  }
0x1c: {  	p1 =	slt.u32 s9, $0xF7A;
	s5 =	simm.s32 @!p2 $0x0  }
0x1d: {  	s5 =	simm.s32 @p1 $0x1;
	p0 =	seq.s32 s7, s2  }
0x1e: {  	s7 =	smul.u32 @!p0 $0xF7A, s2;
	p2 =	seq.s32 @!p0 s5, $0x0  }
0x1f: {  	s9 =	smul.u32 $0xF7A, s1;
	s8 =	simm.s32 @!p0 $0x1BF5;
	p2 =	por !p2, p0  }
0x20: {  	[sflag:s8] =	ssyncset.s32 @!p0 $0xFFFFF086;
	s6 =	sadd.s32 @!p0 s3, s7;
	s7 =	simm.s32 @!p0 $0x108  }
0x21: {  	s3 =	sadd.s32 s3, s9;
	s6 =	sadd.s32 @!p0 $0x88, s6;
	s7 =	simm.s32 @p2 $0x1082  }
0x22: {  	[simem:s7], [sflag:s8] =	dma.local @!p0 [hbm:s6], $0xF7A  }
0x23: {  	s9 =	sor.u32 $0xD0000000, s2;
	s6 =	simm.s32 $0x108;
	_ =	swait.ge @!p0 [sflag:s8], $0x0  }
0x24: {  	s3 =	sadd.s32 $0x88, s3;
	s6 =	simm.s32 @!p1 $0x1082;
	[sflag:s4] =	ssyncset.s32 $0xFFFFF086  }
0x25: {  	[simem:s6], [sflag:s4] =	dma.local [hbm:s3], $0xF7A  }
0x26: {  	[smem:$0x3F94] =	sst s1;
	(tag) =	ssettag s2;
	_ =	strace s9  }
0x27: {  	s1 =	sld [smem:$0x3FA4]  }
0x28: {  	s2 =	sld [smem:$0x3FA5]  }
0x29: {  	s4 =	sld [smem:$0x3FA7]  }
0x2a: {  	p0 =	seq.s32 s5, $0x0;
	s5 =	sld [smem:$0x3FA8]  }
0x2b: {  	s6 =	sld [smem:$0x3FA9]  }
0x2c: {  	s7 =	sld [smem:$0x3FAA]  }
0x2d: {  	s3 =	simm.s32 $0x108;
	s8 =	sld [smem:$0x3FAB]  }
0x2e: {  	s3 =	simm.s32 @!p0 $0x1082;
	s9 =	sld [smem:$0x3FAC]  }
0x2f: {  	lr =	sadd.s32 s0, s3;
	s0 =	sld [smem:$0x3FA3]  }
0x30: {  	s3 =	sld [smem:$0x3FA6]  }
0x31: {  	[smem:$0x3FAF] =	sst s10  }
0x32: {  	s10 =	sld [smem:$0x3FAD];
	_ =	sdelay $0x3  }
0x33: {  	p0 =	seq.s32 s10, $0x1;
	s10 =	sld [smem:$0x3FAF];
	_ =	sdelay $0x3  }
0x34: {  	[smem:$0x3FAF] =	sst s10  }
0x35: {  	s10 =	sld [smem:$0x3FAE];
	_ =	sdelay $0x3  }
0x36: {  	p1 =	seq.s32 s10, $0x1;
	s10 =	sld [smem:$0x3FAF];
	_ =	sdelay $0x3  }
0x37: {  	[smem:$0x3FAF] =	sst s10  }
0x38: {  	s10 =	sld [smem:$0x3FB0]  }
0x39: {  	_ = 	snop;
	(pc) =	sbr.ind lr, $3  }
0x3a: {  	_ = 	snop  }
0x3b: {  	_ = 	snop  }
0x3c: {  	p2 =	seq.s32 s10, $0x1;
	s10 =	sld [smem:$0x3FAF]  }
0x3d: {  	_ =	shalt  }
0x3e: {  	_ =	shalt  }
0x3f: {  	_ =	shalt  }
0x40: {  	_ =	shalt  }
0x41: {  	_ =	shalt  }
0x42: {  	_ =	shalt  }
0x43: {  	_ =	shalt  }
0x44: {  	_ =	shalt  }
0x45: {  	_ =	shalt  }
0x46: {  	_ =	shalt  }
0x47: {  	_ =	shalt  }
0x48: {  	_ =	shalt  }
0x49: {  	_ =	shalt  }
0x4a: {  	_ =	shalt  }
0x4b: {  	_ =	shalt  }
0x4c: {  	_ =	shalt  }
0x4d: {  	_ =	shalt  }
0x4e: {  	_ =	shalt  }
0x4f: {  	_ =	shalt  }
0x50: {  	_ =	shalt  }
0x51: {  	_ =	shalt  }
0x52: {  	_ =	shalt  }
0x53: {  	_ =	shalt  }
0x54: {  	_ =	shalt  }
0x55: {  	_ =	shalt  }
0x56: {  	_ =	shalt  }
0x57: {  	_ =	shalt  }
0x58: {  	_ =	shalt  }
0x59: {  	_ =	shalt  }
0x5a: {  	_ =	shalt  }
0x5b: {  	_ =	shalt  }
0x5c: {  	_ =	shalt  }
0x5d: {  	_ =	shalt  }
0x5e: {  	_ =	shalt  }
0x5f: {  	_ =	shalt  }
0x60: {  	_ =	shalt  }
0x61: {  	_ =	shalt  }
0x62: {  	_ =	shalt  }
0x63: {  	_ =	shalt  }
0x64: {  	_ =	shalt  }
0x65: {  	_ =	shalt  }
0x66: {  	_ =	shalt  }
0x67: {  	_ =	shalt  }
0x68: {  	_ =	shalt  }
0x69: {  	_ =	shalt  }
0x6a: {  	_ =	shalt  }
0x6b: {  	_ =	shalt  }
0x6c: {  	_ =	shalt  }
0x6d: {  	_ =	shalt  }
0x6e: {  	_ =	shalt  }
0x6f: {  	_ =	shalt  }
0x70: {  	_ =	shalt  }
0x71: {  	_ =	shalt  }
0x72: {  	_ =	shalt  }
0x73: {  	_ =	shalt  }
0x74: {  	_ =	shalt  }
0x75: {  	_ =	shalt  }
0x76: {  	_ =	shalt  }
0x77: {  	_ =	shalt  }
0x78: {  	_ =	shalt  }
0x79: {  	_ =	shalt  }
0x7a: {  	_ =	shalt  }
0x7b: {  	_ =	shalt  }
0x7c: {  	_ =	shalt  }
0x7d: {  	_ =	shalt  }
0x7e: {  	_ =	shalt  }
0x7f: {  	_ =	shalt  }
0x80: {  	_ =	shalt  }
0x81: {  	_ =	shalt  }
0x82: {  	_ =	shalt  }
0x83: {  	_ =	shalt  }
0x84: {  	_ =	shalt  }
0x85: {  	_ =	shalt  }
0x86: {  	_ =	shalt  }
0x87: {  	_ =	shalt  }
.Lfunc_end0:
.L_simem_size_0:
called_computation.1_lowered:
.L_overlay_start_0:
0x88: {  	s2 =	sld [smem:$0x3FD9]  }
0x89: {  	s3 =	sld [smem:$0x3FFE];
	_ =	sdelay $0x1  }
0x8a: {  	s1 =	srdreg.scid  }
0x8b: {  	s0 =	sand.u32 $0x1, s1  }
0x8c: {  	s16 =	sshll.u32 s0, $0xA;
	s2 =	sadd.s32 s3, s2  }
0x8d: {  	s2 =	sadd.s32 s2, s16  }
0x8e: {  	[smem:$0x3FBB] =	sst s2  }
0x8f: {  	_ = 	snop  }
0x90: {  	(tm) =	ssettm $0x1  }
0x91: {  	s17 =	sld [smem:$0x3FFB];
	_ =	sdelay $0x3  }
0x92: {  	_ =	strace s17  }
0x93: {  	s2 =	sld [smem:$0x3FFC];
	_ =	sdelay $0x3  }
0x94: {  	_ =	strace s2  }
0x95: {  	s2 =	sld [smem:$0x3FFD];
	_ =	sdelay $0x3  }
0x96: {  	_ =	strace s2  }
0x97: {  	_ =	strace $0x8FFFFFFF  }
0x98: {  	s18 =	sld [smem:$0x3FDB];
	_ =	sdelay $0x1  }
0x99: {  	s19 =	simm.s32 $_scs_section_size  }
0x9a: {  	s4 =	simm.s32 $_size__tile_overlayer_lowered;
	s5 =	simm.s32 $_tile_overlayer_lowered  }
0x9b: {  	s22 =	simm.s32 $0x1BFF;
	s21 =	sshll.u32 s5, $0x1;
	s2 =	sadd.s32 s19, s18  }
0x9c: {  	s6 =	simm.s32 $0x0;
	s20 =	sshll.u32 s4, $0x1;
	s4 =	sadd.s32 s21, s2  }
0x9d: {  	[timem:s6], [sflag:s22] =	dma.local [hbm:s4], s20  }
0x9e: {  	_ =	swait.ge [sflag:s22], s20  }
0x9f: {  	s3 =	ssub.s32 $0x0, s20;
	[sflag:s22] =	ssyncset.done $0x0  }
0xa0: {  	[sflag:s22] =	ssyncadd.s32 s3;
	_ =	sdelay $0x1  }
0xa1: {  	s23 =	simm.s32 $0x1B8B  }
0xa2: {  	_ =	swait.ge [sflag:s23], $0x1  }
0xa3: {  	[sflag:s23] =	ssyncset.done $0x0  }
0xa4: {  	s25 =	simm.s32 $0x1B8E;
	s24 =	sld [smem:$0x3FFE];
	[sflag:s23] =	ssyncadd.s32 $0xFFFFFFFF  }
0xa5: {  	s26 =	simm.s32 $execute0_lowered;
	[smem:$0x3FD2] =	sst s25  }
0xa6: {  	s4 =	sshll.u32 s26, $0x1;
	_ =	strace $0x80000049;
	[dreg:$0x1] =	wrdreg $0xFFFFFFFF  }
0xa7: {  	s28 =	simm.s32 $_size_execute0_lowered;
	s2 =	sadd.s32 s2, s4;
	[dreg:$0x0] =	wrdreg $0x0  }
0xa8: {  	s4 =	sshll.u32 s28, $0x1;
	[dreg:$0x2] =	wrdreg s2  }
0xa9: {  	[dreg:$0x3] =	wrdreg s4  }
0xaa: {  	[dreg:$0x4] =	wrdreg $0xC0  }
0xab: {  	_ =	task [dreg:s6], $0x5FFFF  }
0xac: {  	[dreg:$0x1] =	wrdreg $0xFFFFFFFF  }
0xad: {  	[dreg:$0x0] =	wrdreg $0x60  }
0xae: {  	[dreg:$0x2] =	wrdreg s24  }
0xaf: {  	[dreg:$0x3] =	wrdreg $0xA6400  }
0xb0: {  	[dreg:$0x4] =	wrdreg $0xCE400  }
0xb1: {  	[dreg:$0x5] =	wrdreg $0x9  }
0xb2: {  	_ =	task.clear_ibuf [dreg:s6], $0x6FFFF;
	_ =	strace $0x90000049  }
0xb3: {  	s29 =	simm.s32 $0x9;
	_ =	strace $0x8000004B  }
0xb4: {  	_ =	swait.ge [sflag:s29], $0x1  }
0xb5: {  	[sflag:s29] =	ssyncadd.s32 $0xFFFFFFFF  }
0xb6: {  	_ =	strace $0x9000004B  }
0xb7: {  	_ =	sfence  }
0xb8: {  	s30 =	sld [smem:$0x0];
	_ =	sdelay $0x2  }
0xb9: {  	s31 =	sshll.u32 s1, $0xD;
	s1 =	sshrl.u32 s1, $0x2  }
0xba: {  	s3 =	sand.u32 $0x4000, s31;
	s1 =	sadd.s32 s1, s30  }
0xbb: {  	s0 =	sor.u32 s3, s0;
	s1 =	sshll.u32 s1, $0x11  }
0xbc: {  	s0 =	sor.u32 s1, s0  }
0xbd: {  	s0 =	sadd.s32 $0x8F2B, s0  }
0xbe: {  	[sflag:s0] =	ssyncadd.remote.s32 $0x1  }
0xbf: {  	_ =	sfence.sel $0xFFFF  }
0xc0: {  	[dreg:$0x0] =	wrdreg $0xFFFFFFFF;
	(pc) =	sbr.abs _section_cstart, $3  }
0xc1: {  	[dreg:$0x1] =	wrdreg $0xFFFFFFFF  }
0xc2: {  	_ =	task.clear_ibuf [dreg:s6], $0x2FFFF;
	_ =	strace $0x9FFFFFFF  }
0xc3: {  	(tm) =	ssettm $0x7FFFFFFF  }
tec
execute0_lowered:
.L_overlay_start_1:
0x0: {  	(tag) =	ssettag $0x1  }
0x1: {  	s1 =	rddreg [dreg:$0x0]  }
0x2: {  	s2 =	rddreg [dreg:$0x1]  }
0x3: {  	s3 =	rddreg [dreg:$0x2];
	s4 =	simm.s32 $0x0  }
0x4: {  	[smem:$0x7FF] =	sst s4;
	s8 =	sadd.s32 $0x88800, s1  }
0x5: {  	s20 =	simm.s32 $0x11D0;
	_ =	strace $0x8000004A;
	[dreg:$0x4] =	wrdreg s8  }
0x6: {  	s21 =	simm.s32 $0x19A0;
	[dreg:$0x9] =	wrdreg s20  }
0x7: {  	s22 =	simm.s32 $0x2170;
	[dreg:$0xa] =	wrdreg s21  }
0x8: {  	s23 =	simm.s32 $0x2940;
	[dreg:$0xb] =	wrdreg s22  }
0x9: {  	s24 =	simm.s32 $0x3110;
	[dreg:$0xc] =	wrdreg s23  }
0xa: {  	s25 =	simm.s32 $0x38E0;
	[dreg:$0xd] =	wrdreg s24  }
0xb: {  	s0 =	srdreg.scid;
	s26 =	simm.s32 $0x40B0;
	[dreg:$0xe] =	wrdreg s25  }
0xc: {  	s9 =	stileid.u32;
	s10 =	simm.s32 $0x5FF0;
	[dreg:$0xf] =	wrdreg s26  }
0xd: {  	s11 =	simm.s32 $0x67C0;
	s12 =	simm.s32 $0x6F90;
	[dreg:$0x13] =	wrdreg s10  }
0xe: {  	s15 =	simm.s32 $0x7760;
	s16 =	simm.s32 $0x7F30;
	[dreg:$0x14] =	wrdreg s11  }
0xf: {  	s13 =	sand.u32 $0x1, s0;
	s17 =	sshll.u32 s9, $0x1;
	[dreg:$0x15] =	wrdreg s12  }
0x10: {  	s0 =	sor.u32 s13, s17;
	s7 =	smul.u32 $0x28000, s13;
	[dreg:$0x16] =	wrdreg s15  }
0x11: {  	s8 =	simm.s32 $0x5820;
	[dreg:$0x17] =	wrdreg s16;
	s5 =	smul.u32 $0x1388, s0  }
0x12: {  	s21 =	simm.s32 $0x96A0;
	s6 =	smul.u32 $0x140, s0;
	[dreg:$0x12] =	wrdreg s8  }
0x13: {  	s22 =	simm.s32 $0x9E70;
	s0 =	smul.u32 $0x2800, s9;
	[dreg:$0x1a] =	wrdreg s21  }
0x14: {  	s20 =	sshll.u32 s9, $0x6;
	[dreg:$0x1b] =	wrdreg s22;
	s6 =	sadd.s32 s6, s1  }
0x15: {  	s5 =	sadd.s32 s5, s1;
	s7 =	sadd.s32 s0, s7;
	s6 =	sadd.s32 $0x59E00, s6  }
0x16: {  	s7 =	sshrl.u32 s7, $0x3;
	s5 =	sadd.s32 $0x5C600, s5;
	[dreg:$0x5] =	wrdreg s6  }
0x17: {  	s7 =	sadd.s32 s7, s1;
	[dreg:$0x6] =	wrdreg s5;
	s6 =	simm.s32 $0x4880  }
0x18: {  	s14 =	sshrl.u32 s0, $0x3;
	s18 =	sadd.s32 $0x88A00, s7;
	[dreg:$0x10] =	wrdreg s6  }
0x19: {  	s17 =	sadd.s32 s0, s2;
	s19 =	sadd.s32 $0x92A00, s7;
	[dreg:$0x7] =	wrdreg s18  }
0x1a: {  	s8 =	sshrl.u32 s17, $0x3;
	s7 =	simm.s32 $0x5050;
	[dreg:$0x8] =	wrdreg s19  }
0x1b: {  	s1 =	sadd.s32 s14, s1;
	[dreg:$0x11] =	wrdreg s7;
	s18 =	simm.s32 $0x8700  }
0x1c: {  	s5 =	sadd.s32 $0x83800, s1;
	s19 =	simm.s32 $0x8ED0;
	[dreg:$0x18] =	wrdreg s18  }
0x1d: {  	s6 =	sor.u32 $0x1C02, s20;
	s7 =	simm.s32 $0x2;
	[dreg:$0x19] =	wrdreg s19  }
0x1e: {  	[spmem:s8], [sflag:s6] =	dma.local [hbm:s5], $0x500  }
0x1f: {  	_ =	swait.ge [sflag:s7], $0x500  }
0x20: {  	s0 =	sadd.s32 s0, s3;
	[sflag:s7] =	ssyncset.done $0x0  }
0x21: {  	s9 =	sshrl.u32 s0, $0x3;
	[sflag:s7] =	ssyncadd.s32 $0xFFFFFB00  }
0x22: {  	[spmem:s9], [sflag:s6] =	dma.local [hbm:s5], $0x500  }
0x23: {  	_ =	swait.ge [sflag:s7], $0x500  }
0x24: {  	[sflag:s7] =	ssyncset.done $0x0  }
0x25: {  	s10 =	simm.s32 $0xF640;
	s23 =	rddreg [dreg:$0x4];
	[sflag:s7] =	ssyncadd.s32 $0xFFFFFB00  }
0x26: {  	[tilespmem:s10], [sflag:$0x2] =	stream.linear.gather [hbm4b:s23+s4], $0x7D0, $0x38;
	[tilespmem:$0xFE10] =	vst v63  }
0x27: {  	_ =	swait.ge [sflag:s7], $0x7D0  }
0x28: {  	[sflag:s7] =	ssyncset.done $0x0  }
0x29: {  	[sflag:s7] =	ssyncadd.s32 $0xFFFFF830  }
0x2a: {  	[bflag:$0x0] =	sbarrier.arrive $0xFFFF  }
0x2b: {  	s24 =	rddreg [dreg:$0x5]  }
0x2c: {  	[tilespmem:s4], [sflag:$0x2] =	stream.linear.gather [hbm4b:s24+s4], $0xA00, $0x38;
	[tilespmem:$0xFE10] =	vst v63  }
0x2d: {  	_ =	swait.ge [sflag:s7], $0xA00  }
0x2e: {  	[sflag:s7] =	ssyncset.done $0x0  }
0x2f: {  	s26 =	simm.s32 $0xA00;
	s25 =	rddreg [dreg:$0x6];
	[sflag:s7] =	ssyncadd.s32 $0xFFFFF600  }
0x30: {  	[tilespmem:s26], [sflag:$0x2] =	stream.linear.gather [hbm4b:s25+s4], $0x9C40, $0x38;
	[tilespmem:$0xFE10] =	vst v63  }
0x31: {  	_ =	swait.ge [sflag:s7], $0x9C40  }
0x32: {  	[sflag:s7] =	ssyncset.done $0x0  }
0x33: {  	s12 =	simm.s32 $0x7D;
	[sflag:s7] =	ssyncadd.s32 $0xFFFF63C0  }
0x34: {  	[spmem:s2] =	stream.indirect.scatter.add.f32 [tilespmem:s26], [sflag:$0x1], $0x10, s4, s12, $0xb8;
	[tilespmem:$0xFE10] =	vst v63  }
0x35: {  	_ = 	snop  }
0x36: {  	[spmem:s3] =	stream.indirect.scatter.add.f32 [tilespmem:s10], [sflag:$0x1], $0x10, s4, s12, $0xb8;
	[tilespmem:$0xFE10] =	vst v63  }
0x37: {  	s11 =	simm.s32 $0x80;
	s1 =	rddreg [dreg:$0x9]  }
0x38: {  	[spmem:s2] =	stream.indirect.scatter.add.f32 [tilespmem:s1], [sflag:$0x1], $0x10, s11, s12, $0xb8;
	[tilespmem:$0xFE10] =	vst v63  }
0x39: {  	_ = 	snop  }
0x3a: {  	[spmem:s3] =	stream.indirect.scatter.add.f32 [tilespmem:s10], [sflag:$0x1], $0x10, s11, s12, $0xb8;
	[tilespmem:$0xFE10] =	vst v63  }
0x3b: {  	s15 =	simm.s32 $0x100;
	s14 =	rddreg [dreg:$0xa]  }
0x3c: {  	[spmem:s2] =	stream.indirect.scatter.add.f32 [tilespmem:s14], [sflag:$0x1], $0x10, s15, s12, $0xb8;
	[tilespmem:$0xFE10] =	vst v63  }
0x3d: {  	_ = 	snop  }
0x3e: {  	[spmem:s3] =	stream.indirect.scatter.add.f32 [tilespmem:s10], [sflag:$0x1], $0x10, s15, s12, $0xb8;
	[tilespmem:$0xFE10] =	vst v63  }
0x3f: {  	s16 =	rddreg [dreg:$0xb];
	s15 =	simm.s32 $0x180  }
0x40: {  	[spmem:s2] =	stream.indirect.scatter.add.f32 [tilespmem:s16], [sflag:$0x1], $0x10, s15, s12, $0xb8;
	[tilespmem:$0xFE10] =	vst v63  }
0x41: {  	_ = 	snop  }
0x42: {  	[spmem:s3] =	stream.indirect.scatter.add.f32 [tilespmem:s10], [sflag:$0x1], $0x10, s15, s12, $0xb8;
	[tilespmem:$0xFE10] =	vst v63  }
0x43: {  	s17 =	rddreg [dreg:$0xc];
	s16 =	simm.s32 $0x200  }
0x44: {  	[spmem:s2] =	stream.indirect.scatter.add.f32 [tilespmem:s17], [sflag:$0x1], $0x10, s16, s12, $0xb8;
	[tilespmem:$0xFE10] =	vst v63  }
0x45: {  	_ = 	snop  }
0x46: {  	[spmem:s3] =	stream.indirect.scatter.add.f32 [tilespmem:s10], [sflag:$0x1], $0x10, s16, s12, $0xb8;
	[tilespmem:$0xFE10] =	vst v63  }
0x47: {  	s18 =	rddreg [dreg:$0xd];
	s17 =	simm.s32 $0x280  }
0x48: {  	[spmem:s2] =	stream.indirect.scatter.add.f32 [tilespmem:s18], [sflag:$0x1], $0x10, s17, s12, $0xb8;
	[tilespmem:$0xFE10] =	vst v63  }
0x49: {  	_ = 	snop  }
0x4a: {  	[spmem:s3] =	stream.indirect.scatter.add.f32 [tilespmem:s10], [sflag:$0x1], $0x10, s17, s12, $0xb8;
	[tilespmem:$0xFE10] =	vst v63  }
0x4b: {  	s19 =	rddreg [dreg:$0xe];
	s18 =	simm.s32 $0x300  }
0x4c: {  	[spmem:s2] =	stream.indirect.scatter.add.f32 [tilespmem:s19], [sflag:$0x1], $0x10, s18, s12, $0xb8;
	[tilespmem:$0xFE10] =	vst v63  }
0x4d: {  	_ = 	snop  }
0x4e: {  	[spmem:s3] =	stream.indirect.scatter.add.f32 [tilespmem:s10], [sflag:$0x1], $0x10, s18, s12, $0xb8;
	[tilespmem:$0xFE10] =	vst v63  }
0x4f: {  	s20 =	rddreg [dreg:$0xf];
	s19 =	simm.s32 $0x380  }
0x50: {  	[spmem:s2] =	stream.indirect.scatter.add.f32 [tilespmem:s20], [sflag:$0x1], $0x10, s19, s12, $0xb8;
	[tilespmem:$0xFE10] =	vst v63  }
0x51: {  	_ = 	snop  }
0x52: {  	[spmem:s3] =	stream.indirect.scatter.add.f32 [tilespmem:s10], [sflag:$0x1], $0x10, s19, s12, $0xb8;
	[tilespmem:$0xFE10] =	vst v63  }
0x53: {  	s21 =	rddreg [dreg:$0x10];
	s20 =	simm.s32 $0x400  }
0x54: {  	[spmem:s2] =	stream.indirect.scatter.add.f32 [tilespmem:s21], [sflag:$0x1], $0x10, s20, s12, $0xb8;
	[tilespmem:$0xFE10] =	vst v63  }
0x55: {  	_ = 	snop  }
0x56: {  	[spmem:s3] =	stream.indirect.scatter.add.f32 [tilespmem:s10], [sflag:$0x1], $0x10, s20, s12, $0xb8;
	[tilespmem:$0xFE10] =	vst v63  }
0x57: {  	s22 =	rddreg [dreg:$0x11];
	s21 =	simm.s32 $0x480  }
0x58: {  	[spmem:s2] =	stream.indirect.scatter.add.f32 [tilespmem:s22], [sflag:$0x1], $0x10, s21, s12, $0xb8;
	[tilespmem:$0xFE10] =	vst v63  }
0x59: {  	_ = 	snop  }
0x5a: {  	[spmem:s3] =	stream.indirect.scatter.add.f32 [tilespmem:s10], [sflag:$0x1], $0x10, s21, s12, $0xb8;
	[tilespmem:$0xFE10] =	vst v63  }
0x5b: {  	s23 =	rddreg [dreg:$0x12];
	s22 =	simm.s32 $0x500  }
0x5c: {  	[spmem:s2] =	stream.indirect.scatter.add.f32 [tilespmem:s23], [sflag:$0x1], $0x10, s22, s12, $0xb8;
	[tilespmem:$0xFE10] =	vst v63  }
0x5d: {  	_ = 	snop  }
0x5e: {  	[spmem:s3] =	stream.indirect.scatter.add.f32 [tilespmem:s10], [sflag:$0x1], $0x10, s22, s12, $0xb8;
	[tilespmem:$0xFE10] =	vst v63  }
0x5f: {  	s24 =	rddreg [dreg:$0x13];
	s23 =	simm.s32 $0x580  }
0x60: {  	[spmem:s2] =	stream.indirect.scatter.add.f32 [tilespmem:s24], [sflag:$0x1], $0x10, s23, s12, $0xb8;
	[tilespmem:$0xFE10] =	vst v63  }
0x61: {  	_ = 	snop  }
0x62: {  	[spmem:s3] =	stream.indirect.scatter.add.f32 [tilespmem:s10], [sflag:$0x1], $0x10, s23, s12, $0xb8;
	[tilespmem:$0xFE10] =	vst v63  }
0x63: {  	s25 =	rddreg [dreg:$0x14];
	s24 =	simm.s32 $0x600  }
0x64: {  	[spmem:s2] =	stream.indirect.scatter.add.f32 [tilespmem:s25], [sflag:$0x1], $0x10, s24, s12, $0xb8;
	[tilespmem:$0xFE10] =	vst v63  }
0x65: {  	_ = 	snop  }
0x66: {  	[spmem:s3] =	stream.indirect.scatter.add.f32 [tilespmem:s10], [sflag:$0x1], $0x10, s24, s12, $0xb8;
	[tilespmem:$0xFE10] =	vst v63  }
0x67: {  	s26 =	rddreg [dreg:$0x15];
	s25 =	simm.s32 $0x680  }
0x68: {  	[spmem:s2] =	stream.indirect.scatter.add.f32 [tilespmem:s26], [sflag:$0x1], $0x10, s25, s12, $0xb8;
	[tilespmem:$0xFE10] =	vst v63  }
0x69: {  	_ = 	snop  }
0x6a: {  	[spmem:s3] =	stream.indirect.scatter.add.f32 [tilespmem:s10], [sflag:$0x1], $0x10, s25, s12, $0xb8;
	[tilespmem:$0xFE10] =	vst v63  }
0x6b: {  	s1 =	rddreg [dreg:$0x16];
	s26 =	simm.s32 $0x700  }
0x6c: {  	[spmem:s2] =	stream.indirect.scatter.add.f32 [tilespmem:s1], [sflag:$0x1], $0x10, s26, s12, $0xb8;
	[tilespmem:$0xFE10] =	vst v63  }
0x6d: {  	_ = 	snop  }
0x6e: {  	[spmem:s3] =	stream.indirect.scatter.add.f32 [tilespmem:s10], [sflag:$0x1], $0x10, s26, s12, $0xb8;
	[tilespmem:$0xFE10] =	vst v63  }
0x6f: {  	s28 =	simm.s32 $0x780;
	s11 =	rddreg [dreg:$0x17]  }
0x70: {  	[spmem:s2] =	stream.indirect.scatter.add.f32 [tilespmem:s11], [sflag:$0x1], $0x10, s28, s12, $0xb8;
	[tilespmem:$0xFE10] =	vst v63  }
0x71: {  	_ = 	snop  }
0x72: {  	[spmem:s3] =	stream.indirect.scatter.add.f32 [tilespmem:s10], [sflag:$0x1], $0x10, s28, s12, $0xb8;
	[tilespmem:$0xFE10] =	vst v63  }
0x73: {  	s29 =	simm.s32 $0x800;
	s14 =	rddreg [dreg:$0x18]  }
0x74: {  	[spmem:s2] =	stream.indirect.scatter.add.f32 [tilespmem:s14], [sflag:$0x1], $0x10, s29, s12, $0xb8;
	[tilespmem:$0xFE10] =	vst v63  }
0x75: {  	_ = 	snop  }
0x76: {  	[spmem:s3] =	stream.indirect.scatter.add.f32 [tilespmem:s10], [sflag:$0x1], $0x10, s29, s12, $0xb8;
	[tilespmem:$0xFE10] =	vst v63  }
0x77: {  	s30 =	simm.s32 $0x880;
	s1 =	rddreg [dreg:$0x19]  }
0x78: {  	[spmem:s2] =	stream.indirect.scatter.add.f32 [tilespmem:s1], [sflag:$0x1], $0x10, s30, s12, $0xb8;
	[tilespmem:$0xFE10] =	vst v63  }
0x79: {  	_ = 	snop  }
0x7a: {  	[spmem:s3] =	stream.indirect.scatter.add.f32 [tilespmem:s10], [sflag:$0x1], $0x10, s30, s12, $0xb8;
	[tilespmem:$0xFE10] =	vst v63  }
0x7b: {  	s31 =	simm.s32 $0x900;
	s11 =	rddreg [dreg:$0x1a]  }
0x7c: {  	[spmem:s2] =	stream.indirect.scatter.add.f32 [tilespmem:s11], [sflag:$0x1], $0x10, s31, s12, $0xb8;
	[tilespmem:$0xFE10] =	vst v63  }
0x7d: {  	_ = 	snop  }
0x7e: {  	[spmem:s3] =	stream.indirect.scatter.add.f32 [tilespmem:s10], [sflag:$0x1], $0x10, s31, s12, $0xb8;
	[tilespmem:$0xFE10] =	vst v63  }
0x7f: {  	s14 =	rddreg [dreg:$0x1b];
	s1 =	simm.s32 $0x980  }
0x80: {  	[spmem:s2] =	stream.indirect.scatter.add.f32 [tilespmem:s14], [sflag:$0x1], $0x10, s1, s12, $0xb8;
	[tilespmem:$0xFE10] =	vst v63  }
0x81: {  	s0 =	simm.s32 $0x1  }
0x82: {  	[spmem:s3] =	stream.indirect.scatter.add.f32 [tilespmem:s10], [sflag:$0x1], $0x10, s1, s12, $0xb8;
	[tilespmem:$0xFE10] =	vst v63  }
0x83: {  	_ =	swait.ge [sflag:s0], $0x7D0  }
0x84: {  	[sflag:s0] =	ssyncset.done $0x0  }
0x85: {  	[sflag:s0] =	ssyncadd.s32 $0xFFFFF830  }
0x86: {  	_ =	swait.ge [sflag:s0], $0x7D0  }
0x87: {  	[sflag:s0] =	ssyncset.done $0x0  }
0x88: {  	[sflag:s0] =	ssyncadd.s32 $0xFFFFF830  }
0x89: {  	_ =	swait.ge [sflag:s0], $0x7D0  }
0x8a: {  	[sflag:s0] =	ssyncset.done $0x0  }
0x8b: {  	[sflag:s0] =	ssyncadd.s32 $0xFFFFF830  }
0x8c: {  	_ =	swait.ge [sflag:s0], $0x7D0  }
0x8d: {  	[sflag:s0] =	ssyncset.done $0x0  }
0x8e: {  	[sflag:s0] =	ssyncadd.s32 $0xFFFFF830  }
0x8f: {  	_ =	swait.ge [sflag:s0], $0x7D0  }
0x90: {  	[sflag:s0] =	ssyncset.done $0x0  }
0x91: {  	[sflag:s0] =	ssyncadd.s32 $0xFFFFF830  }
0x92: {  	_ =	swait.ge [sflag:s0], $0x7D0  }
0x93: {  	[sflag:s0] =	ssyncset.done $0x0  }
0x94: {  	[sflag:s0] =	ssyncadd.s32 $0xFFFFF830  }
0x95: {  	_ =	swait.ge [sflag:s0], $0x7D0  }
0x96: {  	[sflag:s0] =	ssyncset.done $0x0  }
0x97: {  	[sflag:s0] =	ssyncadd.s32 $0xFFFFF830  }
0x98: {  	_ =	swait.ge [sflag:s0], $0x7D0  }
0x99: {  	[sflag:s0] =	ssyncset.done $0x0  }
0x9a: {  	[sflag:s0] =	ssyncadd.s32 $0xFFFFF830  }
0x9b: {  	_ =	swait.ge [sflag:s0], $0x7D0  }
0x9c: {  	[sflag:s0] =	ssyncset.done $0x0  }
0x9d: {  	[sflag:s0] =	ssyncadd.s32 $0xFFFFF830  }
0x9e: {  	_ =	swait.ge [sflag:s0], $0x7D0  }
0x9f: {  	[sflag:s0] =	ssyncset.done $0x0  }
0xa0: {  	[sflag:s0] =	ssyncadd.s32 $0xFFFFF830  }
0xa1: {  	_ =	swait.ge [sflag:s0], $0x7D0  }
0xa2: {  	[sflag:s0] =	ssyncset.done $0x0  }
0xa3: {  	[sflag:s0] =	ssyncadd.s32 $0xFFFFF830  }
0xa4: {  	_ =	swait.ge [sflag:s0], $0x7D0  }
0xa5: {  	[sflag:s0] =	ssyncset.done $0x0  }
0xa6: {  	[sflag:s0] =	ssyncadd.s32 $0xFFFFF830  }
0xa7: {  	_ =	swait.ge [sflag:s0], $0x7D0  }
0xa8: {  	[sflag:s0] =	ssyncset.done $0x0  }
0xa9: {  	[sflag:s0] =	ssyncadd.s32 $0xFFFFF830  }
0xaa: {  	_ =	swait.ge [sflag:s0], $0x7D0  }
0xab: {  	[sflag:s0] =	ssyncset.done $0x0  }
0xac: {  	[sflag:s0] =	ssyncadd.s32 $0xFFFFF830  }
0xad: {  	_ =	swait.ge [sflag:s0], $0x7D0  }
0xae: {  	[sflag:s0] =	ssyncset.done $0x0  }
0xaf: {  	[sflag:s0] =	ssyncadd.s32 $0xFFFFF830  }
0xb0: {  	_ =	swait.ge [sflag:s0], $0x7D0  }
0xb1: {  	[sflag:s0] =	ssyncset.done $0x0  }
0xb2: {  	[sflag:s0] =	ssyncadd.s32 $0xFFFFF830  }
0xb3: {  	_ =	swait.ge [sflag:s0], $0x7D0  }
0xb4: {  	[sflag:s0] =	ssyncset.done $0x0  }
0xb5: {  	[sflag:s0] =	ssyncadd.s32 $0xFFFFF830  }
0xb6: {  	_ =	swait.ge [sflag:s0], $0x7D0  }
0xb7: {  	[sflag:s0] =	ssyncset.done $0x0  }
0xb8: {  	[sflag:s0] =	ssyncadd.s32 $0xFFFFF830  }
0xb9: {  	_ =	swait.ge [sflag:s0], $0x7D0  }
0xba: {  	[sflag:s0] =	ssyncset.done $0x0  }
0xbb: {  	[sflag:s0] =	ssyncadd.s32 $0xFFFFF830  }
0xbc: {  	_ =	swait.ge [sflag:s0], $0x7D0  }
0xbd: {  	[sflag:s0] =	ssyncset.done $0x0  }
0xbe: {  	[sflag:s0] =	ssyncadd.s32 $0xFFFFF830  }
0xbf: {  	_ =	swait.ge [sflag:s0], $0x7D0  }
0xc0: {  	[sflag:s0] =	ssyncset.done $0x0  }
0xc1: {  	[sflag:s0] =	ssyncadd.s32 $0xFFFFF830  }
0xc2: {  	_ =	swait.ge [sflag:s0], $0x7D0  }
0xc3: {  	[sflag:s0] =	ssyncset.done $0x0  }
0xc4: {  	[sflag:s0] =	ssyncadd.s32 $0xFFFFF830  }
0xc5: {  	_ =	swait.ge [sflag:s0], $0x7D0  }
0xc6: {  	[sflag:s0] =	ssyncset.done $0x0  }
0xc7: {  	[sflag:s0] =	ssyncadd.s32 $0xFFFFF830  }
0xc8: {  	_ =	swait.ge [sflag:s0], $0x7D0  }
0xc9: {  	[sflag:s0] =	ssyncset.done $0x0  }
0xca: {  	[sflag:s0] =	ssyncadd.s32 $0xFFFFF830  }
0xcb: {  	_ =	swait.ge [sflag:s0], $0x7D0  }
0xcc: {  	[sflag:s0] =	ssyncset.done $0x0  }
0xcd: {  	[sflag:s0] =	ssyncadd.s32 $0xFFFFF830  }
0xce: {  	_ =	swait.ge [sflag:s0], $0x7D0  }
0xcf: {  	[sflag:s0] =	ssyncset.done $0x0  }
0xd0: {  	[sflag:s0] =	ssyncadd.s32 $0xFFFFF830  }
0xd1: {  	_ =	swait.ge [sflag:s0], $0x7D0  }
0xd2: {  	[sflag:s0] =	ssyncset.done $0x0  }
0xd3: {  	[sflag:s0] =	ssyncadd.s32 $0xFFFFF830  }
0xd4: {  	_ =	swait.ge [sflag:s0], $0x7D0  }
0xd5: {  	[sflag:s0] =	ssyncset.done $0x0  }
0xd6: {  	[sflag:s0] =	ssyncadd.s32 $0xFFFFF830  }
0xd7: {  	_ =	swait.ge [sflag:s0], $0x7D0  }
0xd8: {  	[sflag:s0] =	ssyncset.done $0x0  }
0xd9: {  	[sflag:s0] =	ssyncadd.s32 $0xFFFFF830  }
0xda: {  	_ =	swait.ge [sflag:s0], $0x7D0  }
0xdb: {  	[sflag:s0] =	ssyncset.done $0x0  }
0xdc: {  	[sflag:s0] =	ssyncadd.s32 $0xFFFFF830  }
0xdd: {  	_ =	swait.ge [sflag:s0], $0x7D0  }
0xde: {  	[sflag:s0] =	ssyncset.done $0x0  }
0xdf: {  	[sflag:s0] =	ssyncadd.s32 $0xFFFFF830  }
0xe0: {  	_ =	swait.ge [sflag:s0], $0x7D0  }
0xe1: {  	[sflag:s0] =	ssyncset.done $0x0  }
0xe2: {  	[sflag:s0] =	ssyncadd.s32 $0xFFFFF830  }
0xe3: {  	_ =	swait.ge [sflag:s0], $0x7D0  }
0xe4: {  	[sflag:s0] =	ssyncset.done $0x0  }
0xe5: {  	[sflag:s0] =	ssyncadd.s32 $0xFFFFF830  }
0xe6: {  	_ =	swait.ge [sflag:s0], $0x7D0  }
0xe7: {  	[sflag:s0] =	ssyncset.done $0x0  }
0xe8: {  	[sflag:s0] =	ssyncadd.s32 $0xFFFFF830  }
0xe9: {  	_ =	swait.ge [sflag:s0], $0x7D0  }
0xea: {  	[sflag:s0] =	ssyncset.done $0x0  }
0xeb: {  	[sflag:s0] =	ssyncadd.s32 $0xFFFFF830  }
0xec: {  	_ =	swait.ge [sflag:s0], $0x7D0  }
0xed: {  	[sflag:s0] =	ssyncset.done $0x0  }
0xee: {  	[sflag:s0] =	ssyncadd.s32 $0xFFFFF830  }
0xef: {  	_ =	swait.ge [sflag:s0], $0x7D0  }
0xf0: {  	[sflag:s0] =	ssyncset.done $0x0  }
0xf1: {  	[sflag:s0] =	ssyncadd.s32 $0xFFFFF830  }
0xf2: {  	_ =	swait.ge [sflag:s0], $0x7D0  }
0xf3: {  	[sflag:s0] =	ssyncset.done $0x0  }
0xf4: {  	[sflag:s0] =	ssyncadd.s32 $0xFFFFF830  }
0xf5: {  	_ =	swait.ge [sflag:s0], $0x7D0  }
0xf6: {  	[sflag:s0] =	ssyncset.done $0x0  }
0xf7: {  	[sflag:s0] =	ssyncadd.s32 $0xFFFFF830  }
0xf8: {  	_ =	swait.ge [sflag:s0], $0x7D0  }
0xf9: {  	[sflag:s0] =	ssyncset.done $0x0  }
0xfa: {  	[sflag:s0] =	ssyncadd.s32 $0xFFFFF830  }
0xfb: {  	[bflag:$0x0] =	sbarrier.arrive $0xFFFF  }
0xfc: {  	s14 =	ssub.s32 $0x2, s13;
	s11 =	rddreg [dreg:$0x7]  }
0xfd: {  	[hbm:s11], [sflag:s6] =	dma.local [spmem:s8], $0x500  }
0xfe: {  	s11 =	sshrl.u32 s14, $0x1  }
0xff: {  	s11 =	ssub.s32 s14, s11  }
0x100: {  	s11 =	smax.u32 s11, $0x1  }
0x101: {  	_ =	swait.ge [sflag:s7], $0x500;
	p0 =	sne.s32 s11, $0x1  }
.Ltmp0:
0x102: {  	[sflag:s7] =	ssyncset.done $0x0;
	(pc) =	sbr.rel @!p0 .LBB2_2-.Ltmp0, $4  }
0x103: {  	s13 =	rddreg [dreg:$0x8];
	[sflag:s7] =	ssyncadd.s32 $0xFFFFFB00  }
0x104: {  	[hbm:s13], [sflag:s6] =	dma.local [spmem:s9], $0x500  }
0x105: {  	_ =	swait.ge [sflag:s7], $0x500  }
0x106: {  	s11 =	sadd.s32 $0xFFFFFFFF, s11;
	[sflag:s7] =	ssyncset.done $0x0  }
.LBB2_1:
0x107: {  	[sflag:s7] =	ssyncadd.s32 $0xFFFFFB00  }
0x108: {  	[spmem:s8], [sflag:s6] =	dma.local [hbm:s5], $0x500  }
0x109: {  	_ =	swait.ge [sflag:s7], $0x500  }
0x10a: {  	[sflag:s7] =	ssyncset.done $0x0  }
0x10b: {  	[sflag:s7] =	ssyncadd.s32 $0xFFFFFB00  }
0x10c: {  	[spmem:s9], [sflag:s6] =	dma.local [hbm:s5], $0x500  }
0x10d: {  	_ =	swait.ge [sflag:s7], $0x500  }
0x10e: {  	[sflag:s7] =	ssyncset.done $0x0  }
0x10f: {  	s13 =	rddreg [dreg:$0x4];
	[sflag:s7] =	ssyncadd.s32 $0xFFFFFB00  }
0x110: {  	[tilespmem:s10], [sflag:$0x2] =	stream.linear.gather [hbm4b:s13+s4], $0x7D0, $0x38;
	[tilespmem:$0xFE10] =	vst v63  }
0x111: {  	_ =	swait.ge [sflag:s7], $0x7D0  }
0x112: {  	[sflag:s7] =	ssyncset.done $0x0  }
0x113: {  	[sflag:s7] =	ssyncadd.s32 $0xFFFFF830  }
0x114: {  	[bflag:$0x0] =	sbarrier.arrive $0xFFFF  }
0x115: {  	s14 =	rddreg [dreg:$0x5]  }
0x116: {  	[tilespmem:s4], [sflag:$0x2] =	stream.linear.gather [hbm4b:s14+s4], $0xA00, $0x38;
	[tilespmem:$0xFE10] =	vst v63  }
0x117: {  	_ =	swait.ge [sflag:s7], $0xA00  }
0x118: {  	[sflag:s7] =	ssyncset.done $0x0  }
0x119: {  	s14 =	simm.s32 $0xA00;
	s13 =	rddreg [dreg:$0x6];
	[sflag:s7] =	ssyncadd.s32 $0xFFFFF600  }
0x11a: {  	[tilespmem:s14], [sflag:$0x2] =	stream.linear.gather [hbm4b:s13+s4], $0x9C40, $0x38;
	[tilespmem:$0xFE10] =	vst v63  }
0x11b: {  	_ =	swait.ge [sflag:s7], $0x9C40  }
0x11c: {  	[sflag:s7] =	ssyncset.done $0x0  }
0x11d: {  	[sflag:s7] =	ssyncadd.s32 $0xFFFF63C0  }
0x11e: {  	[spmem:s2] =	stream.indirect.scatter.add.f32 [tilespmem:s14], [sflag:$0x1], $0x10, s4, s12, $0xb8;
	[tilespmem:$0xFE10] =	vst v63  }
0x11f: {  	_ = 	snop  }
0x120: {  	[spmem:s3] =	stream.indirect.scatter.add.f32 [tilespmem:s10], [sflag:$0x1], $0x10, s4, s12, $0xb8;
	[tilespmem:$0xFE10] =	vst v63  }
0x121: {  	s13 =	rddreg [dreg:$0x9];
	s14 =	simm.s32 $0x80  }
0x122: {  	[spmem:s2] =	stream.indirect.scatter.add.f32 [tilespmem:s13], [sflag:$0x1], $0x10, s14, s12, $0xb8;
	[tilespmem:$0xFE10] =	vst v63  }
0x123: {  	_ = 	snop  }
0x124: {  	[spmem:s3] =	stream.indirect.scatter.add.f32 [tilespmem:s10], [sflag:$0x1], $0x10, s14, s12, $0xb8;
	[tilespmem:$0xFE10] =	vst v63  }
0x125: {  	s13 =	rddreg [dreg:$0xa];
	s14 =	simm.s32 $0x100  }
0x126: {  	[spmem:s2] =	stream.indirect.scatter.add.f32 [tilespmem:s13], [sflag:$0x1], $0x10, s14, s12, $0xb8;
	[tilespmem:$0xFE10] =	vst v63  }
0x127: {  	_ = 	snop  }
0x128: {  	[spmem:s3] =	stream.indirect.scatter.add.f32 [tilespmem:s10], [sflag:$0x1], $0x10, s14, s12, $0xb8;
	[tilespmem:$0xFE10] =	vst v63  }
0x129: {  	s13 =	rddreg [dreg:$0xb]  }
0x12a: {  	[spmem:s2] =	stream.indirect.scatter.add.f32 [tilespmem:s13], [sflag:$0x1], $0x10, s15, s12, $0xb8;
	[tilespmem:$0xFE10] =	vst v63  }
0x12b: {  	_ = 	snop  }
0x12c: {  	[spmem:s3] =	stream.indirect.scatter.add.f32 [tilespmem:s10], [sflag:$0x1], $0x10, s15, s12, $0xb8;
	[tilespmem:$0xFE10] =	vst v63  }
0x12d: {  	s14 =	rddreg [dreg:$0xc]  }
0x12e: {  	[spmem:s2] =	stream.indirect.scatter.add.f32 [tilespmem:s14], [sflag:$0x1], $0x10, s16, s12, $0xb8;
	[tilespmem:$0xFE10] =	vst v63  }
0x12f: {  	_ = 	snop  }
0x130: {  	[spmem:s3] =	stream.indirect.scatter.add.f32 [tilespmem:s10], [sflag:$0x1], $0x10, s16, s12, $0xb8;
	[tilespmem:$0xFE10] =	vst v63  }
0x131: {  	s14 =	rddreg [dreg:$0xd]  }
0x132: {  	[spmem:s2] =	stream.indirect.scatter.add.f32 [tilespmem:s14], [sflag:$0x1], $0x10, s17, s12, $0xb8;
	[tilespmem:$0xFE10] =	vst v63  }
0x133: {  	_ = 	snop  }
0x134: {  	[spmem:s3] =	stream.indirect.scatter.add.f32 [tilespmem:s10], [sflag:$0x1], $0x10, s17, s12, $0xb8;
	[tilespmem:$0xFE10] =	vst v63  }
0x135: {  	s14 =	rddreg [dreg:$0xe]  }
0x136: {  	[spmem:s2] =	stream.indirect.scatter.add.f32 [tilespmem:s14], [sflag:$0x1], $0x10, s18, s12, $0xb8;
	[tilespmem:$0xFE10] =	vst v63  }
0x137: {  	_ = 	snop  }
0x138: {  	[spmem:s3] =	stream.indirect.scatter.add.f32 [tilespmem:s10], [sflag:$0x1], $0x10, s18, s12, $0xb8;
	[tilespmem:$0xFE10] =	vst v63  }
0x139: {  	s14 =	rddreg [dreg:$0xf]  }
0x13a: {  	[spmem:s2] =	stream.indirect.scatter.add.f32 [tilespmem:s14], [sflag:$0x1], $0x10, s19, s12, $0xb8;
	[tilespmem:$0xFE10] =	vst v63  }
0x13b: {  	_ = 	snop  }
0x13c: {  	[spmem:s3] =	stream.indirect.scatter.add.f32 [tilespmem:s10], [sflag:$0x1], $0x10, s19, s12, $0xb8;
	[tilespmem:$0xFE10] =	vst v63  }
0x13d: {  	s14 =	rddreg [dreg:$0x10]  }
0x13e: {  	[spmem:s2] =	stream.indirect.scatter.add.f32 [tilespmem:s14], [sflag:$0x1], $0x10, s20, s12, $0xb8;
	[tilespmem:$0xFE10] =	vst v63  }
0x13f: {  	_ = 	snop  }
0x140: {  	[spmem:s3] =	stream.indirect.scatter.add.f32 [tilespmem:s10], [sflag:$0x1], $0x10, s20, s12, $0xb8;
	[tilespmem:$0xFE10] =	vst v63  }
0x141: {  	s14 =	rddreg [dreg:$0x11]  }
0x142: {  	[spmem:s2] =	stream.indirect.scatter.add.f32 [tilespmem:s14], [sflag:$0x1], $0x10, s21, s12, $0xb8;
	[tilespmem:$0xFE10] =	vst v63  }
0x143: {  	_ = 	snop  }
0x144: {  	[spmem:s3] =	stream.indirect.scatter.add.f32 [tilespmem:s10], [sflag:$0x1], $0x10, s21, s12, $0xb8;
	[tilespmem:$0xFE10] =	vst v63  }
0x145: {  	s14 =	rddreg [dreg:$0x12]  }
0x146: {  	[spmem:s2] =	stream.indirect.scatter.add.f32 [tilespmem:s14], [sflag:$0x1], $0x10, s22, s12, $0xb8;
	[tilespmem:$0xFE10] =	vst v63  }
0x147: {  	_ = 	snop  }
0x148: {  	[spmem:s3] =	stream.indirect.scatter.add.f32 [tilespmem:s10], [sflag:$0x1], $0x10, s22, s12, $0xb8;
	[tilespmem:$0xFE10] =	vst v63  }
0x149: {  	s14 =	rddreg [dreg:$0x13]  }
0x14a: {  	[spmem:s2] =	stream.indirect.scatter.add.f32 [tilespmem:s14], [sflag:$0x1], $0x10, s23, s12, $0xb8;
	[tilespmem:$0xFE10] =	vst v63  }
0x14b: {  	_ = 	snop  }
0x14c: {  	[spmem:s3] =	stream.indirect.scatter.add.f32 [tilespmem:s10], [sflag:$0x1], $0x10, s23, s12, $0xb8;
	[tilespmem:$0xFE10] =	vst v63  }
0x14d: {  	s14 =	rddreg [dreg:$0x14]  }
0x14e: {  	[spmem:s2] =	stream.indirect.scatter.add.f32 [tilespmem:s14], [sflag:$0x1], $0x10, s24, s12, $0xb8;
	[tilespmem:$0xFE10] =	vst v63  }
0x14f: {  	_ = 	snop  }
0x150: {  	[spmem:s3] =	stream.indirect.scatter.add.f32 [tilespmem:s10], [sflag:$0x1], $0x10, s24, s12, $0xb8;
	[tilespmem:$0xFE10] =	vst v63  }
0x151: {  	s14 =	rddreg [dreg:$0x15]  }
0x152: {  	[spmem:s2] =	stream.indirect.scatter.add.f32 [tilespmem:s14], [sflag:$0x1], $0x10, s25, s12, $0xb8;
	[tilespmem:$0xFE10] =	vst v63  }
0x153: {  	_ = 	snop  }
0x154: {  	[spmem:s3] =	stream.indirect.scatter.add.f32 [tilespmem:s10], [sflag:$0x1], $0x10, s25, s12, $0xb8;
	[tilespmem:$0xFE10] =	vst v63  }
0x155: {  	s14 =	rddreg [dreg:$0x16]  }
0x156: {  	[spmem:s2] =	stream.indirect.scatter.add.f32 [tilespmem:s14], [sflag:$0x1], $0x10, s26, s12, $0xb8;
	[tilespmem:$0xFE10] =	vst v63  }
0x157: {  	_ = 	snop  }
0x158: {  	[spmem:s3] =	stream.indirect.scatter.add.f32 [tilespmem:s10], [sflag:$0x1], $0x10, s26, s12, $0xb8;
	[tilespmem:$0xFE10] =	vst v63  }
0x159: {  	s14 =	rddreg [dreg:$0x17]  }
0x15a: {  	[spmem:s2] =	stream.indirect.scatter.add.f32 [tilespmem:s14], [sflag:$0x1], $0x10, s28, s12, $0xb8;
	[tilespmem:$0xFE10] =	vst v63  }
0x15b: {  	_ = 	snop  }
0x15c: {  	[spmem:s3] =	stream.indirect.scatter.add.f32 [tilespmem:s10], [sflag:$0x1], $0x10, s28, s12, $0xb8;
	[tilespmem:$0xFE10] =	vst v63  }
0x15d: {  	s14 =	rddreg [dreg:$0x18]  }
0x15e: {  	[spmem:s2] =	stream.indirect.scatter.add.f32 [tilespmem:s14], [sflag:$0x1], $0x10, s29, s12, $0xb8;
	[tilespmem:$0xFE10] =	vst v63  }
0x15f: {  	_ = 	snop  }
0x160: {  	[spmem:s3] =	stream.indirect.scatter.add.f32 [tilespmem:s10], [sflag:$0x1], $0x10, s29, s12, $0xb8;
	[tilespmem:$0xFE10] =	vst v63  }
0x161: {  	s14 =	rddreg [dreg:$0x19]  }
0x162: {  	[spmem:s2] =	stream.indirect.scatter.add.f32 [tilespmem:s14], [sflag:$0x1], $0x10, s30, s12, $0xb8;
	[tilespmem:$0xFE10] =	vst v63  }
0x163: {  	_ = 	snop  }
0x164: {  	[spmem:s3] =	stream.indirect.scatter.add.f32 [tilespmem:s10], [sflag:$0x1], $0x10, s30, s12, $0xb8;
	[tilespmem:$0xFE10] =	vst v63  }
0x165: {  	s14 =	rddreg [dreg:$0x1a]  }
0x166: {  	[spmem:s2] =	stream.indirect.scatter.add.f32 [tilespmem:s14], [sflag:$0x1], $0x10, s31, s12, $0xb8;
	[tilespmem:$0xFE10] =	vst v63  }
0x167: {  	_ = 	snop  }
0x168: {  	[spmem:s3] =	stream.indirect.scatter.add.f32 [tilespmem:s10], [sflag:$0x1], $0x10, s31, s12, $0xb8;
	[tilespmem:$0xFE10] =	vst v63  }
0x169: {  	s14 =	rddreg [dreg:$0x1b]  }
0x16a: {  	[spmem:s2] =	stream.indirect.scatter.add.f32 [tilespmem:s14], [sflag:$0x1], $0x10, s1, s12, $0xb8;
	[tilespmem:$0xFE10] =	vst v63  }
0x16b: {  	_ = 	snop  }
0x16c: {  	[spmem:s3] =	stream.indirect.scatter.add.f32 [tilespmem:s10], [sflag:$0x1], $0x10, s1, s12, $0xb8;
	[tilespmem:$0xFE10] =	vst v63  }
0x16d: {  	_ =	swait.ge [sflag:s0], $0x7D0  }
0x16e: {  	[sflag:s0] =	ssyncset.done $0x0  }
0x16f: {  	[sflag:s0] =	ssyncadd.s32 $0xFFFFF830  }
0x170: {  	_ =	swait.ge [sflag:s0], $0x7D0  }
0x171: {  	[sflag:s0] =	ssyncset.done $0x0  }
0x172: {  	[sflag:s0] =	ssyncadd.s32 $0xFFFFF830  }
0x173: {  	_ =	swait.ge [sflag:s0], $0x7D0  }
0x174: {  	[sflag:s0] =	ssyncset.done $0x0  }
0x175: {  	[sflag:s0] =	ssyncadd.s32 $0xFFFFF830  }
0x176: {  	_ =	swait.ge [sflag:s0], $0x7D0  }
0x177: {  	[sflag:s0] =	ssyncset.done $0x0  }
0x178: {  	[sflag:s0] =	ssyncadd.s32 $0xFFFFF830  }
0x179: {  	_ =	swait.ge [sflag:s0], $0x7D0  }
0x17a: {  	[sflag:s0] =	ssyncset.done $0x0  }
0x17b: {  	[sflag:s0] =	ssyncadd.s32 $0xFFFFF830  }
0x17c: {  	_ =	swait.ge [sflag:s0], $0x7D0  }
0x17d: {  	[sflag:s0] =	ssyncset.done $0x0  }
0x17e: {  	[sflag:s0] =	ssyncadd.s32 $0xFFFFF830  }
0x17f: {  	_ =	swait.ge [sflag:s0], $0x7D0  }
0x180: {  	[sflag:s0] =	ssyncset.done $0x0  }
0x181: {  	[sflag:s0] =	ssyncadd.s32 $0xFFFFF830  }
0x182: {  	_ =	swait.ge [sflag:s0], $0x7D0  }
0x183: {  	[sflag:s0] =	ssyncset.done $0x0  }
0x184: {  	[sflag:s0] =	ssyncadd.s32 $0xFFFFF830  }
0x185: {  	_ =	swait.ge [sflag:s0], $0x7D0  }
0x186: {  	[sflag:s0] =	ssyncset.done $0x0  }
0x187: {  	[sflag:s0] =	ssyncadd.s32 $0xFFFFF830  }
0x188: {  	_ =	swait.ge [sflag:s0], $0x7D0  }
0x189: {  	[sflag:s0] =	ssyncset.done $0x0  }
0x18a: {  	[sflag:s0] =	ssyncadd.s32 $0xFFFFF830  }
0x18b: {  	_ =	swait.ge [sflag:s0], $0x7D0  }
0x18c: {  	[sflag:s0] =	ssyncset.done $0x0  }
0x18d: {  	[sflag:s0] =	ssyncadd.s32 $0xFFFFF830  }
0x18e: {  	_ =	swait.ge [sflag:s0], $0x7D0  }
0x18f: {  	[sflag:s0] =	ssyncset.done $0x0  }
0x190: {  	[sflag:s0] =	ssyncadd.s32 $0xFFFFF830  }
0x191: {  	_ =	swait.ge [sflag:s0], $0x7D0  }
0x192: {  	[sflag:s0] =	ssyncset.done $0x0  }
0x193: {  	[sflag:s0] =	ssyncadd.s32 $0xFFFFF830  }
0x194: {  	_ =	swait.ge [sflag:s0], $0x7D0  }
0x195: {  	[sflag:s0] =	ssyncset.done $0x0  }
0x196: {  	[sflag:s0] =	ssyncadd.s32 $0xFFFFF830  }
0x197: {  	_ =	swait.ge [sflag:s0], $0x7D0  }
0x198: {  	[sflag:s0] =	ssyncset.done $0x0  }
0x199: {  	[sflag:s0] =	ssyncadd.s32 $0xFFFFF830  }
0x19a: {  	_ =	swait.ge [sflag:s0], $0x7D0  }
0x19b: {  	[sflag:s0] =	ssyncset.done $0x0  }
0x19c: {  	[sflag:s0] =	ssyncadd.s32 $0xFFFFF830  }
0x19d: {  	_ =	swait.ge [sflag:s0], $0x7D0  }
0x19e: {  	[sflag:s0] =	ssyncset.done $0x0  }
0x19f: {  	[sflag:s0] =	ssyncadd.s32 $0xFFFFF830  }
0x1a0: {  	_ =	swait.ge [sflag:s0], $0x7D0  }
0x1a1: {  	[sflag:s0] =	ssyncset.done $0x0  }
0x1a2: {  	[sflag:s0] =	ssyncadd.s32 $0xFFFFF830  }
0x1a3: {  	_ =	swait.ge [sflag:s0], $0x7D0  }
0x1a4: {  	[sflag:s0] =	ssyncset.done $0x0  }
0x1a5: {  	[sflag:s0] =	ssyncadd.s32 $0xFFFFF830  }
0x1a6: {  	_ =	swait.ge [sflag:s0], $0x7D0  }
0x1a7: {  	[sflag:s0] =	ssyncset.done $0x0  }
0x1a8: {  	[sflag:s0] =	ssyncadd.s32 $0xFFFFF830  }
0x1a9: {  	_ =	swait.ge [sflag:s0], $0x7D0  }
0x1aa: {  	[sflag:s0] =	ssyncset.done $0x0  }
0x1ab: {  	[sflag:s0] =	ssyncadd.s32 $0xFFFFF830  }
0x1ac: {  	_ =	swait.ge [sflag:s0], $0x7D0  }
0x1ad: {  	[sflag:s0] =	ssyncset.done $0x0  }
0x1ae: {  	[sflag:s0] =	ssyncadd.s32 $0xFFFFF830  }
0x1af: {  	_ =	swait.ge [sflag:s0], $0x7D0  }
0x1b0: {  	[sflag:s0] =	ssyncset.done $0x0  }
0x1b1: {  	[sflag:s0] =	ssyncadd.s32 $0xFFFFF830  }
0x1b2: {  	_ =	swait.ge [sflag:s0], $0x7D0  }
0x1b3: {  	[sflag:s0] =	ssyncset.done $0x0  }
0x1b4: {  	[sflag:s0] =	ssyncadd.s32 $0xFFFFF830  }
0x1b5: {  	_ =	swait.ge [sflag:s0], $0x7D0  }
0x1b6: {  	[sflag:s0] =	ssyncset.done $0x0  }
0x1b7: {  	[sflag:s0] =	ssyncadd.s32 $0xFFFFF830  }
0x1b8: {  	_ =	swait.ge [sflag:s0], $0x7D0  }
0x1b9: {  	[sflag:s0] =	ssyncset.done $0x0  }
0x1ba: {  	[sflag:s0] =	ssyncadd.s32 $0xFFFFF830  }
0x1bb: {  	_ =	swait.ge [sflag:s0], $0x7D0  }
0x1bc: {  	[sflag:s0] =	ssyncset.done $0x0  }
0x1bd: {  	[sflag:s0] =	ssyncadd.s32 $0xFFFFF830  }
0x1be: {  	_ =	swait.ge [sflag:s0], $0x7D0  }
0x1bf: {  	[sflag:s0] =	ssyncset.done $0x0  }
0x1c0: {  	[sflag:s0] =	ssyncadd.s32 $0xFFFFF830  }
0x1c1: {  	_ =	swait.ge [sflag:s0], $0x7D0  }
0x1c2: {  	[sflag:s0] =	ssyncset.done $0x0  }
0x1c3: {  	[sflag:s0] =	ssyncadd.s32 $0xFFFFF830  }
0x1c4: {  	_ =	swait.ge [sflag:s0], $0x7D0  }
0x1c5: {  	[sflag:s0] =	ssyncset.done $0x0  }
0x1c6: {  	[sflag:s0] =	ssyncadd.s32 $0xFFFFF830  }
0x1c7: {  	_ =	swait.ge [sflag:s0], $0x7D0  }
0x1c8: {  	[sflag:s0] =	ssyncset.done $0x0  }
0x1c9: {  	[sflag:s0] =	ssyncadd.s32 $0xFFFFF830  }
0x1ca: {  	_ =	swait.ge [sflag:s0], $0x7D0  }
0x1cb: {  	[sflag:s0] =	ssyncset.done $0x0  }
0x1cc: {  	[sflag:s0] =	ssyncadd.s32 $0xFFFFF830  }
0x1cd: {  	_ =	swait.ge [sflag:s0], $0x7D0  }
0x1ce: {  	[sflag:s0] =	ssyncset.done $0x0  }
0x1cf: {  	[sflag:s0] =	ssyncadd.s32 $0xFFFFF830  }
0x1d0: {  	_ =	swait.ge [sflag:s0], $0x7D0  }
0x1d1: {  	[sflag:s0] =	ssyncset.done $0x0  }
0x1d2: {  	[sflag:s0] =	ssyncadd.s32 $0xFFFFF830  }
0x1d3: {  	_ =	swait.ge [sflag:s0], $0x7D0  }
0x1d4: {  	[sflag:s0] =	ssyncset.done $0x0  }
0x1d5: {  	[sflag:s0] =	ssyncadd.s32 $0xFFFFF830  }
0x1d6: {  	_ =	swait.ge [sflag:s0], $0x7D0  }
0x1d7: {  	[sflag:s0] =	ssyncset.done $0x0  }
0x1d8: {  	[sflag:s0] =	ssyncadd.s32 $0xFFFFF830  }
0x1d9: {  	_ =	swait.ge [sflag:s0], $0x7D0  }
0x1da: {  	[sflag:s0] =	ssyncset.done $0x0  }
0x1db: {  	[sflag:s0] =	ssyncadd.s32 $0xFFFFF830  }
0x1dc: {  	_ =	swait.ge [sflag:s0], $0x7D0  }
0x1dd: {  	[sflag:s0] =	ssyncset.done $0x0  }
0x1de: {  	[sflag:s0] =	ssyncadd.s32 $0xFFFFF830  }
0x1df: {  	_ =	swait.ge [sflag:s0], $0x7D0  }
0x1e0: {  	[sflag:s0] =	ssyncset.done $0x0  }
0x1e1: {  	[sflag:s0] =	ssyncadd.s32 $0xFFFFF830  }
0x1e2: {  	_ =	swait.ge [sflag:s0], $0x7D0  }
0x1e3: {  	[sflag:s0] =	ssyncset.done $0x0  }
0x1e4: {  	[sflag:s0] =	ssyncadd.s32 $0xFFFFF830  }
0x1e5: {  	[bflag:$0x0] =	sbarrier.arrive $0xFFFF  }
0x1e6: {  	s14 =	rddreg [dreg:$0x7]  }
0x1e7: {  	[hbm:s14], [sflag:s6] =	dma.local [spmem:s8], $0x500  }
0x1e8: {  	p0 =	sne.s32 s11, $0x1;
	_ =	swait.ge [sflag:s7], $0x500  }
.Ltmp1:
0x1e9: {  	[sflag:s7] =	ssyncset.done $0x0;
	(pc) =	sbr.rel @p0 .LBB2_1-.Ltmp1, $4  }
0x1ea: {  	s14 =	rddreg [dreg:$0x8];
	[sflag:s7] =	ssyncadd.s32 $0xFFFFFB00  }
0x1eb: {  	[hbm:s14], [sflag:s6] =	dma.local [spmem:s9], $0x500  }
0x1ec: {  	_ =	swait.ge [sflag:s7], $0x500  }
0x1ed: {  	s11 =	sadd.s32 $0xFFFFFFFF, s11;
	[sflag:s7] =	ssyncset.done $0x0  }
.LBB2_2:
0x1ee: {  	[sflag:s7] =	ssyncadd.s32 $0xFFFFFB00  }
0x1ef: {  	_ =	sfence.sel $0x180000  }
0x1f0: {  	[bflag:$0x0] =	sbarrier.arrive $0xFFFF  }
0x1f1: {  	_ =	strace $0x9000004A  }
0x1f2: {  	s0 =	stileid.u32;
	[bflag:$0x2] =	sbarrier.arrive $0xFFFF  }
0x1f3: {  	p0 =	sne.s32 s0, $0x0;
	s0 =	rddreg [dreg:$0x3]  }
0x1f4: {  	s0 =	sadd.s32 @!p0 $0x100000, s0  }
0x1f5: {  	[sflag:s0] =	ssyncadd.tile.s32 @!p0 $0x1;
	_ =	shalt  }
.Lfunc_end2:
_tile_overlayer_lowered:
.L_overlay_start_2:
0x1f6: {  	(tag) =	ssettag $0x2  }
0x1f7: {  	s0 =	rddreg [dreg:$0x0];
	s2 =	stileid.u32  }
0x1f8: {  	s1 =	rddreg [dreg:$0x1];
	p0 =	sne.s32 s2, $0x0  }
0x1f9: {  	s3 =	rddreg [dreg:$0x2];
	[bflag:$0x3] =	sbarrier.arrive $0xFFFF;
	s2 =	simm.s32 @!p0 $0x1C02  }
0x1fa: {  	[timem:s3], [sflag:s2] =	dma.local @!p0 [hbm:s0], s1  }
0x1fb: {  	s0 =	simm.s32 @!p0 $0x2  }
0x1fc: {  	_ =	swait.ge @!p0 [sflag:s0], s1  }
0x1fd: {  	s1 =	ssub.s32 @!p0 $0x0, s1;
	[sflag:s0] =	ssyncset.done @!p0 $0x0  }
0x1fe: {  	[sflag:s0] =	ssyncadd.s32 @!p0 s1  }
0x1ff: {  	[bflag:$0x3] =	sbarrier.arrive $0xFFFF  }
0x200: {  	_ =	shalt  }

// kernel: kernel.20.cloned.1.call-start
scs
__scs_entry_jumppad:
0x0: {  	(pc) =	sbr.rel $0x88, $3  }
0x1: {  	(tag) =	ssettag $0x0;
	lr =	simm.s32 $0x1  }
0x2: {  	[smem:$0x3F94] =	sst lr;
	_ =	strace $0xD0000000  }
0x3: {  	_ = 	snop  }
0x4: {  	_ = 	snop  }
0x5: {  	_ = 	snop  }
0x6: {  	_ = 	snop  }
0x7: {  	_ = 	snop  }
__scs_overlays_trampoline_lowered:
0x8: {  	[smem:$0x3FA3] =	sst s0  }
0x9: {  	[smem:$0x3FA4] =	sst s1  }
0xa: {  	[smem:$0x3FA5] =	sst s2  }
0xb: {  	[smem:$0x3FA6] =	sst s3  }
0xc: {  	[smem:$0x3FA7] =	sst s4  }
0xd: {  	[smem:$0x3FA8] =	sst s5  }
0xe: {  	[smem:$0x3FA9] =	sst s6  }
0xf: {  	[smem:$0x3FAA] =	sst s7  }
0x10: {  	[smem:$0x3FAB] =	sst s8  }
0x11: {  	[smem:$0x3FAC] =	sst s9;
	s0 =	simm.s32 @!p0 $0x0  }
0x12: {  	s1 =	sld [smem:$0x3F92];
	s0 =	simm.s32 @p0 $0x1  }
0x13: {  	[smem:$0x3FAD] =	sst s0;
	s0 =	simm.s32 @!p1 $0x0  }
0x14: {  	s2 =	sld [smem:$0x3F91];
	s0 =	simm.s32 @p1 $0x1  }
0x15: {  	[smem:$0x3FAE] =	sst s0;
	s0 =	simm.s32 @!p2 $0x0  }
0x16: {  	s3 =	sld [smem:$0x3FDB];
	s0 =	simm.s32 @p2 $0x1  }
0x17: {  	s4 =	simm.s32 $0x1BF5;
	[smem:$0x3FB0] =	sst s0  }
0x18: {  	s0 =	sld [smem:$0x3F93];
	_ =	swait.ge [sflag:s4], $0x0  }
0x19: {  	s7 =	sld [smem:$0x3F94]  }
0x1a: {  	s8 =	sadd.s32 $0xFFFFE003, lr  }
0x1b: {  	s9 =	sadd.s32 $0xFFFFFEF7, lr;
	s5 =	simm.s32 $0xFFFFFFFF;
	p2 =	slt.u32 s8, $0xFFFFF086  }
0x1c: {  	p1 =	slt.u32 s9, $0xF7A;
	s5 =	simm.s32 @!p2 $0x0  }
0x1d: {  	s5 =	simm.s32 @p1 $0x1;
	p0 =	seq.s32 s7, s2  }
0x1e: {  	s7 =	smul.u32 @!p0 $0xF7A, s2;
	p2 =	seq.s32 @!p0 s5, $0x0  }
0x1f: {  	s9 =	smul.u32 $0xF7A, s1;
	s8 =	simm.s32 @!p0 $0x1BF5;
	p2 =	por !p2, p0  }
0x20: {  	[sflag:s8] =	ssyncset.s32 @!p0 $0xFFFFF086;
	s6 =	sadd.s32 @!p0 s3, s7;
	s7 =	simm.s32 @!p0 $0x108  }
0x21: {  	s3 =	sadd.s32 s3, s9;
	s6 =	sadd.s32 @!p0 $0x88, s6;
	s7 =	simm.s32 @p2 $0x1082  }
0x22: {  	[simem:s7], [sflag:s8] =	dma.local @!p0 [hbm:s6], $0xF7A  }
0x23: {  	s9 =	sor.u32 $0xD0000000, s2;
	s6 =	simm.s32 $0x108;
	_ =	swait.ge @!p0 [sflag:s8], $0x0  }
0x24: {  	s3 =	sadd.s32 $0x88, s3;
	s6 =	simm.s32 @!p1 $0x1082;
	[sflag:s4] =	ssyncset.s32 $0xFFFFF086  }
0x25: {  	[simem:s6], [sflag:s4] =	dma.local [hbm:s3], $0xF7A  }
0x26: {  	[smem:$0x3F94] =	sst s1;
	(tag) =	ssettag s2;
	_ =	strace s9  }
0x27: {  	s1 =	sld [smem:$0x3FA4]  }
0x28: {  	s2 =	sld [smem:$0x3FA5]  }
0x29: {  	s4 =	sld [smem:$0x3FA7]  }
0x2a: {  	p0 =	seq.s32 s5, $0x0;
	s5 =	sld [smem:$0x3FA8]  }
0x2b: {  	s6 =	sld [smem:$0x3FA9]  }
0x2c: {  	s7 =	sld [smem:$0x3FAA]  }
0x2d: {  	s3 =	simm.s32 $0x108;
	s8 =	sld [smem:$0x3FAB]  }
0x2e: {  	s3 =	simm.s32 @!p0 $0x1082;
	s9 =	sld [smem:$0x3FAC]  }
0x2f: {  	lr =	sadd.s32 s0, s3;
	s0 =	sld [smem:$0x3FA3]  }
0x30: {  	s3 =	sld [smem:$0x3FA6]  }
0x31: {  	[smem:$0x3FAF] =	sst s10  }
0x32: {  	s10 =	sld [smem:$0x3FAD];
	_ =	sdelay $0x3  }
0x33: {  	p0 =	seq.s32 s10, $0x1;
	s10 =	sld [smem:$0x3FAF];
	_ =	sdelay $0x3  }
0x34: {  	[smem:$0x3FAF] =	sst s10  }
0x35: {  	s10 =	sld [smem:$0x3FAE];
	_ =	sdelay $0x3  }
0x36: {  	p1 =	seq.s32 s10, $0x1;
	s10 =	sld [smem:$0x3FAF];
	_ =	sdelay $0x3  }
0x37: {  	[smem:$0x3FAF] =	sst s10  }
0x38: {  	s10 =	sld [smem:$0x3FB0]  }
0x39: {  	_ = 	snop;
	(pc) =	sbr.ind lr, $3  }
0x3a: {  	_ = 	snop  }
0x3b: {  	_ = 	snop  }
0x3c: {  	p2 =	seq.s32 s10, $0x1;
	s10 =	sld [smem:$0x3FAF]  }
0x3d: {  	_ =	shalt  }
0x3e: {  	_ =	shalt  }
0x3f: {  	_ =	shalt  }
0x40: {  	_ =	shalt  }
0x41: {  	_ =	shalt  }
0x42: {  	_ =	shalt  }
0x43: {  	_ =	shalt  }
0x44: {  	_ =	shalt  }
0x45: {  	_ =	shalt  }
0x46: {  	_ =	shalt  }
0x47: {  	_ =	shalt  }
0x48: {  	_ =	shalt  }
0x49: {  	_ =	shalt  }
0x4a: {  	_ =	shalt  }
0x4b: {  	_ =	shalt  }
0x4c: {  	_ =	shalt  }
0x4d: {  	_ =	shalt  }
0x4e: {  	_ =	shalt  }
0x4f: {  	_ =	shalt  }
0x50: {  	_ =	shalt  }
0x51: {  	_ =	shalt  }
0x52: {  	_ =	shalt  }
0x53: {  	_ =	shalt  }
0x54: {  	_ =	shalt  }
0x55: {  	_ =	shalt  }
0x56: {  	_ =	shalt  }
0x57: {  	_ =	shalt  }
0x58: {  	_ =	shalt  }
0x59: {  	_ =	shalt  }
0x5a: {  	_ =	shalt  }
0x5b: {  	_ =	shalt  }
0x5c: {  	_ =	shalt  }
0x5d: {  	_ =	shalt  }
0x5e: {  	_ =	shalt  }
0x5f: {  	_ =	shalt  }
0x60: {  	_ =	shalt  }
0x61: {  	_ =	shalt  }
0x62: {  	_ =	shalt  }
0x63: {  	_ =	shalt  }
0x64: {  	_ =	shalt  }
0x65: {  	_ =	shalt  }
0x66: {  	_ =	shalt  }
0x67: {  	_ =	shalt  }
0x68: {  	_ =	shalt  }
0x69: {  	_ =	shalt  }
0x6a: {  	_ =	shalt  }
0x6b: {  	_ =	shalt  }
0x6c: {  	_ =	shalt  }
0x6d: {  	_ =	shalt  }
0x6e: {  	_ =	shalt  }
0x6f: {  	_ =	shalt  }
0x70: {  	_ =	shalt  }
0x71: {  	_ =	shalt  }
0x72: {  	_ =	shalt  }
0x73: {  	_ =	shalt  }
0x74: {  	_ =	shalt  }
0x75: {  	_ =	shalt  }
0x76: {  	_ =	shalt  }
0x77: {  	_ =	shalt  }
0x78: {  	_ =	shalt  }
0x79: {  	_ =	shalt  }
0x7a: {  	_ =	shalt  }
0x7b: {  	_ =	shalt  }
0x7c: {  	_ =	shalt  }
0x7d: {  	_ =	shalt  }
0x7e: {  	_ =	shalt  }
0x7f: {  	_ =	shalt  }
0x80: {  	_ =	shalt  }
0x81: {  	_ =	shalt  }
0x82: {  	_ =	shalt  }
0x83: {  	_ =	shalt  }
0x84: {  	_ =	shalt  }
0x85: {  	_ =	shalt  }
0x86: {  	_ =	shalt  }
0x87: {  	_ =	shalt  }
.Lfunc_end0:
.L_simem_size_0:
called_computation.2_lowered:
.L_overlay_start_0:
0x88: {  	s2 =	sld [smem:$0x3FD9]  }
0x89: {  	s3 =	sld [smem:$0x3FFE];
	_ =	sdelay $0x1  }
0x8a: {  	s1 =	srdreg.scid  }
0x8b: {  	s0 =	sand.u32 $0x1, s1  }
0x8c: {  	s17 =	sshll.u32 s0, $0xA;
	s2 =	sadd.s32 s3, s2  }
0x8d: {  	s2 =	sadd.s32 s2, s17  }
0x8e: {  	[smem:$0x3FBB] =	sst s2  }
0x8f: {  	_ = 	snop  }
0x90: {  	(tm) =	ssettm $0x1  }
0x91: {  	s18 =	sld [smem:$0x3FFB];
	_ =	sdelay $0x3  }
0x92: {  	_ =	strace s18  }
0x93: {  	s2 =	sld [smem:$0x3FFC];
	_ =	sdelay $0x3  }
0x94: {  	_ =	strace s2  }
0x95: {  	s2 =	sld [smem:$0x3FFD];
	_ =	sdelay $0x3  }
0x96: {  	_ =	strace s2  }
0x97: {  	_ =	strace $0x8FFFFFFF  }
0x98: {  	s19 =	sld [smem:$0x3FDB];
	_ =	sdelay $0x1  }
0x99: {  	s20 =	simm.s32 $_scs_section_size  }
0x9a: {  	s4 =	simm.s32 $_size__tile_overlayer_lowered;
	s5 =	simm.s32 $_tile_overlayer_lowered  }
0x9b: {  	s6 =	simm.s32 $0x1BFF;
	s21 =	sshll.u32 s5, $0x1;
	s3 =	sadd.s32 s20, s19  }
0x9c: {  	s22 =	simm.s32 $0x0;
	s4 =	sshll.u32 s4, $0x1;
	s5 =	sadd.s32 s21, s3  }
0x9d: {  	[timem:s22], [sflag:s6] =	dma.local [hbm:s5], s4  }
0x9e: {  	_ =	swait.ge [sflag:s6], s4  }
0x9f: {  	s4 =	ssub.s32 $0x0, s4;
	[sflag:s6] =	ssyncset.done $0x0  }
0xa0: {  	[sflag:s6] =	ssyncadd.s32 s4;
	_ =	sdelay $0x1  }
0xa1: {  	s23 =	simm.s32 $0x1B8B  }
0xa2: {  	_ =	swait.ge [sflag:s23], $0x1  }
0xa3: {  	[sflag:s23] =	ssyncset.done $0x0  }
0xa4: {  	[sflag:s23] =	ssyncadd.s32 $0xFFFFFFFF  }
0xa5: {  	s4 =	sld [smem:$0x0]  }
0xa6: {  	s5 =	sand.u32 $0xFFFFFFFE, s1  }
0xa7: {  	p0 =	sne.s32 s1, s5  }
0xa8: {  	s5 =	sshll.u32 @p0 s5, $0xE  }
0xa9: {  	s5 =	sadd.s32 @p0 $0x11B8D, s5;
	s6 =	sshll.u32 @p0 s4, $0x11  }
0xaa: {  	s5 =	sor.u32 @p0 s6, s5  }
0xab: {  	[sflag:s5] =	ssyncadd.remote.s32 @p0 $0x1;
	_ =	sdelay $0x1  }
0xac: {  	s5 =	simm.s32 @p0 $0x1B8D  }
0xad: {  	_ =	swait.eq @p0 [sflag:s5], $0x1  }
0xae: {  	[sflag:s5] =	ssyncadd.s32 @p0 $0xFFFFFFFF  }
0xaf: {  	s6 =	sshll.u32 @!p0 s1, $0xE  }
0xb0: {  	s6 =	sor.u32 @!p0 $0x4000, s6;
	s5 =	simm.s32 @!p0 $0x1B8D  }
0xb1: {  	s4 =	sshll.u32 @!p0 s4, $0x11;
	s6 =	sadd.s32 @!p0 $0x11B8D, s6;
	_ =	swait.eq @!p0 [sflag:s5], $0x1  }
0xb2: {  	s4 =	sor.u32 @!p0 s4, s6;
	[sflag:s5] =	ssyncadd.s32 @!p0 $0xFFFFFFFF  }
0xb3: {  	s25 =	simm.s32 $0x1B8E;
	s24 =	sld [smem:$0x3FFE];
	[sflag:s4] =	ssyncadd.remote.s32 @!p0 $0x1  }
0xb4: {  	s26 =	simm.s32 $execute0_lowered;
	[smem:$0x3FD2] =	sst s25  }
0xb5: {  	s5 =	sshll.u32 s26, $0x1;
	_ =	strace $0x8000004C;
	[dreg:$0x1] =	wrdreg $0xFFFFFFFF  }
0xb6: {  	s28 =	simm.s32 $_size_execute0_lowered;
	s3 =	sadd.s32 s3, s5;
	[dreg:$0x0] =	wrdreg $0x0  }
0xb7: {  	s5 =	sshll.u32 s28, $0x1;
	[dreg:$0x2] =	wrdreg s3  }
0xb8: {  	[dreg:$0x3] =	wrdreg s5  }
0xb9: {  	[dreg:$0x4] =	wrdreg $0xC0  }
0xba: {  	_ =	task [dreg:s22], $0x5FFFF  }
0xbb: {  	[dreg:$0x1] =	wrdreg $0xFFFFFFFF  }
0xbc: {  	[dreg:$0x0] =	wrdreg $0x60  }
0xbd: {  	[dreg:$0x2] =	wrdreg s24  }
0xbe: {  	[dreg:$0x3] =	wrdreg $0xA6400  }
0xbf: {  	[dreg:$0x4] =	wrdreg $0xCE400  }
0xc0: {  	[dreg:$0x5] =	wrdreg $0xA  }
0xc1: {  	_ =	task.clear_ibuf [dreg:s22], $0x6FFFF;
	_ =	strace $0x9000004C  }
0xc2: {  	s29 =	simm.s32 $0xA;
	_ =	strace $0x8000004E  }
0xc3: {  	_ =	swait.ge [sflag:s29], $0x1  }
0xc4: {  	[sflag:s29] =	ssyncadd.s32 $0xFFFFFFFF  }
0xc5: {  	_ =	strace $0x9000004E  }
0xc6: {  	_ =	sfence  }
0xc7: {  	s30 =	sld [smem:$0x0];
	_ =	sdelay $0x2  }
0xc8: {  	s31 =	sshll.u32 s1, $0xD;
	s1 =	sshrl.u32 s1, $0x2  }
0xc9: {  	s4 =	sand.u32 $0x4000, s31;
	s1 =	sadd.s32 s1, s30  }
0xca: {  	s0 =	sor.u32 s4, s0;
	s1 =	sshll.u32 s1, $0x11  }
0xcb: {  	s0 =	sor.u32 s1, s0  }
0xcc: {  	s0 =	sadd.s32 $0x8F2B, s0  }
0xcd: {  	[sflag:s0] =	ssyncadd.remote.s32 $0x1  }
0xce: {  	_ =	sfence.sel $0xFFFF  }
0xcf: {  	[dreg:$0x0] =	wrdreg $0xFFFFFFFF;
	(pc) =	sbr.abs _section_cstart, $3  }
0xd0: {  	[dreg:$0x1] =	wrdreg $0xFFFFFFFF  }
0xd1: {  	_ =	task.clear_ibuf [dreg:s22], $0x2FFFF;
	_ =	strace $0x9FFFFFFF  }
0xd2: {  	(tm) =	ssettm $0x7FFFFFFF  }
0xd3: {  	_ =	shalt  }
tec
execute0_lowered:
.L_overlay_start_1:
0x0: {  	(tag) =	ssettag $0x1  }
0x1: {  	s1 =	rddreg [dreg:$0x0]  }
0x2: {  	s2 =	rddreg [dreg:$0x1]  }
0x3: {  	s3 =	rddreg [dreg:$0x2];
	s4 =	simm.s32 $0x0  }
0x4: {  	[smem:$0x7FF] =	sst s4;
	s8 =	sadd.s32 $0x88800, s1  }
0x5: {  	s20 =	simm.s32 $0x11D0;
	_ =	strace $0x8000004D;
	[dreg:$0x4] =	wrdreg s8  }
0x6: {  	s21 =	simm.s32 $0x19A0;
	[dreg:$0x9] =	wrdreg s20  }
0x7: {  	s22 =	simm.s32 $0x2170;
	[dreg:$0xa] =	wrdreg s21  }
0x8: {  	s23 =	simm.s32 $0x2940;
	[dreg:$0xb] =	wrdreg s22  }
0x9: {  	s24 =	simm.s32 $0x3110;
	[dreg:$0xc] =	wrdreg s23  }
0xa: {  	s25 =	simm.s32 $0x38E0;
	[dreg:$0xd] =	wrdreg s24  }
0xb: {  	s0 =	srdreg.scid;
	s26 =	simm.s32 $0x40B0;
	[dreg:$0xe] =	wrdreg s25  }
0xc: {  	s9 =	stileid.u32;
	s10 =	simm.s32 $0x5FF0;
	[dreg:$0xf] =	wrdreg s26  }
0xd: {  	s11 =	simm.s32 $0x67C0;
	s12 =	simm.s32 $0x6F90;
	[dreg:$0x13] =	wrdreg s10  }
0xe: {  	s15 =	simm.s32 $0x7760;
	s16 =	simm.s32 $0x7F30;
	[dreg:$0x14] =	wrdreg s11  }
0xf: {  	s13 =	sand.u32 $0x1, s0;
	s17 =	sshll.u32 s9, $0x1;
	[dreg:$0x15] =	wrdreg s12  }
0x10: {  	s0 =	sor.u32 s13, s17;
	s7 =	smul.u32 $0x28000, s13;
	[dreg:$0x16] =	wrdreg s15  }
0x11: {  	s8 =	simm.s32 $0x5820;
	[dreg:$0x17] =	wrdreg s16;
	s5 =	smul.u32 $0x1388, s0  }
0x12: {  	s21 =	simm.s32 $0x96A0;
	s6 =	smul.u32 $0x140, s0;
	[dreg:$0x12] =	wrdreg s8  }
0x13: {  	s22 =	simm.s32 $0x9E70;
	s0 =	smul.u32 $0x2800, s9;
	[dreg:$0x1a] =	wrdreg s21  }
0x14: {  	s20 =	sshll.u32 s9, $0x6;
	[dreg:$0x1b] =	wrdreg s22;
	s6 =	sadd.s32 s6, s1  }
0x15: {  	s5 =	sadd.s32 s5, s1;
	s7 =	sadd.s32 s0, s7;
	s6 =	sadd.s32 $0x9CA00, s6  }
0x16: {  	s7 =	sshrl.u32 s7, $0x3;
	s5 =	sadd.s32 $0xBC00, s5;
	[dreg:$0x5] =	wrdreg s6  }
0x17: {  	s7 =	sadd.s32 s7, s1;
	[dreg:$0x6] =	wrdreg s5;
	s6 =	simm.s32 $0x4880  }
0x18: {  	s14 =	sshrl.u32 s0, $0x3;
	s18 =	sadd.s32 $0x32E00, s7;
	[dreg:$0x10] =	wrdreg s6  }
0x19: {  	s17 =	sadd.s32 s0, s2;
	s19 =	sadd.s32 $0x3CE00, s7;
	[dreg:$0x7] =	wrdreg s18  }
0x1a: {  	s8 =	sshrl.u32 s17, $0x3;
	s7 =	simm.s32 $0x5050;
	[dreg:$0x8] =	wrdreg s19  }
0x1b: {  	s1 =	sadd.s32 s14, s1;
	[dreg:$0x11] =	wrdreg s7;
	s18 =	simm.s32 $0x8700  }
0x1c: {  	s5 =	sadd.s32 $0x83800, s1;
	s19 =	simm.s32 $0x8ED0;
	[dreg:$0x18] =	wrdreg s18  }
0x1d: {  	s6 =	sor.u32 $0x1C02, s20;
	s7 =	simm.s32 $0x2;
	[dreg:$0x19] =	wrdreg s19  }
0x1e: {  	[spmem:s8], [sflag:s6] =	dma.local [hbm:s5], $0x500  }
0x1f: {  	_ =	swait.ge [sflag:s7], $0x500  }
0x20: {  	s0 =	sadd.s32 s0, s3;
	[sflag:s7] =	ssyncset.done $0x0  }
0x21: {  	s9 =	sshrl.u32 s0, $0x3;
	[sflag:s7] =	ssyncadd.s32 $0xFFFFFB00  }
0x22: {  	[spmem:s9], [sflag:s6] =	dma.local [hbm:s5], $0x500  }
0x23: {  	_ =	swait.ge [sflag:s7], $0x500  }
0x24: {  	[sflag:s7] =	ssyncset.done $0x0  }
0x25: {  	s10 =	simm.s32 $0xF640;
	s23 =	rddreg [dreg:$0x4];
	[sflag:s7] =	ssyncadd.s32 $0xFFFFFB00  }
0x26: {  	[tilespmem:s10], [sflag:$0x2] =	stream.linear.gather [hbm4b:s23+s4], $0x7D0, $0x38;
	[tilespmem:$0xFE10] =	vst v63  }
0x27: {  	_ =	swait.ge [sflag:s7], $0x7D0  }
0x28: {  	[sflag:s7] =	ssyncset.done $0x0  }
0x29: {  	[sflag:s7] =	ssyncadd.s32 $0xFFFFF830  }
0x2a: {  	[bflag:$0x0] =	sbarrier.arrive $0xFFFF  }
0x2b: {  	s24 =	rddreg [dreg:$0x5]  }
0x2c: {  	[tilespmem:s4], [sflag:$0x2] =	stream.linear.gather [hbm4b:s24+s4], $0xA00, $0x38;
	[tilespmem:$0xFE10] =	vst v63  }
0x2d: {  	_ =	swait.ge [sflag:s7], $0xA00  }
0x2e: {  	[sflag:s7] =	ssyncset.done $0x0  }
0x2f: {  	s26 =	simm.s32 $0xA00;
	s25 =	rddreg [dreg:$0x6];
	[sflag:s7] =	ssyncadd.s32 $0xFFFFF600  }
0x30: {  	[tilespmem:s26], [sflag:$0x2] =	stream.linear.gather [hbm4b:s25+s4], $0x9C40, $0x38;
	[tilespmem:$0xFE10] =	vst v63  }
0x31: {  	_ =	swait.ge [sflag:s7], $0x9C40  }
0x32: {  	[sflag:s7] =	ssyncset.done $0x0  }
0x33: {  	s12 =	simm.s32 $0x7D;
	[sflag:s7] =	ssyncadd.s32 $0xFFFF63C0  }
0x34: {  	[spmem:s2] =	stream.indirect.scatter.add.f32 [tilespmem:s26], [sflag:$0x1], $0x10, s4, s12, $0xb8;
	[tilespmem:$0xFE10] =	vst v63  }
0x35: {  	_ = 	snop  }
0x36: {  	[spmem:s3] =	stream.indirect.scatter.add.f32 [tilespmem:s10], [sflag:$0x1], $0x10, s4, s12, $0xb8;
	[tilespmem:$0xFE10] =	vst v63  }
0x37: {  	s11 =	simm.s32 $0x80;
	s1 =	rddreg [dreg:$0x9]  }
0x38: {  	[spmem:s2] =	stream.indirect.scatter.add.f32 [tilespmem:s1], [sflag:$0x1], $0x10, s11, s12, $0xb8;
	[tilespmem:$0xFE10] =	vst v63  }
0x39: {  	_ = 	snop  }
0x3a: {  	[spmem:s3] =	stream.indirect.scatter.add.f32 [tilespmem:s10], [sflag:$0x1], $0x10, s11, s12, $0xb8;
	[tilespmem:$0xFE10] =	vst v63  }
0x3b: {  	s15 =	simm.s32 $0x100;
	s14 =	rddreg [dreg:$0xa]  }
0x3c: {  	[spmem:s2] =	stream.indirect.scatter.add.f32 [tilespmem:s14], [sflag:$0x1], $0x10, s15, s12, $0xb8;
	[tilespmem:$0xFE10] =	vst v63  }
0x3d: {  	_ = 	snop  }
0x3e: {  	[spmem:s3] =	stream.indirect.scatter.add.f32 [tilespmem:s10], [sflag:$0x1], $0x10, s15, s12, $0xb8;
	[tilespmem:$0xFE10] =	vst v63  }
0x3f: {  	s16 =	rddreg [dreg:$0xb];
	s15 =	simm.s32 $0x180  }
0x40: {  	[spmem:s2] =	stream.indirect.scatter.add.f32 [tilespmem:s16], [sflag:$0x1], $0x10, s15, s12, $0xb8;
	[tilespmem:$0xFE10] =	vst v63  }
0x41: {  	_ = 	snop  }
0x42: {  	[spmem:s3] =	stream.indirect.scatter.add.f32 [tilespmem:s10], [sflag:$0x1], $0x10, s15, s12, $0xb8;
	[tilespmem:$0xFE10] =	vst v63  }
0x43: {  	s17 =	rddreg [dreg:$0xc];
	s16 =	simm.s32 $0x200  }
0x44: {  	[spmem:s2] =	stream.indirect.scatter.add.f32 [tilespmem:s17], [sflag:$0x1], $0x10, s16, s12, $0xb8;
	[tilespmem:$0xFE10] =	vst v63  }
0x45: {  	_ = 	snop  }
0x46: {  	[spmem:s3] =	stream.indirect.scatter.add.f32 [tilespmem:s10], [sflag:$0x1], $0x10, s16, s12, $0xb8;
	[tilespmem:$0xFE10] =	vst v63  }
0x47: {  	s18 =	rddreg [dreg:$0xd];
	s17 =	simm.s32 $0x280  }
0x48: {  	[spmem:s2] =	stream.indirect.scatter.add.f32 [tilespmem:s18], [sflag:$0x1], $0x10, s17, s12, $0xb8;
	[tilespmem:$0xFE10] =	vst v63  }
0x49: {  	_ = 	snop  }
0x4a: {  	[spmem:s3] =	stream.indirect.scatter.add.f32 [tilespmem:s10], [sflag:$0x1], $0x10, s17, s12, $0xb8;
	[tilespmem:$0xFE10] =	vst v63  }
0x4b: {  	s19 =	rddreg [dreg:$0xe];
	s18 =	simm.s32 $0x300  }
0x4c: {  	[spmem:s2] =	stream.indirect.scatter.add.f32 [tilespmem:s19], [sflag:$0x1], $0x10, s18, s12, $0xb8;
	[tilespmem:$0xFE10] =	vst v63  }
0x4d: {  	_ = 	snop  }
0x4e: {  	[spmem:s3] =	stream.indirect.scatter.add.f32 [tilespmem:s10], [sflag:$0x1], $0x10, s18, s12, $0xb8;
	[tilespmem:$0xFE10] =	vst v63  }
0x4f: {  	s20 =	rddreg [dreg:$0xf];
	s19 =	simm.s32 $0x380  }
0x50: {  	[spmem:s2] =	stream.indirect.scatter.add.f32 [tilespmem:s20], [sflag:$0x1], $0x10, s19, s12, $0xb8;
	[tilespmem:$0xFE10] =	vst v63  }
0x51: {  	_ = 	snop  }
0x52: {  	[spmem:s3] =	stream.indirect.scatter.add.f32 [tilespmem:s10], [sflag:$0x1], $0x10, s19, s12, $0xb8;
	[tilespmem:$0xFE10] =	vst v63  }
0x53: {  	s21 =	rddreg [dreg:$0x10];
	s20 =	simm.s32 $0x400  }
0x54: {  	[spmem:s2] =	stream.indirect.scatter.add.f32 [tilespmem:s21], [sflag:$0x1], $0x10, s20, s12, $0xb8;
	[tilespmem:$0xFE10] =	vst v63  }
0x55: {  	_ = 	snop  }
0x56: {  	[spmem:s3] =	stream.indirect.scatter.add.f32 [tilespmem:s10], [sflag:$0x1], $0x10, s20, s12, $0xb8;
	[tilespmem:$0xFE10] =	vst v63  }
0x57: {  	s22 =	rddreg [dreg:$0x11];
	s21 =	simm.s32 $0x480  }
0x58: {  	[spmem:s2] =	stream.indirect.scatter.add.f32 [tilespmem:s22], [sflag:$0x1], $0x10, s21, s12, $0xb8;
	[tilespmem:$0xFE10] =	vst v63  }
0x59: {  	_ = 	snop  }
0x5a: {  	[spmem:s3] =	stream.indirect.scatter.add.f32 [tilespmem:s10], [sflag:$0x1], $0x10, s21, s12, $0xb8;
	[tilespmem:$0xFE10] =	vst v63  }
0x5b: {  	s23 =	rddreg [dreg:$0x12];
	s22 =	simm.s32 $0x500  }
0x5c: {  	[spmem:s2] =	stream.indirect.scatter.add.f32 [tilespmem:s23], [sflag:$0x1], $0x10, s22, s12, $0xb8;
	[tilespmem:$0xFE10] =	vst v63  }
0x5d: {  	_ = 	snop  }
0x5e: {  	[spmem:s3] =	stream.indirect.scatter.add.f32 [tilespmem:s10], [sflag:$0x1], $0x10, s22, s12, $0xb8;
	[tilespmem:$0xFE10] =	vst v63  }
0x5f: {  	s24 =	rddreg [dreg:$0x13];
	s23 =	simm.s32 $0x580  }
0x60: {  	[spmem:s2] =	stream.indirect.scatter.add.f32 [tilespmem:s24], [sflag:$0x1], $0x10, s23, s12, $0xb8;
	[tilespmem:$0xFE10] =	vst v63  }
0x61: {  	_ = 	snop  }
0x62: {  	[spmem:s3] =	stream.indirect.scatter.add.f32 [tilespmem:s10], [sflag:$0x1], $0x10, s23, s12, $0xb8;
	[tilespmem:$0xFE10] =	vst v63  }
0x63: {  	s25 =	rddreg [dreg:$0x14];
	s24 =	simm.s32 $0x600  }
0x64: {  	[spmem:s2] =	stream.indirect.scatter.add.f32 [tilespmem:s25], [sflag:$0x1], $0x10, s24, s12, $0xb8;
	[tilespmem:$0xFE10] =	vst v63  }
0x65: {  	_ = 	snop  }
0x66: {  	[spmem:s3] =	stream.indirect.scatter.add.f32 [tilespmem:s10], [sflag:$0x1], $0x10, s24, s12, $0xb8;
	[tilespmem:$0xFE10] =	vst v63  }
0x67: {  	s26 =	rddreg [dreg:$0x15];
	s25 =	simm.s32 $0x680  }
0x68: {  	[spmem:s2] =	stream.indirect.scatter.add.f32 [tilespmem:s26], [sflag:$0x1], $0x10, s25, s12, $0xb8;
	[tilespmem:$0xFE10] =	vst v63  }
0x69: {  	_ = 	snop  }
0x6a: {  	[spmem:s3] =	stream.indirect.scatter.add.f32 [tilespmem:s10], [sflag:$0x1], $0x10, s25, s12, $0xb8;
	[tilespmem:$0xFE10] =	vst v63  }
0x6b: {  	s1 =	rddreg [dreg:$0x16];
	s26 =	simm.s32 $0x700  }
0x6c: {  	[spmem:s2] =	stream.indirect.scatter.add.f32 [tilespmem:s1], [sflag:$0x1], $0x10, s26, s12, $0xb8;
	[tilespmem:$0xFE10] =	vst v63  }
0x6d: {  	_ = 	snop  }
0x6e: {  	[spmem:s3] =	stream.indirect.scatter.add.f32 [tilespmem:s10], [sflag:$0x1], $0x10, s26, s12, $0xb8;
	[tilespmem:$0xFE10] =	vst v63  }
0x6f: {  	s28 =	simm.s32 $0x780;
	s11 =	rddreg [dreg:$0x17]  }
0x70: {  	[spmem:s2] =	stream.indirect.scatter.add.f32 [tilespmem:s11], [sflag:$0x1], $0x10, s28, s12, $0xb8;
	[tilespmem:$0xFE10] =	vst v63  }
0x71: {  	_ = 	snop  }
0x72: {  	[spmem:s3] =	stream.indirect.scatter.add.f32 [tilespmem:s10], [sflag:$0x1], $0x10, s28, s12, $0xb8;
	[tilespmem:$0xFE10] =	vst v63  }
0x73: {  	s29 =	simm.s32 $0x800;
	s14 =	rddreg [dreg:$0x18]  }
0x74: {  	[spmem:s2] =	stream.indirect.scatter.add.f32 [tilespmem:s14], [sflag:$0x1], $0x10, s29, s12, $0xb8;
	[tilespmem:$0xFE10] =	vst v63  }
0x75: {  	_ = 	snop  }
0x76: {  	[spmem:s3] =	stream.indirect.scatter.add.f32 [tilespmem:s10], [sflag:$0x1], $0x10, s29, s12, $0xb8;
	[tilespmem:$0xFE10] =	vst v63  }
0x77: {  	s30 =	simm.s32 $0x880;
	s1 =	rddreg [dreg:$0x19]  }
0x78: {  	[spmem:s2] =	stream.indirect.scatter.add.f32 [tilespmem:s1], [sflag:$0x1], $0x10, s30, s12, $0xb8;
	[tilespmem:$0xFE10] =	vst v63  }
0x79: {  	_ = 	snop  }
0x7a: {  	[spmem:s3] =	stream.indirect.scatter.add.f32 [tilespmem:s10], [sflag:$0x1], $0x10, s30, s12, $0xb8;
	[tilespmem:$0xFE10] =	vst v63  }
0x7b: {  	s31 =	simm.s32 $0x900;
	s11 =	rddreg [dreg:$0x1a]  }
0x7c: {  	[spmem:s2] =	stream.indirect.scatter.add.f32 [tilespmem:s11], [sflag:$0x1], $0x10, s31, s12, $0xb8;
	[tilespmem:$0xFE10] =	vst v63  }
0x7d: {  	_ = 	snop  }
0x7e: {  	[spmem:s3] =	stream.indirect.scatter.add.f32 [tilespmem:s10], [sflag:$0x1], $0x10, s31, s12, $0xb8;
	[tilespmem:$0xFE10] =	vst v63  }
0x7f: {  	s14 =	rddreg [dreg:$0x1b];
	s1 =	simm.s32 $0x980  }
0x80: {  	[spmem:s2] =	stream.indirect.scatter.add.f32 [tilespmem:s14], [sflag:$0x1], $0x10, s1, s12, $0xb8;
	[tilespmem:$0xFE10] =	vst v63  }
0x81: {  	s0 =	simm.s32 $0x1  }
0x82: {  	[spmem:s3] =	stream.indirect.scatter.add.f32 [tilespmem:s10], [sflag:$0x1], $0x10, s1, s12, $0xb8;
	[tilespmem:$0xFE10] =	vst v63  }
0x83: {  	_ =	swait.ge [sflag:s0], $0x7D0  }
0x84: {  	[sflag:s0] =	ssyncset.done $0x0  }
0x85: {  	[sflag:s0] =	ssyncadd.s32 $0xFFFFF830  }
0x86: {  	_ =	swait.ge [sflag:s0], $0x7D0  }
0x87: {  	[sflag:s0] =	ssyncset.done $0x0  }
0x88: {  	[sflag:s0] =	ssyncadd.s32 $0xFFFFF830  }
0x89: {  	_ =	swait.ge [sflag:s0], $0x7D0  }
0x8a: {  	[sflag:s0] =	ssyncset.done $0x0  }
0x8b: {  	[sflag:s0] =	ssyncadd.s32 $0xFFFFF830  }
0x8c: {  	_ =	swait.ge [sflag:s0], $0x7D0  }
0x8d: {  	[sflag:s0] =	ssyncset.done $0x0  }
0x8e: {  	[sflag:s0] =	ssyncadd.s32 $0xFFFFF830  }
0x8f: {  	_ =	swait.ge [sflag:s0], $0x7D0  }
0x90: {  	[sflag:s0] =	ssyncset.done $0x0  }
0x91: {  	[sflag:s0] =	ssyncadd.s32 $0xFFFFF830  }
0x92: {  	_ =	swait.ge [sflag:s0], $0x7D0  }
0x93: {  	[sflag:s0] =	ssyncset.done $0x0  }
0x94: {  	[sflag:s0] =	ssyncadd.s32 $0xFFFFF830  }
0x95: {  	_ =	swait.ge [sflag:s0], $0x7D0  }
0x96: {  	[sflag:s0] =	ssyncset.done $0x0  }
0x97: {  	[sflag:s0] =	ssyncadd.s32 $0xFFFFF830  }
0x98: {  	_ =	swait.ge [sflag:s0], $0x7D0  }
0x99: {  	[sflag:s0] =	ssyncset.done $0x0  }
0x9a: {  	[sflag:s0] =	ssyncadd.s32 $0xFFFFF830  }
0x9b: {  	_ =	swait.ge [sflag:s0], $0x7D0  }
0x9c: {  	[sflag:s0] =	ssyncset.done $0x0  }
0x9d: {  	[sflag:s0] =	ssyncadd.s32 $0xFFFFF830  }
0x9e: {  	_ =	swait.ge [sflag:s0], $0x7D0  }
0x9f: {  	[sflag:s0] =	ssyncset.done $0x0  }
0xa0: {  	[sflag:s0] =	ssyncadd.s32 $0xFFFFF830  }
0xa1: {  	_ =	swait.ge [sflag:s0], $0x7D0  }
0xa2: {  	[sflag:s0] =	ssyncset.done $0x0  }
0xa3: {  	[sflag:s0] =	ssyncadd.s32 $0xFFFFF830  }
0xa4: {  	_ =	swait.ge [sflag:s0], $0x7D0  }
0xa5: {  	[sflag:s0] =	ssyncset.done $0x0  }
0xa6: {  	[sflag:s0] =	ssyncadd.s32 $0xFFFFF830  }
0xa7: {  	_ =	swait.ge [sflag:s0], $0x7D0  }
0xa8: {  	[sflag:s0] =	ssyncset.done $0x0  }
0xa9: {  	[sflag:s0] =	ssyncadd.s32 $0xFFFFF830  }
0xaa: {  	_ =	swait.ge [sflag:s0], $0x7D0  }
0xab: {  	[sflag:s0] =	ssyncset.done $0x0  }
0xac: {  	[sflag:s0] =	ssyncadd.s32 $0xFFFFF830  }
0xad: {  	_ =	swait.ge [sflag:s0], $0x7D0  }
0xae: {  	[sflag:s0] =	ssyncset.done $0x0  }
0xaf: {  	[sflag:s0] =	ssyncadd.s32 $0xFFFFF830  }
0xb0: {  	_ =	swait.ge [sflag:s0], $0x7D0  }
0xb1: {  	[sflag:s0] =	ssyncset.done $0x0  }
0xb2: {  	[sflag:s0] =	ssyncadd.s32 $0xFFFFF830  }
0xb3: {  	_ =	swait.ge [sflag:s0], $0x7D0  }
0xb4: {  	[sflag:s0] =	ssyncset.done $0x0  }
0xb5: {  	[sflag:s0] =	ssyncadd.s32 $0xFFFFF830  }
0xb6: {  	_ =	swait.ge [sflag:s0], $0x7D0  }
0xb7: {  	[sflag:s0] =	ssyncset.done $0x0  }
0xb8: {  	[sflag:s0] =	ssyncadd.s32 $0xFFFFF830  }
0xb9: {  	_ =	swait.ge [sflag:s0], $0x7D0  }
0xba: {  	[sflag:s0] =	ssyncset.done $0x0  }
0xbb: {  	[sflag:s0] =	ssyncadd.s32 $0xFFFFF830  }
0xbc: {  	_ =	swait.ge [sflag:s0], $0x7D0  }
0xbd: {  	[sflag:s0] =	ssyncset.done $0x0  }
0xbe: {  	[sflag:s0] =	ssyncadd.s32 $0xFFFFF830  }
0xbf: {  	_ =	swait.ge [sflag:s0], $0x7D0  }
0xc0: {  	[sflag:s0] =	ssyncset.done $0x0  }
0xc1: {  	[sflag:s0] =	ssyncadd.s32 $0xFFFFF830  }
0xc2: {  	_ =	swait.ge [sflag:s0], $0x7D0  }
0xc3: {  	[sflag:s0] =	ssyncset.done $0x0  }
0xc4: {  	[sflag:s0] =	ssyncadd.s32 $0xFFFFF830  }
0xc5: {  	_ =	swait.ge [sflag:s0], $0x7D0  }
0xc6: {  	[sflag:s0] =	ssyncset.done $0x0  }
0xc7: {  	[sflag:s0] =	ssyncadd.s32 $0xFFFFF830  }
0xc8: {  	_ =	swait.ge [sflag:s0], $0x7D0  }
0xc9: {  	[sflag:s0] =	ssyncset.done $0x0  }
0xca: {  	[sflag:s0] =	ssyncadd.s32 $0xFFFFF830  }
0xcb: {  	_ =	swait.ge [sflag:s0], $0x7D0  }
0xcc: {  	[sflag:s0] =	ssyncset.done $0x0  }
0xcd: {  	[sflag:s0] =	ssyncadd.s32 $0xFFFFF830  }
0xce: {  	_ =	swait.ge [sflag:s0], $0x7D0  }
0xcf: {  	[sflag:s0] =	ssyncset.done $0x0  }
0xd0: {  	[sflag:s0] =	ssyncadd.s32 $0xFFFFF830  }
0xd1: {  	_ =	swait.ge [sflag:s0], $0x7D0  }
0xd2: {  	[sflag:s0] =	ssyncset.done $0x0  }
0xd3: {  	[sflag:s0] =	ssyncadd.s32 $0xFFFFF830  }
0xd4: {  	_ =	swait.ge [sflag:s0], $0x7D0  }
0xd5: {  	[sflag:s0] =	ssyncset.done $0x0  }
0xd6: {  	[sflag:s0] =	ssyncadd.s32 $0xFFFFF830  }
0xd7: {  	_ =	swait.ge [sflag:s0], $0x7D0  }
0xd8: {  	[sflag:s0] =	ssyncset.done $0x0  }
0xd9: {  	[sflag:s0] =	ssyncadd.s32 $0xFFFFF830  }
0xda: {  	_ =	swait.ge [sflag:s0], $0x7D0  }
0xdb: {  	[sflag:s0] =	ssyncset.done $0x0  }
0xdc: {  	[sflag:s0] =	ssyncadd.s32 $0xFFFFF830  }
0xdd: {  	_ =	swait.ge [sflag:s0], $0x7D0  }
0xde: {  	[sflag:s0] =	ssyncset.done $0x0  }
0xdf: {  	[sflag:s0] =	ssyncadd.s32 $0xFFFFF830  }
0xe0: {  	_ =	swait.ge [sflag:s0], $0x7D0  }
0xe1: {  	[sflag:s0] =	ssyncset.done $0x0  }
0xe2: {  	[sflag:s0] =	ssyncadd.s32 $0xFFFFF830  }
0xe3: {  	_ =	swait.ge [sflag:s0], $0x7D0  }
0xe4: {  	[sflag:s0] =	ssyncset.done $0x0  }
0xe5: {  	[sflag:s0] =	ssyncadd.s32 $0xFFFFF830  }
0xe6: {  	_ =	swait.ge [sflag:s0], $0x7D0  }
0xe7: {  	[sflag:s0] =	ssyncset.done $0x0  }
0xe8: {  	[sflag:s0] =	ssyncadd.s32 $0xFFFFF830  }
0xe9: {  	_ =	swait.ge [sflag:s0], $0x7D0  }
0xea: {  	[sflag:s0] =	ssyncset.done $0x0  }
0xeb: {  	[sflag:s0] =	ssyncadd.s32 $0xFFFFF830  }
0xec: {  	_ =	swait.ge [sflag:s0], $0x7D0  }
0xed: {  	[sflag:s0] =	ssyncset.done $0x0  }
0xee: {  	[sflag:s0] =	ssyncadd.s32 $0xFFFFF830  }
0xef: {  	_ =	swait.ge [sflag:s0], $0x7D0  }
0xf0: {  	[sflag:s0] =	ssyncset.done $0x0  }
0xf1: {  	[sflag:s0] =	ssyncadd.s32 $0xFFFFF830  }
0xf2: {  	_ =	swait.ge [sflag:s0], $0x7D0  }
0xf3: {  	[sflag:s0] =	ssyncset.done $0x0  }
0xf4: {  	[sflag:s0] =	ssyncadd.s32 $0xFFFFF830  }
0xf5: {  	_ =	swait.ge [sflag:s0], $0x7D0  }
0xf6: {  	[sflag:s0] =	ssyncset.done $0x0  }
0xf7: {  	[sflag:s0] =	ssyncadd.s32 $0xFFFFF830  }
0xf8: {  	_ =	swait.ge [sflag:s0], $0x7D0  }
0xf9: {  	[sflag:s0] =	ssyncset.done $0x0  }
0xfa: {  	[sflag:s0] =	ssyncadd.s32 $0xFFFFF830  }
0xfb: {  	[bflag:$0x0] =	sbarrier.arrive $0xFFFF  }
0xfc: {  	s14 =	ssub.s32 $0x2, s13;
	s11 =	rddreg [dreg:$0x7]  }
0xfd: {  	[hbm:s11], [sflag:s6] =	dma.local [spmem:s8], $0x500  }
0xfe: {  	s11 =	sshrl.u32 s14, $0x1  }
0xff: {  	s11 =	ssub.s32 s14, s11  }
0x100: {  	s11 =	smax.u32 s11, $0x1  }
0x101: {  	_ =	swait.ge [sflag:s7], $0x500;
	p0 =	sne.s32 s11, $0x1  }
.Ltmp0:
0x102: {  	[sflag:s7] =	ssyncset.done $0x0;
	(pc) =	sbr.rel @!p0 .LBB2_2-.Ltmp0, $4  }
0x103: {  	s13 =	rddreg [dreg:$0x8];
	[sflag:s7] =	ssyncadd.s32 $0xFFFFFB00  }
0x104: {  	[hbm:s13], [sflag:s6] =	dma.local [spmem:s9], $0x500  }
0x105: {  	_ =	swait.ge [sflag:s7], $0x500  }
0x106: {  	s11 =	sadd.s32 $0xFFFFFFFF, s11;
	[sflag:s7] =	ssyncset.done $0x0  }
.LBB2_1:
0x107: {  	[sflag:s7] =	ssyncadd.s32 $0xFFFFFB00  }
0x108: {  	[spmem:s8], [sflag:s6] =	dma.local [hbm:s5], $0x500  }
0x109: {  	_ =	swait.ge [sflag:s7], $0x500  }
0x10a: {  	[sflag:s7] =	ssyncset.done $0x0  }
0x10b: {  	[sflag:s7] =	ssyncadd.s32 $0xFFFFFB00  }
0x10c: {  	[spmem:s9], [sflag:s6] =	dma.local [hbm:s5], $0x500  }
0x10d: {  	_ =	swait.ge [sflag:s7], $0x500  }
0x10e: {  	[sflag:s7] =	ssyncset.done $0x0  }
0x10f: {  	s13 =	rddreg [dreg:$0x4];
	[sflag:s7] =	ssyncadd.s32 $0xFFFFFB00  }
0x110: {  	[tilespmem:s10], [sflag:$0x2] =	stream.linear.gather [hbm4b:s13+s4], $0x7D0, $0x38;
	[tilespmem:$0xFE10] =	vst v63  }
0x111: {  	_ =	swait.ge [sflag:s7], $0x7D0  }
0x112: {  	[sflag:s7] =	ssyncset.done $0x0  }
0x113: {  	[sflag:s7] =	ssyncadd.s32 $0xFFFFF830  }
0x114: {  	[bflag:$0x0] =	sbarrier.arrive $0xFFFF  }
0x115: {  	s14 =	rddreg [dreg:$0x5]  }
0x116: {  	[tilespmem:s4], [sflag:$0x2] =	stream.linear.gather [hbm4b:s14+s4], $0xA00, $0x38;
	[tilespmem:$0xFE10] =	vst v63  }
0x117: {  	_ =	swait.ge [sflag:s7], $0xA00  }
0x118: {  	[sflag:s7] =	ssyncset.done $0x0  }
0x119: {  	s14 =	simm.s32 $0xA00;
	s13 =	rddreg [dreg:$0x6];
	[sflag:s7] =	ssyncadd.s32 $0xFFFFF600  }
0x11a: {  	[tilespmem:s14], [sflag:$0x2] =	stream.linear.gather [hbm4b:s13+s4], $0x9C40, $0x38;
	[tilespmem:$0xFE10] =	vst v63  }
0x11b: {  	_ =	swait.ge [sflag:s7], $0x9C40  }
0x11c: {  	[sflag:s7] =	ssyncset.done $0x0  }
0x11d: {  	[sflag:s7] =	ssyncadd.s32 $0xFFFF63C0  }
0x11e: {  	[spmem:s2] =	stream.indirect.scatter.add.f32 [tilespmem:s14], [sflag:$0x1], $0x10, s4, s12, $0xb8;
	[tilespmem:$0xFE10] =	vst v63  }
0x11f: {  	_ = 	snop  }
0x120: {  	[spmem:s3] =	stream.indirect.scatter.add.f32 [tilespmem:s10], [sflag:$0x1], $0x10, s4, s12, $0xb8;
	[tilespmem:$0xFE10] =	vst v63  }
0x121: {  	s13 =	rddreg [dreg:$0x9];
	s14 =	simm.s32 $0x80  }
0x122: {  	[spmem:s2] =	stream.indirect.scatter.add.f32 [tilespmem:s13], [sflag:$0x1], $0x10, s14, s12, $0xb8;
	[tilespmem:$0xFE10] =	vst v63  }
0x123: {  	_ = 	snop  }
0x124: {  	[spmem:s3] =	stream.indirect.scatter.add.f32 [tilespmem:s10], [sflag:$0x1], $0x10, s14, s12, $0xb8;
	[tilespmem:$0xFE10] =	vst v63  }
0x125: {  	s13 =	rddreg [dreg:$0xa];
	s14 =	simm.s32 $0x100  }
0x126: {  	[spmem:s2] =	stream.indirect.scatter.add.f32 [tilespmem:s13], [sflag:$0x1], $0x10, s14, s12, $0xb8;
	[tilespmem:$0xFE10] =	vst v63  }
0x127: {  	_ = 	snop  }
0x128: {  	[spmem:s3] =	stream.indirect.scatter.add.f32 [tilespmem:s10], [sflag:$0x1], $0x10, s14, s12, $0xb8;
	[tilespmem:$0xFE10] =	vst v63  }
0x129: {  	s13 =	rddreg [dreg:$0xb]  }
0x12a: {  	[spmem:s2] =	stream.indirect.scatter.add.f32 [tilespmem:s13], [sflag:$0x1], $0x10, s15, s12, $0xb8;
	[tilespmem:$0xFE10] =	vst v63  }
0x12b: {  	_ = 	snop  }
0x12c: {  	[spmem:s3] =	stream.indirect.scatter.add.f32 [tilespmem:s10], [sflag:$0x1], $0x10, s15, s12, $0xb8;
	[tilespmem:$0xFE10] =	vst v63  }
0x12d: {  	s14 =	rddreg [dreg:$0xc]  }
0x12e: {  	[spmem:s2] =	stream.indirect.scatter.add.f32 [tilespmem:s14], [sflag:$0x1], $0x10, s16, s12, $0xb8;
	[tilespmem:$0xFE10] =	vst v63  }
0x12f: {  	_ = 	snop  }
0x130: {  	[spmem:s3] =	stream.indirect.scatter.add.f32 [tilespmem:s10], [sflag:$0x1], $0x10, s16, s12, $0xb8;
	[tilespmem:$0xFE10] =	vst v63  }
0x131: {  	s14 =	rddreg [dreg:$0xd]  }
0x132: {  	[spmem:s2] =	stream.indirect.scatter.add.f32 [tilespmem:s14], [sflag:$0x1], $0x10, s17, s12, $0xb8;
	[tilespmem:$0xFE10] =	vst v63  }
0x133: {  	_ = 	snop  }
0x134: {  	[spmem:s3] =	stream.indirect.scatter.add.f32 [tilespmem:s10], [sflag:$0x1], $0x10, s17, s12, $0xb8;
	[tilespmem:$0xFE10] =	vst v63  }
0x135: {  	s14 =	rddreg [dreg:$0xe]  }
0x136: {  	[spmem:s2] =	stream.indirect.scatter.add.f32 [tilespmem:s14], [sflag:$0x1], $0x10, s18, s12, $0xb8;
	[tilespmem:$0xFE10] =	vst v63  }
0x137: {  	_ = 	snop  }
0x138: {  	[spmem:s3] =	stream.indirect.scatter.add.f32 [tilespmem:s10], [sflag:$0x1], $0x10, s18, s12, $0xb8;
	[tilespmem:$0xFE10] =	vst v63  }
0x139: {  	s14 =	rddreg [dreg:$0xf]  }
0x13a: {  	[spmem:s2] =	stream.indirect.scatter.add.f32 [tilespmem:s14], [sflag:$0x1], $0x10, s19, s12, $0xb8;
	[tilespmem:$0xFE10] =	vst v63  }
0x13b: {  	_ = 	snop  }
0x13c: {  	[spmem:s3] =	stream.indirect.scatter.add.f32 [tilespmem:s10], [sflag:$0x1], $0x10, s19, s12, $0xb8;
	[tilespmem:$0xFE10] =	vst v63  }
0x13d: {  	s14 =	rddreg [dreg:$0x10]  }
0x13e: {  	[spmem:s2] =	stream.indirect.scatter.add.f32 [tilespmem:s14], [sflag:$0x1], $0x10, s20, s12, $0xb8;
	[tilespmem:$0xFE10] =	vst v63  }
0x13f: {  	_ = 	snop  }
0x140: {  	[spmem:s3] =	stream.indirect.scatter.add.f32 [tilespmem:s10], [sflag:$0x1], $0x10, s20, s12, $0xb8;
	[tilespmem:$0xFE10] =	vst v63  }
0x141: {  	s14 =	rddreg [dreg:$0x11]  }
0x142: {  	[spmem:s2] =	stream.indirect.scatter.add.f32 [tilespmem:s14], [sflag:$0x1], $0x10, s21, s12, $0xb8;
	[tilespmem:$0xFE10] =	vst v63  }
0x143: {  	_ = 	snop  }
0x144: {  	[spmem:s3] =	stream.indirect.scatter.add.f32 [tilespmem:s10], [sflag:$0x1], $0x10, s21, s12, $0xb8;
	[tilespmem:$0xFE10] =	vst v63  }
0x145: {  	s14 =	rddreg [dreg:$0x12]  }
0x146: {  	[spmem:s2] =	stream.indirect.scatter.add.f32 [tilespmem:s14], [sflag:$0x1], $0x10, s22, s12, $0xb8;
	[tilespmem:$0xFE10] =	vst v63  }
0x147: {  	_ = 	snop  }
0x148: {  	[spmem:s3] =	stream.indirect.scatter.add.f32 [tilespmem:s10], [sflag:$0x1], $0x10, s22, s12, $0xb8;
	[tilespmem:$0xFE10] =	vst v63  }
0x149: {  	s14 =	rddreg [dreg:$0x13]  }
0x14a: {  	[spmem:s2] =	stream.indirect.scatter.add.f32 [tilespmem:s14], [sflag:$0x1], $0x10, s23, s12, $0xb8;
	[tilespmem:$0xFE10] =	vst v63  }
0x14b: {  	_ = 	snop  }
0x14c: {  	[spmem:s3] =	stream.indirect.scatter.add.f32 [tilespmem:s10], [sflag:$0x1], $0x10, s23, s12, $0xb8;
	[tilespmem:$0xFE10] =	vst v63  }
0x14d: {  	s14 =	rddreg [dreg:$0x14]  }
0x14e: {  	[spmem:s2] =	stream.indirect.scatter.add.f32 [tilespmem:s14], [sflag:$0x1], $0x10, s24, s12, $0xb8;
	[tilespmem:$0xFE10] =	vst v63  }
0x14f: {  	_ = 	snop  }
0x150: {  	[spmem:s3] =	stream.indirect.scatter.add.f32 [tilespmem:s10], [sflag:$0x1], $0x10, s24, s12, $0xb8;
	[tilespmem:$0xFE10] =	vst v63  }
0x151: {  	s14 =	rddreg [dreg:$0x15]  }
0x152: {  	[spmem:s2] =	stream.indirect.scatter.add.f32 [tilespmem:s14], [sflag:$0x1], $0x10, s25, s12, $0xb8;
	[tilespmem:$0xFE10] =	vst v63  }
0x153: {  	_ = 	snop  }
0x154: {  	[spmem:s3] =	stream.indirect.scatter.add.f32 [tilespmem:s10], [sflag:$0x1], $0x10, s25, s12, $0xb8;
	[tilespmem:$0xFE10] =	vst v63  }
0x155: {  	s14 =	rddreg [dreg:$0x16]  }
0x156: {  	[spmem:s2] =	stream.indirect.scatter.add.f32 [tilespmem:s14], [sflag:$0x1], $0x10, s26, s12, $0xb8;
	[tilespmem:$0xFE10] =	vst v63  }
0x157: {  	_ = 	snop  }
0x158: {  	[spmem:s3] =	stream.indirect.scatter.add.f32 [tilespmem:s10], [sflag:$0x1], $0x10, s26, s12, $0xb8;
	[tilespmem:$0xFE10] =	vst v63  }
0x159: {  	s14 =	rddreg [dreg:$0x17]  }
0x15a: {  	[spmem:s2] =	stream.indirect.scatter.add.f32 [tilespmem:s14], [sflag:$0x1], $0x10, s28, s12, $0xb8;
	[tilespmem:$0xFE10] =	vst v63  }
0x15b: {  	_ = 	snop  }
0x15c: {  	[spmem:s3] =	stream.indirect.scatter.add.f32 [tilespmem:s10], [sflag:$0x1], $0x10, s28, s12, $0xb8;
	[tilespmem:$0xFE10] =	vst v63  }
0x15d: {  	s14 =	rddreg [dreg:$0x18]  }
0x15e: {  	[spmem:s2] =	stream.indirect.scatter.add.f32 [tilespmem:s14], [sflag:$0x1], $0x10, s29, s12, $0xb8;
	[tilespmem:$0xFE10] =	vst v63  }
0x15f: {  	_ = 	snop  }
0x160: {  	[spmem:s3] =	stream.indirect.scatter.add.f32 [tilespmem:s10], [sflag:$0x1], $0x10, s29, s12, $0xb8;
	[tilespmem:$0xFE10] =	vst v63  }
0x161: {  	s14 =	rddreg [dreg:$0x19]  }
0x162: {  	[spmem:s2] =	stream.indirect.scatter.add.f32 [tilespmem:s14], [sflag:$0x1], $0x10, s30, s12, $0xb8;
	[tilespmem:$0xFE10] =	vst v63  }
0x163: {  	_ = 	snop  }
0x164: {  	[spmem:s3] =	stream.indirect.scatter.add.f32 [tilespmem:s10], [sflag:$0x1], $0x10, s30, s12, $0xb8;
	[tilespmem:$0xFE10] =	vst v63  }
0x165: {  	s14 =	rddreg [dreg:$0x1a]  }
0x166: {  	[spmem:s2] =	stream.indirect.scatter.add.f32 [tilespmem:s14], [sflag:$0x1], $0x10, s31, s12, $0xb8;
	[tilespmem:$0xFE10] =	vst v63  }
0x167: {  	_ = 	snop  }
0x168: {  	[spmem:s3] =	stream.indirect.scatter.add.f32 [tilespmem:s10], [sflag:$0x1], $0x10, s31, s12, $0xb8;
	[tilespmem:$0xFE10] =	vst v63  }
0x169: {  	s14 =	rddreg [dreg:$0x1b]  }
0x16a: {  	[spmem:s2] =	stream.indirect.scatter.add.f32 [tilespmem:s14], [sflag:$0x1], $0x10, s1, s12, $0xb8;
	[tilespmem:$0xFE10] =	vst v63  }
0x16b: {  	_ = 	snop  }
0x16c: {  	[spmem:s3] =	stream.indirect.scatter.add.f32 [tilespmem:s10], [sflag:$0x1], $0x10, s1, s12, $0xb8;
	[tilespmem:$0xFE10] =	vst v63  }
0x16d: {  	_ =	swait.ge [sflag:s0], $0x7D0  }
0x16e: {  	[sflag:s0] =	ssyncset.done $0x0  }
0x16f: {  	[sflag:s0] =	ssyncadd.s32 $0xFFFFF830  }
0x170: {  	_ =	swait.ge [sflag:s0], $0x7D0  }
0x171: {  	[sflag:s0] =	ssyncset.done $0x0  }
0x172: {  	[sflag:s0] =	ssyncadd.s32 $0xFFFFF830  }
0x173: {  	_ =	swait.ge [sflag:s0], $0x7D0  }
0x174: {  	[sflag:s0] =	ssyncset.done $0x0  }
0x175: {  	[sflag:s0] =	ssyncadd.s32 $0xFFFFF830  }
0x176: {  	_ =	swait.ge [sflag:s0], $0x7D0  }
0x177: {  	[sflag:s0] =	ssyncset.done $0x0  }
0x178: {  	[sflag:s0] =	ssyncadd.s32 $0xFFFFF830  }
0x179: {  	_ =	swait.ge [sflag:s0], $0x7D0  }
0x17a: {  	[sflag:s0] =	ssyncset.done $0x0  }
0x17b: {  	[sflag:s0] =	ssyncadd.s32 $0xFFFFF830  }
0x17c: {  	_ =	swait.ge [sflag:s0], $0x7D0  }
0x17d: {  	[sflag:s0] =	ssyncset.done $0x0  }
0x17e: {  	[sflag:s0] =	ssyncadd.s32 $0xFFFFF830  }
0x17f: {  	_ =	swait.ge [sflag:s0], $0x7D0  }
0x180: {  	[sflag:s0] =	ssyncset.done $0x0  }
0x181: {  	[sflag:s0] =	ssyncadd.s32 $0xFFFFF830  }
0x182: {  	_ =	swait.ge [sflag:s0], $0x7D0  }
0x183: {  	[sflag:s0] =	ssyncset.done $0x0  }
0x184: {  	[sflag:s0] =	ssyncadd.s32 $0xFFFFF830  }
0x185: {  	_ =	swait.ge [sflag:s0], $0x7D0  }
0x186: {  	[sflag:s0] =	ssyncset.done $0x0  }
0x187: {  	[sflag:s0] =	ssyncadd.s32 $0xFFFFF830  }
0x188: {  	_ =	swait.ge [sflag:s0], $0x7D0  }
0x189: {  	[sflag:s0] =	ssyncset.done $0x0  }
0x18a: {  	[sflag:s0] =	ssyncadd.s32 $0xFFFFF830  }
0x18b: {  	_ =	swait.ge [sflag:s0], $0x7D0  }
0x18c: {  	[sflag:s0] =	ssyncset.done $0x0  }
0x18d: {  	[sflag:s0] =	ssyncadd.s32 $0xFFFFF830  }
0x18e: {  	_ =	swait.ge [sflag:s0], $0x7D0  }
0x18f: {  	[sflag:s0] =	ssyncset.done $0x0  }
0x190: {  	[sflag:s0] =	ssyncadd.s32 $0xFFFFF830  }
0x191: {  	_ =	swait.ge [sflag:s0], $0x7D0  }
0x192: {  	[sflag:s0] =	ssyncset.done $0x0  }
0x193: {  	[sflag:s0] =	ssyncadd.s32 $0xFFFFF830  }
0x194: {  	_ =	swait.ge [sflag:s0], $0x7D0  }
0x195: {  	[sflag:s0] =	ssyncset.done $0x0  }
0x196: {  	[sflag:s0] =	ssyncadd.s32 $0xFFFFF830  }
0x197: {  	_ =	swait.ge [sflag:s0], $0x7D0  }
0x198: {  	[sflag:s0] =	ssyncset.done $0x0  }
0x199: {  	[sflag:s0] =	ssyncadd.s32 $0xFFFFF830  }
0x19a: {  	_ =	swait.ge [sflag:s0], $0x7D0  }
0x19b: {  	[sflag:s0] =	ssyncset.done $0x0  }
0x19c: {  	[sflag:s0] =	ssyncadd.s32 $0xFFFFF830  }
0x19d: {  	_ =	swait.ge [sflag:s0], $0x7D0  }
0x19e: {  	[sflag:s0] =	ssyncset.done $0x0  }
0x19f: {  	[sflag:s0] =	ssyncadd.s32 $0xFFFFF830  }
0x1a0: {  	_ =	swait.ge [sflag:s0], $0x7D0  }
0x1a1: {  	[sflag:s0] =	ssyncset.done $0x0  }
0x1a2: {  	[sflag:s0] =	ssyncadd.s32 $0xFFFFF830  }
0x1a3: {  	_ =	swait.ge [sflag:s0], $0x7D0  }
0x1a4: {  	[sflag:s0] =	ssyncset.done $0x0  }
0x1a5: {  	[sflag:s0] =	ssyncadd.s32 $0xFFFFF830  }
0x1a6: {  	_ =	swait.ge [sflag:s0], $0x7D0  }
0x1a7: {  	[sflag:s0] =	ssyncset.done $0x0  }
0x1a8: {  	[sflag:s0] =	ssyncadd.s32 $0xFFFFF830  }
0x1a9: {  	_ =	swait.ge [sflag:s0], $0x7D0  }
0x1aa: {  	[sflag:s0] =	ssyncset.done $0x0  }
0x1ab: {  	[sflag:s0] =	ssyncadd.s32 $0xFFFFF830  }
0x1ac: {  	_ =	swait.ge [sflag:s0], $0x7D0  }
0x1ad: {  	[sflag:s0] =	ssyncset.done $0x0  }
0x1ae: {  	[sflag:s0] =	ssyncadd.s32 $0xFFFFF830  }
0x1af: {  	_ =	swait.ge [sflag:s0], $0x7D0  }
0x1b0: {  	[sflag:s0] =	ssyncset.done $0x0  }
0x1b1: {  	[sflag:s0] =	ssyncadd.s32 $0xFFFFF830  }
0x1b2: {  	_ =	swait.ge [sflag:s0], $0x7D0  }
0x1b3: {  	[sflag:s0] =	ssyncset.done $0x0  }
0x1b4: {  	[sflag:s0] =	ssyncadd.s32 $0xFFFFF830  }
0x1b5: {  	_ =	swait.ge [sflag:s0], $0x7D0  }
0x1b6: {  	[sflag:s0] =	ssyncset.done $0x0  }
0x1b7: {  	[sflag:s0] =	ssyncadd.s32 $0xFFFFF830  }
0x1b8: {  	_ =	swait.ge [sflag:s0], $0x7D0  }
0x1b9: {  	[sflag:s0] =	ssyncset.done $0x0  }
0x1ba: {  	[sflag:s0] =	ssyncadd.s32 $0xFFFFF830  }
0x1bb: {  	_ =	swait.ge [sflag:s0], $0x7D0  }
0x1bc: {  	[sflag:s0] =	ssyncset.done $0x0  }
0x1bd: {  	[sflag:s0] =	ssyncadd.s32 $0xFFFFF830  }
0x1be: {  	_ =	swait.ge [sflag:s0], $0x7D0  }
0x1bf: {  	[sflag:s0] =	ssyncset.done $0x0  }
0x1c0: {  	[sflag:s0] =	ssyncadd.s32 $0xFFFFF830  }
0x1c1: {  	_ =	swait.ge [sflag:s0], $0x7D0  }
0x1c2: {  	[sflag:s0] =	ssyncset.done $0x0  }
0x1c3: {  	[sflag:s0] =	ssyncadd.s32 $0xFFFFF830  }
0x1c4: {  	_ =	swait.ge [sflag:s0], $0x7D0  }
0x1c5: {  	[sflag:s0] =	ssyncset.done $0x0  }
0x1c6: {  	[sflag:s0] =	ssyncadd.s32 $0xFFFFF830  }
0x1c7: {  	_ =	swait.ge [sflag:s0], $0x7D0  }
0x1c8: {  	[sflag:s0] =	ssyncset.done $0x0  }
0x1c9: {  	[sflag:s0] =	ssyncadd.s32 $0xFFFFF830  }
0x1ca: {  	_ =	swait.ge [sflag:s0], $0x7D0  }
0x1cb: {  	[sflag:s0] =	ssyncset.done $0x0  }
0x1cc: {  	[sflag:s0] =	ssyncadd.s32 $0xFFFFF830  }
0x1cd: {  	_ =	swait.ge [sflag:s0], $0x7D0  }
0x1ce: {  	[sflag:s0] =	ssyncset.done $0x0  }
0x1cf: {  	[sflag:s0] =	ssyncadd.s32 $0xFFFFF830  }
0x1d0: {  	_ =	swait.ge [sflag:s0], $0x7D0  }
0x1d1: {  	[sflag:s0] =	ssyncset.done $0x0  }
0x1d2: {  	[sflag:s0] =	ssyncadd.s32 $0xFFFFF830  }
0x1d3: {  	_ =	swait.ge [sflag:s0], $0x7D0  }
0x1d4: {  	[sflag:s0] =	ssyncset.done $0x0  }
0x1d5: {  	[sflag:s0] =	ssyncadd.s32 $0xFFFFF830  }
0x1d6: {  	_ =	swait.ge [sflag:s0], $0x7D0  }
0x1d7: {  	[sflag:s0] =	ssyncset.done $0x0  }
0x1d8: {  	[sflag:s0] =	ssyncadd.s32 $0xFFFFF830  }
0x1d9: {  	_ =	swait.ge [sflag:s0], $0x7D0  }
0x1da: {  	[sflag:s0] =	ssyncset.done $0x0  }
0x1db: {  	[sflag:s0] =	ssyncadd.s32 $0xFFFFF830  }
0x1dc: {  	_ =	swait.ge [sflag:s0], $0x7D0  }
0x1dd: {  	[sflag:s0] =	ssyncset.done $0x0  }
0x1de: {  	[sflag:s0] =	ssyncadd.s32 $0xFFFFF830  }
0x1df: {  	_ =	swait.ge [sflag:s0], $0x7D0  }
0x1e0: {  	[sflag:s0] =	ssyncset.done $0x0  }
0x1e1: {  	[sflag:s0] =	ssyncadd.s32 $0xFFFFF830  }
0x1e2: {  	_ =	swait.ge [sflag:s0], $0x7D0  }
0x1e3: {  	[sflag:s0] =	ssyncset.done $0x0  }
0x1e4: {  	[sflag:s0] =	ssyncadd.s32 $0xFFFFF830  }
0x1e5: {  	[bflag:$0x0] =	sbarrier.arrive $0xFFFF  }
0x1e6: {  	s14 =	rddreg [dreg:$0x7]  }
0x1e7: {  	[hbm:s14], [sflag:s6] =	dma.local [spmem:s8], $0x500  }
0x1e8: {  	p0 =	sne.s32 s11, $0x1;
	_ =	swait.ge [sflag:s7], $0x500  }
.Ltmp1:
0x1e9: {  	[sflag:s7] =	ssyncset.done $0x0;
	(pc) =	sbr.rel @p0 .LBB2_1-.Ltmp1, $4  }
0x1ea: {  	s14 =	rddreg [dreg:$0x8];
	[sflag:s7] =	ssyncadd.s32 $0xFFFFFB00  }
0x1eb: {  	[hbm:s14], [sflag:s6] =	dma.local [spmem:s9], $0x500  }
0x1ec: {  	_ =	swait.ge [sflag:s7], $0x500  }
0x1ed: {  	s11 =	sadd.s32 $0xFFFFFFFF, s11;
	[sflag:s7] =	ssyncset.done $0x0  }
.LBB2_2:
0x1ee: {  	[sflag:s7] =	ssyncadd.s32 $0xFFFFFB00  }
0x1ef: {  	_ =	sfence.sel $0x180000  }
0x1f0: {  	[bflag:$0x0] =	sbarrier.arrive $0xFFFF  }
0x1f1: {  	_ =	strace $0x9000004D  }
0x1f2: {  	s0 =	stileid.u32;
	[bflag:$0x2] =	sbarrier.arrive $0xFFFF  }
0x1f3: {  	p0 =	sne.s32 s0, $0x0;
	s0 =	rddreg [dreg:$0x3]  }
0x1f4: {  	s0 =	sadd.s32 @!p0 $0x100000, s0  }
0x1f5: {  	[sflag:s0] =	ssyncadd.tile.s32 @!p0 $0x1;
	_ =	shalt  }
.Lfunc_end2:
_tile_overlayer_lowered:
.L_overlay_start_2:
0x1f6: {  	(tag) =	ssettag $0x2  }
0x1f7: {  	s0 =	rddreg [dreg:$0x0];
	s2 =	stileid.u32  }
0x1f8: {  	s1 =	rddreg [dreg:$0x1];
	p0 =	sne.s32 s2, $0x0  }
0x1f9: {  	s3 =	rddreg [dreg:$0x2];
	[bflag:$0x3] =	sbarrier.arrive $0xFFFF;
	s2 =	simm.s32 @!p0 $0x1C02  }
0x1fa: {  	[timem:s3], [sflag:s2] =	dma.local @!p0 [hbm:s0], s1  }
0x1fb: {  	s0 =	simm.s32 @!p0 $0x2  }
0x1fc: {  	_ =	swait.ge @!p0 [sflag:s0], s1  }
0x1fd: {  	s1 =	ssub.s32 @!p0 $0x0, s1;
	[sflag:s0] =	ssyncset.done @!p0 $0x0  }
0x1fe: {  	[sflag:s0] =	ssyncadd.s32 @!p0 s1  }
0x1ff: {  	[bflag:$0x3] =	sbarrier.arrive $0xFFFF  }
0x200: {  	_ =	shalt  }

// kernel: kernel.23.cloned.1.call-start
scs
__scs_entry_jumppad:
0x0: {  	(pc) =	sbr.rel $0x88, $3  }
0x1: {  	(tag) =	ssettag $0x0;
	lr =	simm.s32 $0x1  }
0x2: {  	[smem:$0x3F94] =	sst lr;
	_ =	strace $0xD0000000  }
0x3: {  	_ = 	snop  }
0x4: {  	_ = 	snop  }
0x5: {  	_ = 	snop  }
0x6: {  	_ = 	snop  }
0x7: {  	_ = 	snop  }
__scs_overlays_trampoline_lowered:
0x8: {  	[smem:$0x3FA3] =	sst s0  }
0x9: {  	[smem:$0x3FA4] =	sst s1  }
0xa: {  	[smem:$0x3FA5] =	sst s2  }
0xb: {  	[smem:$0x3FA6] =	sst s3  }
0xc: {  	[smem:$0x3FA7] =	sst s4  }
0xd: {  	[smem:$0x3FA8] =	sst s5  }
0xe: {  	[smem:$0x3FA9] =	sst s6  }
0xf: {  	[smem:$0x3FAA] =	sst s7  }
0x10: {  	[smem:$0x3FAB] =	sst s8  }
0x11: {  	[smem:$0x3FAC] =	sst s9;
	s0 =	simm.s32 @!p0 $0x0  }
0x12: {  	s1 =	sld [smem:$0x3F92];
	s0 =	simm.s32 @p0 $0x1  }
0x13: {  	[smem:$0x3FAD] =	sst s0;
	s0 =	simm.s32 @!p1 $0x0  }
0x14: {  	s2 =	sld [smem:$0x3F91];
	s0 =	simm.s32 @p1 $0x1  }
0x15: {  	[smem:$0x3FAE] =	sst s0;
	s0 =	simm.s32 @!p2 $0x0  }
0x16: {  	s3 =	sld [smem:$0x3FDB];
	s0 =	simm.s32 @p2 $0x1  }
0x17: {  	s4 =	simm.s32 $0x1BF5;
	[smem:$0x3FB0] =	sst s0  }
0x18: {  	s0 =	sld [smem:$0x3F93];
	_ =	swait.ge [sflag:s4], $0x0  }
0x19: {  	s7 =	sld [smem:$0x3F94]  }
0x1a: {  	s8 =	sadd.s32 $0xFFFFE003, lr  }
0x1b: {  	s9 =	sadd.s32 $0xFFFFFEF7, lr;
	s5 =	simm.s32 $0xFFFFFFFF;
	p2 =	slt.u32 s8, $0xFFFFF086  }
0x1c: {  	p1 =	slt.u32 s9, $0xF7A;
	s5 =	simm.s32 @!p2 $0x0  }
0x1d: {  	s5 =	simm.s32 @p1 $0x1;
	p0 =	seq.s32 s7, s2  }
0x1e: {  	s7 =	smul.u32 @!p0 $0xF7A, s2;
	p2 =	seq.s32 @!p0 s5, $0x0  }
0x1f: {  	s9 =	smul.u32 $0xF7A, s1;
	s8 =	simm.s32 @!p0 $0x1BF5;
	p2 =	por !p2, p0  }
0x20: {  	[sflag:s8] =	ssyncset.s32 @!p0 $0xFFFFF086;
	s6 =	sadd.s32 @!p0 s3, s7;
	s7 =	simm.s32 @!p0 $0x108  }
0x21: {  	s3 =	sadd.s32 s3, s9;
	s6 =	sadd.s32 @!p0 $0x88, s6;
	s7 =	simm.s32 @p2 $0x1082  }
0x22: {  	[simem:s7], [sflag:s8] =	dma.local @!p0 [hbm:s6], $0xF7A  }
0x23: {  	s9 =	sor.u32 $0xD0000000, s2;
	s6 =	simm.s32 $0x108;
	_ =	swait.ge @!p0 [sflag:s8], $0x0  }
0x24: {  	s3 =	sadd.s32 $0x88, s3;
	s6 =	simm.s32 @!p1 $0x1082;
	[sflag:s4] =	ssyncset.s32 $0xFFFFF086  }
0x25: {  	[simem:s6], [sflag:s4] =	dma.local [hbm:s3], $0xF7A  }
0x26: {  	[smem:$0x3F94] =	sst s1;
	(tag) =	ssettag s2;
	_ =	strace s9  }
0x27: {  	s1 =	sld [smem:$0x3FA4]  }
0x28: {  	s2 =	sld [smem:$0x3FA5]  }
0x29: {  	s4 =	sld [smem:$0x3FA7]  }
0x2a: {  	p0 =	seq.s32 s5, $0x0;
	s5 =	sld [smem:$0x3FA8]  }
0x2b: {  	s6 =	sld [smem:$0x3FA9]  }
0x2c: {  	s7 =	sld [smem:$0x3FAA]  }
0x2d: {  	s3 =	simm.s32 $0x108;
	s8 =	sld [smem:$0x3FAB]  }
0x2e: {  	s3 =	simm.s32 @!p0 $0x1082;
	s9 =	sld [smem:$0x3FAC]  }
0x2f: {  	lr =	sadd.s32 s0, s3;
	s0 =	sld [smem:$0x3FA3]  }
0x30: {  	s3 =	sld [smem:$0x3FA6]  }
0x31: {  	[smem:$0x3FAF] =	sst s10  }
0x32: {  	s10 =	sld [smem:$0x3FAD];
	_ =	sdelay $0x3  }
0x33: {  	p0 =	seq.s32 s10, $0x1;
	s10 =	sld [smem:$0x3FAF];
	_ =	sdelay $0x3  }
0x34: {  	[smem:$0x3FAF] =	sst s10  }
0x35: {  	s10 =	sld [smem:$0x3FAE];
	_ =	sdelay $0x3  }
0x36: {  	p1 =	seq.s32 s10, $0x1;
	s10 =	sld [smem:$0x3FAF];
	_ =	sdelay $0x3  }
0x37: {  	[smem:$0x3FAF] =	sst s10  }
0x38: {  	s10 =	sld [smem:$0x3FB0]  }
0x39: {  	_ = 	snop;
	(pc) =	sbr.ind lr, $3  }
0x3a: {  	_ = 	snop  }
0x3b: {  	_ = 	snop  }
0x3c: {  	p2 =	seq.s32 s10, $0x1;
	s10 =	sld [smem:$0x3FAF]  }
0x3d: {  	_ =	shalt  }
0x3e: {  	_ =	shalt  }
0x3f: {  	_ =	shalt  }
0x40: {  	_ =	shalt  }
0x41: {  	_ =	shalt  }
0x42: {  	_ =	shalt  }
0x43: {  	_ =	shalt  }
0x44: {  	_ =	shalt  }
0x45: {  	_ =	shalt  }
0x46: {  	_ =	shalt  }
0x47: {  	_ =	shalt  }
0x48: {  	_ =	shalt  }
0x49: {  	_ =	shalt  }
0x4a: {  	_ =	shalt  }
0x4b: {  	_ =	shalt  }
0x4c: {  	_ =	shalt  }
0x4d: {  	_ =	shalt  }
0x4e: {  	_ =	shalt  }
0x4f: {  	_ =	shalt  }
0x50: {  	_ =	shalt  }
0x51: {  	_ =	shalt  }
0x52: {  	_ =	shalt  }
0x53: {  	_ =	shalt  }
0x54: {  	_ =	shalt  }
0x55: {  	_ =	shalt  }
0x56: {  	_ =	shalt  }
0x57: {  	_ =	shalt  }
0x58: {  	_ =	shalt  }
0x59: {  	_ =	shalt  }
0x5a: {  	_ =	shalt  }
0x5b: {  	_ =	shalt  }
0x5c: {  	_ =	shalt  }
0x5d: {  	_ =	shalt  }
0x5e: {  	_ =	shalt  }
0x5f: {  	_ =	shalt  }
0x60: {  	_ =	shalt  }
0x61: {  	_ =	shalt  }
0x62: {  	_ =	shalt  }
0x63: {  	_ =	shalt  }
0x64: {  	_ =	shalt  }
0x65: {  	_ =	shalt  }
0x66: {  	_ =	shalt  }
0x67: {  	_ =	shalt  }
0x68: {  	_ =	shalt  }
0x69: {  	_ =	shalt  }
0x6a: {  	_ =	shalt  }
0x6b: {  	_ =	shalt  }
0x6c: {  	_ =	shalt  }
0x6d: {  	_ =	shalt  }
0x6e: {  	_ =	shalt  }
0x6f: {  	_ =	shalt  }
0x70: {  	_ =	shalt  }
0x71: {  	_ =	shalt  }
0x72: {  	_ =	shalt  }
0x73: {  	_ =	shalt  }
0x74: {  	_ =	shalt  }
0x75: {  	_ =	shalt  }
0x76: {  	_ =	shalt  }
0x77: {  	_ =	shalt  }
0x78: {  	_ =	shalt  }
0x79: {  	_ =	shalt  }
0x7a: {  	_ =	shalt  }
0x7b: {  	_ =	shalt  }
0x7c: {  	_ =	shalt  }
0x7d: {  	_ =	shalt  }
0x7e: {  	_ =	shalt  }
0x7f: {  	_ =	shalt  }
0x80: {  	_ =	shalt  }
0x81: {  	_ =	shalt  }
0x82: {  	_ =	shalt  }
0x83: {  	_ =	shalt  }
0x84: {  	_ =	shalt  }
0x85: {  	_ =	shalt  }
0x86: {  	_ =	shalt  }
0x87: {  	_ =	shalt  }
.Lfunc_end0:
.L_simem_size_0:
called_computation.3_lowered:
.L_overlay_start_0:
0x88: {  	s2 =	sld [smem:$0x3FD9]  }
0x89: {  	s3 =	sld [smem:$0x3FFE];
	_ =	sdelay $0x1  }
0x8a: {  	s1 =	srdreg.scid  }
0x8b: {  	s0 =	sand.u32 $0x1, s1  }
0x8c: {  	s17 =	sshll.u32 s0, $0xA;
	s2 =	sadd.s32 s3, s2  }
0x8d: {  	s2 =	sadd.s32 s2, s17  }
0x8e: {  	[smem:$0x3FBB] =	sst s2  }
0x8f: {  	_ = 	snop  }
0x90: {  	s2 =	sld [smem:$0x3FD0];
	(tm) =	ssettm $0x1  }
0x91: {  	s18 =	sld [smem:$0x3FFB];
	_ =	sdelay $0x3  }
0x92: {  	_ =	strace s18  }
0x93: {  	s3 =	sld [smem:$0x3FFC];
	_ =	sdelay $0x3  }
0x94: {  	_ =	strace s3  }
0x95: {  	s3 =	sld [smem:$0x3FFD];
	_ =	sdelay $0x3  }
0x96: {  	_ =	strace s3  }
0x97: {  	_ =	strace $0x8FFFFFFF  }
0x98: {  	s19 =	sld [smem:$0x3FDB];
	_ =	sdelay $0x1  }
0x99: {  	s4 =	simm.s32 $_scs_section_size  }
0x9a: {  	s5 =	simm.s32 $_size__tile_overlayer_lowered;
	s6 =	simm.s32 $_tile_overlayer_lowered  }
0x9b: {  	s22 =	simm.s32 $0x1BFF;
	s21 =	sshll.u32 s6, $0x1;
	s3 =	sadd.s32 s4, s19  }
0x9c: {  	s7 =	simm.s32 $0x0;
	s20 =	sshll.u32 s5, $0x1;
	s5 =	sadd.s32 s21, s3  }
0x9d: {  	[timem:s7], [sflag:s22] =	dma.local [hbm:s5], s20  }
0x9e: {  	_ =	swait.ge [sflag:s22], s20  }
0x9f: {  	s4 =	ssub.s32 $0x0, s20;
	[sflag:s22] =	ssyncset.done $0x0  }
0xa0: {  	[sflag:s22] =	ssyncadd.s32 s4;
	_ =	sdelay $0x1  }
0xa1: {  	s23 =	simm.s32 $0x1B8B  }
0xa2: {  	_ =	swait.ge [sflag:s23], $0x1  }
0xa3: {  	[sflag:s23] =	ssyncset.done $0x0  }
0xa4: {  	s25 =	simm.s32 $0x1B8E;
	s24 =	sld [smem:$0x3FFE];
	[sflag:s23] =	ssyncadd.s32 $0xFFFFFFFF  }
0xa5: {  	s26 =	simm.s32 $execute0_lowered;
	[smem:$0x3FD2] =	sst s25  }
0xa6: {  	s5 =	sshll.u32 s26, $0x1;
	_ =	strace $0x8000004F;
	[dreg:$0x1] =	wrdreg $0xFFFFFFFF  }
0xa7: {  	s28 =	simm.s32 $_size_execute0_lowered;
	s3 =	sadd.s32 s3, s5;
	[dreg:$0x0] =	wrdreg $0x0  }
0xa8: {  	s5 =	sshll.u32 s28, $0x1;
	[dreg:$0x2] =	wrdreg s3  }
0xa9: {  	[dreg:$0x3] =	wrdreg s5  }
0xaa: {  	[dreg:$0x4] =	wrdreg $0xC0  }
0xab: {  	_ =	task [dreg:s7], $0x5FFFF  }
0xac: {  	[dreg:$0x1] =	wrdreg $0xFFFFFFFF  }
0xad: {  	[dreg:$0x0] =	wrdreg $0x60  }
0xae: {  	[dreg:$0x2] =	wrdreg s2  }
0xaf: {  	[dreg:$0x3] =	wrdreg s24  }
0xb0: {  	[dreg:$0x4] =	wrdreg $0x9  }
0xb1: {  	_ =	task.clear_ibuf [dreg:s7], $0x5FFFF;
	_ =	strace $0x9000004F  }
0xb2: {  	s29 =	simm.s32 $0x9;
	_ =	strace $0x80000051  }
0xb3: {  	_ =	swait.ge [sflag:s29], $0x1  }
0xb4: {  	[sflag:s29] =	ssyncadd.s32 $0xFFFFFFFF  }
0xb5: {  	_ =	strace $0x90000051  }
0xb6: {  	_ =	sfence  }
0xb7: {  	s30 =	sld [smem:$0x0];
	_ =	sdelay $0x2  }
0xb8: {  	s31 =	sshll.u32 s1, $0xD;
	s1 =	sshrl.u32 s1, $0x2  }
0xb9: {  	s3 =	sand.u32 $0x4000, s31;
	s1 =	sadd.s32 s1, s30  }
0xba: {  	s0 =	sor.u32 s3, s0;
	s1 =	sshll.u32 s1, $0x11  }
0xbb: {  	s0 =	sor.u32 s1, s0  }
0xbc: {  	s0 =	sadd.s32 $0x8F2B, s0  }
0xbd: {  	[sflag:s0] =	ssyncadd.remote.s32 $0x1  }
0xbe: {  	_ =	sfence.sel $0xFFFF  }
0xbf: {  	[dreg:$0x0] =	wrdreg $0xFFFFFFFF;
	(pc) =	sbr.abs _section_cstart, $3  }
0xc0: {  	[dreg:$0x1] =	wrdreg $0xFFFFFFFF  }
0xc1: {  	_ =	task.clear_ibuf [dreg:s7], $0x2FFFF;
	_ =	strace $0x9FFFFFFF  }
0xc2: {  	(tm) =	ssettm $0x7FFFFFFF  }
0xc3: {  	_ =	shalt  }
tec
execute0_lowered:
.L_overlay_start_1:
0x0: {  	(tag) =	ssettag $0x1  }
0x1: {  	s1 =	srdreg.scid;
	s2 =	rddreg [dreg:$0x0]  }
0x2: {  	s0 =	stileid.u32;
	s5 =	rddreg [dreg:$0x1];
	s3 =	simm.s32 $0x0  }
0x3: {  	s8 =	simm.s32 $0x7D;
	s4 =	sand.u32 $0x1, s1;
	s30 =	sshll.u32 s0, $0x1  }
0x4: {  	s9 =	simm.s32 $0x1;
	s10 =	simm.s32 $0x1400;
	s6 =	sor.u32 s4, s30  }
0x5: {  	s11 =	simm.s32 $0x0;
	s1 =	rddreg [dreg:$0x2];
	s7 =	smul.u32 $0x280, s6  }
0x6: {  	[smem:$0x7FF] =	sst s3;
	s4 =	ssub.s32 $0x2, s4;
	s6 =	smul.u32 $0x2710, s6  }
0x7: {  	_ =	strace $0x80000050;
	s31 =	sshrl.u32 s4, $0x1;
	s7 =	sadd.s32 s7, s5  }
0x8: {  	s5 =	sadd.s32 s6, s5;
	s6 =	ssub.s32 s4, s31;
	s4 =	sadd.s32 $0x6C00, s7  }
0x9: {  	s5 =	sadd.s32 $0xBC00, s5;
	s6 =	smax.u32 s6, $0x1;
	s7 =	simm.s32 $0x2  }
.LBB2_1:
0xa: {  	[tilespmem:s3], [sflag:$0x2] =	stream.linear.gather [hbm4b:s4+s3], $0x1400, $0x38;
	[tilespmem:$0x14C80] =	vst v63  }
0xb: {  	_ =	swait.ge [sflag:s7], $0x1400  }
0xc: {  	[sflag:s7] =	ssyncset.done $0x0  }
0xd: {  	s12 =	simm.s32 $0x1400;
	s13 =	simm.s32 $0x0;
	[sflag:s7] =	ssyncadd.s32 $0xFFFFEC00  }
.LBB2_2:
0xe: {  	p0 =	sne.s32 s13, $0x4E00  }
.Ltmp0:
0xf: {  	_ = 	snop;
	(pc) =	sbr.rel @p0 .LBB2_2-.Ltmp0, $4  }
0x10: {  	_ = 	snop  }
0x11: {  	s14 =	sshra.s32 s13, $0x2  }
0x12: {  	[tilespmem:s12], [sflag:$0x1] =	stream.indirect.gather [hbm4b:s2+s8], $0x10, s14, s8, $0xb8;
	[tilespmem:$0x14C80] =	vst v63  }
0x13: {  	s13 =	sadd.s32 $0x200, s13;
	s12 =	sadd.s32 $0x7D0, s12  }
0x14: {  	_ =	swait.ge [sflag:s9], $0x7D0  }
0x15: {  	s12 =	simm.s32 $0x27;
	[sflag:s9] =	ssyncset.done $0x0  }
.LBB2_4:
0x16: {  	p0 =	sne.s32 s12, $0x1;
	s12 =	sadd.s32 $0xFFFFFFFF, s12;
	[sflag:s9] =	ssyncadd.s32 $0xFFFFF830  }
.Ltmp1:
0x17: {  	(pc) =	sbr.rel @p0 .LBB2_4-.Ltmp1, $3  }
0x18: {  	_ =	sdelay $0x1  }
0x19: {  	_ =	swait.ge [sflag:s9], $0x7D0  }
0x1a: {  	[sflag:s9] =	ssyncset.done $0x0  }
0x1b: {  	s11 =	sadd.s32 $0x1, s11  }
0x1c: {  	p0 =	sne.s32 s11, s6  }
.Ltmp2:
0x1d: {  	[sflag:s9] =	ssyncadd.s32 $0xFFFFF830;
	(pc) =	sbr.rel @p0 .LBB2_1-.Ltmp2, $4  }
0x1e: {  	[hbm4b:s5+s3] =	stream.linear.scatter [tilespmem:s10], [sflag:$0x2], $0x13880, $0x38;
	[tilespmem:$0x14C80] =	vst v63  }
0x1f: {  	_ =	swait.ge [sflag:s7], $0x13880  }
0x20: {  	[sflag:s7] =	ssyncset.done $0x0  }
0x21: {  	[sflag:s7] =	ssyncadd.s32 $0xFFFEC780  }
0x22: {  	_ =	sfence.sel $0x180000  }
0x23: {  	[bflag:$0x0] =	sbarrier.arrive $0xFFFF  }
0x24: {  	p0 =	sne.s32 s0, $0x0;
	_ =	strace $0x90000050  }
0x25: {  	s0 =	sadd.s32 @!p0 $0x100000, s1;
	[bflag:$0x2] =	sbarrier.arrive $0xFFFF  }
0x26: {  	[sflag:s0] =	ssyncadd.tile.s32 @!p0 $0x1;
	_ =	shalt  }
.Lfunc_end2:
_tile_overlayer_lowered:
.L_overlay_start_2:
0x27: {  	(tag) =	ssettag $0x2  }
0x28: {  	s0 =	rddreg [dreg:$0x0];
	s2 =	stileid.u32  }
0x29: {  	s1 =	rddreg [dreg:$0x1];
	p0 =	sne.s32 s2, $0x0  }
0x2a: {  	s3 =	rddreg [dreg:$0x2];
	[bflag:$0x3] =	sbarrier.arrive $0xFFFF;
	s2 =	simm.s32 @!p0 $0x1C02  }
0x2b: {  	[timem:s3], [sflag:s2] =	dma.local @!p0 [hbm:s0], s1  }
0x2c: {  	s0 =	simm.s32 @!p0 $0x2  }
0x2d: {  	_ =	swait.ge @!p0 [sflag:s0], s1  }
0x2e: {  	s1 =	ssub.s32 @!p0 $0x0, s1;
	[sflag:s0] =	ssyncset.done @!p0 $0x0  }
0x2f: {  	[sflag:s0] =	ssyncadd.s32 @!p0 s1  }
0x30: {  	[bflag:$0x3] =	sbarrier.arrive $0xFFFF  }
0x31: {  	_ =	shalt  }

// kernel: kernel.26.cloned.1.call-start
scs
__scs_entry_jumppad:
0x0: {  	(pc) =	sbr.rel $0x88, $3  }
0x1: {  	(tag) =	ssettag $0x0;
	lr =	simm.s32 $0x1  }
0x2: {  	[smem:$0x3F94] =	sst lr;
	_ =	strace $0xD0000000  }
0x3: {  	_ = 	snop  }
0x4: {  	_ = 	snop  }
0x5: {  	_ = 	snop  }
0x6: {  	_ = 	snop  }
0x7: {  	_ = 	snop  }
__scs_overlays_trampoline_lowered:
0x8: {  	[smem:$0x3FA3] =	sst s0  }
0x9: {  	[smem:$0x3FA4] =	sst s1  }
0xa: {  	[smem:$0x3FA5] =	sst s2  }
0xb: {  	[smem:$0x3FA6] =	sst s3  }
0xc: {  	[smem:$0x3FA7] =	sst s4  }
0xd: {  	[smem:$0x3FA8] =	sst s5  }
0xe: {  	[smem:$0x3FA9] =	sst s6  }
0xf: {  	[smem:$0x3FAA] =	sst s7  }
0x10: {  	[smem:$0x3FAB] =	sst s8  }
0x11: {  	[smem:$0x3FAC] =	sst s9;
	s0 =	simm.s32 @!p0 $0x0  }
0x12: {  	s1 =	sld [smem:$0x3F92];
	s0 =	simm.s32 @p0 $0x1  }
0x13: {  	[smem:$0x3FAD] =	sst s0;
	s0 =	simm.s32 @!p1 $0x0  }
0x14: {  	s2 =	sld [smem:$0x3F91];
	s0 =	simm.s32 @p1 $0x1  }
0x15: {  	[smem:$0x3FAE] =	sst s0;
	s0 =	simm.s32 @!p2 $0x0  }
0x16: {  	s3 =	sld [smem:$0x3FDB];
	s0 =	simm.s32 @p2 $0x1  }
0x17: {  	s4 =	simm.s32 $0x1BF5;
	[smem:$0x3FB0] =	sst s0  }
0x18: {  	s0 =	sld [smem:$0x3F93];
	_ =	swait.ge [sflag:s4], $0x0  }
0x19: {  	s7 =	sld [smem:$0x3F94]  }
0x1a: {  	s8 =	sadd.s32 $0xFFFFE003, lr  }
0x1b: {  	s9 =	sadd.s32 $0xFFFFFEF7, lr;
	s5 =	simm.s32 $0xFFFFFFFF;
	p2 =	slt.u32 s8, $0xFFFFF086  }
0x1c: {  	p1 =	slt.u32 s9, $0xF7A;
	s5 =	simm.s32 @!p2 $0x0  }
0x1d: {  	s5 =	simm.s32 @p1 $0x1;
	p0 =	seq.s32 s7, s2  }
0x1e: {  	s7 =	smul.u32 @!p0 $0xF7A, s2;
	p2 =	seq.s32 @!p0 s5, $0x0  }
0x1f: {  	s9 =	smul.u32 $0xF7A, s1;
	s8 =	simm.s32 @!p0 $0x1BF5;
	p2 =	por !p2, p0  }
0x20: {  	[sflag:s8] =	ssyncset.s32 @!p0 $0xFFFFF086;
	s6 =	sadd.s32 @!p0 s3, s7;
	s7 =	simm.s32 @!p0 $0x108  }
0x21: {  	s3 =	sadd.s32 s3, s9;
	s6 =	sadd.s32 @!p0 $0x88, s6;
	s7 =	simm.s32 @p2 $0x1082  }
0x22: {  	[simem:s7], [sflag:s8] =	dma.local @!p0 [hbm:s6], $0xF7A  }
0x23: {  	s9 =	sor.u32 $0xD0000000, s2;
	s6 =	simm.s32 $0x108;
	_ =	swait.ge @!p0 [sflag:s8], $0x0  }
0x24: {  	s3 =	sadd.s32 $0x88, s3;
	s6 =	simm.s32 @!p1 $0x1082;
	[sflag:s4] =	ssyncset.s32 $0xFFFFF086  }
0x25: {  	[simem:s6], [sflag:s4] =	dma.local [hbm:s3], $0xF7A  }
0x26: {  	[smem:$0x3F94] =	sst s1;
	(tag) =	ssettag s2;
	_ =	strace s9  }
0x27: {  	s1 =	sld [smem:$0x3FA4]  }
0x28: {  	s2 =	sld [smem:$0x3FA5]  }
0x29: {  	s4 =	sld [smem:$0x3FA7]  }
0x2a: {  	p0 =	seq.s32 s5, $0x0;
	s5 =	sld [smem:$0x3FA8]  }
0x2b: {  	s6 =	sld [smem:$0x3FA9]  }
0x2c: {  	s7 =	sld [smem:$0x3FAA]  }
0x2d: {  	s3 =	simm.s32 $0x108;
	s8 =	sld [smem:$0x3FAB]  }
0x2e: {  	s3 =	simm.s32 @!p0 $0x1082;
	s9 =	sld [smem:$0x3FAC]  }
0x2f: {  	lr =	sadd.s32 s0, s3;
	s0 =	sld [smem:$0x3FA3]  }
0x30: {  	s3 =	sld [smem:$0x3FA6]  }
0x31: {  	[smem:$0x3FAF] =	sst s10  }
0x32: {  	s10 =	sld [smem:$0x3FAD];
	_ =	sdelay $0x3  }
0x33: {  	p0 =	seq.s32 s10, $0x1;
	s10 =	sld [smem:$0x3FAF];
	_ =	sdelay $0x3  }
0x34: {  	[smem:$0x3FAF] =	sst s10  }
0x35: {  	s10 =	sld [smem:$0x3FAE];
	_ =	sdelay $0x3  }
0x36: {  	p1 =	seq.s32 s10, $0x1;
	s10 =	sld [smem:$0x3FAF];
	_ =	sdelay $0x3  }
0x37: {  	[smem:$0x3FAF] =	sst s10  }
0x38: {  	s10 =	sld [smem:$0x3FB0]  }
0x39: {  	_ = 	snop;
	(pc) =	sbr.ind lr, $3  }
0x3a: {  	_ = 	snop  }
0x3b: {  	_ = 	snop  }
0x3c: {  	p2 =	seq.s32 s10, $0x1;
	s10 =	sld [smem:$0x3FAF]  }
0x3d: {  	_ =	shalt  }
0x3e: {  	_ =	shalt  }
0x3f: {  	_ =	shalt  }
0x40: {  	_ =	shalt  }
0x41: {  	_ =	shalt  }
0x42: {  	_ =	shalt  }
0x43: {  	_ =	shalt  }
0x44: {  	_ =	shalt  }
0x45: {  	_ =	shalt  }
0x46: {  	_ =	shalt  }
0x47: {  	_ =	shalt  }
0x48: {  	_ =	shalt  }
0x49: {  	_ =	shalt  }
0x4a: {  	_ =	shalt  }
0x4b: {  	_ =	shalt  }
0x4c: {  	_ =	shalt  }
0x4d: {  	_ =	shalt  }
0x4e: {  	_ =	shalt  }
0x4f: {  	_ =	shalt  }
0x50: {  	_ =	shalt  }
0x51: {  	_ =	shalt  }
0x52: {  	_ =	shalt  }
0x53: {  	_ =	shalt  }
0x54: {  	_ =	shalt  }
0x55: {  	_ =	shalt  }
0x56: {  	_ =	shalt  }
0x57: {  	_ =	shalt  }
0x58: {  	_ =	shalt  }
0x59: {  	_ =	shalt  }
0x5a: {  	_ =	shalt  }
0x5b: {  	_ =	shalt  }
0x5c: {  	_ =	shalt  }
0x5d: {  	_ =	shalt  }
0x5e: {  	_ =	shalt  }
0x5f: {  	_ =	shalt  }
0x60: {  	_ =	shalt  }
0x61: {  	_ =	shalt  }
0x62: {  	_ =	shalt  }
0x63: {  	_ =	shalt  }
0x64: {  	_ =	shalt  }
0x65: {  	_ =	shalt  }
0x66: {  	_ =	shalt  }
0x67: {  	_ =	shalt  }
0x68: {  	_ =	shalt  }
0x69: {  	_ =	shalt  }
0x6a: {  	_ =	shalt  }
0x6b: {  	_ =	shalt  }
0x6c: {  	_ =	shalt  }
0x6d: {  	_ =	shalt  }
0x6e: {  	_ =	shalt  }
0x6f: {  	_ =	shalt  }
0x70: {  	_ =	shalt  }
0x71: {  	_ =	shalt  }
0x72: {  	_ =	shalt  }
0x73: {  	_ =	shalt  }
0x74: {  	_ =	shalt  }
0x75: {  	_ =	shalt  }
0x76: {  	_ =	shalt  }
0x77: {  	_ =	shalt  }
0x78: {  	_ =	shalt  }
0x79: {  	_ =	shalt  }
0x7a: {  	_ =	shalt  }
0x7b: {  	_ =	shalt  }
0x7c: {  	_ =	shalt  }
0x7d: {  	_ =	shalt  }
0x7e: {  	_ =	shalt  }
0x7f: {  	_ =	shalt  }
0x80: {  	_ =	shalt  }
0x81: {  	_ =	shalt  }
0x82: {  	_ =	shalt  }
0x83: {  	_ =	shalt  }
0x84: {  	_ =	shalt  }
0x85: {  	_ =	shalt  }
0x86: {  	_ =	shalt  }
0x87: {  	_ =	shalt  }
.Lfunc_end0:
.L_simem_size_0:
called_computation.4_lowered:
.L_overlay_start_0:
0x88: {  	s2 =	sld [smem:$0x3FD9]  }
0x89: {  	s3 =	sld [smem:$0x3FFE];
	_ =	sdelay $0x1  }
0x8a: {  	s1 =	srdreg.scid  }
0x8b: {  	s0 =	sand.u32 $0x1, s1  }
0x8c: {  	s16 =	sshll.u32 s0, $0xA;
	s2 =	sadd.s32 s3, s2  }
0x8d: {  	s2 =	sadd.s32 s2, s16  }
0x8e: {  	[smem:$0x3FBB] =	sst s2  }
0x8f: {  	_ = 	snop  }
0x90: {  	(tm) =	ssettm $0x1  }
0x91: {  	s17 =	sld [smem:$0x3FFB];
	_ =	sdelay $0x3  }
0x92: {  	_ =	strace s17  }
0x93: {  	s2 =	sld [smem:$0x3FFC];
	_ =	sdelay $0x3  }
0x94: {  	_ =	strace s2  }
0x95: {  	s2 =	sld [smem:$0x3FFD];
	_ =	sdelay $0x3  }
0x96: {  	_ =	strace s2  }
0x97: {  	_ =	strace $0x8FFFFFFF  }
0x98: {  	s18 =	sld [smem:$0x3FDB];
	_ =	sdelay $0x1  }
0x99: {  	s19 =	simm.s32 $_scs_section_size  }
0x9a: {  	s4 =	simm.s32 $_size__tile_overlayer_lowered;
	s5 =	simm.s32 $_tile_overlayer_lowered  }
0x9b: {  	s22 =	simm.s32 $0x1BFF;
	s21 =	sshll.u32 s5, $0x1;
	s2 =	sadd.s32 s19, s18  }
0x9c: {  	s6 =	simm.s32 $0x0;
	s20 =	sshll.u32 s4, $0x1;
	s4 =	sadd.s32 s21, s2  }
0x9d: {  	[timem:s6], [sflag:s22] =	dma.local [hbm:s4], s20  }
0x9e: {  	_ =	swait.ge [sflag:s22], s20  }
0x9f: {  	s3 =	ssub.s32 $0x0, s20;
	[sflag:s22] =	ssyncset.done $0x0  }
0xa0: {  	[sflag:s22] =	ssyncadd.s32 s3;
	_ =	sdelay $0x1  }
0xa1: {  	s23 =	simm.s32 $0x1B8B  }
0xa2: {  	_ =	swait.ge [sflag:s23], $0x1  }
0xa3: {  	[sflag:s23] =	ssyncset.done $0x0  }
0xa4: {  	s25 =	simm.s32 $0x1B8E;
	s24 =	sld [smem:$0x3FFE];
	[sflag:s23] =	ssyncadd.s32 $0xFFFFFFFF  }
0xa5: {  	s26 =	simm.s32 $execute0_lowered;
	[smem:$0x3FD2] =	sst s25  }
0xa6: {  	s4 =	sshll.u32 s26, $0x1;
	_ =	strace $0x80000052;
	[dreg:$0x1] =	wrdreg $0xFFFFFFFF  }
0xa7: {  	s28 =	simm.s32 $_size_execute0_lowered;
	s2 =	sadd.s32 s2, s4;
	[dreg:$0x0] =	wrdreg $0x0  }
0xa8: {  	s4 =	sshll.u32 s28, $0x1;
	[dreg:$0x2] =	wrdreg s2  }
0xa9: {  	[dreg:$0x3] =	wrdreg s4  }
0xaa: {  	[dreg:$0x4] =	wrdreg $0xC0  }
0xab: {  	_ =	task [dreg:s6], $0x5FFFF  }
0xac: {  	[dreg:$0x1] =	wrdreg $0xFFFFFFFF  }
0xad: {  	[dreg:$0x0] =	wrdreg $0x60  }
0xae: {  	[dreg:$0x2] =	wrdreg s24  }
0xaf: {  	[dreg:$0x3] =	wrdreg $0xA6400  }
0xb0: {  	[dreg:$0x4] =	wrdreg $0x9  }
0xb1: {  	_ =	task.clear_ibuf [dreg:s6], $0x5FFFF;
	_ =	strace $0x90000052  }
0xb2: {  	s29 =	simm.s32 $0x9;
	_ =	strace $0x80000054  }
0xb3: {  	_ =	swait.ge [sflag:s29], $0x1  }
0xb4: {  	[sflag:s29] =	ssyncadd.s32 $0xFFFFFFFF  }
0xb5: {  	_ =	strace $0x90000054  }
0xb6: {  	_ =	sfence  }
0xb7: {  	s30 =	sld [smem:$0x0];
	_ =	sdelay $0x2  }
0xb8: {  	s31 =	sshll.u32 s1, $0xD;
	s1 =	sshrl.u32 s1, $0x2  }
0xb9: {  	s3 =	sand.u32 $0x4000, s31;
	s1 =	sadd.s32 s1, s30  }
0xba: {  	s0 =	sor.u32 s3, s0;
	s1 =	sshll.u32 s1, $0x11  }
0xbb: {  	s0 =	sor.u32 s1, s0  }
0xbc: {  	s0 =	sadd.s32 $0x8F2B, s0  }
0xbd: {  	[sflag:s0] =	ssyncadd.remote.s32 $0x1  }
0xbe: {  	_ =	sfence.sel $0xFFFF  }
0xbf: {  	[dreg:$0x0] =	wrdreg $0xFFFFFFFF;
	(pc) =	sbr.abs _section_cstart, $3  }
0xc0: {  	[dreg:$0x1] =	wrdreg $0xFFFFFFFF  }
0xc1: {  	_ =	task.clear_ibuf [dreg:s6], $0x2FFFF;
	_ =	strace $0x9FFFFFFF  }
0xc2: {  	(tm) =	ssettm $0x7FFFFFFF  }
0xc3: {  	_ =	shalt  }
tec
execute0_lowered:
.L_overlay_start_1:
0x0: {  	(tag) =	ssettag $0x1  }
0x1: {  	s1 =	srdreg.scid  }
0x2: {  	s0 =	stileid.u32;
	s5 =	rddreg [dreg:$0x0];
	s3 =	simm.s32 $0x0  }
0x3: {  	s1 =	sand.u32 $0x1, s1;
	s2 =	sshll.u32 s0, $0x1;
	[smem:$0x7FF] =	sst s3  }
0x4: {  	s26 =	simm.s32 $0x80;
	s4 =	sor.u32 s1, s2;
	s2 =	rddreg [dreg:$0x1]  }
0x5: {  	s10 =	simm.s32 $0x2170;
	_ =	strace $0x80000053;
	[dreg:$0x7] =	wrdreg s26  }
0x6: {  	s11 =	simm.s32 $0x200;
	[dreg:$0xc] =	wrdreg s10  }
0x7: {  	s12 =	simm.s32 $0x2940;
	[dreg:$0xd] =	wrdreg s11  }
0x8: {  	s13 =	simm.s32 $0x280;
	[dreg:$0xe] =	wrdreg s12  }
0x9: {  	s14 =	simm.s32 $0x3110;
	[dreg:$0xf] =	wrdreg s13  }
0xa: {  	s15 =	simm.s32 $0x300;
	s16 =	simm.s32 $0x38E0;
	[dreg:$0x10] =	wrdreg s14  }
0xb: {  	s17 =	simm.s32 $0x380;
	s18 =	simm.s32 $0x40B0;
	[dreg:$0x11] =	wrdreg s15  }
0xc: {  	s19 =	simm.s32 $0x400;
	s7 =	smul.u32 $0x2800, s0;
	[dreg:$0x12] =	wrdreg s16  }
0xd: {  	s22 =	simm.s32 $0x4880;
	[dreg:$0x13] =	wrdreg s17;
	s6 =	smul.u32 $0x1388, s4  }
0xe: {  	[dreg:$0x14] =	wrdreg s18;
	s4 =	smul.u32 $0x140, s4;
	s8 =	sshrl.u32 s7, $0x3  }
0xf: {  	s9 =	smul.u32 $0x28000, s1;
	[dreg:$0x15] =	wrdreg s19;
	s8 =	sadd.s32 s8, s5  }
0x10: {  	[dreg:$0x16] =	wrdreg s22;
	s4 =	sadd.s32 s4, s5;
	s8 =	sadd.s32 $0x83800, s8  }
0x11: {  	s6 =	sadd.s32 s6, s5;
	[dreg:$0x3] =	wrdreg s8;
	s4 =	sadd.s32 $0x59E00, s4  }
0x12: {  	s24 =	sadd.s32 $0x5C600, s6;
	[dreg:$0x4] =	wrdreg s4  }
0x13: {  	s9 =	sadd.s32 s7, s9;
	s6 =	simm.s32 $0x100;
	[dreg:$0x5] =	wrdreg s24  }
0x14: {  	s9 =	sshrl.u32 s9, $0x3;
	s8 =	simm.s32 $0x19A0;
	[dreg:$0x9] =	wrdreg s6  }
0x15: {  	s5 =	sadd.s32 s9, s5;
	s9 =	simm.s32 $0x180;
	[dreg:$0xa] =	wrdreg s8  }
0x16: {  	[dreg:$0xb] =	wrdreg s9  }
0x17: {  	s21 =	sshll.u32 s0, $0x6;
	s25 =	sadd.s32 $0x88A00, s5;
	s23 =	rddreg [dreg:$0x3]  }
0x18: {  	s20 =	sadd.s32 s7, s2;
	s5 =	simm.s32 $0x11D0;
	[dreg:$0x6] =	wrdreg s25  }
0x19: {  	s4 =	sor.u32 $0x1C02, s21;
	s24 =	simm.s32 $0x480;
	[dreg:$0x8] =	wrdreg s5  }
0x1a: {  	s6 =	sshrl.u32 s20, $0x3;
	s5 =	simm.s32 $0x2;
	[dreg:$0x17] =	wrdreg s24  }
0x1b: {  	[spmem:s6], [sflag:s4] =	dma.local [hbm:s23], $0x500  }
0x1c: {  	_ =	swait.ge [sflag:s5], $0x500  }
0x1d: {  	[sflag:s5] =	ssyncset.done $0x0  }
0x1e: {  	[sflag:s5] =	ssyncadd.s32 $0xFFFFFB00  }
0x1f: {  	[bflag:$0x0] =	sbarrier.arrive $0xFFFF  }
0x20: {  	s25 =	rddreg [dreg:$0x4]  }
0x21: {  	[tilespmem:s3], [sflag:$0x2] =	stream.linear.gather [hbm4b:s25+s3], $0xA00, $0x38;
	[tilespmem:$0xCE40] =	vst v63  }
0x22: {  	_ =	swait.ge [sflag:s5], $0xA00  }
0x23: {  	[sflag:s5] =	ssyncset.done $0x0  }
0x24: {  	s7 =	simm.s32 $0xA00;
	s26 =	rddreg [dreg:$0x5];
	[sflag:s5] =	ssyncadd.s32 $0xFFFFF600  }
0x25: {  	[tilespmem:s7], [sflag:$0x2] =	stream.linear.gather [hbm4b:s26+s3], $0x9C40, $0x38;
	[tilespmem:$0xCE40] =	vst v63  }
0x26: {  	_ =	swait.ge [sflag:s5], $0x9C40  }
0x27: {  	s0 =	rddreg [dreg:$0x16]  }
0x28: {  	s10 =	rddreg [dreg:$0x14]  }
0x29: {  	s11 =	rddreg [dreg:$0x12]  }
0x2a: {  	s12 =	rddreg [dreg:$0x10]  }
0x2b: {  	s13 =	rddreg [dreg:$0xe]  }
0x2c: {  	s14 =	rddreg [dreg:$0xb]  }
0x2d: {  	s15 =	rddreg [dreg:$0x9];
	[sflag:s5] =	ssyncset.done $0x0  }
0x2e: {  	s8 =	simm.s32 $0x7D;
	s16 =	rddreg [dreg:$0x7];
	[sflag:s5] =	ssyncadd.s32 $0xFFFF63C0  }
0x2f: {  	[spmem:s2] =	stream.indirect.scatter.add.f32 [tilespmem:s7], [sflag:$0x1], $0x10, s3, s8, $0xb8;
	[tilespmem:$0xCE40] =	vst v63  }
0x30: {  	s17 =	rddreg [dreg:$0x8]  }
0x31: {  	[spmem:s2] =	stream.indirect.scatter.add.f32 [tilespmem:s17], [sflag:$0x1], $0x10, s16, s8, $0xb8;
	[tilespmem:$0xCE40] =	vst v63  }
0x32: {  	s18 =	rddreg [dreg:$0xa]  }
0x33: {  	[spmem:s2] =	stream.indirect.scatter.add.f32 [tilespmem:s18], [sflag:$0x1], $0x10, s15, s8, $0xb8;
	[tilespmem:$0xCE40] =	vst v63  }
0x34: {  	s19 =	rddreg [dreg:$0xc]  }
0x35: {  	[spmem:s2] =	stream.indirect.scatter.add.f32 [tilespmem:s19], [sflag:$0x1], $0x10, s14, s8, $0xb8;
	[tilespmem:$0xCE40] =	vst v63  }
0x36: {  	s20 =	rddreg [dreg:$0xd]  }
0x37: {  	[spmem:s2] =	stream.indirect.scatter.add.f32 [tilespmem:s13], [sflag:$0x1], $0x10, s20, s8, $0xb8;
	[tilespmem:$0xCE40] =	vst v63  }
0x38: {  	s21 =	rddreg [dreg:$0xf]  }
0x39: {  	[spmem:s2] =	stream.indirect.scatter.add.f32 [tilespmem:s12], [sflag:$0x1], $0x10, s21, s8, $0xb8;
	[tilespmem:$0xCE40] =	vst v63  }
0x3a: {  	s22 =	rddreg [dreg:$0x11]  }
0x3b: {  	[spmem:s2] =	stream.indirect.scatter.add.f32 [tilespmem:s11], [sflag:$0x1], $0x10, s22, s8, $0xb8;
	[tilespmem:$0xCE40] =	vst v63  }
0x3c: {  	s23 =	rddreg [dreg:$0x13]  }
0x3d: {  	[spmem:s2] =	stream.indirect.scatter.add.f32 [tilespmem:s10], [sflag:$0x1], $0x10, s23, s8, $0xb8;
	[tilespmem:$0xCE40] =	vst v63  }
0x3e: {  	s24 =	rddreg [dreg:$0x15]  }
0x3f: {  	[spmem:s2] =	stream.indirect.scatter.add.f32 [tilespmem:s0], [sflag:$0x1], $0x10, s24, s8, $0xb8;
	[tilespmem:$0xCE40] =	vst v63  }
0x40: {  	s26 =	simm.s32 $0x5050;
	s25 =	rddreg [dreg:$0x17]  }
0x41: {  	[spmem:s2] =	stream.indirect.scatter.add.f32 [tilespmem:s26], [sflag:$0x1], $0x10, s25, s8, $0xb8;
	[tilespmem:$0xCE40] =	vst v63  }
0x42: {  	s9 =	simm.s32 $0x500;
	s10 =	simm.s32 $0x5820  }
0x43: {  	[spmem:s2] =	stream.indirect.scatter.add.f32 [tilespmem:s10], [sflag:$0x1], $0x10, s9, s8, $0xb8;
	[tilespmem:$0xCE40] =	vst v63  }
0x44: {  	s12 =	simm.s32 $0x5FF0;
	s11 =	simm.s32 $0x580  }
0x45: {  	[spmem:s2] =	stream.indirect.scatter.add.f32 [tilespmem:s12], [sflag:$0x1], $0x10, s11, s8, $0xb8;
	[tilespmem:$0xCE40] =	vst v63  }
0x46: {  	s14 =	simm.s32 $0x67C0;
	s13 =	simm.s32 $0x600  }
0x47: {  	[spmem:s2] =	stream.indirect.scatter.add.f32 [tilespmem:s14], [sflag:$0x1], $0x10, s13, s8, $0xb8;
	[tilespmem:$0xCE40] =	vst v63  }
0x48: {  	s16 =	simm.s32 $0x6F90;
	s15 =	simm.s32 $0x680  }
0x49: {  	[spmem:s2] =	stream.indirect.scatter.add.f32 [tilespmem:s16], [sflag:$0x1], $0x10, s15, s8, $0xb8;
	[tilespmem:$0xCE40] =	vst v63  }
0x4a: {  	s18 =	simm.s32 $0x700;
	s19 =	simm.s32 $0x7760  }
0x4b: {  	[spmem:s2] =	stream.indirect.scatter.add.f32 [tilespmem:s19], [sflag:$0x1], $0x10, s18, s8, $0xb8;
	[tilespmem:$0xCE40] =	vst v63  }
0x4c: {  	s20 =	simm.s32 $0x780;
	s21 =	simm.s32 $0x7F30  }
0x4d: {  	[spmem:s2] =	stream.indirect.scatter.add.f32 [tilespmem:s21], [sflag:$0x1], $0x10, s20, s8, $0xb8;
	[tilespmem:$0xCE40] =	vst v63  }
0x4e: {  	s22 =	simm.s32 $0x800;
	s23 =	simm.s32 $0x8700  }
0x4f: {  	[spmem:s2] =	stream.indirect.scatter.add.f32 [tilespmem:s23], [sflag:$0x1], $0x10, s22, s8, $0xb8;
	[tilespmem:$0xCE40] =	vst v63  }
0x50: {  	s24 =	simm.s32 $0x880;
	s25 =	simm.s32 $0x8ED0  }
0x51: {  	[spmem:s2] =	stream.indirect.scatter.add.f32 [tilespmem:s25], [sflag:$0x1], $0x10, s24, s8, $0xb8;
	[tilespmem:$0xCE40] =	vst v63  }
0x52: {  	s28 =	simm.s32 $0x96A0;
	s26 =	simm.s32 $0x900  }
0x53: {  	[spmem:s2] =	stream.indirect.scatter.add.f32 [tilespmem:s28], [sflag:$0x1], $0x10, s26, s8, $0xb8;
	[tilespmem:$0xCE40] =	vst v63  }
0x54: {  	s29 =	simm.s32 $0x980;
	s30 =	simm.s32 $0x9E70;
	s31 =	simm.s32 $0x1  }
0x55: {  	[spmem:s2] =	stream.indirect.scatter.add.f32 [tilespmem:s30], [sflag:$0x1], $0x10, s29, s8, $0xb8;
	[tilespmem:$0xCE40] =	vst v63  }
0x56: {  	_ =	swait.ge [sflag:s31], $0x7D0  }
0x57: {  	[sflag:s31] =	ssyncset.done $0x0  }
0x58: {  	[sflag:s31] =	ssyncadd.s32 $0xFFFFF830  }
0x59: {  	_ =	swait.ge [sflag:s31], $0x7D0  }
0x5a: {  	[sflag:s31] =	ssyncset.done $0x0  }
0x5b: {  	[sflag:s31] =	ssyncadd.s32 $0xFFFFF830  }
0x5c: {  	_ =	swait.ge [sflag:s31], $0x7D0  }
0x5d: {  	[sflag:s31] =	ssyncset.done $0x0  }
0x5e: {  	[sflag:s31] =	ssyncadd.s32 $0xFFFFF830  }
0x5f: {  	_ =	swait.ge [sflag:s31], $0x7D0  }
0x60: {  	[sflag:s31] =	ssyncset.done $0x0  }
0x61: {  	[sflag:s31] =	ssyncadd.s32 $0xFFFFF830  }
0x62: {  	_ =	swait.ge [sflag:s31], $0x7D0  }
0x63: {  	[sflag:s31] =	ssyncset.done $0x0  }
0x64: {  	[sflag:s31] =	ssyncadd.s32 $0xFFFFF830  }
0x65: {  	_ =	swait.ge [sflag:s31], $0x7D0  }
0x66: {  	[sflag:s31] =	ssyncset.done $0x0  }
0x67: {  	[sflag:s31] =	ssyncadd.s32 $0xFFFFF830  }
0x68: {  	_ =	swait.ge [sflag:s31], $0x7D0  }
0x69: {  	[sflag:s31] =	ssyncset.done $0x0  }
0x6a: {  	[sflag:s31] =	ssyncadd.s32 $0xFFFFF830  }
0x6b: {  	_ =	swait.ge [sflag:s31], $0x7D0  }
0x6c: {  	[sflag:s31] =	ssyncset.done $0x0  }
0x6d: {  	[sflag:s31] =	ssyncadd.s32 $0xFFFFF830  }
0x6e: {  	_ =	swait.ge [sflag:s31], $0x7D0  }
0x6f: {  	[sflag:s31] =	ssyncset.done $0x0  }
0x70: {  	[sflag:s31] =	ssyncadd.s32 $0xFFFFF830  }
0x71: {  	_ =	swait.ge [sflag:s31], $0x7D0  }
0x72: {  	[sflag:s31] =	ssyncset.done $0x0  }
0x73: {  	[sflag:s31] =	ssyncadd.s32 $0xFFFFF830  }
0x74: {  	_ =	swait.ge [sflag:s31], $0x7D0  }
0x75: {  	[sflag:s31] =	ssyncset.done $0x0  }
0x76: {  	[sflag:s31] =	ssyncadd.s32 $0xFFFFF830  }
0x77: {  	_ =	swait.ge [sflag:s31], $0x7D0  }
0x78: {  	[sflag:s31] =	ssyncset.done $0x0  }
0x79: {  	[sflag:s31] =	ssyncadd.s32 $0xFFFFF830  }
0x7a: {  	_ =	swait.ge [sflag:s31], $0x7D0  }
0x7b: {  	[sflag:s31] =	ssyncset.done $0x0  }
0x7c: {  	[sflag:s31] =	ssyncadd.s32 $0xFFFFF830  }
0x7d: {  	_ =	swait.ge [sflag:s31], $0x7D0  }
0x7e: {  	[sflag:s31] =	ssyncset.done $0x0  }
0x7f: {  	[sflag:s31] =	ssyncadd.s32 $0xFFFFF830  }
0x80: {  	_ =	swait.ge [sflag:s31], $0x7D0  }
0x81: {  	[sflag:s31] =	ssyncset.done $0x0  }
0x82: {  	[sflag:s31] =	ssyncadd.s32 $0xFFFFF830  }
0x83: {  	_ =	swait.ge [sflag:s31], $0x7D0  }
0x84: {  	[sflag:s31] =	ssyncset.done $0x0  }
0x85: {  	[sflag:s31] =	ssyncadd.s32 $0xFFFFF830  }
0x86: {  	_ =	swait.ge [sflag:s31], $0x7D0  }
0x87: {  	[sflag:s31] =	ssyncset.done $0x0  }
0x88: {  	s1 =	ssub.s32 $0x2, s1;
	[sflag:s31] =	ssyncadd.s32 $0xFFFFF830  }
0x89: {  	s17 =	sshrl.u32 s1, $0x1;
	_ =	swait.ge [sflag:s31], $0x7D0  }
0x8a: {  	s0 =	ssub.s32 s1, s17;
	[sflag:s31] =	ssyncset.done $0x0  }
0x8b: {  	s0 =	smax.u32 s0, $0x1;
	[sflag:s31] =	ssyncadd.s32 $0xFFFFF830  }
0x8c: {  	p0 =	sne.s32 s0, $0x1;
	_ =	swait.ge [sflag:s31], $0x7D0  }
.Ltmp0:
0x8d: {  	[sflag:s31] =	ssyncset.done $0x0;
	(pc) =	sbr.rel @!p0 .LBB2_2-.Ltmp0, $4  }
0x8e: {  	[sflag:s31] =	ssyncadd.s32 $0xFFFFF830  }
0x8f: {  	_ =	swait.ge [sflag:s31], $0x7D0  }
0x90: {  	[sflag:s31] =	ssyncset.done $0x0  }
0x91: {  	s1 =	sadd.s32 $0xFFFFFFFF, s0;
	[sflag:s31] =	ssyncadd.s32 $0xFFFFF830  }
.LBB2_1:
0x92: {  	[bflag:$0x0] =	sbarrier.arrive $0xFFFF  }
0x93: {  	s0 =	rddreg [dreg:$0x6]  }
0x94: {  	[hbm:s0], [sflag:s4] =	dma.local [spmem:s6], $0x500  }
0x95: {  	_ =	swait.ge [sflag:s5], $0x500  }
0x96: {  	[sflag:s5] =	ssyncset.done $0x0  }
0x97: {  	s13 =	rddreg [dreg:$0x3];
	[sflag:s5] =	ssyncadd.s32 $0xFFFFFB00  }
0x98: {  	[spmem:s6], [sflag:s4] =	dma.local [hbm:s13], $0x500  }
0x99: {  	_ =	swait.ge [sflag:s5], $0x500  }
0x9a: {  	[sflag:s5] =	ssyncset.done $0x0  }
0x9b: {  	[sflag:s5] =	ssyncadd.s32 $0xFFFFFB00  }
0x9c: {  	[bflag:$0x0] =	sbarrier.arrive $0xFFFF  }
0x9d: {  	s14 =	rddreg [dreg:$0x4]  }
0x9e: {  	[tilespmem:s3], [sflag:$0x2] =	stream.linear.gather [hbm4b:s14+s3], $0xA00, $0x38;
	[tilespmem:$0xCE40] =	vst v63  }
0x9f: {  	_ =	swait.ge [sflag:s5], $0xA00  }
0xa0: {  	[sflag:s5] =	ssyncset.done $0x0  }
0xa1: {  	s15 =	rddreg [dreg:$0x5];
	[sflag:s5] =	ssyncadd.s32 $0xFFFFF600  }
0xa2: {  	[tilespmem:s7], [sflag:$0x2] =	stream.linear.gather [hbm4b:s15+s3], $0x9C40, $0x38;
	[tilespmem:$0xCE40] =	vst v63  }
0xa3: {  	_ =	swait.ge [sflag:s5], $0x9C40  }
0xa4: {  	s0 =	rddreg [dreg:$0x16]  }
0xa5: {  	s9 =	rddreg [dreg:$0x14]  }
0xa6: {  	s10 =	rddreg [dreg:$0x12]  }
0xa7: {  	s11 =	rddreg [dreg:$0x10]  }
0xa8: {  	s12 =	rddreg [dreg:$0xe]  }
0xa9: {  	s13 =	rddreg [dreg:$0xb]  }
0xaa: {  	[sflag:s5] =	ssyncset.done $0x0;
	s14 =	rddreg [dreg:$0x9]  }
0xab: {  	s15 =	rddreg [dreg:$0x7];
	[sflag:s5] =	ssyncadd.s32 $0xFFFF63C0  }
0xac: {  	[spmem:s2] =	stream.indirect.scatter.add.f32 [tilespmem:s7], [sflag:$0x1], $0x10, s3, s8, $0xb8;
	[tilespmem:$0xCE40] =	vst v63  }
0xad: {  	s16 =	rddreg [dreg:$0x8]  }
0xae: {  	[spmem:s2] =	stream.indirect.scatter.add.f32 [tilespmem:s16], [sflag:$0x1], $0x10, s15, s8, $0xb8;
	[tilespmem:$0xCE40] =	vst v63  }
0xaf: {  	s17 =	rddreg [dreg:$0xa]  }
0xb0: {  	[spmem:s2] =	stream.indirect.scatter.add.f32 [tilespmem:s17], [sflag:$0x1], $0x10, s14, s8, $0xb8;
	[tilespmem:$0xCE40] =	vst v63  }
0xb1: {  	s16 =	rddreg [dreg:$0xc]  }
0xb2: {  	[spmem:s2] =	stream.indirect.scatter.add.f32 [tilespmem:s16], [sflag:$0x1], $0x10, s13, s8, $0xb8;
	[tilespmem:$0xCE40] =	vst v63  }
0xb3: {  	s17 =	rddreg [dreg:$0xd]  }
0xb4: {  	[spmem:s2] =	stream.indirect.scatter.add.f32 [tilespmem:s12], [sflag:$0x1], $0x10, s17, s8, $0xb8;
	[tilespmem:$0xCE40] =	vst v63  }
0xb5: {  	s16 =	rddreg [dreg:$0xf]  }
0xb6: {  	[spmem:s2] =	stream.indirect.scatter.add.f32 [tilespmem:s11], [sflag:$0x1], $0x10, s16, s8, $0xb8;
	[tilespmem:$0xCE40] =	vst v63  }
0xb7: {  	s17 =	rddreg [dreg:$0x11]  }
0xb8: {  	[spmem:s2] =	stream.indirect.scatter.add.f32 [tilespmem:s10], [sflag:$0x1], $0x10, s17, s8, $0xb8;
	[tilespmem:$0xCE40] =	vst v63  }
0xb9: {  	s14 =	rddreg [dreg:$0x13]  }
0xba: {  	[spmem:s2] =	stream.indirect.scatter.add.f32 [tilespmem:s9], [sflag:$0x1], $0x10, s14, s8, $0xb8;
	[tilespmem:$0xCE40] =	vst v63  }
0xbb: {  	s15 =	rddreg [dreg:$0x15]  }
0xbc: {  	[spmem:s2] =	stream.indirect.scatter.add.f32 [tilespmem:s0], [sflag:$0x1], $0x10, s15, s8, $0xb8;
	[tilespmem:$0xCE40] =	vst v63  }
0xbd: {  	s16 =	rddreg [dreg:$0x17];
	s17 =	simm.s32 $0x5050  }
0xbe: {  	[spmem:s2] =	stream.indirect.scatter.add.f32 [tilespmem:s17], [sflag:$0x1], $0x10, s16, s8, $0xb8;
	[tilespmem:$0xCE40] =	vst v63  }
0xbf: {  	s11 =	simm.s32 $0x5820;
	s10 =	simm.s32 $0x500  }
0xc0: {  	[spmem:s2] =	stream.indirect.scatter.add.f32 [tilespmem:s11], [sflag:$0x1], $0x10, s10, s8, $0xb8;
	[tilespmem:$0xCE40] =	vst v63  }
0xc1: {  	s13 =	simm.s32 $0x5FF0;
	s12 =	simm.s32 $0x580  }
0xc2: {  	[spmem:s2] =	stream.indirect.scatter.add.f32 [tilespmem:s13], [sflag:$0x1], $0x10, s12, s8, $0xb8;
	[tilespmem:$0xCE40] =	vst v63  }
0xc3: {  	s14 =	simm.s32 $0x600;
	s15 =	simm.s32 $0x67C0  }
0xc4: {  	[spmem:s2] =	stream.indirect.scatter.add.f32 [tilespmem:s15], [sflag:$0x1], $0x10, s14, s8, $0xb8;
	[tilespmem:$0xCE40] =	vst v63  }
0xc5: {  	s16 =	simm.s32 $0x680;
	s17 =	simm.s32 $0x6F90  }
0xc6: {  	[spmem:s2] =	stream.indirect.scatter.add.f32 [tilespmem:s17], [sflag:$0x1], $0x10, s16, s8, $0xb8;
	[tilespmem:$0xCE40] =	vst v63  }
0xc7: {  	_ = 	snop  }
0xc8: {  	[spmem:s2] =	stream.indirect.scatter.add.f32 [tilespmem:s19], [sflag:$0x1], $0x10, s18, s8, $0xb8;
	[tilespmem:$0xCE40] =	vst v63  }
0xc9: {  	_ = 	snop  }
0xca: {  	[spmem:s2] =	stream.indirect.scatter.add.f32 [tilespmem:s21], [sflag:$0x1], $0x10, s20, s8, $0xb8;
	[tilespmem:$0xCE40] =	vst v63  }
0xcb: {  	_ = 	snop  }
0xcc: {  	[spmem:s2] =	stream.indirect.scatter.add.f32 [tilespmem:s23], [sflag:$0x1], $0x10, s22, s8, $0xb8;
	[tilespmem:$0xCE40] =	vst v63  }
0xcd: {  	_ = 	snop  }
0xce: {  	[spmem:s2] =	stream.indirect.scatter.add.f32 [tilespmem:s25], [sflag:$0x1], $0x10, s24, s8, $0xb8;
	[tilespmem:$0xCE40] =	vst v63  }
0xcf: {  	_ = 	snop  }
0xd0: {  	[spmem:s2] =	stream.indirect.scatter.add.f32 [tilespmem:s28], [sflag:$0x1], $0x10, s26, s8, $0xb8;
	[tilespmem:$0xCE40] =	vst v63  }
0xd1: {  	_ = 	snop  }
0xd2: {  	[spmem:s2] =	stream.indirect.scatter.add.f32 [tilespmem:s30], [sflag:$0x1], $0x10, s29, s8, $0xb8;
	[tilespmem:$0xCE40] =	vst v63  }
0xd3: {  	_ =	swait.ge [sflag:s31], $0x7D0  }
0xd4: {  	[sflag:s31] =	ssyncset.done $0x0  }
0xd5: {  	[sflag:s31] =	ssyncadd.s32 $0xFFFFF830  }
0xd6: {  	_ =	swait.ge [sflag:s31], $0x7D0  }
0xd7: {  	[sflag:s31] =	ssyncset.done $0x0  }
0xd8: {  	[sflag:s31] =	ssyncadd.s32 $0xFFFFF830  }
0xd9: {  	_ =	swait.ge [sflag:s31], $0x7D0  }
0xda: {  	[sflag:s31] =	ssyncset.done $0x0  }
0xdb: {  	[sflag:s31] =	ssyncadd.s32 $0xFFFFF830  }
0xdc: {  	_ =	swait.ge [sflag:s31], $0x7D0  }
0xdd: {  	[sflag:s31] =	ssyncset.done $0x0  }
0xde: {  	[sflag:s31] =	ssyncadd.s32 $0xFFFFF830  }
0xdf: {  	_ =	swait.ge [sflag:s31], $0x7D0  }
0xe0: {  	[sflag:s31] =	ssyncset.done $0x0  }
0xe1: {  	[sflag:s31] =	ssyncadd.s32 $0xFFFFF830  }
0xe2: {  	_ =	swait.ge [sflag:s31], $0x7D0  }
0xe3: {  	[sflag:s31] =	ssyncset.done $0x0  }
0xe4: {  	[sflag:s31] =	ssyncadd.s32 $0xFFFFF830  }
0xe5: {  	_ =	swait.ge [sflag:s31], $0x7D0  }
0xe6: {  	[sflag:s31] =	ssyncset.done $0x0  }
0xe7: {  	[sflag:s31] =	ssyncadd.s32 $0xFFFFF830  }
0xe8: {  	_ =	swait.ge [sflag:s31], $0x7D0  }
0xe9: {  	[sflag:s31] =	ssyncset.done $0x0  }
0xea: {  	[sflag:s31] =	ssyncadd.s32 $0xFFFFF830  }
0xeb: {  	_ =	swait.ge [sflag:s31], $0x7D0  }
0xec: {  	[sflag:s31] =	ssyncset.done $0x0  }
0xed: {  	[sflag:s31] =	ssyncadd.s32 $0xFFFFF830  }
0xee: {  	_ =	swait.ge [sflag:s31], $0x7D0  }
0xef: {  	[sflag:s31] =	ssyncset.done $0x0  }
0xf0: {  	[sflag:s31] =	ssyncadd.s32 $0xFFFFF830  }
0xf1: {  	_ =	swait.ge [sflag:s31], $0x7D0  }
0xf2: {  	[sflag:s31] =	ssyncset.done $0x0  }
0xf3: {  	[sflag:s31] =	ssyncadd.s32 $0xFFFFF830  }
0xf4: {  	_ =	swait.ge [sflag:s31], $0x7D0  }
0xf5: {  	[sflag:s31] =	ssyncset.done $0x0  }
0xf6: {  	[sflag:s31] =	ssyncadd.s32 $0xFFFFF830  }
0xf7: {  	_ =	swait.ge [sflag:s31], $0x7D0  }
0xf8: {  	[sflag:s31] =	ssyncset.done $0x0  }
0xf9: {  	[sflag:s31] =	ssyncadd.s32 $0xFFFFF830  }
0xfa: {  	_ =	swait.ge [sflag:s31], $0x7D0  }
0xfb: {  	[sflag:s31] =	ssyncset.done $0x0  }
0xfc: {  	[sflag:s31] =	ssyncadd.s32 $0xFFFFF830  }
0xfd: {  	_ =	swait.ge [sflag:s31], $0x7D0  }
0xfe: {  	[sflag:s31] =	ssyncset.done $0x0  }
0xff: {  	[sflag:s31] =	ssyncadd.s32 $0xFFFFF830  }
0x100: {  	_ =	swait.ge [sflag:s31], $0x7D0  }
0x101: {  	[sflag:s31] =	ssyncset.done $0x0  }
0x102: {  	[sflag:s31] =	ssyncadd.s32 $0xFFFFF830  }
0x103: {  	_ =	swait.ge [sflag:s31], $0x7D0  }
0x104: {  	[sflag:s31] =	ssyncset.done $0x0  }
0x105: {  	[sflag:s31] =	ssyncadd.s32 $0xFFFFF830  }
0x106: {  	_ =	swait.ge [sflag:s31], $0x7D0  }
0x107: {  	[sflag:s31] =	ssyncset.done $0x0  }
0x108: {  	[sflag:s31] =	ssyncadd.s32 $0xFFFFF830  }
0x109: {  	p0 =	sne.s32 s1, $0x1;
	_ =	swait.ge [sflag:s31], $0x7D0  }
.Ltmp1:
0x10a: {  	[sflag:s31] =	ssyncset.done $0x0;
	(pc) =	sbr.rel @p0 .LBB2_1-.Ltmp1, $4  }
0x10b: {  	[sflag:s31] =	ssyncadd.s32 $0xFFFFF830  }
0x10c: {  	_ =	swait.ge [sflag:s31], $0x7D0  }
0x10d: {  	[sflag:s31] =	ssyncset.done $0x0  }
0x10e: {  	s1 =	sadd.s32 $0xFFFFFFFF, s1;
	[sflag:s31] =	ssyncadd.s32 $0xFFFFF830  }
.LBB2_2:
0x10f: {  	[bflag:$0x0] =	sbarrier.arrive $0xFFFF  }
0x110: {  	s0 =	rddreg [dreg:$0x6]  }
0x111: {  	[hbm:s0], [sflag:s4] =	dma.local [spmem:s6], $0x500  }
0x112: {  	_ =	swait.ge [sflag:s5], $0x500  }
0x113: {  	[sflag:s5] =	ssyncset.done $0x0  }
0x114: {  	[sflag:s5] =	ssyncadd.s32 $0xFFFFFB00  }
0x115: {  	_ =	sfence.sel $0x180000  }
0x116: {  	[bflag:$0x0] =	sbarrier.arrive $0xFFFF  }
0x117: {  	_ =	strace $0x90000053  }
0x118: {  	s31 =	stileid.u32;
	[bflag:$0x2] =	sbarrier.arrive $0xFFFF  }
0x119: {  	p0 =	sne.s32 s31, $0x0;
	s0 =	rddreg [dreg:$0x2]  }
0x11a: {  	s0 =	sadd.s32 @!p0 $0x100000, s0  }
0x11b: {  	[sflag:s0] =	ssyncadd.tile.s32 @!p0 $0x1;
	_ =	shalt  }
.Lfunc_end2:
_tile_overlayer_lowered:
.L_overlay_start_2:
0x11c: {  	(tag) =	ssettag $0x2  }
0x11d: {  	s0 =	rddreg [dreg:$0x0];
	s2 =	stileid.u32  }
0x11e: {  	s1 =	rddreg [dreg:$0x1];
	p0 =	sne.s32 s2, $0x0  }
0x11f: {  	s3 =	rddreg [dreg:$0x2];
	[bflag:$0x3] =	sbarrier.arrive $0xFFFF;
	s2 =	simm.s32 @!p0 $0x1C02  }
0x120: {  	[timem:s3], [sflag:s2] =	dma.local @!p0 [hbm:s0], s1  }
0x121: {  	s0 =	simm.s32 @!p0 $0x2  }
0x122: {  	_ =	swait.ge @!p0 [sflag:s0], s1  }
0x123: {  	s1 =	ssub.s32 @!p0 $0x0, s1;
	[sflag:s0] =	ssyncset.done @!p0 $0x0  }
0x124: {  	[sflag:s0] =	ssyncadd.s32 @!p0 s1  }
0x125: {  	[bflag:$0x3] =	sbarrier.arrive $0xFFFF  }
0x126: {  	_ =	shalt  }

// kernel: kernel.29.cloned.1.call-start
scs
__scs_entry_jumppad:
0x0: {  	(pc) =	sbr.rel $0x88, $3  }
0x1: {  	(tag) =	ssettag $0x0;
	lr =	simm.s32 $0x1  }
0x2: {  	[smem:$0x3F94] =	sst lr;
	_ =	strace $0xD0000000  }
0x3: {  	_ = 	snop  }
0x4: {  	_ = 	snop  }
0x5: {  	_ = 	snop  }
0x6: {  	_ = 	snop  }
0x7: {  	_ = 	snop  }
__scs_overlays_trampoline_lowered:
0x8: {  	[smem:$0x3FA3] =	sst s0  }
0x9: {  	[smem:$0x3FA4] =	sst s1  }
0xa: {  	[smem:$0x3FA5] =	sst s2  }
0xb: {  	[smem:$0x3FA6] =	sst s3  }
0xc: {  	[smem:$0x3FA7] =	sst s4  }
0xd: {  	[smem:$0x3FA8] =	sst s5  }
0xe: {  	[smem:$0x3FA9] =	sst s6  }
0xf: {  	[smem:$0x3FAA] =	sst s7  }
0x10: {  	[smem:$0x3FAB] =	sst s8  }
0x11: {  	[smem:$0x3FAC] =	sst s9;
	s0 =	simm.s32 @!p0 $0x0  }
0x12: {  	s1 =	sld [smem:$0x3F92];
	s0 =	simm.s32 @p0 $0x1  }
0x13: {  	[smem:$0x3FAD] =	sst s0;
	s0 =	simm.s32 @!p1 $0x0  }
0x14: {  	s2 =	sld [smem:$0x3F91];
	s0 =	simm.s32 @p1 $0x1  }
0x15: {  	[smem:$0x3FAE] =	sst s0;
	s0 =	simm.s32 @!p2 $0x0  }
0x16: {  	s3 =	sld [smem:$0x3FDB];
	s0 =	simm.s32 @p2 $0x1  }
0x17: {  	s4 =	simm.s32 $0x1BF5;
	[smem:$0x3FB0] =	sst s0  }
0x18: {  	s0 =	sld [smem:$0x3F93];
	_ =	swait.ge [sflag:s4], $0x0  }
0x19: {  	s7 =	sld [smem:$0x3F94]  }
0x1a: {  	s8 =	sadd.s32 $0xFFFFE003, lr  }
0x1b: {  	s9 =	sadd.s32 $0xFFFFFEF7, lr;
	s5 =	simm.s32 $0xFFFFFFFF;
	p2 =	slt.u32 s8, $0xFFFFF086  }
0x1c: {  	p1 =	slt.u32 s9, $0xF7A;
	s5 =	simm.s32 @!p2 $0x0  }
0x1d: {  	s5 =	simm.s32 @p1 $0x1;
	p0 =	seq.s32 s7, s2  }
0x1e: {  	s7 =	smul.u32 @!p0 $0xF7A, s2;
	p2 =	seq.s32 @!p0 s5, $0x0  }
0x1f: {  	s9 =	smul.u32 $0xF7A, s1;
	s8 =	simm.s32 @!p0 $0x1BF5;
	p2 =	por !p2, p0  }
0x20: {  	[sflag:s8] =	ssyncset.s32 @!p0 $0xFFFFF086;
	s6 =	sadd.s32 @!p0 s3, s7;
	s7 =	simm.s32 @!p0 $0x108  }
0x21: {  	s3 =	sadd.s32 s3, s9;
	s6 =	sadd.s32 @!p0 $0x88, s6;
	s7 =	simm.s32 @p2 $0x1082  }
0x22: {  	[simem:s7], [sflag:s8] =	dma.local @!p0 [hbm:s6], $0xF7A  }
0x23: {  	s9 =	sor.u32 $0xD0000000, s2;
	s6 =	simm.s32 $0x108;
	_ =	swait.ge @!p0 [sflag:s8], $0x0  }
0x24: {  	s3 =	sadd.s32 $0x88, s3;
	s6 =	simm.s32 @!p1 $0x1082;
	[sflag:s4] =	ssyncset.s32 $0xFFFFF086  }
0x25: {  	[simem:s6], [sflag:s4] =	dma.local [hbm:s3], $0xF7A  }
0x26: {  	[smem:$0x3F94] =	sst s1;
	(tag) =	ssettag s2;
	_ =	strace s9  }
0x27: {  	s1 =	sld [smem:$0x3FA4]  }
0x28: {  	s2 =	sld [smem:$0x3FA5]  }
0x29: {  	s4 =	sld [smem:$0x3FA7]  }
0x2a: {  	p0 =	seq.s32 s5, $0x0;
	s5 =	sld [smem:$0x3FA8]  }
0x2b: {  	s6 =	sld [smem:$0x3FA9]  }
0x2c: {  	s7 =	sld [smem:$0x3FAA]  }
0x2d: {  	s3 =	simm.s32 $0x108;
	s8 =	sld [smem:$0x3FAB]  }
0x2e: {  	s3 =	simm.s32 @!p0 $0x1082;
	s9 =	sld [smem:$0x3FAC]  }
0x2f: {  	lr =	sadd.s32 s0, s3;
	s0 =	sld [smem:$0x3FA3]  }
0x30: {  	s3 =	sld [smem:$0x3FA6]  }
0x31: {  	[smem:$0x3FAF] =	sst s10  }
0x32: {  	s10 =	sld [smem:$0x3FAD];
	_ =	sdelay $0x3  }
0x33: {  	p0 =	seq.s32 s10, $0x1;
	s10 =	sld [smem:$0x3FAF];
	_ =	sdelay $0x3  }
0x34: {  	[smem:$0x3FAF] =	sst s10  }
0x35: {  	s10 =	sld [smem:$0x3FAE];
	_ =	sdelay $0x3  }
0x36: {  	p1 =	seq.s32 s10, $0x1;
	s10 =	sld [smem:$0x3FAF];
	_ =	sdelay $0x3  }
0x37: {  	[smem:$0x3FAF] =	sst s10  }
0x38: {  	s10 =	sld [smem:$0x3FB0]  }
0x39: {  	_ = 	snop;
	(pc) =	sbr.ind lr, $3  }
0x3a: {  	_ = 	snop  }
0x3b: {  	_ = 	snop  }
0x3c: {  	p2 =	seq.s32 s10, $0x1;
	s10 =	sld [smem:$0x3FAF]  }
0x3d: {  	_ =	shalt  }
0x3e: {  	_ =	shalt  }
0x3f: {  	_ =	shalt  }
0x40: {  	_ =	shalt  }
0x41: {  	_ =	shalt  }
0x42: {  	_ =	shalt  }
0x43: {  	_ =	shalt  }
0x44: {  	_ =	shalt  }
0x45: {  	_ =	shalt  }
0x46: {  	_ =	shalt  }
0x47: {  	_ =	shalt  }
0x48: {  	_ =	shalt  }
0x49: {  	_ =	shalt  }
0x4a: {  	_ =	shalt  }
0x4b: {  	_ =	shalt  }
0x4c: {  	_ =	shalt  }
0x4d: {  	_ =	shalt  }
0x4e: {  	_ =	shalt  }
0x4f: {  	_ =	shalt  }
0x50: {  	_ =	shalt  }
0x51: {  	_ =	shalt  }
0x52: {  	_ =	shalt  }
0x53: {  	_ =	shalt  }
0x54: {  	_ =	shalt  }
0x55: {  	_ =	shalt  }
0x56: {  	_ =	shalt  }
0x57: {  	_ =	shalt  }
0x58: {  	_ =	shalt  }
0x59: {  	_ =	shalt  }
0x5a: {  	_ =	shalt  }
0x5b: {  	_ =	shalt  }
0x5c: {  	_ =	shalt  }
0x5d: {  	_ =	shalt  }
0x5e: {  	_ =	shalt  }
0x5f: {  	_ =	shalt  }
0x60: {  	_ =	shalt  }
0x61: {  	_ =	shalt  }
0x62: {  	_ =	shalt  }
0x63: {  	_ =	shalt  }
0x64: {  	_ =	shalt  }
0x65: {  	_ =	shalt  }
0x66: {  	_ =	shalt  }
0x67: {  	_ =	shalt  }
0x68: {  	_ =	shalt  }
0x69: {  	_ =	shalt  }
0x6a: {  	_ =	shalt  }
0x6b: {  	_ =	shalt  }
0x6c: {  	_ =	shalt  }
0x6d: {  	_ =	shalt  }
0x6e: {  	_ =	shalt  }
0x6f: {  	_ =	shalt  }
0x70: {  	_ =	shalt  }
0x71: {  	_ =	shalt  }
0x72: {  	_ =	shalt  }
0x73: {  	_ =	shalt  }
0x74: {  	_ =	shalt  }
0x75: {  	_ =	shalt  }
0x76: {  	_ =	shalt  }
0x77: {  	_ =	shalt  }
0x78: {  	_ =	shalt  }
0x79: {  	_ =	shalt  }
0x7a: {  	_ =	shalt  }
0x7b: {  	_ =	shalt  }
0x7c: {  	_ =	shalt  }
0x7d: {  	_ =	shalt  }
0x7e: {  	_ =	shalt  }
0x7f: {  	_ =	shalt  }
0x80: {  	_ =	shalt  }
0x81: {  	_ =	shalt  }
0x82: {  	_ =	shalt  }
0x83: {  	_ =	shalt  }
0x84: {  	_ =	shalt  }
0x85: {  	_ =	shalt  }
0x86: {  	_ =	shalt  }
0x87: {  	_ =	shalt  }
.Lfunc_end0:
.L_simem_size_0:
called_computation.5_lowered:
.L_overlay_start_0:
0x88: {  	s2 =	sld [smem:$0x3FD9]  }
0x89: {  	s3 =	sld [smem:$0x3FFE];
	_ =	sdelay $0x1  }
0x8a: {  	s1 =	srdreg.scid  }
0x8b: {  	s0 =	sand.u32 $0x1, s1  }
0x8c: {  	s17 =	sshll.u32 s0, $0xA;
	s2 =	sadd.s32 s3, s2  }
0x8d: {  	s2 =	sadd.s32 s2, s17  }
0x8e: {  	[smem:$0x3FBB] =	sst s2  }
0x8f: {  	_ = 	snop  }
0x90: {  	(tm) =	ssettm $0x1  }
0x91: {  	s18 =	sld [smem:$0x3FFB];
	_ =	sdelay $0x3  }
0x92: {  	_ =	strace s18  }
0x93: {  	s2 =	sld [smem:$0x3FFC];
	_ =	sdelay $0x3  }
0x94: {  	_ =	strace s2  }
0x95: {  	s2 =	sld [smem:$0x3FFD];
	_ =	sdelay $0x3  }
0x96: {  	_ =	strace s2  }
0x97: {  	_ =	strace $0x8FFFFFFF  }
0x98: {  	s19 =	sld [smem:$0x3FDB];
	_ =	sdelay $0x1  }
0x99: {  	s20 =	simm.s32 $_scs_section_size  }
0x9a: {  	s4 =	simm.s32 $_size__tile_overlayer_lowered;
	s5 =	simm.s32 $_tile_overlayer_lowered  }
0x9b: {  	s6 =	simm.s32 $0x1BFF;
	s21 =	sshll.u32 s5, $0x1;
	s3 =	sadd.s32 s20, s19  }
0x9c: {  	s22 =	simm.s32 $0x0;
	s4 =	sshll.u32 s4, $0x1;
	s5 =	sadd.s32 s21, s3  }
0x9d: {  	[timem:s22], [sflag:s6] =	dma.local [hbm:s5], s4  }
0x9e: {  	_ =	swait.ge [sflag:s6], s4  }
0x9f: {  	s4 =	ssub.s32 $0x0, s4;
	[sflag:s6] =	ssyncset.done $0x0  }
0xa0: {  	[sflag:s6] =	ssyncadd.s32 s4;
	_ =	sdelay $0x1  }
0xa1: {  	s23 =	simm.s32 $0x1B8B  }
0xa2: {  	_ =	swait.ge [sflag:s23], $0x1  }
0xa3: {  	[sflag:s23] =	ssyncset.done $0x0  }
0xa4: {  	[sflag:s23] =	ssyncadd.s32 $0xFFFFFFFF  }
0xa5: {  	s4 =	sld [smem:$0x0]  }
0xa6: {  	s5 =	sand.u32 $0xFFFFFFFE, s1  }
0xa7: {  	p0 =	sne.s32 s1, s5  }
0xa8: {  	s5 =	sshll.u32 @p0 s5, $0xE  }
0xa9: {  	s5 =	sadd.s32 @p0 $0x11B8D, s5;
	s6 =	sshll.u32 @p0 s4, $0x11  }
0xaa: {  	s5 =	sor.u32 @p0 s6, s5  }
0xab: {  	[sflag:s5] =	ssyncadd.remote.s32 @p0 $0x1;
	_ =	sdelay $0x1  }
0xac: {  	s5 =	simm.s32 @p0 $0x1B8D  }
0xad: {  	_ =	swait.eq @p0 [sflag:s5], $0x1  }
0xae: {  	[sflag:s5] =	ssyncadd.s32 @p0 $0xFFFFFFFF  }
0xaf: {  	s6 =	sshll.u32 @!p0 s1, $0xE  }
0xb0: {  	s6 =	sor.u32 @!p0 $0x4000, s6;
	s5 =	simm.s32 @!p0 $0x1B8D  }
0xb1: {  	s4 =	sshll.u32 @!p0 s4, $0x11;
	s6 =	sadd.s32 @!p0 $0x11B8D, s6;
	_ =	swait.eq @!p0 [sflag:s5], $0x1  }
0xb2: {  	s4 =	sor.u32 @!p0 s4, s6;
	[sflag:s5] =	ssyncadd.s32 @!p0 $0xFFFFFFFF  }
0xb3: {  	s25 =	simm.s32 $0x1B8E;
	s24 =	sld [smem:$0x3FFE];
	[sflag:s4] =	ssyncadd.remote.s32 @!p0 $0x1  }
0xb4: {  	s26 =	simm.s32 $execute0_lowered;
	[smem:$0x3FD2] =	sst s25  }
0xb5: {  	s5 =	sshll.u32 s26, $0x1;
	_ =	strace $0x80000055;
	[dreg:$0x1] =	wrdreg $0xFFFFFFFF  }
0xb6: {  	s28 =	simm.s32 $_size_execute0_lowered;
	s3 =	sadd.s32 s3, s5;
	[dreg:$0x0] =	wrdreg $0x0  }
0xb7: {  	s5 =	sshll.u32 s28, $0x1;
	[dreg:$0x2] =	wrdreg s3  }
0xb8: {  	[dreg:$0x3] =	wrdreg s5  }
0xb9: {  	[dreg:$0x4] =	wrdreg $0xC0  }
0xba: {  	_ =	task [dreg:s22], $0x5FFFF  }
0xbb: {  	[dreg:$0x1] =	wrdreg $0xFFFFFFFF  }
0xbc: {  	[dreg:$0x0] =	wrdreg $0x60  }
0xbd: {  	[dreg:$0x2] =	wrdreg s24  }
0xbe: {  	[dreg:$0x3] =	wrdreg $0xA6400  }
0xbf: {  	[dreg:$0x4] =	wrdreg $0xA  }
0xc0: {  	_ =	task.clear_ibuf [dreg:s22], $0x5FFFF;
	_ =	strace $0x90000055  }
0xc1: {  	s29 =	simm.s32 $0xA;
	_ =	strace $0x80000057  }
0xc2: {  	_ =	swait.ge [sflag:s29], $0x1  }
0xc3: {  	[sflag:s29] =	ssyncadd.s32 $0xFFFFFFFF  }
0xc4: {  	_ =	strace $0x90000057  }
0xc5: {  	_ =	sfence  }
0xc6: {  	s30 =	sld [smem:$0x0];
	_ =	sdelay $0x2  }
0xc7: {  	s31 =	sshll.u32 s1, $0xD;
	s1 =	sshrl.u32 s1, $0x2  }
0xc8: {  	s4 =	sand.u32 $0x4000, s31;
	s1 =	sadd.s32 s1, s30  }
0xc9: {  	s0 =	sor.u32 s4, s0;
	s1 =	sshll.u32 s1, $0x11  }
0xca: {  	s0 =	sor.u32 s1, s0  }
0xcb: {  	s0 =	sadd.s32 $0x8F2B, s0  }
0xcc: {  	[sflag:s0] =	ssyncadd.remote.s32 $0x1  }
0xcd: {  	_ =	sfence.sel $0xFFFF  }
0xce: {  	[dreg:$0x0] =	wrdreg $0xFFFFFFFF;
	(pc) =	sbr.abs _section_cstart, $3  }
0xcf: {  	[dreg:$0x1] =	wrdreg $0xFFFFFFFF  }
0xd0: {  	_ =	task.clear_ibuf [dreg:s22], $0x2FFFF;
	_ =	strace $0x9FFFFFFF  }
0xd1: {  	(tm) =	ssettm $0x7FFFFFFF  }
tec
execute0_lowered:
.L_overlay_start_1:
0x0: {  	(tag) =	ssettag $0x1  }
0x1: {  	s1 =	srdreg.scid  }
0x2: {  	s0 =	stileid.u32;
	s5 =	rddreg [dreg:$0x0];
	s3 =	simm.s32 $0x0  }
0x3: {  	s1 =	sand.u32 $0x1, s1;
	s2 =	sshll.u32 s0, $0x1;
	[smem:$0x7FF] =	sst s3  }
0x4: {  	s26 =	simm.s32 $0x80;
	s4 =	sor.u32 s1, s2;
	s2 =	rddreg [dreg:$0x1]  }
0x5: {  	s10 =	simm.s32 $0x2170;
	_ =	strace $0x80000056;
	[dreg:$0x7] =	wrdreg s26  }
0x6: {  	s11 =	simm.s32 $0x200;
	[dreg:$0xc] =	wrdreg s10  }
0x7: {  	s12 =	simm.s32 $0x2940;
	[dreg:$0xd] =	wrdreg s11  }
0x8: {  	s13 =	simm.s32 $0x280;
	[dreg:$0xe] =	wrdreg s12  }
0x9: {  	s14 =	simm.s32 $0x3110;
	[dreg:$0xf] =	wrdreg s13  }
0xa: {  	s15 =	simm.s32 $0x300;
	s16 =	simm.s32 $0x38E0;
	[dreg:$0x10] =	wrdreg s14  }
0xb: {  	s17 =	simm.s32 $0x380;
	s18 =	simm.s32 $0x40B0;
	[dreg:$0x11] =	wrdreg s15  }
0xc: {  	s19 =	simm.s32 $0x400;
	s7 =	smul.u32 $0x2800, s0;
	[dreg:$0x12] =	wrdreg s16  }
0xd: {  	s22 =	simm.s32 $0x4880;
	[dreg:$0x13] =	wrdreg s17;
	s6 =	smul.u32 $0x1388, s4  }
0xe: {  	[dreg:$0x14] =	wrdreg s18;
	s4 =	smul.u32 $0x140, s4;
	s8 =	sshrl.u32 s7, $0x3  }
0xf: {  	s9 =	smul.u32 $0x28000, s1;
	[dreg:$0x15] =	wrdreg s19;
	s8 =	sadd.s32 s8, s5  }
0x10: {  	[dreg:$0x16] =	wrdreg s22;
	s4 =	sadd.s32 s4, s5;
	s8 =	sadd.s32 $0x83800, s8  }
0x11: {  	s6 =	sadd.s32 s6, s5;
	[dreg:$0x3] =	wrdreg s8;
	s4 =	sadd.s32 $0x9CA00, s4  }
0x12: {  	s24 =	sadd.s32 $0x6C00, s6;
	[dreg:$0x4] =	wrdreg s4  }
0x13: {  	s9 =	sadd.s32 s7, s9;
	s6 =	simm.s32 $0x100;
	[dreg:$0x5] =	wrdreg s24  }
0x14: {  	s9 =	sshrl.u32 s9, $0x3;
	s8 =	simm.s32 $0x19A0;
	[dreg:$0x9] =	wrdreg s6  }
0x15: {  	s5 =	sadd.s32 s9, s5;
	s9 =	simm.s32 $0x180;
	[dreg:$0xa] =	wrdreg s8  }
0x16: {  	[dreg:$0xb] =	wrdreg s9  }
0x17: {  	s21 =	sshll.u32 s0, $0x6;
	s25 =	sadd.s32 $0x92A00, s5;
	s23 =	rddreg [dreg:$0x3]  }
0x18: {  	s20 =	sadd.s32 s7, s2;
	s5 =	simm.s32 $0x11D0;
	[dreg:$0x6] =	wrdreg s25  }
0x19: {  	s4 =	sor.u32 $0x1C02, s21;
	s24 =	simm.s32 $0x480;
	[dreg:$0x8] =	wrdreg s5  }
0x1a: {  	s6 =	sshrl.u32 s20, $0x3;
	s5 =	simm.s32 $0x2;
	[dreg:$0x17] =	wrdreg s24  }
0x1b: {  	[spmem:s6], [sflag:s4] =	dma.local [hbm:s23], $0x500  }
0x1c: {  	_ =	swait.ge [sflag:s5], $0x500  }
0x1d: {  	[sflag:s5] =	ssyncset.done $0x0  }
0x1e: {  	[sflag:s5] =	ssyncadd.s32 $0xFFFFFB00  }
0x1f: {  	[bflag:$0x0] =	sbarrier.arrive $0xFFFF  }
0x20: {  	s25 =	rddreg [dreg:$0x4]  }
0x21: {  	[tilespmem:s3], [sflag:$0x2] =	stream.linear.gather [hbm4b:s25+s3], $0xA00, $0x38;
	[tilespmem:$0xCE40] =	vst v63  }
0x22: {  	_ =	swait.ge [sflag:s5], $0xA00  }
0x23: {  	[sflag:s5] =	ssyncset.done $0x0  }
0x24: {  	s7 =	simm.s32 $0xA00;
	s26 =	rddreg [dreg:$0x5];
	[sflag:s5] =	ssyncadd.s32 $0xFFFFF600  }
0x25: {  	[tilespmem:s7], [sflag:$0x2] =	stream.linear.gather [hbm4b:s26+s3], $0x9C40, $0x38;
	[tilespmem:$0xCE40] =	vst v63  }
0x26: {  	_ =	swait.ge [sflag:s5], $0x9C40  }
0x27: {  	s0 =	rddreg [dreg:$0x16]  }
0x28: {  	s10 =	rddreg [dreg:$0x14]  }
0x29: {  	s11 =	rddreg [dreg:$0x12]  }
0x2a: {  	s12 =	rddreg [dreg:$0x10]  }
0x2b: {  	s13 =	rddreg [dreg:$0xe]  }
0x2c: {  	s14 =	rddreg [dreg:$0xb]  }
0x2d: {  	s15 =	rddreg [dreg:$0x9];
	[sflag:s5] =	ssyncset.done $0x0  }
0x2e: {  	s8 =	simm.s32 $0x7D;
	s16 =	rddreg [dreg:$0x7];
	[sflag:s5] =	ssyncadd.s32 $0xFFFF63C0  }
0x2f: {  	[spmem:s2] =	stream.indirect.scatter.add.f32 [tilespmem:s7], [sflag:$0x1], $0x10, s3, s8, $0xb8;
	[tilespmem:$0xCE40] =	vst v63  }
0x30: {  	s17 =	rddreg [dreg:$0x8]  }
0x31: {  	[spmem:s2] =	stream.indirect.scatter.add.f32 [tilespmem:s17], [sflag:$0x1], $0x10, s16, s8, $0xb8;
	[tilespmem:$0xCE40] =	vst v63  }
0x32: {  	s18 =	rddreg [dreg:$0xa]  }
0x33: {  	[spmem:s2] =	stream.indirect.scatter.add.f32 [tilespmem:s18], [sflag:$0x1], $0x10, s15, s8, $0xb8;
	[tilespmem:$0xCE40] =	vst v63  }
0x34: {  	s19 =	rddreg [dreg:$0xc]  }
0x35: {  	[spmem:s2] =	stream.indirect.scatter.add.f32 [tilespmem:s19], [sflag:$0x1], $0x10, s14, s8, $0xb8;
	[tilespmem:$0xCE40] =	vst v63  }
0x36: {  	s20 =	rddreg [dreg:$0xd]  }
0x37: {  	[spmem:s2] =	stream.indirect.scatter.add.f32 [tilespmem:s13], [sflag:$0x1], $0x10, s20, s8, $0xb8;
	[tilespmem:$0xCE40] =	vst v63  }
0x38: {  	s21 =	rddreg [dreg:$0xf]  }
0x39: {  	[spmem:s2] =	stream.indirect.scatter.add.f32 [tilespmem:s12], [sflag:$0x1], $0x10, s21, s8, $0xb8;
	[tilespmem:$0xCE40] =	vst v63  }
0x3a: {  	s22 =	rddreg [dreg:$0x11]  }
0x3b: {  	[spmem:s2] =	stream.indirect.scatter.add.f32 [tilespmem:s11], [sflag:$0x1], $0x10, s22, s8, $0xb8;
	[tilespmem:$0xCE40] =	vst v63  }
0x3c: {  	s23 =	rddreg [dreg:$0x13]  }
0x3d: {  	[spmem:s2] =	stream.indirect.scatter.add.f32 [tilespmem:s10], [sflag:$0x1], $0x10, s23, s8, $0xb8;
	[tilespmem:$0xCE40] =	vst v63  }
0x3e: {  	s24 =	rddreg [dreg:$0x15]  }
0x3f: {  	[spmem:s2] =	stream.indirect.scatter.add.f32 [tilespmem:s0], [sflag:$0x1], $0x10, s24, s8, $0xb8;
	[tilespmem:$0xCE40] =	vst v63  }
0x40: {  	s26 =	simm.s32 $0x5050;
	s25 =	rddreg [dreg:$0x17]  }
0x41: {  	[spmem:s2] =	stream.indirect.scatter.add.f32 [tilespmem:s26], [sflag:$0x1], $0x10, s25, s8, $0xb8;
	[tilespmem:$0xCE40] =	vst v63  }
0x42: {  	s9 =	simm.s32 $0x500;
	s10 =	simm.s32 $0x5820  }
0x43: {  	[spmem:s2] =	stream.indirect.scatter.add.f32 [tilespmem:s10], [sflag:$0x1], $0x10, s9, s8, $0xb8;
	[tilespmem:$0xCE40] =	vst v63  }
0x44: {  	s12 =	simm.s32 $0x5FF0;
	s11 =	simm.s32 $0x580  }
0x45: {  	[spmem:s2] =	stream.indirect.scatter.add.f32 [tilespmem:s12], [sflag:$0x1], $0x10, s11, s8, $0xb8;
	[tilespmem:$0xCE40] =	vst v63  }
0x46: {  	s14 =	simm.s32 $0x67C0;
	s13 =	simm.s32 $0x600  }
0x47: {  	[spmem:s2] =	stream.indirect.scatter.add.f32 [tilespmem:s14], [sflag:$0x1], $0x10, s13, s8, $0xb8;
	[tilespmem:$0xCE40] =	vst v63  }
0x48: {  	s16 =	simm.s32 $0x6F90;
	s15 =	simm.s32 $0x680  }
0x49: {  	[spmem:s2] =	stream.indirect.scatter.add.f32 [tilespmem:s16], [sflag:$0x1], $0x10, s15, s8, $0xb8;
	[tilespmem:$0xCE40] =	vst v63  }
0x4a: {  	s18 =	simm.s32 $0x700;
	s19 =	simm.s32 $0x7760  }
0x4b: {  	[spmem:s2] =	stream.indirect.scatter.add.f32 [tilespmem:s19], [sflag:$0x1], $0x10, s18, s8, $0xb8;
	[tilespmem:$0xCE40] =	vst v63  }
0x4c: {  	s20 =	simm.s32 $0x780;
	s21 =	simm.s32 $0x7F30  }
0x4d: {  	[spmem:s2] =	stream.indirect.scatter.add.f32 [tilespmem:s21], [sflag:$0x1], $0x10, s20, s8, $0xb8;
	[tilespmem:$0xCE40] =	vst v63  }
0x4e: {  	s22 =	simm.s32 $0x800;
	s23 =	simm.s32 $0x8700  }
0x4f: {  	[spmem:s2] =	stream.indirect.scatter.add.f32 [tilespmem:s23], [sflag:$0x1], $0x10, s22, s8, $0xb8;
	[tilespmem:$0xCE40] =	vst v63  }
0x50: {  	s24 =	simm.s32 $0x880;
	s25 =	simm.s32 $0x8ED0  }
0x51: {  	[spmem:s2] =	stream.indirect.scatter.add.f32 [tilespmem:s25], [sflag:$0x1], $0x10, s24, s8, $0xb8;
	[tilespmem:$0xCE40] =	vst v63  }
0x52: {  	s28 =	simm.s32 $0x96A0;
	s26 =	simm.s32 $0x900  }
0x53: {  	[spmem:s2] =	stream.indirect.scatter.add.f32 [tilespmem:s28], [sflag:$0x1], $0x10, s26, s8, $0xb8;
	[tilespmem:$0xCE40] =	vst v63  }
0x54: {  	s29 =	simm.s32 $0x980;
	s30 =	simm.s32 $0x9E70;
	s31 =	simm.s32 $0x1  }
0x55: {  	[spmem:s2] =	stream.indirect.scatter.add.f32 [tilespmem:s30], [sflag:$0x1], $0x10, s29, s8, $0xb8;
	[tilespmem:$0xCE40] =	vst v63  }
0x56: {  	_ =	swait.ge [sflag:s31], $0x7D0  }
0x57: {  	[sflag:s31] =	ssyncset.done $0x0  }
0x58: {  	[sflag:s31] =	ssyncadd.s32 $0xFFFFF830  }
0x59: {  	_ =	swait.ge [sflag:s31], $0x7D0  }
0x5a: {  	[sflag:s31] =	ssyncset.done $0x0  }
0x5b: {  	[sflag:s31] =	ssyncadd.s32 $0xFFFFF830  }
0x5c: {  	_ =	swait.ge [sflag:s31], $0x7D0  }
0x5d: {  	[sflag:s31] =	ssyncset.done $0x0  }
0x5e: {  	[sflag:s31] =	ssyncadd.s32 $0xFFFFF830  }
0x5f: {  	_ =	swait.ge [sflag:s31], $0x7D0  }
0x60: {  	[sflag:s31] =	ssyncset.done $0x0  }
0x61: {  	[sflag:s31] =	ssyncadd.s32 $0xFFFFF830  }
0x62: {  	_ =	swait.ge [sflag:s31], $0x7D0  }
0x63: {  	[sflag:s31] =	ssyncset.done $0x0  }
0x64: {  	[sflag:s31] =	ssyncadd.s32 $0xFFFFF830  }
0x65: {  	_ =	swait.ge [sflag:s31], $0x7D0  }
0x66: {  	[sflag:s31] =	ssyncset.done $0x0  }
0x67: {  	[sflag:s31] =	ssyncadd.s32 $0xFFFFF830  }
0x68: {  	_ =	swait.ge [sflag:s31], $0x7D0  }
0x69: {  	[sflag:s31] =	ssyncset.done $0x0  }
0x6a: {  	[sflag:s31] =	ssyncadd.s32 $0xFFFFF830  }
0x6b: {  	_ =	swait.ge [sflag:s31], $0x7D0  }
0x6c: {  	[sflag:s31] =	ssyncset.done $0x0  }
0x6d: {  	[sflag:s31] =	ssyncadd.s32 $0xFFFFF830  }
0x6e: {  	_ =	swait.ge [sflag:s31], $0x7D0  }
0x6f: {  	[sflag:s31] =	ssyncset.done $0x0  }
0x70: {  	[sflag:s31] =	ssyncadd.s32 $0xFFFFF830  }
0x71: {  	_ =	swait.ge [sflag:s31], $0x7D0  }
0x72: {  	[sflag:s31] =	ssyncset.done $0x0  }
0x73: {  	[sflag:s31] =	ssyncadd.s32 $0xFFFFF830  }
0x74: {  	_ =	swait.ge [sflag:s31], $0x7D0  }
0x75: {  	[sflag:s31] =	ssyncset.done $0x0  }
0x76: {  	[sflag:s31] =	ssyncadd.s32 $0xFFFFF830  }
0x77: {  	_ =	swait.ge [sflag:s31], $0x7D0  }
0x78: {  	[sflag:s31] =	ssyncset.done $0x0  }
0x79: {  	[sflag:s31] =	ssyncadd.s32 $0xFFFFF830  }
0x7a: {  	_ =	swait.ge [sflag:s31], $0x7D0  }
0x7b: {  	[sflag:s31] =	ssyncset.done $0x0  }
0x7c: {  	[sflag:s31] =	ssyncadd.s32 $0xFFFFF830  }
0x7d: {  	_ =	swait.ge [sflag:s31], $0x7D0  }
0x7e: {  	[sflag:s31] =	ssyncset.done $0x0  }
0x7f: {  	[sflag:s31] =	ssyncadd.s32 $0xFFFFF830  }
0x80: {  	_ =	swait.ge [sflag:s31], $0x7D0  }
0x81: {  	[sflag:s31] =	ssyncset.done $0x0  }
0x82: {  	[sflag:s31] =	ssyncadd.s32 $0xFFFFF830  }
0x83: {  	_ =	swait.ge [sflag:s31], $0x7D0  }
0x84: {  	[sflag:s31] =	ssyncset.done $0x0  }
0x85: {  	[sflag:s31] =	ssyncadd.s32 $0xFFFFF830  }
0x86: {  	_ =	swait.ge [sflag:s31], $0x7D0  }
0x87: {  	[sflag:s31] =	ssyncset.done $0x0  }
0x88: {  	s1 =	ssub.s32 $0x2, s1;
	[sflag:s31] =	ssyncadd.s32 $0xFFFFF830  }
0x89: {  	s17 =	sshrl.u32 s1, $0x1;
	_ =	swait.ge [sflag:s31], $0x7D0  }
0x8a: {  	s0 =	ssub.s32 s1, s17;
	[sflag:s31] =	ssyncset.done $0x0  }
0x8b: {  	s0 =	smax.u32 s0, $0x1;
	[sflag:s31] =	ssyncadd.s32 $0xFFFFF830  }
0x8c: {  	p0 =	sne.s32 s0, $0x1;
	_ =	swait.ge [sflag:s31], $0x7D0  }
.Ltmp0:
0x8d: {  	[sflag:s31] =	ssyncset.done $0x0;
	(pc) =	sbr.rel @!p0 .LBB2_2-.Ltmp0, $4  }
0x8e: {  	[sflag:s31] =	ssyncadd.s32 $0xFFFFF830  }
0x8f: {  	_ =	swait.ge [sflag:s31], $0x7D0  }
0x90: {  	[sflag:s31] =	ssyncset.done $0x0  }
0x91: {  	s1 =	sadd.s32 $0xFFFFFFFF, s0;
	[sflag:s31] =	ssyncadd.s32 $0xFFFFF830  }
.LBB2_1:
0x92: {  	[bflag:$0x0] =	sbarrier.arrive $0xFFFF  }
0x93: {  	s0 =	rddreg [dreg:$0x6]  }
0x94: {  	[hbm:s0], [sflag:s4] =	dma.local [spmem:s6], $0x500  }
0x95: {  	_ =	swait.ge [sflag:s5], $0x500  }
0x96: {  	[sflag:s5] =	ssyncset.done $0x0  }
0x97: {  	s13 =	rddreg [dreg:$0x3];
	[sflag:s5] =	ssyncadd.s32 $0xFFFFFB00  }
0x98: {  	[spmem:s6], [sflag:s4] =	dma.local [hbm:s13], $0x500  }
0x99: {  	_ =	swait.ge [sflag:s5], $0x500  }
0x9a: {  	[sflag:s5] =	ssyncset.done $0x0  }
0x9b: {  	[sflag:s5] =	ssyncadd.s32 $0xFFFFFB00  }
0x9c: {  	[bflag:$0x0] =	sbarrier.arrive $0xFFFF  }
0x9d: {  	s14 =	rddreg [dreg:$0x4]  }
0x9e: {  	[tilespmem:s3], [sflag:$0x2] =	stream.linear.gather [hbm4b:s14+s3], $0xA00, $0x38;
	[tilespmem:$0xCE40] =	vst v63  }
0x9f: {  	_ =	swait.ge [sflag:s5], $0xA00  }
0xa0: {  	[sflag:s5] =	ssyncset.done $0x0  }
0xa1: {  	s15 =	rddreg [dreg:$0x5];
	[sflag:s5] =	ssyncadd.s32 $0xFFFFF600  }
0xa2: {  	[tilespmem:s7], [sflag:$0x2] =	stream.linear.gather [hbm4b:s15+s3], $0x9C40, $0x38;
	[tilespmem:$0xCE40] =	vst v63  }
0xa3: {  	_ =	swait.ge [sflag:s5], $0x9C40  }
0xa4: {  	s0 =	rddreg [dreg:$0x16]  }
0xa5: {  	s9 =	rddreg [dreg:$0x14]  }
0xa6: {  	s10 =	rddreg [dreg:$0x12]  }
0xa7: {  	s11 =	rddreg [dreg:$0x10]  }
0xa8: {  	s12 =	rddreg [dreg:$0xe]  }
0xa9: {  	s13 =	rddreg [dreg:$0xb]  }
0xaa: {  	[sflag:s5] =	ssyncset.done $0x0;
	s14 =	rddreg [dreg:$0x9]  }
0xab: {  	s15 =	rddreg [dreg:$0x7];
	[sflag:s5] =	ssyncadd.s32 $0xFFFF63C0  }
0xac: {  	[spmem:s2] =	stream.indirect.scatter.add.f32 [tilespmem:s7], [sflag:$0x1], $0x10, s3, s8, $0xb8;
	[tilespmem:$0xCE40] =	vst v63  }
0xad: {  	s16 =	rddreg [dreg:$0x8]  }
0xae: {  	[spmem:s2] =	stream.indirect.scatter.add.f32 [tilespmem:s16], [sflag:$0x1], $0x10, s15, s8, $0xb8;
	[tilespmem:$0xCE40] =	vst v63  }
0xaf: {  	s17 =	rddreg [dreg:$0xa]  }
0xb0: {  	[spmem:s2] =	stream.indirect.scatter.add.f32 [tilespmem:s17], [sflag:$0x1], $0x10, s14, s8, $0xb8;
	[tilespmem:$0xCE40] =	vst v63  }
0xb1: {  	s16 =	rddreg [dreg:$0xc]  }
0xb2: {  	[spmem:s2] =	stream.indirect.scatter.add.f32 [tilespmem:s16], [sflag:$0x1], $0x10, s13, s8, $0xb8;
	[tilespmem:$0xCE40] =	vst v63  }
0xb3: {  	s17 =	rddreg [dreg:$0xd]  }
0xb4: {  	[spmem:s2] =	stream.indirect.scatter.add.f32 [tilespmem:s12], [sflag:$0x1], $0x10, s17, s8, $0xb8;
	[tilespmem:$0xCE40] =	vst v63  }
0xb5: {  	s16 =	rddreg [dreg:$0xf]  }
0xb6: {  	[spmem:s2] =	stream.indirect.scatter.add.f32 [tilespmem:s11], [sflag:$0x1], $0x10, s16, s8, $0xb8;
	[tilespmem:$0xCE40] =	vst v63  }
0xb7: {  	s17 =	rddreg [dreg:$0x11]  }
0xb8: {  	[spmem:s2] =	stream.indirect.scatter.add.f32 [tilespmem:s10], [sflag:$0x1], $0x10, s17, s8, $0xb8;
	[tilespmem:$0xCE40] =	vst v63  }
0xb9: {  	s14 =	rddreg [dreg:$0x13]  }
0xba: {  	[spmem:s2] =	stream.indirect.scatter.add.f32 [tilespmem:s9], [sflag:$0x1], $0x10, s14, s8, $0xb8;
	[tilespmem:$0xCE40] =	vst v63  }
0xbb: {  	s15 =	rddreg [dreg:$0x15]  }
0xbc: {  	[spmem:s2] =	stream.indirect.scatter.add.f32 [tilespmem:s0], [sflag:$0x1], $0x10, s15, s8, $0xb8;
	[tilespmem:$0xCE40] =	vst v63  }
0xbd: {  	s16 =	rddreg [dreg:$0x17];
	s17 =	simm.s32 $0x5050  }
0xbe: {  	[spmem:s2] =	stream.indirect.scatter.add.f32 [tilespmem:s17], [sflag:$0x1], $0x10, s16, s8, $0xb8;
	[tilespmem:$0xCE40] =	vst v63  }
0xbf: {  	s11 =	simm.s32 $0x5820;
	s10 =	simm.s32 $0x500  }
0xc0: {  	[spmem:s2] =	stream.indirect.scatter.add.f32 [tilespmem:s11], [sflag:$0x1], $0x10, s10, s8, $0xb8;
	[tilespmem:$0xCE40] =	vst v63  }
0xc1: {  	s13 =	simm.s32 $0x5FF0;
	s12 =	simm.s32 $0x580  }
0xc2: {  	[spmem:s2] =	stream.indirect.scatter.add.f32 [tilespmem:s13], [sflag:$0x1], $0x10, s12, s8, $0xb8;
	[tilespmem:$0xCE40] =	vst v63  }
0xc3: {  	s14 =	simm.s32 $0x600;
	s15 =	simm.s32 $0x67C0  }
0xc4: {  	[spmem:s2] =	stream.indirect.scatter.add.f32 [tilespmem:s15], [sflag:$0x1], $0x10, s14, s8, $0xb8;
	[tilespmem:$0xCE40] =	vst v63  }
0xc5: {  	s16 =	simm.s32 $0x680;
	s17 =	simm.s32 $0x6F90  }
0xc6: {  	[spmem:s2] =	stream.indirect.scatter.add.f32 [tilespmem:s17], [sflag:$0x1], $0x10, s16, s8, $0xb8;
	[tilespmem:$0xCE40] =	vst v63  }
0xc7: {  	_ = 	snop  }
0xc8: {  	[spmem:s2] =	stream.indirect.scatter.add.f32 [tilespmem:s19], [sflag:$0x1], $0x10, s18, s8, $0xb8;
	[tilespmem:$0xCE40] =	vst v63  }
0xc9: {  	_ = 	snop  }
0xca: {  	[spmem:s2] =	stream.indirect.scatter.add.f32 [tilespmem:s21], [sflag:$0x1], $0x10, s20, s8, $0xb8;
	[tilespmem:$0xCE40] =	vst v63  }
0xcb: {  	_ = 	snop  }
0xcc: {  	[spmem:s2] =	stream.indirect.scatter.add.f32 [tilespmem:s23], [sflag:$0x1], $0x10, s22, s8, $0xb8;
	[tilespmem:$0xCE40] =	vst v63  }
0xcd: {  	_ = 	snop  }
0xce: {  	[spmem:s2] =	stream.indirect.scatter.add.f32 [tilespmem:s25], [sflag:$0x1], $0x10, s24, s8, $0xb8;
	[tilespmem:$0xCE40] =	vst v63  }
0xcf: {  	_ = 	snop  }
0xd0: {  	[spmem:s2] =	stream.indirect.scatter.add.f32 [tilespmem:s28], [sflag:$0x1], $0x10, s26, s8, $0xb8;
	[tilespmem:$0xCE40] =	vst v63  }
0xd1: {  	_ = 	snop  }
0xd2: {  	[spmem:s2] =	stream.indirect.scatter.add.f32 [tilespmem:s30], [sflag:$0x1], $0x10, s29, s8, $0xb8;
	[tilespmem:$0xCE40] =	vst v63  }
0xd3: {  	_ =	swait.ge [sflag:s31], $0x7D0  }
0xd4: {  	[sflag:s31] =	ssyncset.done $0x0  }
0xd5: {  	[sflag:s31] =	ssyncadd.s32 $0xFFFFF830  }
0xd6: {  	_ =	swait.ge [sflag:s31], $0x7D0  }
0xd7: {  	[sflag:s31] =	ssyncset.done $0x0  }
0xd8: {  	[sflag:s31] =	ssyncadd.s32 $0xFFFFF830  }
0xd9: {  	_ =	swait.ge [sflag:s31], $0x7D0  }
0xda: {  	[sflag:s31] =	ssyncset.done $0x0  }
0xdb: {  	[sflag:s31] =	ssyncadd.s32 $0xFFFFF830  }
0xdc: {  	_ =	swait.ge [sflag:s31], $0x7D0  }
0xdd: {  	[sflag:s31] =	ssyncset.done $0x0  }
0xde: {  	[sflag:s31] =	ssyncadd.s32 $0xFFFFF830  }
0xdf: {  	_ =	swait.ge [sflag:s31], $0x7D0  }
0xe0: {  	[sflag:s31] =	ssyncset.done $0x0  }
0xe1: {  	[sflag:s31] =	ssyncadd.s32 $0xFFFFF830  }
0xe2: {  	_ =	swait.ge [sflag:s31], $0x7D0  }
0xe3: {  	[sflag:s31] =	ssyncset.done $0x0  }
0xe4: {  	[sflag:s31] =	ssyncadd.s32 $0xFFFFF830  }
0xe5: {  	_ =	swait.ge [sflag:s31], $0x7D0  }
0xe6: {  	[sflag:s31] =	ssyncset.done $0x0  }
0xe7: {  	[sflag:s31] =	ssyncadd.s32 $0xFFFFF830  }
0xe8: {  	_ =	swait.ge [sflag:s31], $0x7D0  }
0xe9: {  	[sflag:s31] =	ssyncset.done $0x0  }
0xea: {  	[sflag:s31] =	ssyncadd.s32 $0xFFFFF830  }
0xeb: {  	_ =	swait.ge [sflag:s31], $0x7D0  }
0xec: {  	[sflag:s31] =	ssyncset.done $0x0  }
0xed: {  	[sflag:s31] =	ssyncadd.s32 $0xFFFFF830  }
0xee: {  	_ =	swait.ge [sflag:s31], $0x7D0  }
0xef: {  	[sflag:s31] =	ssyncset.done $0x0  }
0xf0: {  	[sflag:s31] =	ssyncadd.s32 $0xFFFFF830  }
0xf1: {  	_ =	swait.ge [sflag:s31], $0x7D0  }
0xf2: {  	[sflag:s31] =	ssyncset.done $0x0  }
0xf3: {  	[sflag:s31] =	ssyncadd.s32 $0xFFFFF830  }
0xf4: {  	_ =	swait.ge [sflag:s31], $0x7D0  }
0xf5: {  	[sflag:s31] =	ssyncset.done $0x0  }
0xf6: {  	[sflag:s31] =	ssyncadd.s32 $0xFFFFF830  }
0xf7: {  	_ =	swait.ge [sflag:s31], $0x7D0  }
0xf8: {  	[sflag:s31] =	ssyncset.done $0x0  }
0xf9: {  	[sflag:s31] =	ssyncadd.s32 $0xFFFFF830  }
0xfa: {  	_ =	swait.ge [sflag:s31], $0x7D0  }
0xfb: {  	[sflag:s31] =	ssyncset.done $0x0  }
0xfc: {  	[sflag:s31] =	ssyncadd.s32 $0xFFFFF830  }
0xfd: {  	_ =	swait.ge [sflag:s31], $0x7D0  }
0xfe: {  	[sflag:s31] =	ssyncset.done $0x0  }
0xff: {  	[sflag:s31] =	ssyncadd.s32 $0xFFFFF830  }
0x100: {  	_ =	swait.ge [sflag:s31], $0x7D0  }
0x101: {  	[sflag:s31] =	ssyncset.done $0x0  }
0x102: {  	[sflag:s31] =	ssyncadd.s32 $0xFFFFF830  }
0x103: {  	_ =	swait.ge [sflag:s31], $0x7D0  }
0x104: {  	[sflag:s31] =	ssyncset.done $0x0  }
0x105: {  	[sflag:s31] =	ssyncadd.s32 $0xFFFFF830  }
0x106: {  	_ =	swait.ge [sflag:s31], $0x7D0  }
0x107: {  	[sflag:s31] =	ssyncset.done $0x0  }
0x108: {  	[sflag:s31] =	ssyncadd.s32 $0xFFFFF830  }
0x109: {  	p0 =	sne.s32 s1, $0x1;
	_ =	swait.ge [sflag:s31], $0x7D0  }
.Ltmp1:
0x10a: {  	[sflag:s31] =	ssyncset.done $0x0;
	(pc) =	sbr.rel @p0 .LBB2_1-.Ltmp1, $4  }
0x10b: {  	[sflag:s31] =	ssyncadd.s32 $0xFFFFF830  }
0x10c: {  	_ =	swait.ge [sflag:s31], $0x7D0  }
0x10d: {  	[sflag:s31] =	ssyncset.done $0x0  }
0x10e: {  	s1 =	sadd.s32 $0xFFFFFFFF, s1;
	[sflag:s31] =	ssyncadd.s32 $0xFFFFF830  }
.LBB2_2:
0x10f: {  	[bflag:$0x0] =	sbarrier.arrive $0xFFFF  }
0x110: {  	s0 =	rddreg [dreg:$0x6]  }
0x111: {  	[hbm:s0], [sflag:s4] =	dma.local [spmem:s6], $0x500  }
0x112: {  	_ =	swait.ge [sflag:s5], $0x500  }
0x113: {  	[sflag:s5] =	ssyncset.done $0x0  }
0x114: {  	[sflag:s5] =	ssyncadd.s32 $0xFFFFFB00  }
0x115: {  	_ =	sfence.sel $0x180000  }
0x116: {  	[bflag:$0x0] =	sbarrier.arrive $0xFFFF  }
0x117: {  	_ =	strace $0x90000056  }
0x118: {  	s31 =	stileid.u32;
	[bflag:$0x2] =	sbarrier.arrive $0xFFFF  }
0x119: {  	p0 =	sne.s32 s31, $0x0;
	s0 =	rddreg [dreg:$0x2]  }
0x11a: {  	s0 =	sadd.s32 @!p0 $0x100000, s0  }
0x11b: {  	[sflag:s0] =	ssyncadd.tile.s32 @!p0 $0x1;
	_ =	shalt  }
.Lfunc_end2:
_tile_overlayer_lowered:
.L_overlay_start_2:
0x11c: {  	(tag) =	ssettag $0x2  }
0x11d: {  	s0 =	rddreg [dreg:$0x0];
	s2 =	stileid.u32  }
0x11e: {  	s1 =	rddreg [dreg:$0x1];
	p0 =	sne.s32 s2, $0x0  }
0x11f: {  	s3 =	rddreg [dreg:$0x2];
	[bflag:$0x3] =	sbarrier.arrive $0xFFFF;
	s2 =	simm.s32 @!p0 $0x1C02  }
0x120: {  	[timem:s3], [sflag:s2] =	dma.local @!p0 [hbm:s0], s1  }
0x121: {  	s0 =	simm.s32 @!p0 $0x2  }
0x122: {  	_ =	swait.ge @!p0 [sflag:s0], s1  }
0x123: {  	s1 =	ssub.s32 @!p0 $0x0, s1;
	[sflag:s0] =	ssyncset.done @!p0 $0x0  }
0x124: {  	[sflag:s0] =	ssyncadd.s32 @!p0 s1  }
0x125: {  	[bflag:$0x3] =	sbarrier.arrive $0xFFFF  }
0x126: {  	_ =	shalt  }

</sc_bundles>
